<compile_context>
chip_gen: v7x
topology: tpu7x:2x2x1
jax: 0.10.2.dev20260603
libtpu: 0.0.44.dev20260713+nightly
codegen_flags: <defaults>
</compile_context>

<pallas_src>
import functools

import jax
import jax.numpy as jnp
from jax import lax
from jax.experimental import pallas as pl
from jax.experimental.pallas import tpu as pltpu
from jax.experimental.pallas import tpu_sc as plsc

N = 10000
D = 128
E = 320000

NC = 2
NS = 16
NW = NC * NS

NPAD = 10112
EROWS = 2560
EPAD = EROWS * 128
RPW = EROWS // NW
CROWS = 1
CHUNK = CROWS * 128
NCHUNK = RPW // CROWS
NBUF = 4
EXTRA_ROWS = 4
NROWS_PER_SUB = NPAD // NS

BLK = 1264
GRID = NPAD // BLK

_f32 = jnp.float32


def _elu(v):
    return jnp.where(v > 0.0, v, jnp.exp(jnp.minimum(v, 0.0)) - 1.0)



def _tc1_body(x_ref, w1_ref, a1s_ref, a1d_ref, h_ref, as_ref, ad_ref):
    h = jnp.dot(x_ref[...], w1_ref[...], preferred_element_type=_f32)
    h_ref[...] = h
    as_ref[...] = jnp.dot(h, a1s_ref[...], preferred_element_type=_f32,
                          precision=jax.lax.Precision.HIGHEST)
    ad_ref[...] = jnp.dot(h, a1d_ref[...], preferred_element_type=_f32,
                          precision=jax.lax.Precision.HIGHEST)


def _tc2_body(oa_ref, ob_ref, da_ref, db_ref, bmat_ref, b1_ref, w2_ref,
              a2s_ref, a2d_ref, h2_ref, as2_ref, ad2_ref):
    den = jnp.dot(da_ref[...] + db_ref[...], bmat_ref[...],
                  preferred_element_type=_f32) + 1e-16
    g = _elu((oa_ref[...] + ob_ref[...]) / den + b1_ref[...])
    h2 = jnp.dot(g, w2_ref[...], preferred_element_type=_f32)
    h2_ref[...] = h2
    as2_ref[...] = jnp.dot(h2, a2s_ref[...], preferred_element_type=_f32,
                          precision=jax.lax.Precision.HIGHEST)
    ad2_ref[...] = jnp.dot(h2, a2d_ref[...], preferred_element_type=_f32,
                          precision=jax.lax.Precision.HIGHEST)


def _tc3_body(oa_ref, ob_ref, da_ref, db_ref, bmat_ref, b2_ref,
              wc1_ref, bc1_ref, wc2_ref, bc2_ref, out_ref):
    den = jnp.dot(da_ref[...] + db_ref[...], bmat_ref[...],
                  preferred_element_type=_f32) + 1e-16
    g = _elu((oa_ref[...] + ob_ref[...]) / den + b2_ref[...])
    z = jnp.maximum(jnp.dot(g, wc1_ref[...], preferred_element_type=_f32)
                    + bc1_ref[...], 0.0)
    out_ref[...] = jnp.dot(z, wc2_ref[...], preferred_element_type=_f32) \
        + bc2_ref[...]



def _make_sc_body(npad, crows, nchunk, nrows_sub, heads8):
    chunk_e = crows * 128

    def body(src_h, dst_h, asp_h, adp_h, hh_h, shift_h, zz64_h, zz16_h,
             o_h, d_h,
             idx_sa, idx_da,
             asr0, adr0, hr0, exb0,
             asr1, adr1, hr1, exb1,
             asr2, adr2, hr2, exb2,
             asr3, adr3, hr3, exb3,
             shiftv, sh_out, sh_den, sem, sem2):
        c = lax.axis_index("c")
        s = lax.axis_index("s")
        wid = s * NC + c
        r0 = s * nrows_sub
        bufs = [(asr0, adr0, hr0, exb0),
                (asr1, adr1, hr1, exb1),
                (asr2, adr2, hr2, exb2),
                (asr3, adr3, hr3, exb3)]
        pltpu.sync_copy(zz64_h.at[pl.ds(r0, nrows_sub)],
                        sh_out.at[pl.ds(r0, nrows_sub)])
        pltpu.sync_copy(zz16_h.at[pl.ds(r0, nrows_sub)],
                        sh_den.at[pl.ds(r0, nrows_sub)])
        pltpu.sync_copy(shift_h, shiftv)
        wrow0 = wid * (nchunk * crows)
        nrows_w = nchunk * crows + (NBUF - 1) * crows
        pltpu.sync_copy(src_h.at[pl.ds(wrow0, nrows_w)], idx_sa)
        pltpu.sync_copy(dst_h.at[pl.ds(wrow0, nrows_w)], idx_da)
        plsc.subcore_barrier()
        shreg = shiftv[...]
        iota = lax.iota(jnp.int32, 16)
        if heads8:
            cols = [2 * k + jax.lax.shift_right_logical(iota, 3)
                    for k in range(4)]
        else:
            cols = [jnp.zeros((16,), jnp.int32)] * 4

        def issue_gathers(ci, buf):
            asr, adr, hr, _ = buf
            for j in range(crows):
                sl = pl.ds(j * 128, 128)
                row = ci * crows + j
                pltpu.async_copy(asp_h.at[idx_sa.at[row]], asr.at[sl], sem)
                pltpu.async_copy(adp_h.at[idx_da.at[row]], adr.at[sl], sem)
                pltpu.async_copy(hh_h.at[idx_sa.at[row]], hr.at[sl], sem)

        def wait_gathers(buf):
            asr, adr, hr, _ = buf
            pltpu.make_async_copy(asp_h.at[pl.ds(0, chunk_e)], asr, sem).wait()
            pltpu.make_async_copy(asp_h.at[pl.ds(0, chunk_e)], adr, sem).wait()
            pltpu.make_async_copy(hh_h.at[pl.ds(0, chunk_e)], hr, sem).wait()

        def issue_scatters(ci, buf):
            _, _, hr, exb = buf
            for j in range(crows):
                sl = pl.ds(j * 128, 128)
                row = ci * crows + j
                pltpu.async_copy(exb.at[sl], sh_den.at[idx_da.at[row]],
                                 sem2, add=True)
                pltpu.async_copy(hr.at[sl], sh_out.at[idx_da.at[row]],
                                 sem2, add=True)

        def wait_scatters(ci, buf):
            _, _, hr, exb = buf
            for j in range(crows):
                sl = pl.ds(j * 128, 128)
                row = ci * crows + j
                pltpu.make_async_copy(exb.at[sl], sh_den.at[idx_da.at[row]],
                                      sem2).wait()
                pltpu.make_async_copy(hr.at[sl], sh_out.at[idx_da.at[row]],
                                      sem2).wait()

        def compute(buf):
            asr, adr, hr, exb = buf

            def edge(e, _):
                v = asr[e] + adr[e]
                v = jnp.where(v > 0.0, v, 0.2 * v) - shreg
                ex = jnp.exp(v)
                exb[e] = ex
                for k in range(4):
                    ex16 = ex.at[cols[k]].get(mode="promise_in_bounds")
                    sl = pl.ds(16 * k, 16)
                    hr[e, sl] = hr[e, sl] * ex16
                return 0
            lax.fori_loop(0, chunk_e, edge, 0)

        def phase(b, ci):
            cur = bufs[b]
            pre = bufs[(b + NBUF - 1) % NBUF]
            wait_gathers(cur)

            @pl.when(ci > 0)
            def _():
                wait_scatters(ci - 1, pre)
            issue_gathers(ci + NBUF - 1, pre)
            compute(cur)
            issue_scatters(ci, cur)

        for b0 in range(NBUF - 1):
            issue_gathers(b0, bufs[b0])

        def quad(cp, carry):
            for b in range(NBUF):
                phase(b, NBUF * cp + b)
            return carry
        lax.fori_loop(0, nchunk // NBUF, quad, 0)
        for b0 in range(NBUF - 1):
            wait_gathers(bufs[b0])
        wait_scatters(nchunk - 1, bufs[NBUF - 1])
        plsc.subcore_barrier()
        pltpu.sync_copy(sh_out.at[pl.ds(r0, nrows_sub)],
                        o_h.at[c, pl.ds(r0, nrows_sub)])
        pltpu.sync_copy(sh_den.at[pl.ds(r0, nrows_sub)],
                        d_h.at[c, pl.ds(r0, nrows_sub)])
    return body



def _sc_kernel(body, npad):
    mesh = plsc.VectorSubcoreMesh(core_axis_name="c", subcore_axis_name="s",
                                  num_cores=NC, num_subcores=NS)
    bufset = [
        pltpu.VMEM((CHUNK, 16), _f32),
        pltpu.VMEM((CHUNK, 16), _f32),
        pltpu.VMEM((CHUNK, 64), _f32),
        pltpu.VMEM((CHUNK, 16), _f32),
    ]
    scratch = [
        pltpu.VMEM((RPW + (NBUF - 1) * CROWS, 128), jnp.int32),
        pltpu.VMEM((RPW + (NBUF - 1) * CROWS, 128), jnp.int32),
    ] + bufset + list(bufset) + list(bufset) + list(bufset) + [
        pltpu.VMEM((16,), _f32),
        pltpu.VMEM_SHARED((npad, 64), _f32),
        pltpu.VMEM_SHARED((npad, 16), _f32),
        pltpu.SemaphoreType.DMA,
        pltpu.SemaphoreType.DMA,
    ]
    return pl.kernel(
        body,
        out_type=(jax.ShapeDtypeStruct((NC, npad, 64), _f32),
                  jax.ShapeDtypeStruct((NC, npad, 16), _f32)),
        mesh=mesh,
        scratch_types=scratch,
        compiler_params=pltpu.CompilerParams(use_tc_tiling_on_sc=False),
    )


def _tc_call(body, in_widths, out_widths, n_rows=NPAD, blk=BLK):
    grid = n_rows // blk
    in_specs = []
    for w in in_widths:
        if isinstance(w, tuple):
            in_specs.append(pl.BlockSpec(w, lambda i: (0, 0)))
        else:
            in_specs.append(pl.BlockSpec((blk, w), lambda i: (i, 0)))
    out_specs = tuple(pl.BlockSpec((blk, w), lambda i: (i, 0))
                      for w in out_widths)
    if len(out_widths) == 1:
        out_specs = out_specs[0]
    return functools.partial(
        pl.pallas_call, body, grid=(grid,),
        in_specs=in_specs, out_specs=out_specs)



def kernel(x, edge_index, W1, att_src1, att_dst1, b1, W2, att_src2, att_dst2,
           b2, Wc15_1, bc15_1, Wc15_2, bc15_2, Wc30_1, bc30_1, Wc30_2, bc30_2,
           Wc45_1, bc45_1, Wc45_2, bc45_2):
    f32 = _f32
    eye816 = jnp.eye(8, 16, dtype=f32)
    a1s = (att_src1[:, :, None] * eye816[:, None, :]).reshape(64, 16)
    a1d = (att_dst1[:, :, None] * eye816[:, None, :]).reshape(64, 16)
    bmat = jnp.kron(jnp.eye(16, 8, dtype=f32), jnp.ones((1, 8), f32))
    bmat2 = jnp.zeros((16, 64), f32).at[0].set(1.0)
    a2s = jnp.pad(att_src2.T, ((0, 0), (0, 15)))
    a2d = jnp.pad(att_dst2.T, ((0, 0), (0, 15)))
    wc1 = jnp.concatenate([Wc15_1, Wc30_1, Wc45_1], axis=1)
    bc1 = jnp.concatenate([bc15_1, bc30_1, bc45_1])[None, :]
    wc2 = jnp.zeros((96, 8), f32)
    wc2 = wc2.at[0:32, 0].set(Wc15_2[:, 0])
    wc2 = wc2.at[32:64, 1].set(Wc30_2[:, 0])
    wc2 = wc2.at[64:96, 2].set(Wc45_2[:, 0])
    bc2 = jnp.zeros((1, 8), f32)
    bc2 = bc2.at[0, 0].set(bc15_2[0]).at[0, 1].set(bc30_2[0]) \
             .at[0, 2].set(bc45_2[0])

    sink = jnp.full((EPAD - E + EXTRA_ROWS * 128,), N, jnp.int32)
    srcp = jnp.concatenate([edge_index[0], sink]).reshape(
        EROWS + EXTRA_ROWS, 128)
    dstp = jnp.concatenate([edge_index[1], sink]).reshape(
        EROWS + EXTRA_ROWS, 128)
    zz64 = jnp.zeros((NPAD, 64), f32)
    zz16 = jnp.zeros((NPAD, 16), f32)

    xp = jnp.concatenate([x, jnp.zeros((NPAD - N, D), f32)])
    tc1 = _tc_call(_tc1_body, [D, (D, 64), (64, 16), (64, 16)],
                   [64, 16, 16])(
        out_shape=(jax.ShapeDtypeStruct((NPAD, 64), f32),
                   jax.ShapeDtypeStruct((NPAD, 16), f32),
                   jax.ShapeDtypeStruct((NPAD, 16), f32)))
    h1p, asp, adp = tc1(xp, W1, a1s, a1d)

    shift1 = jnp.concatenate(
        [jnp.maximum(jnp.max(asp[:, :8], axis=0)
                     + jnp.max(adp[:, :8], axis=0), 0.0),
         jnp.zeros((8,), f32)])

    sc1 = _sc_kernel(
        _make_sc_body(NPAD, CROWS, NCHUNK, NROWS_PER_SUB, True), NPAD)
    o1, d1 = sc1(srcp, dstp, asp, adp, h1p, shift1, zz64, zz16)

    tc2 = _tc_call(_tc2_body,
                   [64, 64, 16, 16, (16, 64), (1, 64), (64, 64),
                    (64, 16), (64, 16)],
                   [64, 16, 16])(
        out_shape=(jax.ShapeDtypeStruct((NPAD, 64), f32),
                   jax.ShapeDtypeStruct((NPAD, 16), f32),
                   jax.ShapeDtypeStruct((NPAD, 16), f32)))
    h2p, a2st, a2dt = tc2(o1[0], o1[1], d1[0], d1[1],
                          bmat, b1[None, :], W2, a2s, a2d)

    m2 = jnp.maximum(jnp.max(a2st[:, 0]) + jnp.max(a2dt[:, 0]), 0.0)
    shift2 = jnp.concatenate([m2[None], jnp.zeros((15,), f32)])

    sc2 = _sc_kernel(
        _make_sc_body(NPAD, CROWS, NCHUNK, NROWS_PER_SUB, False), NPAD)
    o2, d2 = sc2(srcp, dstp, a2st, a2dt, h2p, shift2, zz64, zz16)

    tc3 = _tc_call(_tc3_body,
                   [64, 64, 16, 16, (16, 64), (1, 64), (64, 96), (1, 96),
                    (96, 8), (1, 8)],
                   [8])(
        out_shape=jax.ShapeDtypeStruct((NPAD, 8), f32))
    out = tc3(o2[0], o2[1], d2[0], d2[1],
              bmat2, b2[None, :], wc1, bc1, wc2, bc2)
    return out[:N, :3]

# --- scband reference (transcript-rebuilt; emitter-appended) ---
"""Pipeline reference for scband-net-75694503624707 (READ-ONLY COPY).

The authoritative reference and input builder live on the scoring server;
editing this copy changes nothing except your own understanding.
"""

import jax, jax.numpy as jnp
import numpy as np

N = 10000
E = 320000
D = 128


def setup_inputs(seed: int = 0) -> dict:
    key = jax.random.key(seed)
    ks = jax.random.split(key, 16)
    s = 0.1
    inp = {}
    inp["x"] = jax.random.normal(ks[0], (N, D), dtype=jnp.float32)
    inp["edge_index"] = jax.random.randint(ks[1], (2, E), 0, N, dtype=jnp.int32)
    # GATConv1: in=128, out=8 per head, heads=8, concat -> 64
    inp["W1"] = jax.random.normal(ks[2], (D, 64), dtype=jnp.float32) * s
    inp["att_src1"] = jax.random.normal(ks[3], (8, 8), dtype=jnp.float32) * s
    inp["att_dst1"] = jax.random.normal(ks[4], (8, 8), dtype=jnp.float32) * s
    inp["b1"] = jnp.zeros((64,), dtype=jnp.float32)
    # GATConv2: in=64, out=64, heads=1
    inp["W2"] = jax.random.normal(ks[5], (64, 64), dtype=jnp.float32) * s
    inp["att_src2"] = jax.random.normal(ks[6], (1, 64), dtype=jnp.float32) * s
    inp["att_dst2"] = jax.random.normal(ks[7], (1, 64), dtype=jnp.float32) * s
    inp["b2"] = jnp.zeros((64,), dtype=jnp.float32)
    # three classifier heads: Linear(64,32)-ReLU-Linear(32,1)
    for i, tag in enumerate(["15", "30", "45"]):
        inp["Wc%s_1" % tag] = jax.random.normal(ks[8 + 2 * i], (64, 32), dtype=jnp.float32) * s
        inp["bc%s_1" % tag] = jnp.zeros((32,), dtype=jnp.float32)
        inp["Wc%s_2" % tag] = jax.random.normal(ks[9 + 2 * i], (32, 1), dtype=jnp.float32) * s
        inp["bc%s_2" % tag] = jnp.zeros((1,), dtype=jnp.float32)
    return inp


def _gat_conv(x, edge_index, W, a_src, a_dst, b, heads, outc):
    src = edge_index[0]
    dst = edge_index[1]
    n = x.shape[0]
    h = (x @ W).reshape(n, heads, outc)
    alpha_src = (h * a_src[None, :, :]).sum(-1)  # [N, H]
    alpha_dst = (h * a_dst[None, :, :]).sum(-1)  # [N, H]
    e = alpha_src[src] + alpha_dst[dst]          # [E, H]
    e = jnp.where(e > 0, e, 0.2 * e)             # LeakyReLU(0.2)
    m = jax.ops.segment_max(e, dst, num_segments=n)
    m = jnp.where(jnp.isfinite(m), m, 0.0)
    ex = jnp.exp(e - m[dst])
    denom = jax.ops.segment_sum(ex, dst, num_segments=n)
    alpha = ex / (denom[dst] + 1e-16)            # softmax over incoming edges
    msg = h[src] * alpha[:, :, None]
    out = jax.ops.segment_sum(msg, dst, num_segments=n)
    return out.reshape(n, heads * outc) + b


def _mlp_head(h, W1h, b1h, W2h, b2h):
    return jax.nn.relu(h @ W1h + b1h) @ W2h + b2h


def reference(x, edge_index, W1, att_src1, att_dst1, b1, W2, att_src2, att_dst2, b2,
              Wc15_1, bc15_1, Wc15_2, bc15_2, Wc30_1, bc30_1, Wc30_2, bc30_2,
              Wc45_1, bc45_1, Wc45_2, bc45_2):
    # dropout is identity in eval mode
    h = jax.nn.elu(_gat_conv(x, edge_index, W1, att_src1, att_dst1, b1, 8, 8))
    h = jax.nn.elu(_gat_conv(h, edge_index, W2, att_src2, att_dst2, b2, 1, 64))
    o15 = _mlp_head(h, Wc15_1, bc15_1, Wc15_2, bc15_2)
    o30 = _mlp_head(h, Wc30_1, bc30_1, Wc30_2, bc30_2)
    o45 = _mlp_head(h, Wc45_1, bc45_1, Wc45_2, bc45_2)
    return jnp.concatenate([o15, o30, o45], axis=1)

if __name__ == "__main__":
    import jax
    _d = setup_inputs()
    print(jax.jit(kernel)(*tuple(_d.values())))

</pallas_src>

<mosaic_0001>
#map = affine_map<(d0, d1) -> (0, 0)>
#map1 = affine_map<(d0, d1) -> (0)>
#map2 = affine_map<(d0, d1) -> (0, 0, 0)>
module attributes {stable_mosaic.version = 14 : i64} {
  func.func @body(%arg0: i32, %arg1: i32, %arg2: memref<2564x128xi32, #tpu.memory_space<hbm>>, %arg3: memref<2564x128xi32, #tpu.memory_space<hbm>>, %arg4: memref<10112x16xf32, #tpu.memory_space<hbm>>, %arg5: memref<10112x16xf32, #tpu.memory_space<hbm>>, %arg6: memref<10112x64xf32, #tpu.memory_space<hbm>>, %arg7: memref<16xf32, #tpu.memory_space<hbm>>, %arg8: memref<10112x64xf32, #tpu.memory_space<hbm>>, %arg9: memref<10112x16xf32, #tpu.memory_space<hbm>>, %arg10: memref<2x10112x64xf32, #tpu.memory_space<hbm>>, %arg11: memref<2x10112x16xf32, #tpu.memory_space<hbm>>, %arg12: memref<83x128xi32, #tpu.memory_space<vmem>>, %arg13: memref<83x128xi32, #tpu.memory_space<vmem>>, %arg14: memref<128x16xf32, #tpu.memory_space<vmem>>, %arg15: memref<128x16xf32, #tpu.memory_space<vmem>>, %arg16: memref<128x64xf32, #tpu.memory_space<vmem>>, %arg17: memref<128x16xf32, #tpu.memory_space<vmem>>, %arg18: memref<128x16xf32, #tpu.memory_space<vmem>>, %arg19: memref<128x16xf32, #tpu.memory_space<vmem>>, %arg20: memref<128x64xf32, #tpu.memory_space<vmem>>, %arg21: memref<128x16xf32, #tpu.memory_space<vmem>>, %arg22: memref<128x16xf32, #tpu.memory_space<vmem>>, %arg23: memref<128x16xf32, #tpu.memory_space<vmem>>, %arg24: memref<128x64xf32, #tpu.memory_space<vmem>>, %arg25: memref<128x16xf32, #tpu.memory_space<vmem>>, %arg26: memref<128x16xf32, #tpu.memory_space<vmem>>, %arg27: memref<128x16xf32, #tpu.memory_space<vmem>>, %arg28: memref<128x64xf32, #tpu.memory_space<vmem>>, %arg29: memref<128x16xf32, #tpu.memory_space<vmem>>, %arg30: memref<16xf32, #tpu.memory_space<vmem>>, %arg31: memref<10112x64xf32, #tpu.memory_space<vmem_shared>>, %arg32: memref<10112x16xf32, #tpu.memory_space<vmem_shared>>, %arg33: memref<!tpu.dma_semaphore, #tpu.memory_space<semaphore_mem>>, %arg34: memref<!tpu.dma_semaphore, #tpu.memory_space<semaphore_mem>>) attributes {dimension_semantics = [#tpu.dimension_semantics<core_parallel>, #tpu.dimension_semantics<subcore_parallel>], iteration_bounds = array<i64: 2, 16>, scalar_prefetch = 0 : i64, scratch_operands = 23 : i64, tpu.core_type = #tpu.core_type<sc_vector_subcore>, window_params = [{transform_indices = #map}, {transform_indices = #map}, {transform_indices = #map}, {transform_indices = #map}, {transform_indices = #map}, {transform_indices = #map1}, {transform_indices = #map}, {transform_indices = #map}, {transform_indices = #map2}, {transform_indices = #map2}]} {
    %mul3A = arith.constant 2 : i32
    %mul3A_0 = arith.muli %arg1, %mul3A : i32
    %add3A = arith.addi %mul3A_0, %arg0 : i32
    %mul3A_1 = arith.constant 632 : i32
    %mul3A_2 = arith.muli %arg1, %mul3A_1 : i32
    "tpu.region"() ({
      %run_scoped3A = tpu.sem_alloc : memref<!tpu.dma_semaphore, #tpu.memory_space<semaphore_mem>>
      %dma_start3A_198 = arith.constant 0 : i32
      %dma_start3A_199 = tpu.memref_slice %arg31[%mul3A_2, %dma_start3A_198] : memref<10112x64xf32, #tpu.memory_space<vmem_shared>> -> memref<632x64xf32, #tpu.memory_space<vmem_shared>>
      %dma_start3A_200 = arith.constant 0 : i32
      %dma_start3A_201 = tpu.memref_slice %arg8[%mul3A_2, %dma_start3A_200] : memref<10112x64xf32, #tpu.memory_space<hbm>> -> memref<632x64xf32, #tpu.memory_space<hbm>>
      tpu.enqueue_dma source(%dma_start3A_201 : memref<632x64xf32, #tpu.memory_space<hbm>>) target(%dma_start3A_199 : memref<632x64xf32, #tpu.memory_space<vmem_shared>>) target_semaphore(%run_scoped3A : memref<!tpu.dma_semaphore, #tpu.memory_space<semaphore_mem>>)
      %dma_wait3A_202 = arith.constant 0 : i32
      %dma_wait3A_203 = tpu.memref_slice %arg31[%mul3A_2, %dma_wait3A_202] : memref<10112x64xf32, #tpu.memory_space<vmem_shared>> -> memref<632x64xf32, #tpu.memory_space<vmem_shared>>
      %dma_wait3A_204 = arith.constant 0 : i32
      %dma_wait3A_205 = tpu.memref_slice %arg8[%mul3A_2, %dma_wait3A_204] : memref<10112x64xf32, #tpu.memory_space<hbm>> -> memref<632x64xf32, #tpu.memory_space<hbm>>
      tpu.wait_dma2 semaphore(%run_scoped3A : memref<!tpu.dma_semaphore, #tpu.memory_space<semaphore_mem>>) src(%dma_wait3A_205 : memref<632x64xf32, #tpu.memory_space<hbm>>) dst(%dma_wait3A_203 : memref<632x64xf32, #tpu.memory_space<vmem_shared>>)
      tpu.yield
    }) : () -> ()
    "tpu.region"() ({
      %run_scoped3A = tpu.sem_alloc : memref<!tpu.dma_semaphore, #tpu.memory_space<semaphore_mem>>
      %dma_start3A_198 = arith.constant 0 : i32
      %dma_start3A_199 = tpu.memref_slice %arg32[%mul3A_2, %dma_start3A_198] : memref<10112x16xf32, #tpu.memory_space<vmem_shared>> -> memref<632x16xf32, #tpu.memory_space<vmem_shared>>
      %dma_start3A_200 = arith.constant 0 : i32
      %dma_start3A_201 = tpu.memref_slice %arg9[%mul3A_2, %dma_start3A_200] : memref<10112x16xf32, #tpu.memory_space<hbm>> -> memref<632x16xf32, #tpu.memory_space<hbm>>
      tpu.enqueue_dma source(%dma_start3A_201 : memref<632x16xf32, #tpu.memory_space<hbm>>) target(%dma_start3A_199 : memref<632x16xf32, #tpu.memory_space<vmem_shared>>) target_semaphore(%run_scoped3A : memref<!tpu.dma_semaphore, #tpu.memory_space<semaphore_mem>>)
      %dma_wait3A_202 = arith.constant 0 : i32
      %dma_wait3A_203 = tpu.memref_slice %arg32[%mul3A_2, %dma_wait3A_202] : memref<10112x16xf32, #tpu.memory_space<vmem_shared>> -> memref<632x16xf32, #tpu.memory_space<vmem_shared>>
      %dma_wait3A_204 = arith.constant 0 : i32
      %dma_wait3A_205 = tpu.memref_slice %arg9[%mul3A_2, %dma_wait3A_204] : memref<10112x16xf32, #tpu.memory_space<hbm>> -> memref<632x16xf32, #tpu.memory_space<hbm>>
      tpu.wait_dma2 semaphore(%run_scoped3A : memref<!tpu.dma_semaphore, #tpu.memory_space<semaphore_mem>>) src(%dma_wait3A_205 : memref<632x16xf32, #tpu.memory_space<hbm>>) dst(%dma_wait3A_203 : memref<632x16xf32, #tpu.memory_space<vmem_shared>>)
      tpu.yield
    }) : () -> ()
    "tpu.region"() ({
      %run_scoped3A = tpu.sem_alloc : memref<!tpu.dma_semaphore, #tpu.memory_space<semaphore_mem>>
      tpu.enqueue_dma source(%arg7 : memref<16xf32, #tpu.memory_space<hbm>>) target(%arg30 : memref<16xf32, #tpu.memory_space<vmem>>) target_semaphore(%run_scoped3A : memref<!tpu.dma_semaphore, #tpu.memory_space<semaphore_mem>>)
      tpu.wait_dma2 semaphore(%run_scoped3A : memref<!tpu.dma_semaphore, #tpu.memory_space<semaphore_mem>>) src(%arg7 : memref<16xf32, #tpu.memory_space<hbm>>) dst(%arg30 : memref<16xf32, #tpu.memory_space<vmem>>)
      tpu.yield
    }) : () -> ()
    %mul3A_3 = arith.constant 80 : i32
    %mul3A_4 = arith.muli %add3A, %mul3A_3 : i32
    "tpu.region"() ({
      %run_scoped3A = tpu.sem_alloc : memref<!tpu.dma_semaphore, #tpu.memory_space<semaphore_mem>>
      %dma_start3A_198 = arith.constant 0 : i32
      %dma_start3A_199 = tpu.memref_slice %arg2[%mul3A_4, %dma_start3A_198] : memref<2564x128xi32, #tpu.memory_space<hbm>> -> memref<83x128xi32, #tpu.memory_space<hbm>>
      %dma_start3A_200 = arith.constant 0 : i32
      %dma_start3A_201 = tpu.memref_slice %arg2[%mul3A_4, %dma_start3A_200] : memref<2564x128xi32, #tpu.memory_space<hbm>> -> memref<83x128xi32, #tpu.memory_space<hbm>>
      tpu.enqueue_dma source(%dma_start3A_201 : memref<83x128xi32, #tpu.memory_space<hbm>>) target(%arg12 : memref<83x128xi32, #tpu.memory_space<vmem>>) target_semaphore(%run_scoped3A : memref<!tpu.dma_semaphore, #tpu.memory_space<semaphore_mem>>)
      %dma_wait3A_202 = arith.constant 0 : i32
      %dma_wait3A_203 = tpu.memref_slice %arg2[%mul3A_4, %dma_wait3A_202] : memref<2564x128xi32, #tpu.memory_space<hbm>> -> memref<83x128xi32, #tpu.memory_space<hbm>>
      %dma_wait3A_204 = arith.constant 0 : i32
      %dma_wait3A_205 = tpu.memref_slice %arg2[%mul3A_4, %dma_wait3A_204] : memref<2564x128xi32, #tpu.memory_space<hbm>> -> memref<83x128xi32, #tpu.memory_space<hbm>>
      tpu.wait_dma2 semaphore(%run_scoped3A : memref<!tpu.dma_semaphore, #tpu.memory_space<semaphore_mem>>) src(%dma_wait3A_205 : memref<83x128xi32, #tpu.memory_space<hbm>>) dst(%arg12 : memref<83x128xi32, #tpu.memory_space<vmem>>)
      tpu.yield
    }) : () -> ()
    "tpu.region"() ({
      %run_scoped3A = tpu.sem_alloc : memref<!tpu.dma_semaphore, #tpu.memory_space<semaphore_mem>>
      %dma_start3A_198 = arith.constant 0 : i32
      %dma_start3A_199 = tpu.memref_slice %arg3[%mul3A_4, %dma_start3A_198] : memref<2564x128xi32, #tpu.memory_space<hbm>> -> memref<83x128xi32, #tpu.memory_space<hbm>>
      %dma_start3A_200 = arith.constant 0 : i32
      %dma_start3A_201 = tpu.memref_slice %arg3[%mul3A_4, %dma_start3A_200] : memref<2564x128xi32, #tpu.memory_space<hbm>> -> memref<83x128xi32, #tpu.memory_space<hbm>>
      tpu.enqueue_dma source(%dma_start3A_201 : memref<83x128xi32, #tpu.memory_space<hbm>>) target(%arg13 : memref<83x128xi32, #tpu.memory_space<vmem>>) target_semaphore(%run_scoped3A : memref<!tpu.dma_semaphore, #tpu.memory_space<semaphore_mem>>)
      %dma_wait3A_202 = arith.constant 0 : i32
      %dma_wait3A_203 = tpu.memref_slice %arg3[%mul3A_4, %dma_wait3A_202] : memref<2564x128xi32, #tpu.memory_space<hbm>> -> memref<83x128xi32, #tpu.memory_space<hbm>>
      %dma_wait3A_204 = arith.constant 0 : i32
      %dma_wait3A_205 = tpu.memref_slice %arg3[%mul3A_4, %dma_wait3A_204] : memref<2564x128xi32, #tpu.memory_space<hbm>> -> memref<83x128xi32, #tpu.memory_space<hbm>>
      tpu.wait_dma2 semaphore(%run_scoped3A : memref<!tpu.dma_semaphore, #tpu.memory_space<semaphore_mem>>) src(%dma_wait3A_205 : memref<83x128xi32, #tpu.memory_space<hbm>>) dst(%arg13 : memref<83x128xi32, #tpu.memory_space<vmem>>)
      tpu.yield
    }) : () -> ()
    %barrier3A = arith.constant 0 : index
    tpu.barrier barrier_id(%barrier3A)
    %get3A = arith.constant 0 : index
    %get3A_5 = tpu.vector_load %arg30[%get3A] {strides = array<i32>} : memref<16xf32, #tpu.memory_space<vmem>>, vector<16xf32>,
    %get3A_6 = vector.shape_cast %get3A_5 : vector<16xf32> to vector<16xf32>
    %iota3A = tpu.iota {dimensions = array<i32: 0>} : vector<16xi32>
    %shift_right_logical3A = arith.constant 3 : i32
    %shift_right_logical3A_7 = vector.broadcast %shift_right_logical3A : i32 to vector<16xi32>
    %shift_right_logical3A_8 = arith.shrui %iota3A, %shift_right_logical3A_7 : vector<16xi32>
    %add3A_9 = arith.constant 0 : i32
    %add3A_10 = vector.broadcast %add3A_9 : i32 to vector<16xi32>
    %add3A_11 = arith.addi %add3A_10, %shift_right_logical3A_8 : vector<16xi32>
    %shift_right_logical3A_12 = arith.constant 3 : i32
    %shift_right_logical3A_13 = vector.broadcast %shift_right_logical3A_12 : i32 to vector<16xi32>
    %shift_right_logical3A_14 = arith.shrui %iota3A, %shift_right_logical3A_13 : vector<16xi32>
    %add3A_15 = arith.constant 2 : i32
    %add3A_16 = vector.broadcast %add3A_15 : i32 to vector<16xi32>
    %add3A_17 = arith.addi %add3A_16, %shift_right_logical3A_14 : vector<16xi32>
    %shift_right_logical3A_18 = arith.constant 3 : i32
    %shift_right_logical3A_19 = vector.broadcast %shift_right_logical3A_18 : i32 to vector<16xi32>
    %shift_right_logical3A_20 = arith.shrui %iota3A, %shift_right_logical3A_19 : vector<16xi32>
    %add3A_21 = arith.constant 4 : i32
    %add3A_22 = vector.broadcast %add3A_21 : i32 to vector<16xi32>
    %add3A_23 = arith.addi %add3A_22, %shift_right_logical3A_20 : vector<16xi32>
    %shift_right_logical3A_24 = arith.constant 3 : i32
    %shift_right_logical3A_25 = vector.broadcast %shift_right_logical3A_24 : i32 to vector<16xi32>
    %shift_right_logical3A_26 = arith.shrui %iota3A, %shift_right_logical3A_25 : vector<16xi32>
    %add3A_27 = arith.constant 6 : i32
    %add3A_28 = vector.broadcast %add3A_27 : i32 to vector<16xi32>
    %add3A_29 = arith.addi %add3A_28, %shift_right_logical3A_26 : vector<16xi32>
    %dma_start3A = arith.constant 0 : i32
    %dma_start3A_30 = arith.constant 0 : i32
    %dma_start3A_31 = arith.constant 0 : i32
    %dma_start3A_32 = tpu.memref_slice %arg14[%dma_start3A_30, %dma_start3A_31] : memref<128x16xf32, #tpu.memory_space<vmem>> -> memref<128x16xf32, #tpu.memory_space<vmem>>
    %dma_start3A_33 = arith.constant 0 : i32
    %dma_start3A_34 = tpu.memref_slice %arg12[%dma_start3A, %dma_start3A_33] : memref<83x128xi32, #tpu.memory_space<vmem>> -> memref<1x128xi32, #tpu.memory_space<vmem>>
    %dma_start3A_35 = tpu.memref_squeeze %dma_start3A_34 : memref<1x128xi32, #tpu.memory_space<vmem>> -> memref<128xi32, #tpu.memory_space<vmem>>
    %dma_start3A_36 = arith.constant 0 : i32
    %dma_start3A_37 = arith.constant 0 : i32
    %dma_start3A_38 = tpu.memref_slice %arg4[%dma_start3A_36, %dma_start3A_37] : memref<10112x16xf32, #tpu.memory_space<hbm>> -> memref<10112x16xf32, #tpu.memory_space<hbm>>
    tpu.enqueue_indirect_dma source(%dma_start3A_38 : memref<10112x16xf32, #tpu.memory_space<hbm>>) target(%dma_start3A_32 : memref<128x16xf32, #tpu.memory_space<vmem>>) offsets(%dma_start3A_35 : memref<128xi32, #tpu.memory_space<vmem>>) semaphore(%arg33 : memref<!tpu.dma_semaphore, #tpu.memory_space<semaphore_mem>>)
    %dma_start3A_39 = arith.constant 0 : i32
    %dma_start3A_40 = arith.constant 0 : i32
    %dma_start3A_41 = arith.constant 0 : i32
    %dma_start3A_42 = tpu.memref_slice %arg15[%dma_start3A_40, %dma_start3A_41] : memref<128x16xf32, #tpu.memory_space<vmem>> -> memref<128x16xf32, #tpu.memory_space<vmem>>
    %dma_start3A_43 = arith.constant 0 : i32
    %dma_start3A_44 = tpu.memref_slice %arg13[%dma_start3A_39, %dma_start3A_43] : memref<83x128xi32, #tpu.memory_space<vmem>> -> memref<1x128xi32, #tpu.memory_space<vmem>>
    %dma_start3A_45 = tpu.memref_squeeze %dma_start3A_44 : memref<1x128xi32, #tpu.memory_space<vmem>> -> memref<128xi32, #tpu.memory_space<vmem>>
    %dma_start3A_46 = arith.constant 0 : i32
    %dma_start3A_47 = arith.constant 0 : i32
    %dma_start3A_48 = tpu.memref_slice %arg5[%dma_start3A_46, %dma_start3A_47] : memref<10112x16xf32, #tpu.memory_space<hbm>> -> memref<10112x16xf32, #tpu.memory_space<hbm>>
    tpu.enqueue_indirect_dma source(%dma_start3A_48 : memref<10112x16xf32, #tpu.memory_space<hbm>>) target(%dma_start3A_42 : memref<128x16xf32, #tpu.memory_space<vmem>>) offsets(%dma_start3A_45 : memref<128xi32, #tpu.memory_space<vmem>>) semaphore(%arg33 : memref<!tpu.dma_semaphore, #tpu.memory_space<semaphore_mem>>)
    %dma_start3A_49 = arith.constant 0 : i32
    %dma_start3A_50 = arith.constant 0 : i32
    %dma_start3A_51 = arith.constant 0 : i32
    %dma_start3A_52 = tpu.memref_slice %arg16[%dma_start3A_50, %dma_start3A_51] : memref<128x64xf32, #tpu.memory_space<vmem>> -> memref<128x64xf32, #tpu.memory_space<vmem>>
    %dma_start3A_53 = arith.constant 0 : i32
    %dma_start3A_54 = tpu.memref_slice %arg12[%dma_start3A_49, %dma_start3A_53] : memref<83x128xi32, #tpu.memory_space<vmem>> -> memref<1x128xi32, #tpu.memory_space<vmem>>
    %dma_start3A_55 = tpu.memref_squeeze %dma_start3A_54 : memref<1x128xi32, #tpu.memory_space<vmem>> -> memref<128xi32, #tpu.memory_space<vmem>>
    %dma_start3A_56 = arith.constant 0 : i32
    %dma_start3A_57 = arith.constant 0 : i32
    %dma_start3A_58 = tpu.memref_slice %arg6[%dma_start3A_56, %dma_start3A_57] : memref<10112x64xf32, #tpu.memory_space<hbm>> -> memref<10112x64xf32, #tpu.memory_space<hbm>>
    tpu.enqueue_indirect_dma source(%dma_start3A_58 : memref<10112x64xf32, #tpu.memory_space<hbm>>) target(%dma_start3A_52 : memref<128x64xf32, #tpu.memory_space<vmem>>) offsets(%dma_start3A_55 : memref<128xi32, #tpu.memory_space<vmem>>) semaphore(%arg33 : memref<!tpu.dma_semaphore, #tpu.memory_space<semaphore_mem>>)
    %dma_start3A_59 = arith.constant 1 : i32
    %dma_start3A_60 = arith.constant 0 : i32
    %dma_start3A_61 = arith.constant 0 : i32
    %dma_start3A_62 = tpu.memref_slice %arg18[%dma_start3A_60, %dma_start3A_61] : memref<128x16xf32, #tpu.memory_space<vmem>> -> memref<128x16xf32, #tpu.memory_space<vmem>>
    %dma_start3A_63 = arith.constant 0 : i32
    %dma_start3A_64 = tpu.memref_slice %arg12[%dma_start3A_59, %dma_start3A_63] : memref<83x128xi32, #tpu.memory_space<vmem>> -> memref<1x128xi32, #tpu.memory_space<vmem>>
    %dma_start3A_65 = tpu.memref_squeeze %dma_start3A_64 : memref<1x128xi32, #tpu.memory_space<vmem>> -> memref<128xi32, #tpu.memory_space<vmem>>
    %dma_start3A_66 = arith.constant 0 : i32
    %dma_start3A_67 = arith.constant 0 : i32
    %dma_start3A_68 = tpu.memref_slice %arg4[%dma_start3A_66, %dma_start3A_67] : memref<10112x16xf32, #tpu.memory_space<hbm>> -> memref<10112x16xf32, #tpu.memory_space<hbm>>
    tpu.enqueue_indirect_dma source(%dma_start3A_68 : memref<10112x16xf32, #tpu.memory_space<hbm>>) target(%dma_start3A_62 : memref<128x16xf32, #tpu.memory_space<vmem>>) offsets(%dma_start3A_65 : memref<128xi32, #tpu.memory_space<vmem>>) semaphore(%arg33 : memref<!tpu.dma_semaphore, #tpu.memory_space<semaphore_mem>>)
    %dma_start3A_69 = arith.constant 1 : i32
    %dma_start3A_70 = arith.constant 0 : i32
    %dma_start3A_71 = arith.constant 0 : i32
    %dma_start3A_72 = tpu.memref_slice %arg19[%dma_start3A_70, %dma_start3A_71] : memref<128x16xf32, #tpu.memory_space<vmem>> -> memref<128x16xf32, #tpu.memory_space<vmem>>
    %dma_start3A_73 = arith.constant 0 : i32
    %dma_start3A_74 = tpu.memref_slice %arg13[%dma_start3A_69, %dma_start3A_73] : memref<83x128xi32, #tpu.memory_space<vmem>> -> memref<1x128xi32, #tpu.memory_space<vmem>>
    %dma_start3A_75 = tpu.memref_squeeze %dma_start3A_74 : memref<1x128xi32, #tpu.memory_space<vmem>> -> memref<128xi32, #tpu.memory_space<vmem>>
    %dma_start3A_76 = arith.constant 0 : i32
    %dma_start3A_77 = arith.constant 0 : i32
    %dma_start3A_78 = tpu.memref_slice %arg5[%dma_start3A_76, %dma_start3A_77] : memref<10112x16xf32, #tpu.memory_space<hbm>> -> memref<10112x16xf32, #tpu.memory_space<hbm>>
    tpu.enqueue_indirect_dma source(%dma_start3A_78 : memref<10112x16xf32, #tpu.memory_space<hbm>>) target(%dma_start3A_72 : memref<128x16xf32, #tpu.memory_space<vmem>>) offsets(%dma_start3A_75 : memref<128xi32, #tpu.memory_space<vmem>>) semaphore(%arg33 : memref<!tpu.dma_semaphore, #tpu.memory_space<semaphore_mem>>)
    %dma_start3A_79 = arith.constant 1 : i32
    %dma_start3A_80 = arith.constant 0 : i32
    %dma_start3A_81 = arith.constant 0 : i32
    %dma_start3A_82 = tpu.memref_slice %arg20[%dma_start3A_80, %dma_start3A_81] : memref<128x64xf32, #tpu.memory_space<vmem>> -> memref<128x64xf32, #tpu.memory_space<vmem>>
    %dma_start3A_83 = arith.constant 0 : i32
    %dma_start3A_84 = tpu.memref_slice %arg12[%dma_start3A_79, %dma_start3A_83] : memref<83x128xi32, #tpu.memory_space<vmem>> -> memref<1x128xi32, #tpu.memory_space<vmem>>
    %dma_start3A_85 = tpu.memref_squeeze %dma_start3A_84 : memref<1x128xi32, #tpu.memory_space<vmem>> -> memref<128xi32, #tpu.memory_space<vmem>>
    %dma_start3A_86 = arith.constant 0 : i32
    %dma_start3A_87 = arith.constant 0 : i32
    %dma_start3A_88 = tpu.memref_slice %arg6[%dma_start3A_86, %dma_start3A_87] : memref<10112x64xf32, #tpu.memory_space<hbm>> -> memref<10112x64xf32, #tpu.memory_space<hbm>>
    tpu.enqueue_indirect_dma source(%dma_start3A_88 : memref<10112x64xf32, #tpu.memory_space<hbm>>) target(%dma_start3A_82 : memref<128x64xf32, #tpu.memory_space<vmem>>) offsets(%dma_start3A_85 : memref<128xi32, #tpu.memory_space<vmem>>) semaphore(%arg33 : memref<!tpu.dma_semaphore, #tpu.memory_space<semaphore_mem>>)
    %dma_start3A_89 = arith.constant 2 : i32
    %dma_start3A_90 = arith.constant 0 : i32
    %dma_start3A_91 = arith.constant 0 : i32
    %dma_start3A_92 = tpu.memref_slice %arg22[%dma_start3A_90, %dma_start3A_91] : memref<128x16xf32, #tpu.memory_space<vmem>> -> memref<128x16xf32, #tpu.memory_space<vmem>>
    %dma_start3A_93 = arith.constant 0 : i32
    %dma_start3A_94 = tpu.memref_slice %arg12[%dma_start3A_89, %dma_start3A_93] : memref<83x128xi32, #tpu.memory_space<vmem>> -> memref<1x128xi32, #tpu.memory_space<vmem>>
    %dma_start3A_95 = tpu.memref_squeeze %dma_start3A_94 : memref<1x128xi32, #tpu.memory_space<vmem>> -> memref<128xi32, #tpu.memory_space<vmem>>
    %dma_start3A_96 = arith.constant 0 : i32
    %dma_start3A_97 = arith.constant 0 : i32
    %dma_start3A_98 = tpu.memref_slice %arg4[%dma_start3A_96, %dma_start3A_97] : memref<10112x16xf32, #tpu.memory_space<hbm>> -> memref<10112x16xf32, #tpu.memory_space<hbm>>
    tpu.enqueue_indirect_dma source(%dma_start3A_98 : memref<10112x16xf32, #tpu.memory_space<hbm>>) target(%dma_start3A_92 : memref<128x16xf32, #tpu.memory_space<vmem>>) offsets(%dma_start3A_95 : memref<128xi32, #tpu.memory_space<vmem>>) semaphore(%arg33 : memref<!tpu.dma_semaphore, #tpu.memory_space<semaphore_mem>>)
    %dma_start3A_99 = arith.constant 2 : i32
    %dma_start3A_100 = arith.constant 0 : i32
    %dma_start3A_101 = arith.constant 0 : i32
    %dma_start3A_102 = tpu.memref_slice %arg23[%dma_start3A_100, %dma_start3A_101] : memref<128x16xf32, #tpu.memory_space<vmem>> -> memref<128x16xf32, #tpu.memory_space<vmem>>
    %dma_start3A_103 = arith.constant 0 : i32
    %dma_start3A_104 = tpu.memref_slice %arg13[%dma_start3A_99, %dma_start3A_103] : memref<83x128xi32, #tpu.memory_space<vmem>> -> memref<1x128xi32, #tpu.memory_space<vmem>>
    %dma_start3A_105 = tpu.memref_squeeze %dma_start3A_104 : memref<1x128xi32, #tpu.memory_space<vmem>> -> memref<128xi32, #tpu.memory_space<vmem>>
    %dma_start3A_106 = arith.constant 0 : i32
    %dma_start3A_107 = arith.constant 0 : i32
    %dma_start3A_108 = tpu.memref_slice %arg5[%dma_start3A_106, %dma_start3A_107] : memref<10112x16xf32, #tpu.memory_space<hbm>> -> memref<10112x16xf32, #tpu.memory_space<hbm>>
    tpu.enqueue_indirect_dma source(%dma_start3A_108 : memref<10112x16xf32, #tpu.memory_space<hbm>>) target(%dma_start3A_102 : memref<128x16xf32, #tpu.memory_space<vmem>>) offsets(%dma_start3A_105 : memref<128xi32, #tpu.memory_space<vmem>>) semaphore(%arg33 : memref<!tpu.dma_semaphore, #tpu.memory_space<semaphore_mem>>)
    %dma_start3A_109 = arith.constant 2 : i32
    %dma_start3A_110 = arith.constant 0 : i32
    %dma_start3A_111 = arith.constant 0 : i32
    %dma_start3A_112 = tpu.memref_slice %arg24[%dma_start3A_110, %dma_start3A_111] : memref<128x64xf32, #tpu.memory_space<vmem>> -> memref<128x64xf32, #tpu.memory_space<vmem>>
    %dma_start3A_113 = arith.constant 0 : i32
    %dma_start3A_114 = tpu.memref_slice %arg12[%dma_start3A_109, %dma_start3A_113] : memref<83x128xi32, #tpu.memory_space<vmem>> -> memref<1x128xi32, #tpu.memory_space<vmem>>
    %dma_start3A_115 = tpu.memref_squeeze %dma_start3A_114 : memref<1x128xi32, #tpu.memory_space<vmem>> -> memref<128xi32, #tpu.memory_space<vmem>>
    %dma_start3A_116 = arith.constant 0 : i32
    %dma_start3A_117 = arith.constant 0 : i32
    %dma_start3A_118 = tpu.memref_slice %arg6[%dma_start3A_116, %dma_start3A_117] : memref<10112x64xf32, #tpu.memory_space<hbm>> -> memref<10112x64xf32, #tpu.memory_space<hbm>>
    tpu.enqueue_indirect_dma source(%dma_start3A_118 : memref<10112x64xf32, #tpu.memory_space<hbm>>) target(%dma_start3A_112 : memref<128x64xf32, #tpu.memory_space<vmem>>) offsets(%dma_start3A_115 : memref<128xi32, #tpu.memory_space<vmem>>) semaphore(%arg33 : memref<!tpu.dma_semaphore, #tpu.memory_space<semaphore_mem>>)
    %scan3A = arith.constant 0 : i32
    %scan3A_119 = arith.constant 0 : i32
    %scan3A_120 = arith.constant 20 : i32
    %scan3A_121 = arith.addi %scan3A_119, %scan3A_120 : i32
    %scan3A_122 = arith.constant 1 : i32
    scf.for %scan3A_198 = %scan3A_119 to %scan3A_121 step %scan3A_122  : i32 {
      %mul3A_199 = arith.constant 4 : i32
      %mul3A_200 = arith.muli %mul3A_199, %scan3A_198 : i32
      %add3A_201 = arith.constant 0 : i32
      %add3A_202 = arith.addi %mul3A_200, %add3A_201 : i32
      %dma_wait3A_203 = arith.constant 0 : i32
      %dma_wait3A_204 = arith.constant 0 : i32
      %dma_wait3A_205 = tpu.memref_slice %arg4[%dma_wait3A_203, %dma_wait3A_204] : memref<10112x16xf32, #tpu.memory_space<hbm>> -> memref<128x16xf32, #tpu.memory_space<hbm>>
      %dma_wait3A_206 = arith.constant 0 : i32
      %dma_wait3A_207 = arith.constant 0 : i32
      %dma_wait3A_208 = tpu.memref_slice %arg4[%dma_wait3A_206, %dma_wait3A_207] : memref<10112x16xf32, #tpu.memory_space<hbm>> -> memref<128x16xf32, #tpu.memory_space<hbm>>
      tpu.wait_dma2 semaphore(%arg33 : memref<!tpu.dma_semaphore, #tpu.memory_space<semaphore_mem>>) src(%dma_wait3A_208 : memref<128x16xf32, #tpu.memory_space<hbm>>) dst(%arg14 : memref<128x16xf32, #tpu.memory_space<vmem>>)
      %dma_wait3A_209 = arith.constant 0 : i32
      %dma_wait3A_210 = arith.constant 0 : i32
      %dma_wait3A_211 = tpu.memref_slice %arg4[%dma_wait3A_209, %dma_wait3A_210] : memref<10112x16xf32, #tpu.memory_space<hbm>> -> memref<128x16xf32, #tpu.memory_space<hbm>>
      %dma_wait3A_212 = arith.constant 0 : i32
      %dma_wait3A_213 = arith.constant 0 : i32
      %dma_wait3A_214 = tpu.memref_slice %arg4[%dma_wait3A_212, %dma_wait3A_213] : memref<10112x16xf32, #tpu.memory_space<hbm>> -> memref<128x16xf32, #tpu.memory_space<hbm>>
      tpu.wait_dma2 semaphore(%arg33 : memref<!tpu.dma_semaphore, #tpu.memory_space<semaphore_mem>>) src(%dma_wait3A_214 : memref<128x16xf32, #tpu.memory_space<hbm>>) dst(%arg15 : memref<128x16xf32, #tpu.memory_space<vmem>>)
      %dma_wait3A_215 = arith.constant 0 : i32
      %dma_wait3A_216 = arith.constant 0 : i32
      %dma_wait3A_217 = tpu.memref_slice %arg6[%dma_wait3A_215, %dma_wait3A_216] : memref<10112x64xf32, #tpu.memory_space<hbm>> -> memref<128x64xf32, #tpu.memory_space<hbm>>
      %dma_wait3A_218 = arith.constant 0 : i32
      %dma_wait3A_219 = arith.constant 0 : i32
      %dma_wait3A_220 = tpu.memref_slice %arg6[%dma_wait3A_218, %dma_wait3A_219] : memref<10112x64xf32, #tpu.memory_space<hbm>> -> memref<128x64xf32, #tpu.memory_space<hbm>>
      tpu.wait_dma2 semaphore(%arg33 : memref<!tpu.dma_semaphore, #tpu.memory_space<semaphore_mem>>) src(%dma_wait3A_220 : memref<128x64xf32, #tpu.memory_space<hbm>>) dst(%arg16 : memref<128x64xf32, #tpu.memory_space<vmem>>)
      %gt3A = arith.constant 0 : i32
      %gt3A_221 = arith.cmpi sgt, %add3A_202, %gt3A : i32
      %convert_element_type3A = arith.extui %gt3A_221 : i1 to i32
      %cond3A = arith.constant 0 : i32
      %cond3A_222 = arith.cmpi ne, %convert_element_type3A, %cond3A : i32
      scf.if %cond3A_222 {
        %sub3A_559 = arith.constant 1 : i32
        %sub3A_560 = arith.subi %add3A_202, %sub3A_559 : i32
        %mul3A_561 = arith.constant 1 : i32
        %mul3A_562 = arith.muli %sub3A_560, %mul3A_561 : i32
        %add3A_563 = arith.constant 0 : i32
        %add3A_564 = arith.addi %mul3A_562, %add3A_563 : i32
        %dma_wait3A_565 = arith.constant 0 : i32
        %dma_wait3A_566 = arith.constant 0 : i32
        %dma_wait3A_567 = tpu.memref_slice %arg29[%dma_wait3A_565, %dma_wait3A_566] : memref<128x16xf32, #tpu.memory_space<vmem>> -> memref<128x16xf32, #tpu.memory_space<vmem>>
        %dma_wait3A_568 = arith.constant 0 : i32
        %dma_wait3A_569 = tpu.memref_slice %arg13[%add3A_564, %dma_wait3A_568] : memref<83x128xi32, #tpu.memory_space<vmem>> -> memref<1x128xi32, #tpu.memory_space<vmem>>
        %dma_wait3A_570 = tpu.memref_squeeze %dma_wait3A_569 : memref<1x128xi32, #tpu.memory_space<vmem>> -> memref<128xi32, #tpu.memory_space<vmem>>
        %dma_wait3A_571 = arith.constant 0 : i32
        %dma_wait3A_572 = arith.constant 0 : i32
        %dma_wait3A_573 = tpu.memref_slice %arg32[%dma_wait3A_571, %dma_wait3A_572] : memref<10112x16xf32, #tpu.memory_space<vmem_shared>> -> memref<10112x16xf32, #tpu.memory_space<vmem_shared>>
        tpu.wait_indirect_dma semaphore(%arg34 : memref<!tpu.dma_semaphore, #tpu.memory_space<semaphore_mem>>) src(%dma_wait3A_567 : memref<128x16xf32, #tpu.memory_space<vmem>>) dst(%dma_wait3A_573 : memref<10112x16xf32, #tpu.memory_space<vmem_shared>>)
        %dma_wait3A_574 = arith.constant 0 : i32
        %dma_wait3A_575 = arith.constant 0 : i32
        %dma_wait3A_576 = tpu.memref_slice %arg28[%dma_wait3A_574, %dma_wait3A_575] : memref<128x64xf32, #tpu.memory_space<vmem>> -> memref<128x64xf32, #tpu.memory_space<vmem>>
        %dma_wait3A_577 = arith.constant 0 : i32
        %dma_wait3A_578 = tpu.memref_slice %arg13[%add3A_564, %dma_wait3A_577] : memref<83x128xi32, #tpu.memory_space<vmem>> -> memref<1x128xi32, #tpu.memory_space<vmem>>
        %dma_wait3A_579 = tpu.memref_squeeze %dma_wait3A_578 : memref<1x128xi32, #tpu.memory_space<vmem>> -> memref<128xi32, #tpu.memory_space<vmem>>
        %dma_wait3A_580 = arith.constant 0 : i32
        %dma_wait3A_581 = arith.constant 0 : i32
        %dma_wait3A_582 = tpu.memref_slice %arg31[%dma_wait3A_580, %dma_wait3A_581] : memref<10112x64xf32, #tpu.memory_space<vmem_shared>> -> memref<10112x64xf32, #tpu.memory_space<vmem_shared>>
        tpu.wait_indirect_dma semaphore(%arg34 : memref<!tpu.dma_semaphore, #tpu.memory_space<semaphore_mem>>) src(%dma_wait3A_576 : memref<128x64xf32, #tpu.memory_space<vmem>>) dst(%dma_wait3A_582 : memref<10112x64xf32, #tpu.memory_space<vmem_shared>>)
      } else {
      }
      %add3A_223 = arith.constant 4 : i32
      %add3A_224 = arith.addi %add3A_202, %add3A_223 : i32
      %sub3A = arith.constant 1 : i32
      %sub3A_225 = arith.subi %add3A_224, %sub3A : i32
      %mul3A_226 = arith.constant 1 : i32
      %mul3A_227 = arith.muli %sub3A_225, %mul3A_226 : i32
      %add3A_228 = arith.constant 0 : i32
      %add3A_229 = arith.addi %mul3A_227, %add3A_228 : i32
      %dma_start3A_230 = arith.constant 0 : i32
      %dma_start3A_231 = arith.constant 0 : i32
      %dma_start3A_232 = tpu.memref_slice %arg26[%dma_start3A_230, %dma_start3A_231] : memref<128x16xf32, #tpu.memory_space<vmem>> -> memref<128x16xf32, #tpu.memory_space<vmem>>
      %dma_start3A_233 = arith.constant 0 : i32
      %dma_start3A_234 = tpu.memref_slice %arg12[%add3A_229, %dma_start3A_233] : memref<83x128xi32, #tpu.memory_space<vmem>> -> memref<1x128xi32, #tpu.memory_space<vmem>>
      %dma_start3A_235 = tpu.memref_squeeze %dma_start3A_234 : memref<1x128xi32, #tpu.memory_space<vmem>> -> memref<128xi32, #tpu.memory_space<vmem>>
      %dma_start3A_236 = arith.constant 0 : i32
      %dma_start3A_237 = arith.constant 0 : i32
      %dma_start3A_238 = tpu.memref_slice %arg4[%dma_start3A_236, %dma_start3A_237] : memref<10112x16xf32, #tpu.memory_space<hbm>> -> memref<10112x16xf32, #tpu.memory_space<hbm>>
      tpu.enqueue_indirect_dma source(%dma_start3A_238 : memref<10112x16xf32, #tpu.memory_space<hbm>>) target(%dma_start3A_232 : memref<128x16xf32, #tpu.memory_space<vmem>>) offsets(%dma_start3A_235 : memref<128xi32, #tpu.memory_space<vmem>>) semaphore(%arg33 : memref<!tpu.dma_semaphore, #tpu.memory_space<semaphore_mem>>)
      %dma_start3A_239 = arith.constant 0 : i32
      %dma_start3A_240 = arith.constant 0 : i32
      %dma_start3A_241 = tpu.memref_slice %arg27[%dma_start3A_239, %dma_start3A_240] : memref<128x16xf32, #tpu.memory_space<vmem>> -> memref<128x16xf32, #tpu.memory_space<vmem>>
      %dma_start3A_242 = arith.constant 0 : i32
      %dma_start3A_243 = tpu.memref_slice %arg13[%add3A_229, %dma_start3A_242] : memref<83x128xi32, #tpu.memory_space<vmem>> -> memref<1x128xi32, #tpu.memory_space<vmem>>
      %dma_start3A_244 = tpu.memref_squeeze %dma_start3A_243 : memref<1x128xi32, #tpu.memory_space<vmem>> -> memref<128xi32, #tpu.memory_space<vmem>>
      %dma_start3A_245 = arith.constant 0 : i32
      %dma_start3A_246 = arith.constant 0 : i32
      %dma_start3A_247 = tpu.memref_slice %arg5[%dma_start3A_245, %dma_start3A_246] : memref<10112x16xf32, #tpu.memory_space<hbm>> -> memref<10112x16xf32, #tpu.memory_space<hbm>>
      tpu.enqueue_indirect_dma source(%dma_start3A_247 : memref<10112x16xf32, #tpu.memory_space<hbm>>) target(%dma_start3A_241 : memref<128x16xf32, #tpu.memory_space<vmem>>) offsets(%dma_start3A_244 : memref<128xi32, #tpu.memory_space<vmem>>) semaphore(%arg33 : memref<!tpu.dma_semaphore, #tpu.memory_space<semaphore_mem>>)
      %dma_start3A_248 = arith.constant 0 : i32
      %dma_start3A_249 = arith.constant 0 : i32
      %dma_start3A_250 = tpu.memref_slice %arg28[%dma_start3A_248, %dma_start3A_249] : memref<128x64xf32, #tpu.memory_space<vmem>> -> memref<128x64xf32, #tpu.memory_space<vmem>>
      %dma_start3A_251 = arith.constant 0 : i32
      %dma_start3A_252 = tpu.memref_slice %arg12[%add3A_229, %dma_start3A_251] : memref<83x128xi32, #tpu.memory_space<vmem>> -> memref<1x128xi32, #tpu.memory_space<vmem>>
      %dma_start3A_253 = tpu.memref_squeeze %dma_start3A_252 : memref<1x128xi32, #tpu.memory_space<vmem>> -> memref<128xi32, #tpu.memory_space<vmem>>
      %dma_start3A_254 = arith.constant 0 : i32
      %dma_start3A_255 = arith.constant 0 : i32
      %dma_start3A_256 = tpu.memref_slice %arg6[%dma_start3A_254, %dma_start3A_255] : memref<10112x64xf32, #tpu.memory_space<hbm>> -> memref<10112x64xf32, #tpu.memory_space<hbm>>
      tpu.enqueue_indirect_dma source(%dma_start3A_256 : memref<10112x64xf32, #tpu.memory_space<hbm>>) target(%dma_start3A_250 : memref<128x64xf32, #tpu.memory_space<vmem>>) offsets(%dma_start3A_253 : memref<128xi32, #tpu.memory_space<vmem>>) semaphore(%arg33 : memref<!tpu.dma_semaphore, #tpu.memory_space<semaphore_mem>>)
      %scan3A_257 = arith.constant 0 : i32
      %scan3A_258 = arith.constant 0 : i32
      %scan3A_259 = arith.constant 128 : i32
      %scan3A_260 = arith.addi %scan3A_258, %scan3A_259 : i32
      %scan3A_261 = arith.constant 1 : i32
      %scan3A_262 = scf.for %scan3A_559 = %scan3A_258 to %scan3A_260 step %scan3A_261 iter_args(%scan3A_560 = %scan3A_257) -> (i32)  : i32 {
        %get3A_561 = arith.index_cast %scan3A_559 : i32 to index
        %get3A_562 = arith.constant 0 : index
        %get3A_563 = tpu.vector_load %arg14[%get3A_561, %get3A_562] {strides = array<i32>} : memref<128x16xf32, #tpu.memory_space<vmem>>, vector<1x16xf32>,
        %get3A_564 = vector.shape_cast %get3A_563 : vector<1x16xf32> to vector<16xf32>
        %get3A_565 = arith.index_cast %scan3A_559 : i32 to index
        %get3A_566 = arith.constant 0 : index
        %get3A_567 = tpu.vector_load %arg15[%get3A_565, %get3A_566] {strides = array<i32>} : memref<128x16xf32, #tpu.memory_space<vmem>>, vector<1x16xf32>,
        %get3A_568 = vector.shape_cast %get3A_567 : vector<1x16xf32> to vector<16xf32>
        %add3A_569 = arith.addf %get3A_564, %get3A_568 : vector<16xf32>
        %gt3A_570 = arith.constant 0.000000e+00 : f32
        %gt3A_571 = vector.broadcast %gt3A_570 : f32 to vector<16xf32>
        %gt3A_572 = arith.cmpf ogt, %add3A_569, %gt3A_571 : vector<16xf32>
        %mul3A_573 = arith.constant 2.000000e-01 : f32
        %mul3A_574 = vector.broadcast %mul3A_573 : f32 to vector<16xf32>
        %mul3A_575 = arith.mulf %mul3A_574, %add3A_569 : vector<16xf32>
        %select_n3A = arith.select %gt3A_572, %add3A_569, %mul3A_575 : vector<16xi1>, vector<16xf32>
        %sub3A_576 = arith.subf %select_n3A, %get3A_6 : vector<16xf32>
        %exp3A = math.exp %sub3A_576 : vector<16xf32>
        %swap3A = arith.index_cast %scan3A_559 : i32 to index
        %swap3A_577 = arith.constant 0 : index
        %swap3A_578 = tpu.vector_load %arg17[%swap3A, %swap3A_577] {strides = array<i32>} : memref<128x16xf32, #tpu.memory_space<vmem>>, vector<1x16xf32>,
        %swap3A_579 = vector.shape_cast %swap3A_578 : vector<1x16xf32> to vector<16xf32>
        %swap3A_580 = vector.shape_cast %exp3A : vector<16xf32> to vector<1x16xf32>
        tpu.vector_store %arg17[%swap3A, %swap3A_577], %swap3A_580 {strides = array<i32>} : memref<128x16xf32, #tpu.memory_space<vmem>>, vector<1x16xf32>,
        %lt3A = arith.constant 0 : i32
        %lt3A_581 = vector.broadcast %lt3A : i32 to vector<16xi32>
        %lt3A_582 = arith.cmpi slt, %add3A_11, %lt3A_581 : vector<16xi32>
        %add3A_583 = arith.constant 16 : i32
        %add3A_584 = vector.broadcast %add3A_583 : i32 to vector<16xi32>
        %add3A_585 = arith.addi %add3A_11, %add3A_584 : vector<16xi32>
        %select_n3A_586 = arith.select %lt3A_582, %add3A_585, %add3A_11 : vector<16xi1>, vector<16xi32>
        %broadcast_in_dim3A = vector.shape_cast %select_n3A_586 : vector<16xi32> to vector<16x1xi32>
        %gather3A = vector.shape_cast %broadcast_in_dim3A : vector<16x1xi32> to vector<16xi32>
        %gather3A_587 = tpu.dynamic_gather %exp3A[%gather3A] in [0] : vector<16xf32>, vector<16xi32> -> vector<16xf32>
        %get3A_588 = arith.index_cast %scan3A_559 : i32 to index
        %get3A_589 = arith.constant 0 : index
        %get3A_590 = tpu.vector_load %arg16[%get3A_588, %get3A_589] {strides = array<i32>} : memref<128x64xf32, #tpu.memory_space<vmem>>, vector<1x16xf32>,
        %get3A_591 = vector.shape_cast %get3A_590 : vector<1x16xf32> to vector<16xf32>
        %mul3A_592 = arith.mulf %get3A_591, %gather3A_587 : vector<16xf32>
        %swap3A_593 = arith.index_cast %scan3A_559 : i32 to index
        %swap3A_594 = arith.constant 0 : index
        %swap3A_595 = tpu.vector_load %arg16[%swap3A_593, %swap3A_594] {strides = array<i32>} : memref<128x64xf32, #tpu.memory_space<vmem>>, vector<1x16xf32>,
        %swap3A_596 = vector.shape_cast %swap3A_595 : vector<1x16xf32> to vector<16xf32>
        %swap3A_597 = vector.shape_cast %mul3A_592 : vector<16xf32> to vector<1x16xf32>
        tpu.vector_store %arg16[%swap3A_593, %swap3A_594], %swap3A_597 {strides = array<i32>} : memref<128x64xf32, #tpu.memory_space<vmem>>, vector<1x16xf32>,
        %lt3A_598 = arith.constant 0 : i32
        %lt3A_599 = vector.broadcast %lt3A_598 : i32 to vector<16xi32>
        %lt3A_600 = arith.cmpi slt, %add3A_17, %lt3A_599 : vector<16xi32>
        %add3A_601 = arith.constant 16 : i32
        %add3A_602 = vector.broadcast %add3A_601 : i32 to vector<16xi32>
        %add3A_603 = arith.addi %add3A_17, %add3A_602 : vector<16xi32>
        %select_n3A_604 = arith.select %lt3A_600, %add3A_603, %add3A_17 : vector<16xi1>, vector<16xi32>
        %broadcast_in_dim3A_605 = vector.shape_cast %select_n3A_604 : vector<16xi32> to vector<16x1xi32>
        %gather3A_606 = vector.shape_cast %broadcast_in_dim3A_605 : vector<16x1xi32> to vector<16xi32>
        %gather3A_607 = tpu.dynamic_gather %exp3A[%gather3A_606] in [0] : vector<16xf32>, vector<16xi32> -> vector<16xf32>
        %get3A_608 = arith.index_cast %scan3A_559 : i32 to index
        %get3A_609 = arith.constant 16 : index
        %get3A_610 = tpu.vector_load %arg16[%get3A_608, %get3A_609] {strides = array<i32>} : memref<128x64xf32, #tpu.memory_space<vmem>>, vector<1x16xf32>,
        %get3A_611 = vector.shape_cast %get3A_610 : vector<1x16xf32> to vector<16xf32>
        %mul3A_612 = arith.mulf %get3A_611, %gather3A_607 : vector<16xf32>
        %swap3A_613 = arith.index_cast %scan3A_559 : i32 to index
        %swap3A_614 = arith.constant 16 : index
        %swap3A_615 = tpu.vector_load %arg16[%swap3A_613, %swap3A_614] {strides = array<i32>} : memref<128x64xf32, #tpu.memory_space<vmem>>, vector<1x16xf32>,
        %swap3A_616 = vector.shape_cast %swap3A_615 : vector<1x16xf32> to vector<16xf32>
        %swap3A_617 = vector.shape_cast %mul3A_612 : vector<16xf32> to vector<1x16xf32>
        tpu.vector_store %arg16[%swap3A_613, %swap3A_614], %swap3A_617 {strides = array<i32>} : memref<128x64xf32, #tpu.memory_space<vmem>>, vector<1x16xf32>,
        %lt3A_618 = arith.constant 0 : i32
        %lt3A_619 = vector.broadcast %lt3A_618 : i32 to vector<16xi32>
        %lt3A_620 = arith.cmpi slt, %add3A_23, %lt3A_619 : vector<16xi32>
        %add3A_621 = arith.constant 16 : i32
        %add3A_622 = vector.broadcast %add3A_621 : i32 to vector<16xi32>
        %add3A_623 = arith.addi %add3A_23, %add3A_622 : vector<16xi32>
        %select_n3A_624 = arith.select %lt3A_620, %add3A_623, %add3A_23 : vector<16xi1>, vector<16xi32>
        %broadcast_in_dim3A_625 = vector.shape_cast %select_n3A_624 : vector<16xi32> to vector<16x1xi32>
        %gather3A_626 = vector.shape_cast %broadcast_in_dim3A_625 : vector<16x1xi32> to vector<16xi32>
        %gather3A_627 = tpu.dynamic_gather %exp3A[%gather3A_626] in [0] : vector<16xf32>, vector<16xi32> -> vector<16xf32>
        %get3A_628 = arith.index_cast %scan3A_559 : i32 to index
        %get3A_629 = arith.constant 32 : index
        %get3A_630 = tpu.vector_load %arg16[%get3A_628, %get3A_629] {strides = array<i32>} : memref<128x64xf32, #tpu.memory_space<vmem>>, vector<1x16xf32>,
        %get3A_631 = vector.shape_cast %get3A_630 : vector<1x16xf32> to vector<16xf32>
        %mul3A_632 = arith.mulf %get3A_631, %gather3A_627 : vector<16xf32>
        %swap3A_633 = arith.index_cast %scan3A_559 : i32 to index
        %swap3A_634 = arith.constant 32 : index
        %swap3A_635 = tpu.vector_load %arg16[%swap3A_633, %swap3A_634] {strides = array<i32>} : memref<128x64xf32, #tpu.memory_space<vmem>>, vector<1x16xf32>,
        %swap3A_636 = vector.shape_cast %swap3A_635 : vector<1x16xf32> to vector<16xf32>
        %swap3A_637 = vector.shape_cast %mul3A_632 : vector<16xf32> to vector<1x16xf32>
        tpu.vector_store %arg16[%swap3A_633, %swap3A_634], %swap3A_637 {strides = array<i32>} : memref<128x64xf32, #tpu.memory_space<vmem>>, vector<1x16xf32>,
        %lt3A_638 = arith.constant 0 : i32
        %lt3A_639 = vector.broadcast %lt3A_638 : i32 to vector<16xi32>
        %lt3A_640 = arith.cmpi slt, %add3A_29, %lt3A_639 : vector<16xi32>
        %add3A_641 = arith.constant 16 : i32
        %add3A_642 = vector.broadcast %add3A_641 : i32 to vector<16xi32>
        %add3A_643 = arith.addi %add3A_29, %add3A_642 : vector<16xi32>
        %select_n3A_644 = arith.select %lt3A_640, %add3A_643, %add3A_29 : vector<16xi1>, vector<16xi32>
        %broadcast_in_dim3A_645 = vector.shape_cast %select_n3A_644 : vector<16xi32> to vector<16x1xi32>
        %gather3A_646 = vector.shape_cast %broadcast_in_dim3A_645 : vector<16x1xi32> to vector<16xi32>
        %gather3A_647 = tpu.dynamic_gather %exp3A[%gather3A_646] in [0] : vector<16xf32>, vector<16xi32> -> vector<16xf32>
        %get3A_648 = arith.index_cast %scan3A_559 : i32 to index
        %get3A_649 = arith.constant 48 : index
        %get3A_650 = tpu.vector_load %arg16[%get3A_648, %get3A_649] {strides = array<i32>} : memref<128x64xf32, #tpu.memory_space<vmem>>, vector<1x16xf32>,
        %get3A_651 = vector.shape_cast %get3A_650 : vector<1x16xf32> to vector<16xf32>
        %mul3A_652 = arith.mulf %get3A_651, %gather3A_647 : vector<16xf32>
        %swap3A_653 = arith.index_cast %scan3A_559 : i32 to index
        %swap3A_654 = arith.constant 48 : index
        %swap3A_655 = tpu.vector_load %arg16[%swap3A_653, %swap3A_654] {strides = array<i32>} : memref<128x64xf32, #tpu.memory_space<vmem>>, vector<1x16xf32>,
        %swap3A_656 = vector.shape_cast %swap3A_655 : vector<1x16xf32> to vector<16xf32>
        %swap3A_657 = vector.shape_cast %mul3A_652 : vector<16xf32> to vector<1x16xf32>
        tpu.vector_store %arg16[%swap3A_653, %swap3A_654], %swap3A_657 {strides = array<i32>} : memref<128x64xf32, #tpu.memory_space<vmem>>, vector<1x16xf32>,
        %scan3A_658 = arith.constant 0 : i32
        scf.yield %scan3A_658 : i32
      }
      %scan3A_263 = arith.constant 128 : i32
      %mul3A_264 = arith.constant 1 : i32
      %mul3A_265 = arith.muli %add3A_202, %mul3A_264 : i32
      %add3A_266 = arith.constant 0 : i32
      %add3A_267 = arith.addi %mul3A_265, %add3A_266 : i32
      %dma_start3A_268 = arith.constant 0 : i32
      %dma_start3A_269 = arith.constant 0 : i32
      %dma_start3A_270 = tpu.memref_slice %arg17[%dma_start3A_268, %dma_start3A_269] : memref<128x16xf32, #tpu.memory_space<vmem>> -> memref<128x16xf32, #tpu.memory_space<vmem>>
      %dma_start3A_271 = arith.constant 0 : i32
      %dma_start3A_272 = tpu.memref_slice %arg13[%add3A_267, %dma_start3A_271] : memref<83x128xi32, #tpu.memory_space<vmem>> -> memref<1x128xi32, #tpu.memory_space<vmem>>
      %dma_start3A_273 = tpu.memref_squeeze %dma_start3A_272 : memref<1x128xi32, #tpu.memory_space<vmem>> -> memref<128xi32, #tpu.memory_space<vmem>>
      %dma_start3A_274 = arith.constant 0 : i32
      %dma_start3A_275 = arith.constant 0 : i32
      %dma_start3A_276 = tpu.memref_slice %arg32[%dma_start3A_274, %dma_start3A_275] : memref<10112x16xf32, #tpu.memory_space<vmem_shared>> -> memref<10112x16xf32, #tpu.memory_space<vmem_shared>>
      tpu.enqueue_indirect_dma source(%dma_start3A_270 : memref<128x16xf32, #tpu.memory_space<vmem>>) target(%dma_start3A_276 : memref<10112x16xf32, #tpu.memory_space<vmem_shared>>) offsets(%dma_start3A_273 : memref<128xi32, #tpu.memory_space<vmem>>) semaphore(%arg34 : memref<!tpu.dma_semaphore, #tpu.memory_space<semaphore_mem>>) {add = true}
      %dma_start3A_277 = arith.constant 0 : i32
      %dma_start3A_278 = arith.constant 0 : i32
      %dma_start3A_279 = tpu.memref_slice %arg16[%dma_start3A_277, %dma_start3A_278] : memref<128x64xf32, #tpu.memory_space<vmem>> -> memref<128x64xf32, #tpu.memory_space<vmem>>
      %dma_start3A_280 = arith.constant 0 : i32
      %dma_start3A_281 = tpu.memref_slice %arg13[%add3A_267, %dma_start3A_280] : memref<83x128xi32, #tpu.memory_space<vmem>> -> memref<1x128xi32, #tpu.memory_space<vmem>>
      %dma_start3A_282 = tpu.memref_squeeze %dma_start3A_281 : memref<1x128xi32, #tpu.memory_space<vmem>> -> memref<128xi32, #tpu.memory_space<vmem>>
      %dma_start3A_283 = arith.constant 0 : i32
      %dma_start3A_284 = arith.constant 0 : i32
      %dma_start3A_285 = tpu.memref_slice %arg31[%dma_start3A_283, %dma_start3A_284] : memref<10112x64xf32, #tpu.memory_space<vmem_shared>> -> memref<10112x64xf32, #tpu.memory_space<vmem_shared>>
      tpu.enqueue_indirect_dma source(%dma_start3A_279 : memref<128x64xf32, #tpu.memory_space<vmem>>) target(%dma_start3A_285 : memref<10112x64xf32, #tpu.memory_space<vmem_shared>>) offsets(%dma_start3A_282 : memref<128xi32, #tpu.memory_space<vmem>>) semaphore(%arg34 : memref<!tpu.dma_semaphore, #tpu.memory_space<semaphore_mem>>) {add = true}
      %mul3A_286 = arith.constant 4 : i32
      %mul3A_287 = arith.muli %mul3A_286, %scan3A_198 : i32
      %add3A_288 = arith.constant 1 : i32
      %add3A_289 = arith.addi %mul3A_287, %add3A_288 : i32
      %dma_wait3A_290 = arith.constant 0 : i32
      %dma_wait3A_291 = arith.constant 0 : i32
      %dma_wait3A_292 = tpu.memref_slice %arg4[%dma_wait3A_290, %dma_wait3A_291] : memref<10112x16xf32, #tpu.memory_space<hbm>> -> memref<128x16xf32, #tpu.memory_space<hbm>>
      %dma_wait3A_293 = arith.constant 0 : i32
      %dma_wait3A_294 = arith.constant 0 : i32
      %dma_wait3A_295 = tpu.memref_slice %arg4[%dma_wait3A_293, %dma_wait3A_294] : memref<10112x16xf32, #tpu.memory_space<hbm>> -> memref<128x16xf32, #tpu.memory_space<hbm>>
      tpu.wait_dma2 semaphore(%arg33 : memref<!tpu.dma_semaphore, #tpu.memory_space<semaphore_mem>>) src(%dma_wait3A_295 : memref<128x16xf32, #tpu.memory_space<hbm>>) dst(%arg18 : memref<128x16xf32, #tpu.memory_space<vmem>>)
      %dma_wait3A_296 = arith.constant 0 : i32
      %dma_wait3A_297 = arith.constant 0 : i32
      %dma_wait3A_298 = tpu.memref_slice %arg4[%dma_wait3A_296, %dma_wait3A_297] : memref<10112x16xf32, #tpu.memory_space<hbm>> -> memref<128x16xf32, #tpu.memory_space<hbm>>
      %dma_wait3A_299 = arith.constant 0 : i32
      %dma_wait3A_300 = arith.constant 0 : i32
      %dma_wait3A_301 = tpu.memref_slice %arg4[%dma_wait3A_299, %dma_wait3A_300] : memref<10112x16xf32, #tpu.memory_space<hbm>> -> memref<128x16xf32, #tpu.memory_space<hbm>>
      tpu.wait_dma2 semaphore(%arg33 : memref<!tpu.dma_semaphore, #tpu.memory_space<semaphore_mem>>) src(%dma_wait3A_301 : memref<128x16xf32, #tpu.memory_space<hbm>>) dst(%arg19 : memref<128x16xf32, #tpu.memory_space<vmem>>)
      %dma_wait3A_302 = arith.constant 0 : i32
      %dma_wait3A_303 = arith.constant 0 : i32
      %dma_wait3A_304 = tpu.memref_slice %arg6[%dma_wait3A_302, %dma_wait3A_303] : memref<10112x64xf32, #tpu.memory_space<hbm>> -> memref<128x64xf32, #tpu.memory_space<hbm>>
      %dma_wait3A_305 = arith.constant 0 : i32
      %dma_wait3A_306 = arith.constant 0 : i32
      %dma_wait3A_307 = tpu.memref_slice %arg6[%dma_wait3A_305, %dma_wait3A_306] : memref<10112x64xf32, #tpu.memory_space<hbm>> -> memref<128x64xf32, #tpu.memory_space<hbm>>
      tpu.wait_dma2 semaphore(%arg33 : memref<!tpu.dma_semaphore, #tpu.memory_space<semaphore_mem>>) src(%dma_wait3A_307 : memref<128x64xf32, #tpu.memory_space<hbm>>) dst(%arg20 : memref<128x64xf32, #tpu.memory_space<vmem>>)
      %gt3A_308 = arith.constant 0 : i32
      %gt3A_309 = arith.cmpi sgt, %add3A_289, %gt3A_308 : i32
      %convert_element_type3A_310 = arith.extui %gt3A_309 : i1 to i32
      %cond3A_311 = arith.constant 0 : i32
      %cond3A_312 = arith.cmpi ne, %convert_element_type3A_310, %cond3A_311 : i32
      scf.if %cond3A_312 {
        %sub3A_559 = arith.constant 1 : i32
        %sub3A_560 = arith.subi %add3A_289, %sub3A_559 : i32
        %mul3A_561 = arith.constant 1 : i32
        %mul3A_562 = arith.muli %sub3A_560, %mul3A_561 : i32
        %add3A_563 = arith.constant 0 : i32
        %add3A_564 = arith.addi %mul3A_562, %add3A_563 : i32
        %dma_wait3A_565 = arith.constant 0 : i32
        %dma_wait3A_566 = arith.constant 0 : i32
        %dma_wait3A_567 = tpu.memref_slice %arg17[%dma_wait3A_565, %dma_wait3A_566] : memref<128x16xf32, #tpu.memory_space<vmem>> -> memref<128x16xf32, #tpu.memory_space<vmem>>
        %dma_wait3A_568 = arith.constant 0 : i32
        %dma_wait3A_569 = tpu.memref_slice %arg13[%add3A_564, %dma_wait3A_568] : memref<83x128xi32, #tpu.memory_space<vmem>> -> memref<1x128xi32, #tpu.memory_space<vmem>>
        %dma_wait3A_570 = tpu.memref_squeeze %dma_wait3A_569 : memref<1x128xi32, #tpu.memory_space<vmem>> -> memref<128xi32, #tpu.memory_space<vmem>>
        %dma_wait3A_571 = arith.constant 0 : i32
        %dma_wait3A_572 = arith.constant 0 : i32
        %dma_wait3A_573 = tpu.memref_slice %arg32[%dma_wait3A_571, %dma_wait3A_572] : memref<10112x16xf32, #tpu.memory_space<vmem_shared>> -> memref<10112x16xf32, #tpu.memory_space<vmem_shared>>
        tpu.wait_indirect_dma semaphore(%arg34 : memref<!tpu.dma_semaphore, #tpu.memory_space<semaphore_mem>>) src(%dma_wait3A_567 : memref<128x16xf32, #tpu.memory_space<vmem>>) dst(%dma_wait3A_573 : memref<10112x16xf32, #tpu.memory_space<vmem_shared>>)
        %dma_wait3A_574 = arith.constant 0 : i32
        %dma_wait3A_575 = arith.constant 0 : i32
        %dma_wait3A_576 = tpu.memref_slice %arg16[%dma_wait3A_574, %dma_wait3A_575] : memref<128x64xf32, #tpu.memory_space<vmem>> -> memref<128x64xf32, #tpu.memory_space<vmem>>
        %dma_wait3A_577 = arith.constant 0 : i32
        %dma_wait3A_578 = tpu.memref_slice %arg13[%add3A_564, %dma_wait3A_577] : memref<83x128xi32, #tpu.memory_space<vmem>> -> memref<1x128xi32, #tpu.memory_space<vmem>>
        %dma_wait3A_579 = tpu.memref_squeeze %dma_wait3A_578 : memref<1x128xi32, #tpu.memory_space<vmem>> -> memref<128xi32, #tpu.memory_space<vmem>>
        %dma_wait3A_580 = arith.constant 0 : i32
        %dma_wait3A_581 = arith.constant 0 : i32
        %dma_wait3A_582 = tpu.memref_slice %arg31[%dma_wait3A_580, %dma_wait3A_581] : memref<10112x64xf32, #tpu.memory_space<vmem_shared>> -> memref<10112x64xf32, #tpu.memory_space<vmem_shared>>
        tpu.wait_indirect_dma semaphore(%arg34 : memref<!tpu.dma_semaphore, #tpu.memory_space<semaphore_mem>>) src(%dma_wait3A_576 : memref<128x64xf32, #tpu.memory_space<vmem>>) dst(%dma_wait3A_582 : memref<10112x64xf32, #tpu.memory_space<vmem_shared>>)
      } else {
      }
      %add3A_313 = arith.constant 4 : i32
      %add3A_314 = arith.addi %add3A_289, %add3A_313 : i32
      %sub3A_315 = arith.constant 1 : i32
      %sub3A_316 = arith.subi %add3A_314, %sub3A_315 : i32
      %mul3A_317 = arith.constant 1 : i32
      %mul3A_318 = arith.muli %sub3A_316, %mul3A_317 : i32
      %add3A_319 = arith.constant 0 : i32
      %add3A_320 = arith.addi %mul3A_318, %add3A_319 : i32
      %dma_start3A_321 = arith.constant 0 : i32
      %dma_start3A_322 = arith.constant 0 : i32
      %dma_start3A_323 = tpu.memref_slice %arg14[%dma_start3A_321, %dma_start3A_322] : memref<128x16xf32, #tpu.memory_space<vmem>> -> memref<128x16xf32, #tpu.memory_space<vmem>>
      %dma_start3A_324 = arith.constant 0 : i32
      %dma_start3A_325 = tpu.memref_slice %arg12[%add3A_320, %dma_start3A_324] : memref<83x128xi32, #tpu.memory_space<vmem>> -> memref<1x128xi32, #tpu.memory_space<vmem>>
      %dma_start3A_326 = tpu.memref_squeeze %dma_start3A_325 : memref<1x128xi32, #tpu.memory_space<vmem>> -> memref<128xi32, #tpu.memory_space<vmem>>
      %dma_start3A_327 = arith.constant 0 : i32
      %dma_start3A_328 = arith.constant 0 : i32
      %dma_start3A_329 = tpu.memref_slice %arg4[%dma_start3A_327, %dma_start3A_328] : memref<10112x16xf32, #tpu.memory_space<hbm>> -> memref<10112x16xf32, #tpu.memory_space<hbm>>
      tpu.enqueue_indirect_dma source(%dma_start3A_329 : memref<10112x16xf32, #tpu.memory_space<hbm>>) target(%dma_start3A_323 : memref<128x16xf32, #tpu.memory_space<vmem>>) offsets(%dma_start3A_326 : memref<128xi32, #tpu.memory_space<vmem>>) semaphore(%arg33 : memref<!tpu.dma_semaphore, #tpu.memory_space<semaphore_mem>>)
      %dma_start3A_330 = arith.constant 0 : i32
      %dma_start3A_331 = arith.constant 0 : i32
      %dma_start3A_332 = tpu.memref_slice %arg15[%dma_start3A_330, %dma_start3A_331] : memref<128x16xf32, #tpu.memory_space<vmem>> -> memref<128x16xf32, #tpu.memory_space<vmem>>
      %dma_start3A_333 = arith.constant 0 : i32
      %dma_start3A_334 = tpu.memref_slice %arg13[%add3A_320, %dma_start3A_333] : memref<83x128xi32, #tpu.memory_space<vmem>> -> memref<1x128xi32, #tpu.memory_space<vmem>>
      %dma_start3A_335 = tpu.memref_squeeze %dma_start3A_334 : memref<1x128xi32, #tpu.memory_space<vmem>> -> memref<128xi32, #tpu.memory_space<vmem>>
      %dma_start3A_336 = arith.constant 0 : i32
      %dma_start3A_337 = arith.constant 0 : i32
      %dma_start3A_338 = tpu.memref_slice %arg5[%dma_start3A_336, %dma_start3A_337] : memref<10112x16xf32, #tpu.memory_space<hbm>> -> memref<10112x16xf32, #tpu.memory_space<hbm>>
      tpu.enqueue_indirect_dma source(%dma_start3A_338 : memref<10112x16xf32, #tpu.memory_space<hbm>>) target(%dma_start3A_332 : memref<128x16xf32, #tpu.memory_space<vmem>>) offsets(%dma_start3A_335 : memref<128xi32, #tpu.memory_space<vmem>>) semaphore(%arg33 : memref<!tpu.dma_semaphore, #tpu.memory_space<semaphore_mem>>)
      %dma_start3A_339 = arith.constant 0 : i32
      %dma_start3A_340 = arith.constant 0 : i32
      %dma_start3A_341 = tpu.memref_slice %arg16[%dma_start3A_339, %dma_start3A_340] : memref<128x64xf32, #tpu.memory_space<vmem>> -> memref<128x64xf32, #tpu.memory_space<vmem>>
      %dma_start3A_342 = arith.constant 0 : i32
      %dma_start3A_343 = tpu.memref_slice %arg12[%add3A_320, %dma_start3A_342] : memref<83x128xi32, #tpu.memory_space<vmem>> -> memref<1x128xi32, #tpu.memory_space<vmem>>
      %dma_start3A_344 = tpu.memref_squeeze %dma_start3A_343 : memref<1x128xi32, #tpu.memory_space<vmem>> -> memref<128xi32, #tpu.memory_space<vmem>>
      %dma_start3A_345 = arith.constant 0 : i32
      %dma_start3A_346 = arith.constant 0 : i32
      %dma_start3A_347 = tpu.memref_slice %arg6[%dma_start3A_345, %dma_start3A_346] : memref<10112x64xf32, #tpu.memory_space<hbm>> -> memref<10112x64xf32, #tpu.memory_space<hbm>>
      tpu.enqueue_indirect_dma source(%dma_start3A_347 : memref<10112x64xf32, #tpu.memory_space<hbm>>) target(%dma_start3A_341 : memref<128x64xf32, #tpu.memory_space<vmem>>) offsets(%dma_start3A_344 : memref<128xi32, #tpu.memory_space<vmem>>) semaphore(%arg33 : memref<!tpu.dma_semaphore, #tpu.memory_space<semaphore_mem>>)
      %scan3A_348 = arith.constant 0 : i32
      %scan3A_349 = arith.constant 0 : i32
      %scan3A_350 = arith.constant 128 : i32
      %scan3A_351 = arith.addi %scan3A_349, %scan3A_350 : i32
      %scan3A_352 = arith.constant 1 : i32
      %scan3A_353 = scf.for %scan3A_559 = %scan3A_349 to %scan3A_351 step %scan3A_352 iter_args(%scan3A_560 = %scan3A_348) -> (i32)  : i32 {
        %get3A_561 = arith.index_cast %scan3A_559 : i32 to index
        %get3A_562 = arith.constant 0 : index
        %get3A_563 = tpu.vector_load %arg18[%get3A_561, %get3A_562] {strides = array<i32>} : memref<128x16xf32, #tpu.memory_space<vmem>>, vector<1x16xf32>,
        %get3A_564 = vector.shape_cast %get3A_563 : vector<1x16xf32> to vector<16xf32>
        %get3A_565 = arith.index_cast %scan3A_559 : i32 to index
        %get3A_566 = arith.constant 0 : index
        %get3A_567 = tpu.vector_load %arg19[%get3A_565, %get3A_566] {strides = array<i32>} : memref<128x16xf32, #tpu.memory_space<vmem>>, vector<1x16xf32>,
        %get3A_568 = vector.shape_cast %get3A_567 : vector<1x16xf32> to vector<16xf32>
        %add3A_569 = arith.addf %get3A_564, %get3A_568 : vector<16xf32>
        %gt3A_570 = arith.constant 0.000000e+00 : f32
        %gt3A_571 = vector.broadcast %gt3A_570 : f32 to vector<16xf32>
        %gt3A_572 = arith.cmpf ogt, %add3A_569, %gt3A_571 : vector<16xf32>
        %mul3A_573 = arith.constant 2.000000e-01 : f32
        %mul3A_574 = vector.broadcast %mul3A_573 : f32 to vector<16xf32>
        %mul3A_575 = arith.mulf %mul3A_574, %add3A_569 : vector<16xf32>
        %select_n3A = arith.select %gt3A_572, %add3A_569, %mul3A_575 : vector<16xi1>, vector<16xf32>
        %sub3A_576 = arith.subf %select_n3A, %get3A_6 : vector<16xf32>
        %exp3A = math.exp %sub3A_576 : vector<16xf32>
        %swap3A = arith.index_cast %scan3A_559 : i32 to index
        %swap3A_577 = arith.constant 0 : index
        %swap3A_578 = tpu.vector_load %arg21[%swap3A, %swap3A_577] {strides = array<i32>} : memref<128x16xf32, #tpu.memory_space<vmem>>, vector<1x16xf32>,
        %swap3A_579 = vector.shape_cast %swap3A_578 : vector<1x16xf32> to vector<16xf32>
        %swap3A_580 = vector.shape_cast %exp3A : vector<16xf32> to vector<1x16xf32>
        tpu.vector_store %arg21[%swap3A, %swap3A_577], %swap3A_580 {strides = array<i32>} : memref<128x16xf32, #tpu.memory_space<vmem>>, vector<1x16xf32>,
        %lt3A = arith.constant 0 : i32
        %lt3A_581 = vector.broadcast %lt3A : i32 to vector<16xi32>
        %lt3A_582 = arith.cmpi slt, %add3A_11, %lt3A_581 : vector<16xi32>
        %add3A_583 = arith.constant 16 : i32
        %add3A_584 = vector.broadcast %add3A_583 : i32 to vector<16xi32>
        %add3A_585 = arith.addi %add3A_11, %add3A_584 : vector<16xi32>
        %select_n3A_586 = arith.select %lt3A_582, %add3A_585, %add3A_11 : vector<16xi1>, vector<16xi32>
        %broadcast_in_dim3A = vector.shape_cast %select_n3A_586 : vector<16xi32> to vector<16x1xi32>
        %gather3A = vector.shape_cast %broadcast_in_dim3A : vector<16x1xi32> to vector<16xi32>
        %gather3A_587 = tpu.dynamic_gather %exp3A[%gather3A] in [0] : vector<16xf32>, vector<16xi32> -> vector<16xf32>
        %get3A_588 = arith.index_cast %scan3A_559 : i32 to index
        %get3A_589 = arith.constant 0 : index
        %get3A_590 = tpu.vector_load %arg20[%get3A_588, %get3A_589] {strides = array<i32>} : memref<128x64xf32, #tpu.memory_space<vmem>>, vector<1x16xf32>,
        %get3A_591 = vector.shape_cast %get3A_590 : vector<1x16xf32> to vector<16xf32>
        %mul3A_592 = arith.mulf %get3A_591, %gather3A_587 : vector<16xf32>
        %swap3A_593 = arith.index_cast %scan3A_559 : i32 to index
        %swap3A_594 = arith.constant 0 : index
        %swap3A_595 = tpu.vector_load %arg20[%swap3A_593, %swap3A_594] {strides = array<i32>} : memref<128x64xf32, #tpu.memory_space<vmem>>, vector<1x16xf32>,
        %swap3A_596 = vector.shape_cast %swap3A_595 : vector<1x16xf32> to vector<16xf32>
        %swap3A_597 = vector.shape_cast %mul3A_592 : vector<16xf32> to vector<1x16xf32>
        tpu.vector_store %arg20[%swap3A_593, %swap3A_594], %swap3A_597 {strides = array<i32>} : memref<128x64xf32, #tpu.memory_space<vmem>>, vector<1x16xf32>,
        %lt3A_598 = arith.constant 0 : i32
        %lt3A_599 = vector.broadcast %lt3A_598 : i32 to vector<16xi32>
        %lt3A_600 = arith.cmpi slt, %add3A_17, %lt3A_599 : vector<16xi32>
        %add3A_601 = arith.constant 16 : i32
        %add3A_602 = vector.broadcast %add3A_601 : i32 to vector<16xi32>
        %add3A_603 = arith.addi %add3A_17, %add3A_602 : vector<16xi32>
        %select_n3A_604 = arith.select %lt3A_600, %add3A_603, %add3A_17 : vector<16xi1>, vector<16xi32>
        %broadcast_in_dim3A_605 = vector.shape_cast %select_n3A_604 : vector<16xi32> to vector<16x1xi32>
        %gather3A_606 = vector.shape_cast %broadcast_in_dim3A_605 : vector<16x1xi32> to vector<16xi32>
        %gather3A_607 = tpu.dynamic_gather %exp3A[%gather3A_606] in [0] : vector<16xf32>, vector<16xi32> -> vector<16xf32>
        %get3A_608 = arith.index_cast %scan3A_559 : i32 to index
        %get3A_609 = arith.constant 16 : index
        %get3A_610 = tpu.vector_load %arg20[%get3A_608, %get3A_609] {strides = array<i32>} : memref<128x64xf32, #tpu.memory_space<vmem>>, vector<1x16xf32>,
        %get3A_611 = vector.shape_cast %get3A_610 : vector<1x16xf32> to vector<16xf32>
        %mul3A_612 = arith.mulf %get3A_611, %gather3A_607 : vector<16xf32>
        %swap3A_613 = arith.index_cast %scan3A_559 : i32 to index
        %swap3A_614 = arith.constant 16 : index
        %swap3A_615 = tpu.vector_load %arg20[%swap3A_613, %swap3A_614] {strides = array<i32>} : memref<128x64xf32, #tpu.memory_space<vmem>>, vector<1x16xf32>,
        %swap3A_616 = vector.shape_cast %swap3A_615 : vector<1x16xf32> to vector<16xf32>
        %swap3A_617 = vector.shape_cast %mul3A_612 : vector<16xf32> to vector<1x16xf32>
        tpu.vector_store %arg20[%swap3A_613, %swap3A_614], %swap3A_617 {strides = array<i32>} : memref<128x64xf32, #tpu.memory_space<vmem>>, vector<1x16xf32>,
        %lt3A_618 = arith.constant 0 : i32
        %lt3A_619 = vector.broadcast %lt3A_618 : i32 to vector<16xi32>
        %lt3A_620 = arith.cmpi slt, %add3A_23, %lt3A_619 : vector<16xi32>
        %add3A_621 = arith.constant 16 : i32
        %add3A_622 = vector.broadcast %add3A_621 : i32 to vector<16xi32>
        %add3A_623 = arith.addi %add3A_23, %add3A_622 : vector<16xi32>
        %select_n3A_624 = arith.select %lt3A_620, %add3A_623, %add3A_23 : vector<16xi1>, vector<16xi32>
        %broadcast_in_dim3A_625 = vector.shape_cast %select_n3A_624 : vector<16xi32> to vector<16x1xi32>
        %gather3A_626 = vector.shape_cast %broadcast_in_dim3A_625 : vector<16x1xi32> to vector<16xi32>
        %gather3A_627 = tpu.dynamic_gather %exp3A[%gather3A_626] in [0] : vector<16xf32>, vector<16xi32> -> vector<16xf32>
        %get3A_628 = arith.index_cast %scan3A_559 : i32 to index
        %get3A_629 = arith.constant 32 : index
        %get3A_630 = tpu.vector_load %arg20[%get3A_628, %get3A_629] {strides = array<i32>} : memref<128x64xf32, #tpu.memory_space<vmem>>, vector<1x16xf32>,
        %get3A_631 = vector.shape_cast %get3A_630 : vector<1x16xf32> to vector<16xf32>
        %mul3A_632 = arith.mulf %get3A_631, %gather3A_627 : vector<16xf32>
        %swap3A_633 = arith.index_cast %scan3A_559 : i32 to index
        %swap3A_634 = arith.constant 32 : index
        %swap3A_635 = tpu.vector_load %arg20[%swap3A_633, %swap3A_634] {strides = array<i32>} : memref<128x64xf32, #tpu.memory_space<vmem>>, vector<1x16xf32>,
        %swap3A_636 = vector.shape_cast %swap3A_635 : vector<1x16xf32> to vector<16xf32>
        %swap3A_637 = vector.shape_cast %mul3A_632 : vector<16xf32> to vector<1x16xf32>
        tpu.vector_store %arg20[%swap3A_633, %swap3A_634], %swap3A_637 {strides = array<i32>} : memref<128x64xf32, #tpu.memory_space<vmem>>, vector<1x16xf32>,
        %lt3A_638 = arith.constant 0 : i32
        %lt3A_639 = vector.broadcast %lt3A_638 : i32 to vector<16xi32>
        %lt3A_640 = arith.cmpi slt, %add3A_29, %lt3A_639 : vector<16xi32>
        %add3A_641 = arith.constant 16 : i32
        %add3A_642 = vector.broadcast %add3A_641 : i32 to vector<16xi32>
        %add3A_643 = arith.addi %add3A_29, %add3A_642 : vector<16xi32>
        %select_n3A_644 = arith.select %lt3A_640, %add3A_643, %add3A_29 : vector<16xi1>, vector<16xi32>
        %broadcast_in_dim3A_645 = vector.shape_cast %select_n3A_644 : vector<16xi32> to vector<16x1xi32>
        %gather3A_646 = vector.shape_cast %broadcast_in_dim3A_645 : vector<16x1xi32> to vector<16xi32>
        %gather3A_647 = tpu.dynamic_gather %exp3A[%gather3A_646] in [0] : vector<16xf32>, vector<16xi32> -> vector<16xf32>
        %get3A_648 = arith.index_cast %scan3A_559 : i32 to index
        %get3A_649 = arith.constant 48 : index
        %get3A_650 = tpu.vector_load %arg20[%get3A_648, %get3A_649] {strides = array<i32>} : memref<128x64xf32, #tpu.memory_space<vmem>>, vector<1x16xf32>,
        %get3A_651 = vector.shape_cast %get3A_650 : vector<1x16xf32> to vector<16xf32>
        %mul3A_652 = arith.mulf %get3A_651, %gather3A_647 : vector<16xf32>
        %swap3A_653 = arith.index_cast %scan3A_559 : i32 to index
        %swap3A_654 = arith.constant 48 : index
        %swap3A_655 = tpu.vector_load %arg20[%swap3A_653, %swap3A_654] {strides = array<i32>} : memref<128x64xf32, #tpu.memory_space<vmem>>, vector<1x16xf32>,
        %swap3A_656 = vector.shape_cast %swap3A_655 : vector<1x16xf32> to vector<16xf32>
        %swap3A_657 = vector.shape_cast %mul3A_652 : vector<16xf32> to vector<1x16xf32>
        tpu.vector_store %arg20[%swap3A_653, %swap3A_654], %swap3A_657 {strides = array<i32>} : memref<128x64xf32, #tpu.memory_space<vmem>>, vector<1x16xf32>,
        %scan3A_658 = arith.constant 0 : i32
        scf.yield %scan3A_658 : i32
      }
      %scan3A_354 = arith.constant 128 : i32
      %mul3A_355 = arith.constant 1 : i32
      %mul3A_356 = arith.muli %add3A_289, %mul3A_355 : i32
      %add3A_357 = arith.constant 0 : i32
      %add3A_358 = arith.addi %mul3A_356, %add3A_357 : i32
      %dma_start3A_359 = arith.constant 0 : i32
      %dma_start3A_360 = arith.constant 0 : i32
      %dma_start3A_361 = tpu.memref_slice %arg21[%dma_start3A_359, %dma_start3A_360] : memref<128x16xf32, #tpu.memory_space<vmem>> -> memref<128x16xf32, #tpu.memory_space<vmem>>
      %dma_start3A_362 = arith.constant 0 : i32
      %dma_start3A_363 = tpu.memref_slice %arg13[%add3A_358, %dma_start3A_362] : memref<83x128xi32, #tpu.memory_space<vmem>> -> memref<1x128xi32, #tpu.memory_space<vmem>>
      %dma_start3A_364 = tpu.memref_squeeze %dma_start3A_363 : memref<1x128xi32, #tpu.memory_space<vmem>> -> memref<128xi32, #tpu.memory_space<vmem>>
      %dma_start3A_365 = arith.constant 0 : i32
      %dma_start3A_366 = arith.constant 0 : i32
      %dma_start3A_367 = tpu.memref_slice %arg32[%dma_start3A_365, %dma_start3A_366] : memref<10112x16xf32, #tpu.memory_space<vmem_shared>> -> memref<10112x16xf32, #tpu.memory_space<vmem_shared>>
      tpu.enqueue_indirect_dma source(%dma_start3A_361 : memref<128x16xf32, #tpu.memory_space<vmem>>) target(%dma_start3A_367 : memref<10112x16xf32, #tpu.memory_space<vmem_shared>>) offsets(%dma_start3A_364 : memref<128xi32, #tpu.memory_space<vmem>>) semaphore(%arg34 : memref<!tpu.dma_semaphore, #tpu.memory_space<semaphore_mem>>) {add = true}
      %dma_start3A_368 = arith.constant 0 : i32
      %dma_start3A_369 = arith.constant 0 : i32
      %dma_start3A_370 = tpu.memref_slice %arg20[%dma_start3A_368, %dma_start3A_369] : memref<128x64xf32, #tpu.memory_space<vmem>> -> memref<128x64xf32, #tpu.memory_space<vmem>>
      %dma_start3A_371 = arith.constant 0 : i32
      %dma_start3A_372 = tpu.memref_slice %arg13[%add3A_358, %dma_start3A_371] : memref<83x128xi32, #tpu.memory_space<vmem>> -> memref<1x128xi32, #tpu.memory_space<vmem>>
      %dma_start3A_373 = tpu.memref_squeeze %dma_start3A_372 : memref<1x128xi32, #tpu.memory_space<vmem>> -> memref<128xi32, #tpu.memory_space<vmem>>
      %dma_start3A_374 = arith.constant 0 : i32
      %dma_start3A_375 = arith.constant 0 : i32
      %dma_start3A_376 = tpu.memref_slice %arg31[%dma_start3A_374, %dma_start3A_375] : memref<10112x64xf32, #tpu.memory_space<vmem_shared>> -> memref<10112x64xf32, #tpu.memory_space<vmem_shared>>
      tpu.enqueue_indirect_dma source(%dma_start3A_370 : memref<128x64xf32, #tpu.memory_space<vmem>>) target(%dma_start3A_376 : memref<10112x64xf32, #tpu.memory_space<vmem_shared>>) offsets(%dma_start3A_373 : memref<128xi32, #tpu.memory_space<vmem>>) semaphore(%arg34 : memref<!tpu.dma_semaphore, #tpu.memory_space<semaphore_mem>>) {add = true}
      %mul3A_377 = arith.constant 4 : i32
      %mul3A_378 = arith.muli %mul3A_377, %scan3A_198 : i32
      %add3A_379 = arith.constant 2 : i32
      %add3A_380 = arith.addi %mul3A_378, %add3A_379 : i32
      %dma_wait3A_381 = arith.constant 0 : i32
      %dma_wait3A_382 = arith.constant 0 : i32
      %dma_wait3A_383 = tpu.memref_slice %arg4[%dma_wait3A_381, %dma_wait3A_382] : memref<10112x16xf32, #tpu.memory_space<hbm>> -> memref<128x16xf32, #tpu.memory_space<hbm>>
      %dma_wait3A_384 = arith.constant 0 : i32
      %dma_wait3A_385 = arith.constant 0 : i32
      %dma_wait3A_386 = tpu.memref_slice %arg4[%dma_wait3A_384, %dma_wait3A_385] : memref<10112x16xf32, #tpu.memory_space<hbm>> -> memref<128x16xf32, #tpu.memory_space<hbm>>
      tpu.wait_dma2 semaphore(%arg33 : memref<!tpu.dma_semaphore, #tpu.memory_space<semaphore_mem>>) src(%dma_wait3A_386 : memref<128x16xf32, #tpu.memory_space<hbm>>) dst(%arg22 : memref<128x16xf32, #tpu.memory_space<vmem>>)
      %dma_wait3A_387 = arith.constant 0 : i32
      %dma_wait3A_388 = arith.constant 0 : i32
      %dma_wait3A_389 = tpu.memref_slice %arg4[%dma_wait3A_387, %dma_wait3A_388] : memref<10112x16xf32, #tpu.memory_space<hbm>> -> memref<128x16xf32, #tpu.memory_space<hbm>>
      %dma_wait3A_390 = arith.constant 0 : i32
      %dma_wait3A_391 = arith.constant 0 : i32
      %dma_wait3A_392 = tpu.memref_slice %arg4[%dma_wait3A_390, %dma_wait3A_391] : memref<10112x16xf32, #tpu.memory_space<hbm>> -> memref<128x16xf32, #tpu.memory_space<hbm>>
      tpu.wait_dma2 semaphore(%arg33 : memref<!tpu.dma_semaphore, #tpu.memory_space<semaphore_mem>>) src(%dma_wait3A_392 : memref<128x16xf32, #tpu.memory_space<hbm>>) dst(%arg23 : memref<128x16xf32, #tpu.memory_space<vmem>>)
      %dma_wait3A_393 = arith.constant 0 : i32
      %dma_wait3A_394 = arith.constant 0 : i32
      %dma_wait3A_395 = tpu.memref_slice %arg6[%dma_wait3A_393, %dma_wait3A_394] : memref<10112x64xf32, #tpu.memory_space<hbm>> -> memref<128x64xf32, #tpu.memory_space<hbm>>
      %dma_wait3A_396 = arith.constant 0 : i32
      %dma_wait3A_397 = arith.constant 0 : i32
      %dma_wait3A_398 = tpu.memref_slice %arg6[%dma_wait3A_396, %dma_wait3A_397] : memref<10112x64xf32, #tpu.memory_space<hbm>> -> memref<128x64xf32, #tpu.memory_space<hbm>>
      tpu.wait_dma2 semaphore(%arg33 : memref<!tpu.dma_semaphore, #tpu.memory_space<semaphore_mem>>) src(%dma_wait3A_398 : memref<128x64xf32, #tpu.memory_space<hbm>>) dst(%arg24 : memref<128x64xf32, #tpu.memory_space<vmem>>)
      %gt3A_399 = arith.constant 0 : i32
      %gt3A_400 = arith.cmpi sgt, %add3A_380, %gt3A_399 : i32
      %convert_element_type3A_401 = arith.extui %gt3A_400 : i1 to i32
      %cond3A_402 = arith.constant 0 : i32
      %cond3A_403 = arith.cmpi ne, %convert_element_type3A_401, %cond3A_402 : i32
      scf.if %cond3A_403 {
        %sub3A_559 = arith.constant 1 : i32
        %sub3A_560 = arith.subi %add3A_380, %sub3A_559 : i32
        %mul3A_561 = arith.constant 1 : i32
        %mul3A_562 = arith.muli %sub3A_560, %mul3A_561 : i32
        %add3A_563 = arith.constant 0 : i32
        %add3A_564 = arith.addi %mul3A_562, %add3A_563 : i32
        %dma_wait3A_565 = arith.constant 0 : i32
        %dma_wait3A_566 = arith.constant 0 : i32
        %dma_wait3A_567 = tpu.memref_slice %arg21[%dma_wait3A_565, %dma_wait3A_566] : memref<128x16xf32, #tpu.memory_space<vmem>> -> memref<128x16xf32, #tpu.memory_space<vmem>>
        %dma_wait3A_568 = arith.constant 0 : i32
        %dma_wait3A_569 = tpu.memref_slice %arg13[%add3A_564, %dma_wait3A_568] : memref<83x128xi32, #tpu.memory_space<vmem>> -> memref<1x128xi32, #tpu.memory_space<vmem>>
        %dma_wait3A_570 = tpu.memref_squeeze %dma_wait3A_569 : memref<1x128xi32, #tpu.memory_space<vmem>> -> memref<128xi32, #tpu.memory_space<vmem>>
        %dma_wait3A_571 = arith.constant 0 : i32
        %dma_wait3A_572 = arith.constant 0 : i32
        %dma_wait3A_573 = tpu.memref_slice %arg32[%dma_wait3A_571, %dma_wait3A_572] : memref<10112x16xf32, #tpu.memory_space<vmem_shared>> -> memref<10112x16xf32, #tpu.memory_space<vmem_shared>>
        tpu.wait_indirect_dma semaphore(%arg34 : memref<!tpu.dma_semaphore, #tpu.memory_space<semaphore_mem>>) src(%dma_wait3A_567 : memref<128x16xf32, #tpu.memory_space<vmem>>) dst(%dma_wait3A_573 : memref<10112x16xf32, #tpu.memory_space<vmem_shared>>)
        %dma_wait3A_574 = arith.constant 0 : i32
        %dma_wait3A_575 = arith.constant 0 : i32
        %dma_wait3A_576 = tpu.memref_slice %arg20[%dma_wait3A_574, %dma_wait3A_575] : memref<128x64xf32, #tpu.memory_space<vmem>> -> memref<128x64xf32, #tpu.memory_space<vmem>>
        %dma_wait3A_577 = arith.constant 0 : i32
        %dma_wait3A_578 = tpu.memref_slice %arg13[%add3A_564, %dma_wait3A_577] : memref<83x128xi32, #tpu.memory_space<vmem>> -> memref<1x128xi32, #tpu.memory_space<vmem>>
        %dma_wait3A_579 = tpu.memref_squeeze %dma_wait3A_578 : memref<1x128xi32, #tpu.memory_space<vmem>> -> memref<128xi32, #tpu.memory_space<vmem>>
        %dma_wait3A_580 = arith.constant 0 : i32
        %dma_wait3A_581 = arith.constant 0 : i32
        %dma_wait3A_582 = tpu.memref_slice %arg31[%dma_wait3A_580, %dma_wait3A_581] : memref<10112x64xf32, #tpu.memory_space<vmem_shared>> -> memref<10112x64xf32, #tpu.memory_space<vmem_shared>>
        tpu.wait_indirect_dma semaphore(%arg34 : memref<!tpu.dma_semaphore, #tpu.memory_space<semaphore_mem>>) src(%dma_wait3A_576 : memref<128x64xf32, #tpu.memory_space<vmem>>) dst(%dma_wait3A_582 : memref<10112x64xf32, #tpu.memory_space<vmem_shared>>)
      } else {
      }
      %add3A_404 = arith.constant 4 : i32
      %add3A_405 = arith.addi %add3A_380, %add3A_404 : i32
      %sub3A_406 = arith.constant 1 : i32
      %sub3A_407 = arith.subi %add3A_405, %sub3A_406 : i32
      %mul3A_408 = arith.constant 1 : i32
      %mul3A_409 = arith.muli %sub3A_407, %mul3A_408 : i32
      %add3A_410 = arith.constant 0 : i32
      %add3A_411 = arith.addi %mul3A_409, %add3A_410 : i32
      %dma_start3A_412 = arith.constant 0 : i32
      %dma_start3A_413 = arith.constant 0 : i32
      %dma_start3A_414 = tpu.memref_slice %arg18[%dma_start3A_412, %dma_start3A_413] : memref<128x16xf32, #tpu.memory_space<vmem>> -> memref<128x16xf32, #tpu.memory_space<vmem>>
      %dma_start3A_415 = arith.constant 0 : i32
      %dma_start3A_416 = tpu.memref_slice %arg12[%add3A_411, %dma_start3A_415] : memref<83x128xi32, #tpu.memory_space<vmem>> -> memref<1x128xi32, #tpu.memory_space<vmem>>
      %dma_start3A_417 = tpu.memref_squeeze %dma_start3A_416 : memref<1x128xi32, #tpu.memory_space<vmem>> -> memref<128xi32, #tpu.memory_space<vmem>>
      %dma_start3A_418 = arith.constant 0 : i32
      %dma_start3A_419 = arith.constant 0 : i32
      %dma_start3A_420 = tpu.memref_slice %arg4[%dma_start3A_418, %dma_start3A_419] : memref<10112x16xf32, #tpu.memory_space<hbm>> -> memref<10112x16xf32, #tpu.memory_space<hbm>>
      tpu.enqueue_indirect_dma source(%dma_start3A_420 : memref<10112x16xf32, #tpu.memory_space<hbm>>) target(%dma_start3A_414 : memref<128x16xf32, #tpu.memory_space<vmem>>) offsets(%dma_start3A_417 : memref<128xi32, #tpu.memory_space<vmem>>) semaphore(%arg33 : memref<!tpu.dma_semaphore, #tpu.memory_space<semaphore_mem>>)
      %dma_start3A_421 = arith.constant 0 : i32
      %dma_start3A_422 = arith.constant 0 : i32
      %dma_start3A_423 = tpu.memref_slice %arg19[%dma_start3A_421, %dma_start3A_422] : memref<128x16xf32, #tpu.memory_space<vmem>> -> memref<128x16xf32, #tpu.memory_space<vmem>>
      %dma_start3A_424 = arith.constant 0 : i32
      %dma_start3A_425 = tpu.memref_slice %arg13[%add3A_411, %dma_start3A_424] : memref<83x128xi32, #tpu.memory_space<vmem>> -> memref<1x128xi32, #tpu.memory_space<vmem>>
      %dma_start3A_426 = tpu.memref_squeeze %dma_start3A_425 : memref<1x128xi32, #tpu.memory_space<vmem>> -> memref<128xi32, #tpu.memory_space<vmem>>
      %dma_start3A_427 = arith.constant 0 : i32
      %dma_start3A_428 = arith.constant 0 : i32
      %dma_start3A_429 = tpu.memref_slice %arg5[%dma_start3A_427, %dma_start3A_428] : memref<10112x16xf32, #tpu.memory_space<hbm>> -> memref<10112x16xf32, #tpu.memory_space<hbm>>
      tpu.enqueue_indirect_dma source(%dma_start3A_429 : memref<10112x16xf32, #tpu.memory_space<hbm>>) target(%dma_start3A_423 : memref<128x16xf32, #tpu.memory_space<vmem>>) offsets(%dma_start3A_426 : memref<128xi32, #tpu.memory_space<vmem>>) semaphore(%arg33 : memref<!tpu.dma_semaphore, #tpu.memory_space<semaphore_mem>>)
      %dma_start3A_430 = arith.constant 0 : i32
      %dma_start3A_431 = arith.constant 0 : i32
      %dma_start3A_432 = tpu.memref_slice %arg20[%dma_start3A_430, %dma_start3A_431] : memref<128x64xf32, #tpu.memory_space<vmem>> -> memref<128x64xf32, #tpu.memory_space<vmem>>
      %dma_start3A_433 = arith.constant 0 : i32
      %dma_start3A_434 = tpu.memref_slice %arg12[%add3A_411, %dma_start3A_433] : memref<83x128xi32, #tpu.memory_space<vmem>> -> memref<1x128xi32, #tpu.memory_space<vmem>>
      %dma_start3A_435 = tpu.memref_squeeze %dma_start3A_434 : memref<1x128xi32, #tpu.memory_space<vmem>> -> memref<128xi32, #tpu.memory_space<vmem>>
      %dma_start3A_436 = arith.constant 0 : i32
      %dma_start3A_437 = arith.constant 0 : i32
      %dma_start3A_438 = tpu.memref_slice %arg6[%dma_start3A_436, %dma_start3A_437] : memref<10112x64xf32, #tpu.memory_space<hbm>> -> memref<10112x64xf32, #tpu.memory_space<hbm>>
      tpu.enqueue_indirect_dma source(%dma_start3A_438 : memref<10112x64xf32, #tpu.memory_space<hbm>>) target(%dma_start3A_432 : memref<128x64xf32, #tpu.memory_space<vmem>>) offsets(%dma_start3A_435 : memref<128xi32, #tpu.memory_space<vmem>>) semaphore(%arg33 : memref<!tpu.dma_semaphore, #tpu.memory_space<semaphore_mem>>)
      %scan3A_439 = arith.constant 0 : i32
      %scan3A_440 = arith.constant 0 : i32
      %scan3A_441 = arith.constant 128 : i32
      %scan3A_442 = arith.addi %scan3A_440, %scan3A_441 : i32
      %scan3A_443 = arith.constant 1 : i32
      %scan3A_444 = scf.for %scan3A_559 = %scan3A_440 to %scan3A_442 step %scan3A_443 iter_args(%scan3A_560 = %scan3A_439) -> (i32)  : i32 {
        %get3A_561 = arith.index_cast %scan3A_559 : i32 to index
        %get3A_562 = arith.constant 0 : index
        %get3A_563 = tpu.vector_load %arg22[%get3A_561, %get3A_562] {strides = array<i32>} : memref<128x16xf32, #tpu.memory_space<vmem>>, vector<1x16xf32>,
        %get3A_564 = vector.shape_cast %get3A_563 : vector<1x16xf32> to vector<16xf32>
        %get3A_565 = arith.index_cast %scan3A_559 : i32 to index
        %get3A_566 = arith.constant 0 : index
        %get3A_567 = tpu.vector_load %arg23[%get3A_565, %get3A_566] {strides = array<i32>} : memref<128x16xf32, #tpu.memory_space<vmem>>, vector<1x16xf32>,
        %get3A_568 = vector.shape_cast %get3A_567 : vector<1x16xf32> to vector<16xf32>
        %add3A_569 = arith.addf %get3A_564, %get3A_568 : vector<16xf32>
        %gt3A_570 = arith.constant 0.000000e+00 : f32
        %gt3A_571 = vector.broadcast %gt3A_570 : f32 to vector<16xf32>
        %gt3A_572 = arith.cmpf ogt, %add3A_569, %gt3A_571 : vector<16xf32>
        %mul3A_573 = arith.constant 2.000000e-01 : f32
        %mul3A_574 = vector.broadcast %mul3A_573 : f32 to vector<16xf32>
        %mul3A_575 = arith.mulf %mul3A_574, %add3A_569 : vector<16xf32>
        %select_n3A = arith.select %gt3A_572, %add3A_569, %mul3A_575 : vector<16xi1>, vector<16xf32>
        %sub3A_576 = arith.subf %select_n3A, %get3A_6 : vector<16xf32>
        %exp3A = math.exp %sub3A_576 : vector<16xf32>
        %swap3A = arith.index_cast %scan3A_559 : i32 to index
        %swap3A_577 = arith.constant 0 : index
        %swap3A_578 = tpu.vector_load %arg25[%swap3A, %swap3A_577] {strides = array<i32>} : memref<128x16xf32, #tpu.memory_space<vmem>>, vector<1x16xf32>,
        %swap3A_579 = vector.shape_cast %swap3A_578 : vector<1x16xf32> to vector<16xf32>
        %swap3A_580 = vector.shape_cast %exp3A : vector<16xf32> to vector<1x16xf32>
        tpu.vector_store %arg25[%swap3A, %swap3A_577], %swap3A_580 {strides = array<i32>} : memref<128x16xf32, #tpu.memory_space<vmem>>, vector<1x16xf32>,
        %lt3A = arith.constant 0 : i32
        %lt3A_581 = vector.broadcast %lt3A : i32 to vector<16xi32>
        %lt3A_582 = arith.cmpi slt, %add3A_11, %lt3A_581 : vector<16xi32>
        %add3A_583 = arith.constant 16 : i32
        %add3A_584 = vector.broadcast %add3A_583 : i32 to vector<16xi32>
        %add3A_585 = arith.addi %add3A_11, %add3A_584 : vector<16xi32>
        %select_n3A_586 = arith.select %lt3A_582, %add3A_585, %add3A_11 : vector<16xi1>, vector<16xi32>
        %broadcast_in_dim3A = vector.shape_cast %select_n3A_586 : vector<16xi32> to vector<16x1xi32>
        %gather3A = vector.shape_cast %broadcast_in_dim3A : vector<16x1xi32> to vector<16xi32>
        %gather3A_587 = tpu.dynamic_gather %exp3A[%gather3A] in [0] : vector<16xf32>, vector<16xi32> -> vector<16xf32>
        %get3A_588 = arith.index_cast %scan3A_559 : i32 to index
        %get3A_589 = arith.constant 0 : index
        %get3A_590 = tpu.vector_load %arg24[%get3A_588, %get3A_589] {strides = array<i32>} : memref<128x64xf32, #tpu.memory_space<vmem>>, vector<1x16xf32>,
        %get3A_591 = vector.shape_cast %get3A_590 : vector<1x16xf32> to vector<16xf32>
        %mul3A_592 = arith.mulf %get3A_591, %gather3A_587 : vector<16xf32>
        %swap3A_593 = arith.index_cast %scan3A_559 : i32 to index
        %swap3A_594 = arith.constant 0 : index
        %swap3A_595 = tpu.vector_load %arg24[%swap3A_593, %swap3A_594] {strides = array<i32>} : memref<128x64xf32, #tpu.memory_space<vmem>>, vector<1x16xf32>,
        %swap3A_596 = vector.shape_cast %swap3A_595 : vector<1x16xf32> to vector<16xf32>
        %swap3A_597 = vector.shape_cast %mul3A_592 : vector<16xf32> to vector<1x16xf32>
        tpu.vector_store %arg24[%swap3A_593, %swap3A_594], %swap3A_597 {strides = array<i32>} : memref<128x64xf32, #tpu.memory_space<vmem>>, vector<1x16xf32>,
        %lt3A_598 = arith.constant 0 : i32
        %lt3A_599 = vector.broadcast %lt3A_598 : i32 to vector<16xi32>
        %lt3A_600 = arith.cmpi slt, %add3A_17, %lt3A_599 : vector<16xi32>
        %add3A_601 = arith.constant 16 : i32
        %add3A_602 = vector.broadcast %add3A_601 : i32 to vector<16xi32>
        %add3A_603 = arith.addi %add3A_17, %add3A_602 : vector<16xi32>
        %select_n3A_604 = arith.select %lt3A_600, %add3A_603, %add3A_17 : vector<16xi1>, vector<16xi32>
        %broadcast_in_dim3A_605 = vector.shape_cast %select_n3A_604 : vector<16xi32> to vector<16x1xi32>
        %gather3A_606 = vector.shape_cast %broadcast_in_dim3A_605 : vector<16x1xi32> to vector<16xi32>
        %gather3A_607 = tpu.dynamic_gather %exp3A[%gather3A_606] in [0] : vector<16xf32>, vector<16xi32> -> vector<16xf32>
        %get3A_608 = arith.index_cast %scan3A_559 : i32 to index
        %get3A_609 = arith.constant 16 : index
        %get3A_610 = tpu.vector_load %arg24[%get3A_608, %get3A_609] {strides = array<i32>} : memref<128x64xf32, #tpu.memory_space<vmem>>, vector<1x16xf32>,
        %get3A_611 = vector.shape_cast %get3A_610 : vector<1x16xf32> to vector<16xf32>
        %mul3A_612 = arith.mulf %get3A_611, %gather3A_607 : vector<16xf32>
        %swap3A_613 = arith.index_cast %scan3A_559 : i32 to index
        %swap3A_614 = arith.constant 16 : index
        %swap3A_615 = tpu.vector_load %arg24[%swap3A_613, %swap3A_614] {strides = array<i32>} : memref<128x64xf32, #tpu.memory_space<vmem>>, vector<1x16xf32>,
        %swap3A_616 = vector.shape_cast %swap3A_615 : vector<1x16xf32> to vector<16xf32>
        %swap3A_617 = vector.shape_cast %mul3A_612 : vector<16xf32> to vector<1x16xf32>
        tpu.vector_store %arg24[%swap3A_613, %swap3A_614], %swap3A_617 {strides = array<i32>} : memref<128x64xf32, #tpu.memory_space<vmem>>, vector<1x16xf32>,
        %lt3A_618 = arith.constant 0 : i32
        %lt3A_619 = vector.broadcast %lt3A_618 : i32 to vector<16xi32>
        %lt3A_620 = arith.cmpi slt, %add3A_23, %lt3A_619 : vector<16xi32>
        %add3A_621 = arith.constant 16 : i32
        %add3A_622 = vector.broadcast %add3A_621 : i32 to vector<16xi32>
        %add3A_623 = arith.addi %add3A_23, %add3A_622 : vector<16xi32>
        %select_n3A_624 = arith.select %lt3A_620, %add3A_623, %add3A_23 : vector<16xi1>, vector<16xi32>
        %broadcast_in_dim3A_625 = vector.shape_cast %select_n3A_624 : vector<16xi32> to vector<16x1xi32>
        %gather3A_626 = vector.shape_cast %broadcast_in_dim3A_625 : vector<16x1xi32> to vector<16xi32>
        %gather3A_627 = tpu.dynamic_gather %exp3A[%gather3A_626] in [0] : vector<16xf32>, vector<16xi32> -> vector<16xf32>
        %get3A_628 = arith.index_cast %scan3A_559 : i32 to index
        %get3A_629 = arith.constant 32 : index
        %get3A_630 = tpu.vector_load %arg24[%get3A_628, %get3A_629] {strides = array<i32>} : memref<128x64xf32, #tpu.memory_space<vmem>>, vector<1x16xf32>,
        %get3A_631 = vector.shape_cast %get3A_630 : vector<1x16xf32> to vector<16xf32>
        %mul3A_632 = arith.mulf %get3A_631, %gather3A_627 : vector<16xf32>
        %swap3A_633 = arith.index_cast %scan3A_559 : i32 to index
        %swap3A_634 = arith.constant 32 : index
        %swap3A_635 = tpu.vector_load %arg24[%swap3A_633, %swap3A_634] {strides = array<i32>} : memref<128x64xf32, #tpu.memory_space<vmem>>, vector<1x16xf32>,
        %swap3A_636 = vector.shape_cast %swap3A_635 : vector<1x16xf32> to vector<16xf32>
        %swap3A_637 = vector.shape_cast %mul3A_632 : vector<16xf32> to vector<1x16xf32>
        tpu.vector_store %arg24[%swap3A_633, %swap3A_634], %swap3A_637 {strides = array<i32>} : memref<128x64xf32, #tpu.memory_space<vmem>>, vector<1x16xf32>,
        %lt3A_638 = arith.constant 0 : i32
        %lt3A_639 = vector.broadcast %lt3A_638 : i32 to vector<16xi32>
        %lt3A_640 = arith.cmpi slt, %add3A_29, %lt3A_639 : vector<16xi32>
        %add3A_641 = arith.constant 16 : i32
        %add3A_642 = vector.broadcast %add3A_641 : i32 to vector<16xi32>
        %add3A_643 = arith.addi %add3A_29, %add3A_642 : vector<16xi32>
        %select_n3A_644 = arith.select %lt3A_640, %add3A_643, %add3A_29 : vector<16xi1>, vector<16xi32>
        %broadcast_in_dim3A_645 = vector.shape_cast %select_n3A_644 : vector<16xi32> to vector<16x1xi32>
        %gather3A_646 = vector.shape_cast %broadcast_in_dim3A_645 : vector<16x1xi32> to vector<16xi32>
        %gather3A_647 = tpu.dynamic_gather %exp3A[%gather3A_646] in [0] : vector<16xf32>, vector<16xi32> -> vector<16xf32>
        %get3A_648 = arith.index_cast %scan3A_559 : i32 to index
        %get3A_649 = arith.constant 48 : index
        %get3A_650 = tpu.vector_load %arg24[%get3A_648, %get3A_649] {strides = array<i32>} : memref<128x64xf32, #tpu.memory_space<vmem>>, vector<1x16xf32>,
        %get3A_651 = vector.shape_cast %get3A_650 : vector<1x16xf32> to vector<16xf32>
        %mul3A_652 = arith.mulf %get3A_651, %gather3A_647 : vector<16xf32>
        %swap3A_653 = arith.index_cast %scan3A_559 : i32 to index
        %swap3A_654 = arith.constant 48 : index
        %swap3A_655 = tpu.vector_load %arg24[%swap3A_653, %swap3A_654] {strides = array<i32>} : memref<128x64xf32, #tpu.memory_space<vmem>>, vector<1x16xf32>,
        %swap3A_656 = vector.shape_cast %swap3A_655 : vector<1x16xf32> to vector<16xf32>
        %swap3A_657 = vector.shape_cast %mul3A_652 : vector<16xf32> to vector<1x16xf32>
        tpu.vector_store %arg24[%swap3A_653, %swap3A_654], %swap3A_657 {strides = array<i32>} : memref<128x64xf32, #tpu.memory_space<vmem>>, vector<1x16xf32>,
        %scan3A_658 = arith.constant 0 : i32
        scf.yield %scan3A_658 : i32
      }
      %scan3A_445 = arith.constant 128 : i32
      %mul3A_446 = arith.constant 1 : i32
      %mul3A_447 = arith.muli %add3A_380, %mul3A_446 : i32
      %add3A_448 = arith.constant 0 : i32
      %add3A_449 = arith.addi %mul3A_447, %add3A_448 : i32
      %dma_start3A_450 = arith.constant 0 : i32
      %dma_start3A_451 = arith.constant 0 : i32
      %dma_start3A_452 = tpu.memref_slice %arg25[%dma_start3A_450, %dma_start3A_451] : memref<128x16xf32, #tpu.memory_space<vmem>> -> memref<128x16xf32, #tpu.memory_space<vmem>>
      %dma_start3A_453 = arith.constant 0 : i32
      %dma_start3A_454 = tpu.memref_slice %arg13[%add3A_449, %dma_start3A_453] : memref<83x128xi32, #tpu.memory_space<vmem>> -> memref<1x128xi32, #tpu.memory_space<vmem>>
      %dma_start3A_455 = tpu.memref_squeeze %dma_start3A_454 : memref<1x128xi32, #tpu.memory_space<vmem>> -> memref<128xi32, #tpu.memory_space<vmem>>
      %dma_start3A_456 = arith.constant 0 : i32
      %dma_start3A_457 = arith.constant 0 : i32
      %dma_start3A_458 = tpu.memref_slice %arg32[%dma_start3A_456, %dma_start3A_457] : memref<10112x16xf32, #tpu.memory_space<vmem_shared>> -> memref<10112x16xf32, #tpu.memory_space<vmem_shared>>
      tpu.enqueue_indirect_dma source(%dma_start3A_452 : memref<128x16xf32, #tpu.memory_space<vmem>>) target(%dma_start3A_458 : memref<10112x16xf32, #tpu.memory_space<vmem_shared>>) offsets(%dma_start3A_455 : memref<128xi32, #tpu.memory_space<vmem>>) semaphore(%arg34 : memref<!tpu.dma_semaphore, #tpu.memory_space<semaphore_mem>>) {add = true}
      %dma_start3A_459 = arith.constant 0 : i32
      %dma_start3A_460 = arith.constant 0 : i32
      %dma_start3A_461 = tpu.memref_slice %arg24[%dma_start3A_459, %dma_start3A_460] : memref<128x64xf32, #tpu.memory_space<vmem>> -> memref<128x64xf32, #tpu.memory_space<vmem>>
      %dma_start3A_462 = arith.constant 0 : i32
      %dma_start3A_463 = tpu.memref_slice %arg13[%add3A_449, %dma_start3A_462] : memref<83x128xi32, #tpu.memory_space<vmem>> -> memref<1x128xi32, #tpu.memory_space<vmem>>
      %dma_start3A_464 = tpu.memref_squeeze %dma_start3A_463 : memref<1x128xi32, #tpu.memory_space<vmem>> -> memref<128xi32, #tpu.memory_space<vmem>>
      %dma_start3A_465 = arith.constant 0 : i32
      %dma_start3A_466 = arith.constant 0 : i32
      %dma_start3A_467 = tpu.memref_slice %arg31[%dma_start3A_465, %dma_start3A_466] : memref<10112x64xf32, #tpu.memory_space<vmem_shared>> -> memref<10112x64xf32, #tpu.memory_space<vmem_shared>>
      tpu.enqueue_indirect_dma source(%dma_start3A_461 : memref<128x64xf32, #tpu.memory_space<vmem>>) target(%dma_start3A_467 : memref<10112x64xf32, #tpu.memory_space<vmem_shared>>) offsets(%dma_start3A_464 : memref<128xi32, #tpu.memory_space<vmem>>) semaphore(%arg34 : memref<!tpu.dma_semaphore, #tpu.memory_space<semaphore_mem>>) {add = true}
      %mul3A_468 = arith.constant 4 : i32
      %mul3A_469 = arith.muli %mul3A_468, %scan3A_198 : i32
      %add3A_470 = arith.constant 3 : i32
      %add3A_471 = arith.addi %mul3A_469, %add3A_470 : i32
      %dma_wait3A_472 = arith.constant 0 : i32
      %dma_wait3A_473 = arith.constant 0 : i32
      %dma_wait3A_474 = tpu.memref_slice %arg4[%dma_wait3A_472, %dma_wait3A_473] : memref<10112x16xf32, #tpu.memory_space<hbm>> -> memref<128x16xf32, #tpu.memory_space<hbm>>
      %dma_wait3A_475 = arith.constant 0 : i32
      %dma_wait3A_476 = arith.constant 0 : i32
      %dma_wait3A_477 = tpu.memref_slice %arg4[%dma_wait3A_475, %dma_wait3A_476] : memref<10112x16xf32, #tpu.memory_space<hbm>> -> memref<128x16xf32, #tpu.memory_space<hbm>>
      tpu.wait_dma2 semaphore(%arg33 : memref<!tpu.dma_semaphore, #tpu.memory_space<semaphore_mem>>) src(%dma_wait3A_477 : memref<128x16xf32, #tpu.memory_space<hbm>>) dst(%arg26 : memref<128x16xf32, #tpu.memory_space<vmem>>)
      %dma_wait3A_478 = arith.constant 0 : i32
      %dma_wait3A_479 = arith.constant 0 : i32
      %dma_wait3A_480 = tpu.memref_slice %arg4[%dma_wait3A_478, %dma_wait3A_479] : memref<10112x16xf32, #tpu.memory_space<hbm>> -> memref<128x16xf32, #tpu.memory_space<hbm>>
      %dma_wait3A_481 = arith.constant 0 : i32
      %dma_wait3A_482 = arith.constant 0 : i32
      %dma_wait3A_483 = tpu.memref_slice %arg4[%dma_wait3A_481, %dma_wait3A_482] : memref<10112x16xf32, #tpu.memory_space<hbm>> -> memref<128x16xf32, #tpu.memory_space<hbm>>
      tpu.wait_dma2 semaphore(%arg33 : memref<!tpu.dma_semaphore, #tpu.memory_space<semaphore_mem>>) src(%dma_wait3A_483 : memref<128x16xf32, #tpu.memory_space<hbm>>) dst(%arg27 : memref<128x16xf32, #tpu.memory_space<vmem>>)
      %dma_wait3A_484 = arith.constant 0 : i32
      %dma_wait3A_485 = arith.constant 0 : i32
      %dma_wait3A_486 = tpu.memref_slice %arg6[%dma_wait3A_484, %dma_wait3A_485] : memref<10112x64xf32, #tpu.memory_space<hbm>> -> memref<128x64xf32, #tpu.memory_space<hbm>>
      %dma_wait3A_487 = arith.constant 0 : i32
      %dma_wait3A_488 = arith.constant 0 : i32
      %dma_wait3A_489 = tpu.memref_slice %arg6[%dma_wait3A_487, %dma_wait3A_488] : memref<10112x64xf32, #tpu.memory_space<hbm>> -> memref<128x64xf32, #tpu.memory_space<hbm>>
      tpu.wait_dma2 semaphore(%arg33 : memref<!tpu.dma_semaphore, #tpu.memory_space<semaphore_mem>>) src(%dma_wait3A_489 : memref<128x64xf32, #tpu.memory_space<hbm>>) dst(%arg28 : memref<128x64xf32, #tpu.memory_space<vmem>>)
      %gt3A_490 = arith.constant 0 : i32
      %gt3A_491 = arith.cmpi sgt, %add3A_471, %gt3A_490 : i32
      %convert_element_type3A_492 = arith.extui %gt3A_491 : i1 to i32
      %cond3A_493 = arith.constant 0 : i32
      %cond3A_494 = arith.cmpi ne, %convert_element_type3A_492, %cond3A_493 : i32
      scf.if %cond3A_494 {
        %sub3A_559 = arith.constant 1 : i32
        %sub3A_560 = arith.subi %add3A_471, %sub3A_559 : i32
        %mul3A_561 = arith.constant 1 : i32
        %mul3A_562 = arith.muli %sub3A_560, %mul3A_561 : i32
        %add3A_563 = arith.constant 0 : i32
        %add3A_564 = arith.addi %mul3A_562, %add3A_563 : i32
        %dma_wait3A_565 = arith.constant 0 : i32
        %dma_wait3A_566 = arith.constant 0 : i32
        %dma_wait3A_567 = tpu.memref_slice %arg25[%dma_wait3A_565, %dma_wait3A_566] : memref<128x16xf32, #tpu.memory_space<vmem>> -> memref<128x16xf32, #tpu.memory_space<vmem>>
        %dma_wait3A_568 = arith.constant 0 : i32
        %dma_wait3A_569 = tpu.memref_slice %arg13[%add3A_564, %dma_wait3A_568] : memref<83x128xi32, #tpu.memory_space<vmem>> -> memref<1x128xi32, #tpu.memory_space<vmem>>
        %dma_wait3A_570 = tpu.memref_squeeze %dma_wait3A_569 : memref<1x128xi32, #tpu.memory_space<vmem>> -> memref<128xi32, #tpu.memory_space<vmem>>
        %dma_wait3A_571 = arith.constant 0 : i32
        %dma_wait3A_572 = arith.constant 0 : i32
        %dma_wait3A_573 = tpu.memref_slice %arg32[%dma_wait3A_571, %dma_wait3A_572] : memref<10112x16xf32, #tpu.memory_space<vmem_shared>> -> memref<10112x16xf32, #tpu.memory_space<vmem_shared>>
        tpu.wait_indirect_dma semaphore(%arg34 : memref<!tpu.dma_semaphore, #tpu.memory_space<semaphore_mem>>) src(%dma_wait3A_567 : memref<128x16xf32, #tpu.memory_space<vmem>>) dst(%dma_wait3A_573 : memref<10112x16xf32, #tpu.memory_space<vmem_shared>>)
        %dma_wait3A_574 = arith.constant 0 : i32
        %dma_wait3A_575 = arith.constant 0 : i32
        %dma_wait3A_576 = tpu.memref_slice %arg24[%dma_wait3A_574, %dma_wait3A_575] : memref<128x64xf32, #tpu.memory_space<vmem>> -> memref<128x64xf32, #tpu.memory_space<vmem>>
        %dma_wait3A_577 = arith.constant 0 : i32
        %dma_wait3A_578 = tpu.memref_slice %arg13[%add3A_564, %dma_wait3A_577] : memref<83x128xi32, #tpu.memory_space<vmem>> -> memref<1x128xi32, #tpu.memory_space<vmem>>
        %dma_wait3A_579 = tpu.memref_squeeze %dma_wait3A_578 : memref<1x128xi32, #tpu.memory_space<vmem>> -> memref<128xi32, #tpu.memory_space<vmem>>
        %dma_wait3A_580 = arith.constant 0 : i32
        %dma_wait3A_581 = arith.constant 0 : i32
        %dma_wait3A_582 = tpu.memref_slice %arg31[%dma_wait3A_580, %dma_wait3A_581] : memref<10112x64xf32, #tpu.memory_space<vmem_shared>> -> memref<10112x64xf32, #tpu.memory_space<vmem_shared>>
        tpu.wait_indirect_dma semaphore(%arg34 : memref<!tpu.dma_semaphore, #tpu.memory_space<semaphore_mem>>) src(%dma_wait3A_576 : memref<128x64xf32, #tpu.memory_space<vmem>>) dst(%dma_wait3A_582 : memref<10112x64xf32, #tpu.memory_space<vmem_shared>>)
      } else {
      }
      %add3A_495 = arith.constant 4 : i32
      %add3A_496 = arith.addi %add3A_471, %add3A_495 : i32
      %sub3A_497 = arith.constant 1 : i32
      %sub3A_498 = arith.subi %add3A_496, %sub3A_497 : i32
      %mul3A_499 = arith.constant 1 : i32
      %mul3A_500 = arith.muli %sub3A_498, %mul3A_499 : i32
      %add3A_501 = arith.constant 0 : i32
      %add3A_502 = arith.addi %mul3A_500, %add3A_501 : i32
      %dma_start3A_503 = arith.constant 0 : i32
      %dma_start3A_504 = arith.constant 0 : i32
      %dma_start3A_505 = tpu.memref_slice %arg22[%dma_start3A_503, %dma_start3A_504] : memref<128x16xf32, #tpu.memory_space<vmem>> -> memref<128x16xf32, #tpu.memory_space<vmem>>
      %dma_start3A_506 = arith.constant 0 : i32
      %dma_start3A_507 = tpu.memref_slice %arg12[%add3A_502, %dma_start3A_506] : memref<83x128xi32, #tpu.memory_space<vmem>> -> memref<1x128xi32, #tpu.memory_space<vmem>>
      %dma_start3A_508 = tpu.memref_squeeze %dma_start3A_507 : memref<1x128xi32, #tpu.memory_space<vmem>> -> memref<128xi32, #tpu.memory_space<vmem>>
      %dma_start3A_509 = arith.constant 0 : i32
      %dma_start3A_510 = arith.constant 0 : i32
      %dma_start3A_511 = tpu.memref_slice %arg4[%dma_start3A_509, %dma_start3A_510] : memref<10112x16xf32, #tpu.memory_space<hbm>> -> memref<10112x16xf32, #tpu.memory_space<hbm>>
      tpu.enqueue_indirect_dma source(%dma_start3A_511 : memref<10112x16xf32, #tpu.memory_space<hbm>>) target(%dma_start3A_505 : memref<128x16xf32, #tpu.memory_space<vmem>>) offsets(%dma_start3A_508 : memref<128xi32, #tpu.memory_space<vmem>>) semaphore(%arg33 : memref<!tpu.dma_semaphore, #tpu.memory_space<semaphore_mem>>)
      %dma_start3A_512 = arith.constant 0 : i32
      %dma_start3A_513 = arith.constant 0 : i32
      %dma_start3A_514 = tpu.memref_slice %arg23[%dma_start3A_512, %dma_start3A_513] : memref<128x16xf32, #tpu.memory_space<vmem>> -> memref<128x16xf32, #tpu.memory_space<vmem>>
      %dma_start3A_515 = arith.constant 0 : i32
      %dma_start3A_516 = tpu.memref_slice %arg13[%add3A_502, %dma_start3A_515] : memref<83x128xi32, #tpu.memory_space<vmem>> -> memref<1x128xi32, #tpu.memory_space<vmem>>
      %dma_start3A_517 = tpu.memref_squeeze %dma_start3A_516 : memref<1x128xi32, #tpu.memory_space<vmem>> -> memref<128xi32, #tpu.memory_space<vmem>>
      %dma_start3A_518 = arith.constant 0 : i32
      %dma_start3A_519 = arith.constant 0 : i32
      %dma_start3A_520 = tpu.memref_slice %arg5[%dma_start3A_518, %dma_start3A_519] : memref<10112x16xf32, #tpu.memory_space<hbm>> -> memref<10112x16xf32, #tpu.memory_space<hbm>>
      tpu.enqueue_indirect_dma source(%dma_start3A_520 : memref<10112x16xf32, #tpu.memory_space<hbm>>) target(%dma_start3A_514 : memref<128x16xf32, #tpu.memory_space<vmem>>) offsets(%dma_start3A_517 : memref<128xi32, #tpu.memory_space<vmem>>) semaphore(%arg33 : memref<!tpu.dma_semaphore, #tpu.memory_space<semaphore_mem>>)
      %dma_start3A_521 = arith.constant 0 : i32
      %dma_start3A_522 = arith.constant 0 : i32
      %dma_start3A_523 = tpu.memref_slice %arg24[%dma_start3A_521, %dma_start3A_522] : memref<128x64xf32, #tpu.memory_space<vmem>> -> memref<128x64xf32, #tpu.memory_space<vmem>>
      %dma_start3A_524 = arith.constant 0 : i32
      %dma_start3A_525 = tpu.memref_slice %arg12[%add3A_502, %dma_start3A_524] : memref<83x128xi32, #tpu.memory_space<vmem>> -> memref<1x128xi32, #tpu.memory_space<vmem>>
      %dma_start3A_526 = tpu.memref_squeeze %dma_start3A_525 : memref<1x128xi32, #tpu.memory_space<vmem>> -> memref<128xi32, #tpu.memory_space<vmem>>
      %dma_start3A_527 = arith.constant 0 : i32
      %dma_start3A_528 = arith.constant 0 : i32
      %dma_start3A_529 = tpu.memref_slice %arg6[%dma_start3A_527, %dma_start3A_528] : memref<10112x64xf32, #tpu.memory_space<hbm>> -> memref<10112x64xf32, #tpu.memory_space<hbm>>
      tpu.enqueue_indirect_dma source(%dma_start3A_529 : memref<10112x64xf32, #tpu.memory_space<hbm>>) target(%dma_start3A_523 : memref<128x64xf32, #tpu.memory_space<vmem>>) offsets(%dma_start3A_526 : memref<128xi32, #tpu.memory_space<vmem>>) semaphore(%arg33 : memref<!tpu.dma_semaphore, #tpu.memory_space<semaphore_mem>>)
      %scan3A_530 = arith.constant 0 : i32
      %scan3A_531 = arith.constant 0 : i32
      %scan3A_532 = arith.constant 128 : i32
      %scan3A_533 = arith.addi %scan3A_531, %scan3A_532 : i32
      %scan3A_534 = arith.constant 1 : i32
      %scan3A_535 = scf.for %scan3A_559 = %scan3A_531 to %scan3A_533 step %scan3A_534 iter_args(%scan3A_560 = %scan3A_530) -> (i32)  : i32 {
        %get3A_561 = arith.index_cast %scan3A_559 : i32 to index
        %get3A_562 = arith.constant 0 : index
        %get3A_563 = tpu.vector_load %arg26[%get3A_561, %get3A_562] {strides = array<i32>} : memref<128x16xf32, #tpu.memory_space<vmem>>, vector<1x16xf32>,
        %get3A_564 = vector.shape_cast %get3A_563 : vector<1x16xf32> to vector<16xf32>
        %get3A_565 = arith.index_cast %scan3A_559 : i32 to index
        %get3A_566 = arith.constant 0 : index
        %get3A_567 = tpu.vector_load %arg27[%get3A_565, %get3A_566] {strides = array<i32>} : memref<128x16xf32, #tpu.memory_space<vmem>>, vector<1x16xf32>,
        %get3A_568 = vector.shape_cast %get3A_567 : vector<1x16xf32> to vector<16xf32>
        %add3A_569 = arith.addf %get3A_564, %get3A_568 : vector<16xf32>
        %gt3A_570 = arith.constant 0.000000e+00 : f32
        %gt3A_571 = vector.broadcast %gt3A_570 : f32 to vector<16xf32>
        %gt3A_572 = arith.cmpf ogt, %add3A_569, %gt3A_571 : vector<16xf32>
        %mul3A_573 = arith.constant 2.000000e-01 : f32
        %mul3A_574 = vector.broadcast %mul3A_573 : f32 to vector<16xf32>
        %mul3A_575 = arith.mulf %mul3A_574, %add3A_569 : vector<16xf32>
        %select_n3A = arith.select %gt3A_572, %add3A_569, %mul3A_575 : vector<16xi1>, vector<16xf32>
        %sub3A_576 = arith.subf %select_n3A, %get3A_6 : vector<16xf32>
        %exp3A = math.exp %sub3A_576 : vector<16xf32>
        %swap3A = arith.index_cast %scan3A_559 : i32 to index
        %swap3A_577 = arith.constant 0 : index
        %swap3A_578 = tpu.vector_load %arg29[%swap3A, %swap3A_577] {strides = array<i32>} : memref<128x16xf32, #tpu.memory_space<vmem>>, vector<1x16xf32>,
        %swap3A_579 = vector.shape_cast %swap3A_578 : vector<1x16xf32> to vector<16xf32>
        %swap3A_580 = vector.shape_cast %exp3A : vector<16xf32> to vector<1x16xf32>
        tpu.vector_store %arg29[%swap3A, %swap3A_577], %swap3A_580 {strides = array<i32>} : memref<128x16xf32, #tpu.memory_space<vmem>>, vector<1x16xf32>,
        %lt3A = arith.constant 0 : i32
        %lt3A_581 = vector.broadcast %lt3A : i32 to vector<16xi32>
        %lt3A_582 = arith.cmpi slt, %add3A_11, %lt3A_581 : vector<16xi32>
        %add3A_583 = arith.constant 16 : i32
        %add3A_584 = vector.broadcast %add3A_583 : i32 to vector<16xi32>
        %add3A_585 = arith.addi %add3A_11, %add3A_584 : vector<16xi32>
        %select_n3A_586 = arith.select %lt3A_582, %add3A_585, %add3A_11 : vector<16xi1>, vector<16xi32>
        %broadcast_in_dim3A = vector.shape_cast %select_n3A_586 : vector<16xi32> to vector<16x1xi32>
        %gather3A = vector.shape_cast %broadcast_in_dim3A : vector<16x1xi32> to vector<16xi32>
        %gather3A_587 = tpu.dynamic_gather %exp3A[%gather3A] in [0] : vector<16xf32>, vector<16xi32> -> vector<16xf32>
        %get3A_588 = arith.index_cast %scan3A_559 : i32 to index
        %get3A_589 = arith.constant 0 : index
        %get3A_590 = tpu.vector_load %arg28[%get3A_588, %get3A_589] {strides = array<i32>} : memref<128x64xf32, #tpu.memory_space<vmem>>, vector<1x16xf32>,
        %get3A_591 = vector.shape_cast %get3A_590 : vector<1x16xf32> to vector<16xf32>
        %mul3A_592 = arith.mulf %get3A_591, %gather3A_587 : vector<16xf32>
        %swap3A_593 = arith.index_cast %scan3A_559 : i32 to index
        %swap3A_594 = arith.constant 0 : index
        %swap3A_595 = tpu.vector_load %arg28[%swap3A_593, %swap3A_594] {strides = array<i32>} : memref<128x64xf32, #tpu.memory_space<vmem>>, vector<1x16xf32>,
        %swap3A_596 = vector.shape_cast %swap3A_595 : vector<1x16xf32> to vector<16xf32>
        %swap3A_597 = vector.shape_cast %mul3A_592 : vector<16xf32> to vector<1x16xf32>
        tpu.vector_store %arg28[%swap3A_593, %swap3A_594], %swap3A_597 {strides = array<i32>} : memref<128x64xf32, #tpu.memory_space<vmem>>, vector<1x16xf32>,
        %lt3A_598 = arith.constant 0 : i32
        %lt3A_599 = vector.broadcast %lt3A_598 : i32 to vector<16xi32>
        %lt3A_600 = arith.cmpi slt, %add3A_17, %lt3A_599 : vector<16xi32>
        %add3A_601 = arith.constant 16 : i32
        %add3A_602 = vector.broadcast %add3A_601 : i32 to vector<16xi32>
        %add3A_603 = arith.addi %add3A_17, %add3A_602 : vector<16xi32>
        %select_n3A_604 = arith.select %lt3A_600, %add3A_603, %add3A_17 : vector<16xi1>, vector<16xi32>
        %broadcast_in_dim3A_605 = vector.shape_cast %select_n3A_604 : vector<16xi32> to vector<16x1xi32>
        %gather3A_606 = vector.shape_cast %broadcast_in_dim3A_605 : vector<16x1xi32> to vector<16xi32>
        %gather3A_607 = tpu.dynamic_gather %exp3A[%gather3A_606] in [0] : vector<16xf32>, vector<16xi32> -> vector<16xf32>
        %get3A_608 = arith.index_cast %scan3A_559 : i32 to index
        %get3A_609 = arith.constant 16 : index
        %get3A_610 = tpu.vector_load %arg28[%get3A_608, %get3A_609] {strides = array<i32>} : memref<128x64xf32, #tpu.memory_space<vmem>>, vector<1x16xf32>,
        %get3A_611 = vector.shape_cast %get3A_610 : vector<1x16xf32> to vector<16xf32>
        %mul3A_612 = arith.mulf %get3A_611, %gather3A_607 : vector<16xf32>
        %swap3A_613 = arith.index_cast %scan3A_559 : i32 to index
        %swap3A_614 = arith.constant 16 : index
        %swap3A_615 = tpu.vector_load %arg28[%swap3A_613, %swap3A_614] {strides = array<i32>} : memref<128x64xf32, #tpu.memory_space<vmem>>, vector<1x16xf32>,
        %swap3A_616 = vector.shape_cast %swap3A_615 : vector<1x16xf32> to vector<16xf32>
        %swap3A_617 = vector.shape_cast %mul3A_612 : vector<16xf32> to vector<1x16xf32>
        tpu.vector_store %arg28[%swap3A_613, %swap3A_614], %swap3A_617 {strides = array<i32>} : memref<128x64xf32, #tpu.memory_space<vmem>>, vector<1x16xf32>,
        %lt3A_618 = arith.constant 0 : i32
        %lt3A_619 = vector.broadcast %lt3A_618 : i32 to vector<16xi32>
        %lt3A_620 = arith.cmpi slt, %add3A_23, %lt3A_619 : vector<16xi32>
        %add3A_621 = arith.constant 16 : i32
        %add3A_622 = vector.broadcast %add3A_621 : i32 to vector<16xi32>
        %add3A_623 = arith.addi %add3A_23, %add3A_622 : vector<16xi32>
        %select_n3A_624 = arith.select %lt3A_620, %add3A_623, %add3A_23 : vector<16xi1>, vector<16xi32>
        %broadcast_in_dim3A_625 = vector.shape_cast %select_n3A_624 : vector<16xi32> to vector<16x1xi32>
        %gather3A_626 = vector.shape_cast %broadcast_in_dim3A_625 : vector<16x1xi32> to vector<16xi32>
        %gather3A_627 = tpu.dynamic_gather %exp3A[%gather3A_626] in [0] : vector<16xf32>, vector<16xi32> -> vector<16xf32>
        %get3A_628 = arith.index_cast %scan3A_559 : i32 to index
        %get3A_629 = arith.constant 32 : index
        %get3A_630 = tpu.vector_load %arg28[%get3A_628, %get3A_629] {strides = array<i32>} : memref<128x64xf32, #tpu.memory_space<vmem>>, vector<1x16xf32>,
        %get3A_631 = vector.shape_cast %get3A_630 : vector<1x16xf32> to vector<16xf32>
        %mul3A_632 = arith.mulf %get3A_631, %gather3A_627 : vector<16xf32>
        %swap3A_633 = arith.index_cast %scan3A_559 : i32 to index
        %swap3A_634 = arith.constant 32 : index
        %swap3A_635 = tpu.vector_load %arg28[%swap3A_633, %swap3A_634] {strides = array<i32>} : memref<128x64xf32, #tpu.memory_space<vmem>>, vector<1x16xf32>,
        %swap3A_636 = vector.shape_cast %swap3A_635 : vector<1x16xf32> to vector<16xf32>
        %swap3A_637 = vector.shape_cast %mul3A_632 : vector<16xf32> to vector<1x16xf32>
        tpu.vector_store %arg28[%swap3A_633, %swap3A_634], %swap3A_637 {strides = array<i32>} : memref<128x64xf32, #tpu.memory_space<vmem>>, vector<1x16xf32>,
        %lt3A_638 = arith.constant 0 : i32
        %lt3A_639 = vector.broadcast %lt3A_638 : i32 to vector<16xi32>
        %lt3A_640 = arith.cmpi slt, %add3A_29, %lt3A_639 : vector<16xi32>
        %add3A_641 = arith.constant 16 : i32
        %add3A_642 = vector.broadcast %add3A_641 : i32 to vector<16xi32>
        %add3A_643 = arith.addi %add3A_29, %add3A_642 : vector<16xi32>
        %select_n3A_644 = arith.select %lt3A_640, %add3A_643, %add3A_29 : vector<16xi1>, vector<16xi32>
        %broadcast_in_dim3A_645 = vector.shape_cast %select_n3A_644 : vector<16xi32> to vector<16x1xi32>
        %gather3A_646 = vector.shape_cast %broadcast_in_dim3A_645 : vector<16x1xi32> to vector<16xi32>
        %gather3A_647 = tpu.dynamic_gather %exp3A[%gather3A_646] in [0] : vector<16xf32>, vector<16xi32> -> vector<16xf32>
        %get3A_648 = arith.index_cast %scan3A_559 : i32 to index
        %get3A_649 = arith.constant 48 : index
        %get3A_650 = tpu.vector_load %arg28[%get3A_648, %get3A_649] {strides = array<i32>} : memref<128x64xf32, #tpu.memory_space<vmem>>, vector<1x16xf32>,
        %get3A_651 = vector.shape_cast %get3A_650 : vector<1x16xf32> to vector<16xf32>
        %mul3A_652 = arith.mulf %get3A_651, %gather3A_647 : vector<16xf32>
        %swap3A_653 = arith.index_cast %scan3A_559 : i32 to index
        %swap3A_654 = arith.constant 48 : index
        %swap3A_655 = tpu.vector_load %arg28[%swap3A_653, %swap3A_654] {strides = array<i32>} : memref<128x64xf32, #tpu.memory_space<vmem>>, vector<1x16xf32>,
        %swap3A_656 = vector.shape_cast %swap3A_655 : vector<1x16xf32> to vector<16xf32>
        %swap3A_657 = vector.shape_cast %mul3A_652 : vector<16xf32> to vector<1x16xf32>
        tpu.vector_store %arg28[%swap3A_653, %swap3A_654], %swap3A_657 {strides = array<i32>} : memref<128x64xf32, #tpu.memory_space<vmem>>, vector<1x16xf32>,
        %scan3A_658 = arith.constant 0 : i32
        scf.yield %scan3A_658 : i32
      }
      %scan3A_536 = arith.constant 128 : i32
      %mul3A_537 = arith.constant 1 : i32
      %mul3A_538 = arith.muli %add3A_471, %mul3A_537 : i32
      %add3A_539 = arith.constant 0 : i32
      %add3A_540 = arith.addi %mul3A_538, %add3A_539 : i32
      %dma_start3A_541 = arith.constant 0 : i32
      %dma_start3A_542 = arith.constant 0 : i32
      %dma_start3A_543 = tpu.memref_slice %arg29[%dma_start3A_541, %dma_start3A_542] : memref<128x16xf32, #tpu.memory_space<vmem>> -> memref<128x16xf32, #tpu.memory_space<vmem>>
      %dma_start3A_544 = arith.constant 0 : i32
      %dma_start3A_545 = tpu.memref_slice %arg13[%add3A_540, %dma_start3A_544] : memref<83x128xi32, #tpu.memory_space<vmem>> -> memref<1x128xi32, #tpu.memory_space<vmem>>
      %dma_start3A_546 = tpu.memref_squeeze %dma_start3A_545 : memref<1x128xi32, #tpu.memory_space<vmem>> -> memref<128xi32, #tpu.memory_space<vmem>>
      %dma_start3A_547 = arith.constant 0 : i32
      %dma_start3A_548 = arith.constant 0 : i32
      %dma_start3A_549 = tpu.memref_slice %arg32[%dma_start3A_547, %dma_start3A_548] : memref<10112x16xf32, #tpu.memory_space<vmem_shared>> -> memref<10112x16xf32, #tpu.memory_space<vmem_shared>>
      tpu.enqueue_indirect_dma source(%dma_start3A_543 : memref<128x16xf32, #tpu.memory_space<vmem>>) target(%dma_start3A_549 : memref<10112x16xf32, #tpu.memory_space<vmem_shared>>) offsets(%dma_start3A_546 : memref<128xi32, #tpu.memory_space<vmem>>) semaphore(%arg34 : memref<!tpu.dma_semaphore, #tpu.memory_space<semaphore_mem>>) {add = true}
      %dma_start3A_550 = arith.constant 0 : i32
      %dma_start3A_551 = arith.constant 0 : i32
      %dma_start3A_552 = tpu.memref_slice %arg28[%dma_start3A_550, %dma_start3A_551] : memref<128x64xf32, #tpu.memory_space<vmem>> -> memref<128x64xf32, #tpu.memory_space<vmem>>
      %dma_start3A_553 = arith.constant 0 : i32
      %dma_start3A_554 = tpu.memref_slice %arg13[%add3A_540, %dma_start3A_553] : memref<83x128xi32, #tpu.memory_space<vmem>> -> memref<1x128xi32, #tpu.memory_space<vmem>>
      %dma_start3A_555 = tpu.memref_squeeze %dma_start3A_554 : memref<1x128xi32, #tpu.memory_space<vmem>> -> memref<128xi32, #tpu.memory_space<vmem>>
      %dma_start3A_556 = arith.constant 0 : i32
      %dma_start3A_557 = arith.constant 0 : i32
      %dma_start3A_558 = tpu.memref_slice %arg31[%dma_start3A_556, %dma_start3A_557] : memref<10112x64xf32, #tpu.memory_space<vmem_shared>> -> memref<10112x64xf32, #tpu.memory_space<vmem_shared>>
      tpu.enqueue_indirect_dma source(%dma_start3A_552 : memref<128x64xf32, #tpu.memory_space<vmem>>) target(%dma_start3A_558 : memref<10112x64xf32, #tpu.memory_space<vmem_shared>>) offsets(%dma_start3A_555 : memref<128xi32, #tpu.memory_space<vmem>>) semaphore(%arg34 : memref<!tpu.dma_semaphore, #tpu.memory_space<semaphore_mem>>) {add = true}
    }
    %scan3A_123 = arith.constant 20 : i32
    %dma_wait3A = arith.constant 0 : i32
    %dma_wait3A_124 = arith.constant 0 : i32
    %dma_wait3A_125 = tpu.memref_slice %arg4[%dma_wait3A, %dma_wait3A_124] : memref<10112x16xf32, #tpu.memory_space<hbm>> -> memref<128x16xf32, #tpu.memory_space<hbm>>
    %dma_wait3A_126 = arith.constant 0 : i32
    %dma_wait3A_127 = arith.constant 0 : i32
    %dma_wait3A_128 = tpu.memref_slice %arg4[%dma_wait3A_126, %dma_wait3A_127] : memref<10112x16xf32, #tpu.memory_space<hbm>> -> memref<128x16xf32, #tpu.memory_space<hbm>>
    tpu.wait_dma2 semaphore(%arg33 : memref<!tpu.dma_semaphore, #tpu.memory_space<semaphore_mem>>) src(%dma_wait3A_128 : memref<128x16xf32, #tpu.memory_space<hbm>>) dst(%arg14 : memref<128x16xf32, #tpu.memory_space<vmem>>)
    %dma_wait3A_129 = arith.constant 0 : i32
    %dma_wait3A_130 = arith.constant 0 : i32
    %dma_wait3A_131 = tpu.memref_slice %arg4[%dma_wait3A_129, %dma_wait3A_130] : memref<10112x16xf32, #tpu.memory_space<hbm>> -> memref<128x16xf32, #tpu.memory_space<hbm>>
    %dma_wait3A_132 = arith.constant 0 : i32
    %dma_wait3A_133 = arith.constant 0 : i32
    %dma_wait3A_134 = tpu.memref_slice %arg4[%dma_wait3A_132, %dma_wait3A_133] : memref<10112x16xf32, #tpu.memory_space<hbm>> -> memref<128x16xf32, #tpu.memory_space<hbm>>
    tpu.wait_dma2 semaphore(%arg33 : memref<!tpu.dma_semaphore, #tpu.memory_space<semaphore_mem>>) src(%dma_wait3A_134 : memref<128x16xf32, #tpu.memory_space<hbm>>) dst(%arg15 : memref<128x16xf32, #tpu.memory_space<vmem>>)
    %dma_wait3A_135 = arith.constant 0 : i32
    %dma_wait3A_136 = arith.constant 0 : i32
    %dma_wait3A_137 = tpu.memref_slice %arg6[%dma_wait3A_135, %dma_wait3A_136] : memref<10112x64xf32, #tpu.memory_space<hbm>> -> memref<128x64xf32, #tpu.memory_space<hbm>>
    %dma_wait3A_138 = arith.constant 0 : i32
    %dma_wait3A_139 = arith.constant 0 : i32
    %dma_wait3A_140 = tpu.memref_slice %arg6[%dma_wait3A_138, %dma_wait3A_139] : memref<10112x64xf32, #tpu.memory_space<hbm>> -> memref<128x64xf32, #tpu.memory_space<hbm>>
    tpu.wait_dma2 semaphore(%arg33 : memref<!tpu.dma_semaphore, #tpu.memory_space<semaphore_mem>>) src(%dma_wait3A_140 : memref<128x64xf32, #tpu.memory_space<hbm>>) dst(%arg16 : memref<128x64xf32, #tpu.memory_space<vmem>>)
    %dma_wait3A_141 = arith.constant 0 : i32
    %dma_wait3A_142 = arith.constant 0 : i32
    %dma_wait3A_143 = tpu.memref_slice %arg4[%dma_wait3A_141, %dma_wait3A_142] : memref<10112x16xf32, #tpu.memory_space<hbm>> -> memref<128x16xf32, #tpu.memory_space<hbm>>
    %dma_wait3A_144 = arith.constant 0 : i32
    %dma_wait3A_145 = arith.constant 0 : i32
    %dma_wait3A_146 = tpu.memref_slice %arg4[%dma_wait3A_144, %dma_wait3A_145] : memref<10112x16xf32, #tpu.memory_space<hbm>> -> memref<128x16xf32, #tpu.memory_space<hbm>>
    tpu.wait_dma2 semaphore(%arg33 : memref<!tpu.dma_semaphore, #tpu.memory_space<semaphore_mem>>) src(%dma_wait3A_146 : memref<128x16xf32, #tpu.memory_space<hbm>>) dst(%arg18 : memref<128x16xf32, #tpu.memory_space<vmem>>)
    %dma_wait3A_147 = arith.constant 0 : i32
    %dma_wait3A_148 = arith.constant 0 : i32
    %dma_wait3A_149 = tpu.memref_slice %arg4[%dma_wait3A_147, %dma_wait3A_148] : memref<10112x16xf32, #tpu.memory_space<hbm>> -> memref<128x16xf32, #tpu.memory_space<hbm>>
    %dma_wait3A_150 = arith.constant 0 : i32
    %dma_wait3A_151 = arith.constant 0 : i32
    %dma_wait3A_152 = tpu.memref_slice %arg4[%dma_wait3A_150, %dma_wait3A_151] : memref<10112x16xf32, #tpu.memory_space<hbm>> -> memref<128x16xf32, #tpu.memory_space<hbm>>
    tpu.wait_dma2 semaphore(%arg33 : memref<!tpu.dma_semaphore, #tpu.memory_space<semaphore_mem>>) src(%dma_wait3A_152 : memref<128x16xf32, #tpu.memory_space<hbm>>) dst(%arg19 : memref<128x16xf32, #tpu.memory_space<vmem>>)
    %dma_wait3A_153 = arith.constant 0 : i32
    %dma_wait3A_154 = arith.constant 0 : i32
    %dma_wait3A_155 = tpu.memref_slice %arg6[%dma_wait3A_153, %dma_wait3A_154] : memref<10112x64xf32, #tpu.memory_space<hbm>> -> memref<128x64xf32, #tpu.memory_space<hbm>>
    %dma_wait3A_156 = arith.constant 0 : i32
    %dma_wait3A_157 = arith.constant 0 : i32
    %dma_wait3A_158 = tpu.memref_slice %arg6[%dma_wait3A_156, %dma_wait3A_157] : memref<10112x64xf32, #tpu.memory_space<hbm>> -> memref<128x64xf32, #tpu.memory_space<hbm>>
    tpu.wait_dma2 semaphore(%arg33 : memref<!tpu.dma_semaphore, #tpu.memory_space<semaphore_mem>>) src(%dma_wait3A_158 : memref<128x64xf32, #tpu.memory_space<hbm>>) dst(%arg20 : memref<128x64xf32, #tpu.memory_space<vmem>>)
    %dma_wait3A_159 = arith.constant 0 : i32
    %dma_wait3A_160 = arith.constant 0 : i32
    %dma_wait3A_161 = tpu.memref_slice %arg4[%dma_wait3A_159, %dma_wait3A_160] : memref<10112x16xf32, #tpu.memory_space<hbm>> -> memref<128x16xf32, #tpu.memory_space<hbm>>
    %dma_wait3A_162 = arith.constant 0 : i32
    %dma_wait3A_163 = arith.constant 0 : i32
    %dma_wait3A_164 = tpu.memref_slice %arg4[%dma_wait3A_162, %dma_wait3A_163] : memref<10112x16xf32, #tpu.memory_space<hbm>> -> memref<128x16xf32, #tpu.memory_space<hbm>>
    tpu.wait_dma2 semaphore(%arg33 : memref<!tpu.dma_semaphore, #tpu.memory_space<semaphore_mem>>) src(%dma_wait3A_164 : memref<128x16xf32, #tpu.memory_space<hbm>>) dst(%arg22 : memref<128x16xf32, #tpu.memory_space<vmem>>)
    %dma_wait3A_165 = arith.constant 0 : i32
    %dma_wait3A_166 = arith.constant 0 : i32
    %dma_wait3A_167 = tpu.memref_slice %arg4[%dma_wait3A_165, %dma_wait3A_166] : memref<10112x16xf32, #tpu.memory_space<hbm>> -> memref<128x16xf32, #tpu.memory_space<hbm>>
    %dma_wait3A_168 = arith.constant 0 : i32
    %dma_wait3A_169 = arith.constant 0 : i32
    %dma_wait3A_170 = tpu.memref_slice %arg4[%dma_wait3A_168, %dma_wait3A_169] : memref<10112x16xf32, #tpu.memory_space<hbm>> -> memref<128x16xf32, #tpu.memory_space<hbm>>
    tpu.wait_dma2 semaphore(%arg33 : memref<!tpu.dma_semaphore, #tpu.memory_space<semaphore_mem>>) src(%dma_wait3A_170 : memref<128x16xf32, #tpu.memory_space<hbm>>) dst(%arg23 : memref<128x16xf32, #tpu.memory_space<vmem>>)
    %dma_wait3A_171 = arith.constant 0 : i32
    %dma_wait3A_172 = arith.constant 0 : i32
    %dma_wait3A_173 = tpu.memref_slice %arg6[%dma_wait3A_171, %dma_wait3A_172] : memref<10112x64xf32, #tpu.memory_space<hbm>> -> memref<128x64xf32, #tpu.memory_space<hbm>>
    %dma_wait3A_174 = arith.constant 0 : i32
    %dma_wait3A_175 = arith.constant 0 : i32
    %dma_wait3A_176 = tpu.memref_slice %arg6[%dma_wait3A_174, %dma_wait3A_175] : memref<10112x64xf32, #tpu.memory_space<hbm>> -> memref<128x64xf32, #tpu.memory_space<hbm>>
    tpu.wait_dma2 semaphore(%arg33 : memref<!tpu.dma_semaphore, #tpu.memory_space<semaphore_mem>>) src(%dma_wait3A_176 : memref<128x64xf32, #tpu.memory_space<hbm>>) dst(%arg24 : memref<128x64xf32, #tpu.memory_space<vmem>>)
    %dma_wait3A_177 = arith.constant 79 : i32
    %dma_wait3A_178 = arith.constant 0 : i32
    %dma_wait3A_179 = arith.constant 0 : i32
    %dma_wait3A_180 = tpu.memref_slice %arg29[%dma_wait3A_178, %dma_wait3A_179] : memref<128x16xf32, #tpu.memory_space<vmem>> -> memref<128x16xf32, #tpu.memory_space<vmem>>
    %dma_wait3A_181 = arith.constant 0 : i32
    %dma_wait3A_182 = tpu.memref_slice %arg13[%dma_wait3A_177, %dma_wait3A_181] : memref<83x128xi32, #tpu.memory_space<vmem>> -> memref<1x128xi32, #tpu.memory_space<vmem>>
    %dma_wait3A_183 = tpu.memref_squeeze %dma_wait3A_182 : memref<1x128xi32, #tpu.memory_space<vmem>> -> memref<128xi32, #tpu.memory_space<vmem>>
    %dma_wait3A_184 = arith.constant 0 : i32
    %dma_wait3A_185 = arith.constant 0 : i32
    %dma_wait3A_186 = tpu.memref_slice %arg32[%dma_wait3A_184, %dma_wait3A_185] : memref<10112x16xf32, #tpu.memory_space<vmem_shared>> -> memref<10112x16xf32, #tpu.memory_space<vmem_shared>>
    tpu.wait_indirect_dma semaphore(%arg34 : memref<!tpu.dma_semaphore, #tpu.memory_space<semaphore_mem>>) src(%dma_wait3A_180 : memref<128x16xf32, #tpu.memory_space<vmem>>) dst(%dma_wait3A_186 : memref<10112x16xf32, #tpu.memory_space<vmem_shared>>)
    %dma_wait3A_187 = arith.constant 79 : i32
    %dma_wait3A_188 = arith.constant 0 : i32
    %dma_wait3A_189 = arith.constant 0 : i32
    %dma_wait3A_190 = tpu.memref_slice %arg28[%dma_wait3A_188, %dma_wait3A_189] : memref<128x64xf32, #tpu.memory_space<vmem>> -> memref<128x64xf32, #tpu.memory_space<vmem>>
    %dma_wait3A_191 = arith.constant 0 : i32
    %dma_wait3A_192 = tpu.memref_slice %arg13[%dma_wait3A_187, %dma_wait3A_191] : memref<83x128xi32, #tpu.memory_space<vmem>> -> memref<1x128xi32, #tpu.memory_space<vmem>>
    %dma_wait3A_193 = tpu.memref_squeeze %dma_wait3A_192 : memref<1x128xi32, #tpu.memory_space<vmem>> -> memref<128xi32, #tpu.memory_space<vmem>>
    %dma_wait3A_194 = arith.constant 0 : i32
    %dma_wait3A_195 = arith.constant 0 : i32
    %dma_wait3A_196 = tpu.memref_slice %arg31[%dma_wait3A_194, %dma_wait3A_195] : memref<10112x64xf32, #tpu.memory_space<vmem_shared>> -> memref<10112x64xf32, #tpu.memory_space<vmem_shared>>
    tpu.wait_indirect_dma semaphore(%arg34 : memref<!tpu.dma_semaphore, #tpu.memory_space<semaphore_mem>>) src(%dma_wait3A_190 : memref<128x64xf32, #tpu.memory_space<vmem>>) dst(%dma_wait3A_196 : memref<10112x64xf32, #tpu.memory_space<vmem_shared>>)
    %barrier3A_197 = arith.constant 0 : index
    tpu.barrier barrier_id(%barrier3A_197)
    "tpu.region"() ({
      %run_scoped3A = tpu.sem_alloc : memref<!tpu.dma_semaphore, #tpu.memory_space<semaphore_mem>>
      %dma_start3A_198 = arith.constant 0 : i32
      %dma_start3A_199 = tpu.memref_slice %arg10[%arg0, %mul3A_2, %dma_start3A_198] : memref<2x10112x64xf32, #tpu.memory_space<hbm>> -> memref<1x632x64xf32, #tpu.memory_space<hbm>>
      %dma_start3A_200 = tpu.memref_squeeze %dma_start3A_199 : memref<1x632x64xf32, #tpu.memory_space<hbm>> -> memref<632x64xf32, #tpu.memory_space<hbm>>
      %dma_start3A_201 = arith.constant 0 : i32
      %dma_start3A_202 = tpu.memref_slice %arg31[%mul3A_2, %dma_start3A_201] : memref<10112x64xf32, #tpu.memory_space<vmem_shared>> -> memref<632x64xf32, #tpu.memory_space<vmem_shared>>
      tpu.enqueue_dma source(%dma_start3A_202 : memref<632x64xf32, #tpu.memory_space<vmem_shared>>) target(%dma_start3A_200 : memref<632x64xf32, #tpu.memory_space<hbm>>) target_semaphore(%run_scoped3A : memref<!tpu.dma_semaphore, #tpu.memory_space<semaphore_mem>>)
      %dma_wait3A_203 = arith.constant 0 : i32
      %dma_wait3A_204 = tpu.memref_slice %arg10[%arg0, %mul3A_2, %dma_wait3A_203] : memref<2x10112x64xf32, #tpu.memory_space<hbm>> -> memref<1x632x64xf32, #tpu.memory_space<hbm>>
      %dma_wait3A_205 = tpu.memref_squeeze %dma_wait3A_204 : memref<1x632x64xf32, #tpu.memory_space<hbm>> -> memref<632x64xf32, #tpu.memory_space<hbm>>
      %dma_wait3A_206 = arith.constant 0 : i32
      %dma_wait3A_207 = tpu.memref_slice %arg31[%mul3A_2, %dma_wait3A_206] : memref<10112x64xf32, #tpu.memory_space<vmem_shared>> -> memref<632x64xf32, #tpu.memory_space<vmem_shared>>
      tpu.wait_dma2 semaphore(%run_scoped3A : memref<!tpu.dma_semaphore, #tpu.memory_space<semaphore_mem>>) src(%dma_wait3A_207 : memref<632x64xf32, #tpu.memory_space<vmem_shared>>) dst(%dma_wait3A_205 : memref<632x64xf32, #tpu.memory_space<hbm>>)
      tpu.yield
    }) : () -> ()
    "tpu.region"() ({
      %run_scoped3A = tpu.sem_alloc : memref<!tpu.dma_semaphore, #tpu.memory_space<semaphore_mem>>
      %dma_start3A_198 = arith.constant 0 : i32
      %dma_start3A_199 = tpu.memref_slice %arg11[%arg0, %mul3A_2, %dma_start3A_198] : memref<2x10112x16xf32, #tpu.memory_space<hbm>> -> memref<1x632x16xf32, #tpu.memory_space<hbm>>
      %dma_start3A_200 = tpu.memref_squeeze %dma_start3A_199 : memref<1x632x16xf32, #tpu.memory_space<hbm>> -> memref<632x16xf32, #tpu.memory_space<hbm>>
      %dma_start3A_201 = arith.constant 0 : i32
      %dma_start3A_202 = tpu.memref_slice %arg32[%mul3A_2, %dma_start3A_201] : memref<10112x16xf32, #tpu.memory_space<vmem_shared>> -> memref<632x16xf32, #tpu.memory_space<vmem_shared>>
      tpu.enqueue_dma source(%dma_start3A_202 : memref<632x16xf32, #tpu.memory_space<vmem_shared>>) target(%dma_start3A_200 : memref<632x16xf32, #tpu.memory_space<hbm>>) target_semaphore(%run_scoped3A : memref<!tpu.dma_semaphore, #tpu.memory_space<semaphore_mem>>)
      %dma_wait3A_203 = arith.constant 0 : i32
      %dma_wait3A_204 = tpu.memref_slice %arg11[%arg0, %mul3A_2, %dma_wait3A_203] : memref<2x10112x16xf32, #tpu.memory_space<hbm>> -> memref<1x632x16xf32, #tpu.memory_space<hbm>>
      %dma_wait3A_205 = tpu.memref_squeeze %dma_wait3A_204 : memref<1x632x16xf32, #tpu.memory_space<hbm>> -> memref<632x16xf32, #tpu.memory_space<hbm>>
      %dma_wait3A_206 = arith.constant 0 : i32
      %dma_wait3A_207 = tpu.memref_slice %arg32[%mul3A_2, %dma_wait3A_206] : memref<10112x16xf32, #tpu.memory_space<vmem_shared>> -> memref<632x16xf32, #tpu.memory_space<vmem_shared>>
      tpu.wait_dma2 semaphore(%run_scoped3A : memref<!tpu.dma_semaphore, #tpu.memory_space<semaphore_mem>>) src(%dma_wait3A_207 : memref<632x16xf32, #tpu.memory_space<vmem_shared>>) dst(%dma_wait3A_205 : memref<632x16xf32, #tpu.memory_space<hbm>>)
      tpu.yield
    }) : () -> ()
    return
  }
}

#map = affine_map<(d0, d1) -> (0, 0)>
#map1 = affine_map<(d0, d1) -> (0)>
#map2 = affine_map<(d0, d1) -> (0, 0, 0)>
module attributes {stable_mosaic.version = 14 : i64} {
  func.func @body(%arg0: i32, %arg1: i32, %arg2: memref<2564x128xi32, #tpu.memory_space<hbm>>, %arg3: memref<2564x128xi32, #tpu.memory_space<hbm>>, %arg4: memref<10112x16xf32, #tpu.memory_space<hbm>>, %arg5: memref<10112x16xf32, #tpu.memory_space<hbm>>, %arg6: memref<10112x64xf32, #tpu.memory_space<hbm>>, %arg7: memref<16xf32, #tpu.memory_space<hbm>>, %arg8: memref<10112x64xf32, #tpu.memory_space<hbm>>, %arg9: memref<10112x16xf32, #tpu.memory_space<hbm>>, %arg10: memref<2x10112x64xf32, #tpu.memory_space<hbm>>, %arg11: memref<2x10112x16xf32, #tpu.memory_space<hbm>>, %arg12: memref<83x128xi32, #tpu.memory_space<vmem>>, %arg13: memref<83x128xi32, #tpu.memory_space<vmem>>, %arg14: memref<128x16xf32, #tpu.memory_space<vmem>>, %arg15: memref<128x16xf32, #tpu.memory_space<vmem>>, %arg16: memref<128x64xf32, #tpu.memory_space<vmem>>, %arg17: memref<128x16xf32, #tpu.memory_space<vmem>>, %arg18: memref<128x16xf32, #tpu.memory_space<vmem>>, %arg19: memref<128x16xf32, #tpu.memory_space<vmem>>, %arg20: memref<128x64xf32, #tpu.memory_space<vmem>>, %arg21: memref<128x16xf32, #tpu.memory_space<vmem>>, %arg22: memref<128x16xf32, #tpu.memory_space<vmem>>, %arg23: memref<128x16xf32, #tpu.memory_space<vmem>>, %arg24: memref<128x64xf32, #tpu.memory_space<vmem>>, %arg25: memref<128x16xf32, #tpu.memory_space<vmem>>, %arg26: memref<128x16xf32, #tpu.memory_space<vmem>>, %arg27: memref<128x16xf32, #tpu.memory_space<vmem>>, %arg28: memref<128x64xf32, #tpu.memory_space<vmem>>, %arg29: memref<128x16xf32, #tpu.memory_space<vmem>>, %arg30: memref<16xf32, #tpu.memory_space<vmem>>, %arg31: memref<10112x64xf32, #tpu.memory_space<vmem_shared>>, %arg32: memref<10112x16xf32, #tpu.memory_space<vmem_shared>>, %arg33: memref<!tpu.dma_semaphore, #tpu.memory_space<semaphore_mem>>, %arg34: memref<!tpu.dma_semaphore, #tpu.memory_space<semaphore_mem>>) attributes {dimension_semantics = [#tpu.dimension_semantics<core_parallel>, #tpu.dimension_semantics<subcore_parallel>], iteration_bounds = array<i64: 2, 16>, scalar_prefetch = 0 : i64, scratch_operands = 23 : i64, tpu.core_type = #tpu.core_type<sc_vector_subcore>, window_params = [{transform_indices = #map}, {transform_indices = #map}, {transform_indices = #map}, {transform_indices = #map}, {transform_indices = #map}, {transform_indices = #map1}, {transform_indices = #map}, {transform_indices = #map}, {transform_indices = #map2}, {transform_indices = #map2}]} {
    %mul3A = arith.constant 2 : i32
    %mul3A_0 = arith.muli %arg1, %mul3A : i32
    %add3A = arith.addi %mul3A_0, %arg0 : i32
    %mul3A_1 = arith.constant 632 : i32
    %mul3A_2 = arith.muli %arg1, %mul3A_1 : i32
    "tpu.region"() ({
      %run_scoped3A = tpu.sem_alloc : memref<!tpu.dma_semaphore, #tpu.memory_space<semaphore_mem>>
      %dma_start3A_176 = arith.constant 0 : i32
      %dma_start3A_177 = tpu.memref_slice %arg31[%mul3A_2, %dma_start3A_176] : memref<10112x64xf32, #tpu.memory_space<vmem_shared>> -> memref<632x64xf32, #tpu.memory_space<vmem_shared>>
      %dma_start3A_178 = arith.constant 0 : i32
      %dma_start3A_179 = tpu.memref_slice %arg8[%mul3A_2, %dma_start3A_178] : memref<10112x64xf32, #tpu.memory_space<hbm>> -> memref<632x64xf32, #tpu.memory_space<hbm>>
      tpu.enqueue_dma source(%dma_start3A_179 : memref<632x64xf32, #tpu.memory_space<hbm>>) target(%dma_start3A_177 : memref<632x64xf32, #tpu.memory_space<vmem_shared>>) target_semaphore(%run_scoped3A : memref<!tpu.dma_semaphore, #tpu.memory_space<semaphore_mem>>)
      %dma_wait3A_180 = arith.constant 0 : i32
      %dma_wait3A_181 = tpu.memref_slice %arg31[%mul3A_2, %dma_wait3A_180] : memref<10112x64xf32, #tpu.memory_space<vmem_shared>> -> memref<632x64xf32, #tpu.memory_space<vmem_shared>>
      %dma_wait3A_182 = arith.constant 0 : i32
      %dma_wait3A_183 = tpu.memref_slice %arg8[%mul3A_2, %dma_wait3A_182] : memref<10112x64xf32, #tpu.memory_space<hbm>> -> memref<632x64xf32, #tpu.memory_space<hbm>>
      tpu.wait_dma2 semaphore(%run_scoped3A : memref<!tpu.dma_semaphore, #tpu.memory_space<semaphore_mem>>) src(%dma_wait3A_183 : memref<632x64xf32, #tpu.memory_space<hbm>>) dst(%dma_wait3A_181 : memref<632x64xf32, #tpu.memory_space<vmem_shared>>)
      tpu.yield
    }) : () -> ()
    "tpu.region"() ({
      %run_scoped3A = tpu.sem_alloc : memref<!tpu.dma_semaphore, #tpu.memory_space<semaphore_mem>>
      %dma_start3A_176 = arith.constant 0 : i32
      %dma_start3A_177 = tpu.memref_slice %arg32[%mul3A_2, %dma_start3A_176] : memref<10112x16xf32, #tpu.memory_space<vmem_shared>> -> memref<632x16xf32, #tpu.memory_space<vmem_shared>>
      %dma_start3A_178 = arith.constant 0 : i32
      %dma_start3A_179 = tpu.memref_slice %arg9[%mul3A_2, %dma_start3A_178] : memref<10112x16xf32, #tpu.memory_space<hbm>> -> memref<632x16xf32, #tpu.memory_space<hbm>>
      tpu.enqueue_dma source(%dma_start3A_179 : memref<632x16xf32, #tpu.memory_space<hbm>>) target(%dma_start3A_177 : memref<632x16xf32, #tpu.memory_space<vmem_shared>>) target_semaphore(%run_scoped3A : memref<!tpu.dma_semaphore, #tpu.memory_space<semaphore_mem>>)
      %dma_wait3A_180 = arith.constant 0 : i32
      %dma_wait3A_181 = tpu.memref_slice %arg32[%mul3A_2, %dma_wait3A_180] : memref<10112x16xf32, #tpu.memory_space<vmem_shared>> -> memref<632x16xf32, #tpu.memory_space<vmem_shared>>
      %dma_wait3A_182 = arith.constant 0 : i32
      %dma_wait3A_183 = tpu.memref_slice %arg9[%mul3A_2, %dma_wait3A_182] : memref<10112x16xf32, #tpu.memory_space<hbm>> -> memref<632x16xf32, #tpu.memory_space<hbm>>
      tpu.wait_dma2 semaphore(%run_scoped3A : memref<!tpu.dma_semaphore, #tpu.memory_space<semaphore_mem>>) src(%dma_wait3A_183 : memref<632x16xf32, #tpu.memory_space<hbm>>) dst(%dma_wait3A_181 : memref<632x16xf32, #tpu.memory_space<vmem_shared>>)
      tpu.yield
    }) : () -> ()
    "tpu.region"() ({
      %run_scoped3A = tpu.sem_alloc : memref<!tpu.dma_semaphore, #tpu.memory_space<semaphore_mem>>
      tpu.enqueue_dma source(%arg7 : memref<16xf32, #tpu.memory_space<hbm>>) target(%arg30 : memref<16xf32, #tpu.memory_space<vmem>>) target_semaphore(%run_scoped3A : memref<!tpu.dma_semaphore, #tpu.memory_space<semaphore_mem>>)
      tpu.wait_dma2 semaphore(%run_scoped3A : memref<!tpu.dma_semaphore, #tpu.memory_space<semaphore_mem>>) src(%arg7 : memref<16xf32, #tpu.memory_space<hbm>>) dst(%arg30 : memref<16xf32, #tpu.memory_space<vmem>>)
      tpu.yield
    }) : () -> ()
    %mul3A_3 = arith.constant 80 : i32
    %mul3A_4 = arith.muli %add3A, %mul3A_3 : i32
    "tpu.region"() ({
      %run_scoped3A = tpu.sem_alloc : memref<!tpu.dma_semaphore, #tpu.memory_space<semaphore_mem>>
      %dma_start3A_176 = arith.constant 0 : i32
      %dma_start3A_177 = tpu.memref_slice %arg2[%mul3A_4, %dma_start3A_176] : memref<2564x128xi32, #tpu.memory_space<hbm>> -> memref<83x128xi32, #tpu.memory_space<hbm>>
      %dma_start3A_178 = arith.constant 0 : i32
      %dma_start3A_179 = tpu.memref_slice %arg2[%mul3A_4, %dma_start3A_178] : memref<2564x128xi32, #tpu.memory_space<hbm>> -> memref<83x128xi32, #tpu.memory_space<hbm>>
      tpu.enqueue_dma source(%dma_start3A_179 : memref<83x128xi32, #tpu.memory_space<hbm>>) target(%arg12 : memref<83x128xi32, #tpu.memory_space<vmem>>) target_semaphore(%run_scoped3A : memref<!tpu.dma_semaphore, #tpu.memory_space<semaphore_mem>>)
      %dma_wait3A_180 = arith.constant 0 : i32
      %dma_wait3A_181 = tpu.memref_slice %arg2[%mul3A_4, %dma_wait3A_180] : memref<2564x128xi32, #tpu.memory_space<hbm>> -> memref<83x128xi32, #tpu.memory_space<hbm>>
      %dma_wait3A_182 = arith.constant 0 : i32
      %dma_wait3A_183 = tpu.memref_slice %arg2[%mul3A_4, %dma_wait3A_182] : memref<2564x128xi32, #tpu.memory_space<hbm>> -> memref<83x128xi32, #tpu.memory_space<hbm>>
      tpu.wait_dma2 semaphore(%run_scoped3A : memref<!tpu.dma_semaphore, #tpu.memory_space<semaphore_mem>>) src(%dma_wait3A_183 : memref<83x128xi32, #tpu.memory_space<hbm>>) dst(%arg12 : memref<83x128xi32, #tpu.memory_space<vmem>>)
      tpu.yield
    }) : () -> ()
    "tpu.region"() ({
      %run_scoped3A = tpu.sem_alloc : memref<!tpu.dma_semaphore, #tpu.memory_space<semaphore_mem>>
      %dma_start3A_176 = arith.constant 0 : i32
      %dma_start3A_177 = tpu.memref_slice %arg3[%mul3A_4, %dma_start3A_176] : memref<2564x128xi32, #tpu.memory_space<hbm>> -> memref<83x128xi32, #tpu.memory_space<hbm>>
      %dma_start3A_178 = arith.constant 0 : i32
      %dma_start3A_179 = tpu.memref_slice %arg3[%mul3A_4, %dma_start3A_178] : memref<2564x128xi32, #tpu.memory_space<hbm>> -> memref<83x128xi32, #tpu.memory_space<hbm>>
      tpu.enqueue_dma source(%dma_start3A_179 : memref<83x128xi32, #tpu.memory_space<hbm>>) target(%arg13 : memref<83x128xi32, #tpu.memory_space<vmem>>) target_semaphore(%run_scoped3A : memref<!tpu.dma_semaphore, #tpu.memory_space<semaphore_mem>>)
      %dma_wait3A_180 = arith.constant 0 : i32
      %dma_wait3A_181 = tpu.memref_slice %arg3[%mul3A_4, %dma_wait3A_180] : memref<2564x128xi32, #tpu.memory_space<hbm>> -> memref<83x128xi32, #tpu.memory_space<hbm>>
      %dma_wait3A_182 = arith.constant 0 : i32
      %dma_wait3A_183 = tpu.memref_slice %arg3[%mul3A_4, %dma_wait3A_182] : memref<2564x128xi32, #tpu.memory_space<hbm>> -> memref<83x128xi32, #tpu.memory_space<hbm>>
      tpu.wait_dma2 semaphore(%run_scoped3A : memref<!tpu.dma_semaphore, #tpu.memory_space<semaphore_mem>>) src(%dma_wait3A_183 : memref<83x128xi32, #tpu.memory_space<hbm>>) dst(%arg13 : memref<83x128xi32, #tpu.memory_space<vmem>>)
      tpu.yield
    }) : () -> ()
    %barrier3A = arith.constant 0 : index
    tpu.barrier barrier_id(%barrier3A)
    %get3A = arith.constant 0 : index
    %get3A_5 = tpu.vector_load %arg30[%get3A] {strides = array<i32>} : memref<16xf32, #tpu.memory_space<vmem>>, vector<16xf32>,
    %get3A_6 = vector.shape_cast %get3A_5 : vector<16xf32> to vector<16xf32>
    %iota3A = tpu.iota {dimensions = array<i32: 0>} : vector<16xi32>
    %broadcast_in_dim3A = arith.constant 0 : i32
    %broadcast_in_dim3A_7 = vector.broadcast %broadcast_in_dim3A : i32 to vector<16xi32>
    %dma_start3A = arith.constant 0 : i32
    %dma_start3A_8 = arith.constant 0 : i32
    %dma_start3A_9 = arith.constant 0 : i32
    %dma_start3A_10 = tpu.memref_slice %arg14[%dma_start3A_8, %dma_start3A_9] : memref<128x16xf32, #tpu.memory_space<vmem>> -> memref<128x16xf32, #tpu.memory_space<vmem>>
    %dma_start3A_11 = arith.constant 0 : i32
    %dma_start3A_12 = tpu.memref_slice %arg12[%dma_start3A, %dma_start3A_11] : memref<83x128xi32, #tpu.memory_space<vmem>> -> memref<1x128xi32, #tpu.memory_space<vmem>>
    %dma_start3A_13 = tpu.memref_squeeze %dma_start3A_12 : memref<1x128xi32, #tpu.memory_space<vmem>> -> memref<128xi32, #tpu.memory_space<vmem>>
    %dma_start3A_14 = arith.constant 0 : i32
    %dma_start3A_15 = arith.constant 0 : i32
    %dma_start3A_16 = tpu.memref_slice %arg4[%dma_start3A_14, %dma_start3A_15] : memref<10112x16xf32, #tpu.memory_space<hbm>> -> memref<10112x16xf32, #tpu.memory_space<hbm>>
    tpu.enqueue_indirect_dma source(%dma_start3A_16 : memref<10112x16xf32, #tpu.memory_space<hbm>>) target(%dma_start3A_10 : memref<128x16xf32, #tpu.memory_space<vmem>>) offsets(%dma_start3A_13 : memref<128xi32, #tpu.memory_space<vmem>>) semaphore(%arg33 : memref<!tpu.dma_semaphore, #tpu.memory_space<semaphore_mem>>)
    %dma_start3A_17 = arith.constant 0 : i32
    %dma_start3A_18 = arith.constant 0 : i32
    %dma_start3A_19 = arith.constant 0 : i32
    %dma_start3A_20 = tpu.memref_slice %arg15[%dma_start3A_18, %dma_start3A_19] : memref<128x16xf32, #tpu.memory_space<vmem>> -> memref<128x16xf32, #tpu.memory_space<vmem>>
    %dma_start3A_21 = arith.constant 0 : i32
    %dma_start3A_22 = tpu.memref_slice %arg13[%dma_start3A_17, %dma_start3A_21] : memref<83x128xi32, #tpu.memory_space<vmem>> -> memref<1x128xi32, #tpu.memory_space<vmem>>
    %dma_start3A_23 = tpu.memref_squeeze %dma_start3A_22 : memref<1x128xi32, #tpu.memory_space<vmem>> -> memref<128xi32, #tpu.memory_space<vmem>>
    %dma_start3A_24 = arith.constant 0 : i32
    %dma_start3A_25 = arith.constant 0 : i32
    %dma_start3A_26 = tpu.memref_slice %arg5[%dma_start3A_24, %dma_start3A_25] : memref<10112x16xf32, #tpu.memory_space<hbm>> -> memref<10112x16xf32, #tpu.memory_space<hbm>>
    tpu.enqueue_indirect_dma source(%dma_start3A_26 : memref<10112x16xf32, #tpu.memory_space<hbm>>) target(%dma_start3A_20 : memref<128x16xf32, #tpu.memory_space<vmem>>) offsets(%dma_start3A_23 : memref<128xi32, #tpu.memory_space<vmem>>) semaphore(%arg33 : memref<!tpu.dma_semaphore, #tpu.memory_space<semaphore_mem>>)
    %dma_start3A_27 = arith.constant 0 : i32
    %dma_start3A_28 = arith.constant 0 : i32
    %dma_start3A_29 = arith.constant 0 : i32
    %dma_start3A_30 = tpu.memref_slice %arg16[%dma_start3A_28, %dma_start3A_29] : memref<128x64xf32, #tpu.memory_space<vmem>> -> memref<128x64xf32, #tpu.memory_space<vmem>>
    %dma_start3A_31 = arith.constant 0 : i32
    %dma_start3A_32 = tpu.memref_slice %arg12[%dma_start3A_27, %dma_start3A_31] : memref<83x128xi32, #tpu.memory_space<vmem>> -> memref<1x128xi32, #tpu.memory_space<vmem>>
    %dma_start3A_33 = tpu.memref_squeeze %dma_start3A_32 : memref<1x128xi32, #tpu.memory_space<vmem>> -> memref<128xi32, #tpu.memory_space<vmem>>
    %dma_start3A_34 = arith.constant 0 : i32
    %dma_start3A_35 = arith.constant 0 : i32
    %dma_start3A_36 = tpu.memref_slice %arg6[%dma_start3A_34, %dma_start3A_35] : memref<10112x64xf32, #tpu.memory_space<hbm>> -> memref<10112x64xf32, #tpu.memory_space<hbm>>
    tpu.enqueue_indirect_dma source(%dma_start3A_36 : memref<10112x64xf32, #tpu.memory_space<hbm>>) target(%dma_start3A_30 : memref<128x64xf32, #tpu.memory_space<vmem>>) offsets(%dma_start3A_33 : memref<128xi32, #tpu.memory_space<vmem>>) semaphore(%arg33 : memref<!tpu.dma_semaphore, #tpu.memory_space<semaphore_mem>>)
    %dma_start3A_37 = arith.constant 1 : i32
    %dma_start3A_38 = arith.constant 0 : i32
    %dma_start3A_39 = arith.constant 0 : i32
    %dma_start3A_40 = tpu.memref_slice %arg18[%dma_start3A_38, %dma_start3A_39] : memref<128x16xf32, #tpu.memory_space<vmem>> -> memref<128x16xf32, #tpu.memory_space<vmem>>
    %dma_start3A_41 = arith.constant 0 : i32
    %dma_start3A_42 = tpu.memref_slice %arg12[%dma_start3A_37, %dma_start3A_41] : memref<83x128xi32, #tpu.memory_space<vmem>> -> memref<1x128xi32, #tpu.memory_space<vmem>>
    %dma_start3A_43 = tpu.memref_squeeze %dma_start3A_42 : memref<1x128xi32, #tpu.memory_space<vmem>> -> memref<128xi32, #tpu.memory_space<vmem>>
    %dma_start3A_44 = arith.constant 0 : i32
    %dma_start3A_45 = arith.constant 0 : i32
    %dma_start3A_46 = tpu.memref_slice %arg4[%dma_start3A_44, %dma_start3A_45] : memref<10112x16xf32, #tpu.memory_space<hbm>> -> memref<10112x16xf32, #tpu.memory_space<hbm>>
    tpu.enqueue_indirect_dma source(%dma_start3A_46 : memref<10112x16xf32, #tpu.memory_space<hbm>>) target(%dma_start3A_40 : memref<128x16xf32, #tpu.memory_space<vmem>>) offsets(%dma_start3A_43 : memref<128xi32, #tpu.memory_space<vmem>>) semaphore(%arg33 : memref<!tpu.dma_semaphore, #tpu.memory_space<semaphore_mem>>)
    %dma_start3A_47 = arith.constant 1 : i32
    %dma_start3A_48 = arith.constant 0 : i32
    %dma_start3A_49 = arith.constant 0 : i32
    %dma_start3A_50 = tpu.memref_slice %arg19[%dma_start3A_48, %dma_start3A_49] : memref<128x16xf32, #tpu.memory_space<vmem>> -> memref<128x16xf32, #tpu.memory_space<vmem>>
    %dma_start3A_51 = arith.constant 0 : i32
    %dma_start3A_52 = tpu.memref_slice %arg13[%dma_start3A_47, %dma_start3A_51] : memref<83x128xi32, #tpu.memory_space<vmem>> -> memref<1x128xi32, #tpu.memory_space<vmem>>
    %dma_start3A_53 = tpu.memref_squeeze %dma_start3A_52 : memref<1x128xi32, #tpu.memory_space<vmem>> -> memref<128xi32, #tpu.memory_space<vmem>>
    %dma_start3A_54 = arith.constant 0 : i32
    %dma_start3A_55 = arith.constant 0 : i32
    %dma_start3A_56 = tpu.memref_slice %arg5[%dma_start3A_54, %dma_start3A_55] : memref<10112x16xf32, #tpu.memory_space<hbm>> -> memref<10112x16xf32, #tpu.memory_space<hbm>>
    tpu.enqueue_indirect_dma source(%dma_start3A_56 : memref<10112x16xf32, #tpu.memory_space<hbm>>) target(%dma_start3A_50 : memref<128x16xf32, #tpu.memory_space<vmem>>) offsets(%dma_start3A_53 : memref<128xi32, #tpu.memory_space<vmem>>) semaphore(%arg33 : memref<!tpu.dma_semaphore, #tpu.memory_space<semaphore_mem>>)
    %dma_start3A_57 = arith.constant 1 : i32
    %dma_start3A_58 = arith.constant 0 : i32
    %dma_start3A_59 = arith.constant 0 : i32
    %dma_start3A_60 = tpu.memref_slice %arg20[%dma_start3A_58, %dma_start3A_59] : memref<128x64xf32, #tpu.memory_space<vmem>> -> memref<128x64xf32, #tpu.memory_space<vmem>>
    %dma_start3A_61 = arith.constant 0 : i32
    %dma_start3A_62 = tpu.memref_slice %arg12[%dma_start3A_57, %dma_start3A_61] : memref<83x128xi32, #tpu.memory_space<vmem>> -> memref<1x128xi32, #tpu.memory_space<vmem>>
    %dma_start3A_63 = tpu.memref_squeeze %dma_start3A_62 : memref<1x128xi32, #tpu.memory_space<vmem>> -> memref<128xi32, #tpu.memory_space<vmem>>
    %dma_start3A_64 = arith.constant 0 : i32
    %dma_start3A_65 = arith.constant 0 : i32
    %dma_start3A_66 = tpu.memref_slice %arg6[%dma_start3A_64, %dma_start3A_65] : memref<10112x64xf32, #tpu.memory_space<hbm>> -> memref<10112x64xf32, #tpu.memory_space<hbm>>
    tpu.enqueue_indirect_dma source(%dma_start3A_66 : memref<10112x64xf32, #tpu.memory_space<hbm>>) target(%dma_start3A_60 : memref<128x64xf32, #tpu.memory_space<vmem>>) offsets(%dma_start3A_63 : memref<128xi32, #tpu.memory_space<vmem>>) semaphore(%arg33 : memref<!tpu.dma_semaphore, #tpu.memory_space<semaphore_mem>>)
    %dma_start3A_67 = arith.constant 2 : i32
    %dma_start3A_68 = arith.constant 0 : i32
    %dma_start3A_69 = arith.constant 0 : i32
    %dma_start3A_70 = tpu.memref_slice %arg22[%dma_start3A_68, %dma_start3A_69] : memref<128x16xf32, #tpu.memory_space<vmem>> -> memref<128x16xf32, #tpu.memory_space<vmem>>
    %dma_start3A_71 = arith.constant 0 : i32
    %dma_start3A_72 = tpu.memref_slice %arg12[%dma_start3A_67, %dma_start3A_71] : memref<83x128xi32, #tpu.memory_space<vmem>> -> memref<1x128xi32, #tpu.memory_space<vmem>>
    %dma_start3A_73 = tpu.memref_squeeze %dma_start3A_72 : memref<1x128xi32, #tpu.memory_space<vmem>> -> memref<128xi32, #tpu.memory_space<vmem>>
    %dma_start3A_74 = arith.constant 0 : i32
    %dma_start3A_75 = arith.constant 0 : i32
    %dma_start3A_76 = tpu.memref_slice %arg4[%dma_start3A_74, %dma_start3A_75] : memref<10112x16xf32, #tpu.memory_space<hbm>> -> memref<10112x16xf32, #tpu.memory_space<hbm>>
    tpu.enqueue_indirect_dma source(%dma_start3A_76 : memref<10112x16xf32, #tpu.memory_space<hbm>>) target(%dma_start3A_70 : memref<128x16xf32, #tpu.memory_space<vmem>>) offsets(%dma_start3A_73 : memref<128xi32, #tpu.memory_space<vmem>>) semaphore(%arg33 : memref<!tpu.dma_semaphore, #tpu.memory_space<semaphore_mem>>)
    %dma_start3A_77 = arith.constant 2 : i32
    %dma_start3A_78 = arith.constant 0 : i32
    %dma_start3A_79 = arith.constant 0 : i32
    %dma_start3A_80 = tpu.memref_slice %arg23[%dma_start3A_78, %dma_start3A_79] : memref<128x16xf32, #tpu.memory_space<vmem>> -> memref<128x16xf32, #tpu.memory_space<vmem>>
    %dma_start3A_81 = arith.constant 0 : i32
    %dma_start3A_82 = tpu.memref_slice %arg13[%dma_start3A_77, %dma_start3A_81] : memref<83x128xi32, #tpu.memory_space<vmem>> -> memref<1x128xi32, #tpu.memory_space<vmem>>
    %dma_start3A_83 = tpu.memref_squeeze %dma_start3A_82 : memref<1x128xi32, #tpu.memory_space<vmem>> -> memref<128xi32, #tpu.memory_space<vmem>>
    %dma_start3A_84 = arith.constant 0 : i32
    %dma_start3A_85 = arith.constant 0 : i32
    %dma_start3A_86 = tpu.memref_slice %arg5[%dma_start3A_84, %dma_start3A_85] : memref<10112x16xf32, #tpu.memory_space<hbm>> -> memref<10112x16xf32, #tpu.memory_space<hbm>>
    tpu.enqueue_indirect_dma source(%dma_start3A_86 : memref<10112x16xf32, #tpu.memory_space<hbm>>) target(%dma_start3A_80 : memref<128x16xf32, #tpu.memory_space<vmem>>) offsets(%dma_start3A_83 : memref<128xi32, #tpu.memory_space<vmem>>) semaphore(%arg33 : memref<!tpu.dma_semaphore, #tpu.memory_space<semaphore_mem>>)
    %dma_start3A_87 = arith.constant 2 : i32
    %dma_start3A_88 = arith.constant 0 : i32
    %dma_start3A_89 = arith.constant 0 : i32
    %dma_start3A_90 = tpu.memref_slice %arg24[%dma_start3A_88, %dma_start3A_89] : memref<128x64xf32, #tpu.memory_space<vmem>> -> memref<128x64xf32, #tpu.memory_space<vmem>>
    %dma_start3A_91 = arith.constant 0 : i32
    %dma_start3A_92 = tpu.memref_slice %arg12[%dma_start3A_87, %dma_start3A_91] : memref<83x128xi32, #tpu.memory_space<vmem>> -> memref<1x128xi32, #tpu.memory_space<vmem>>
    %dma_start3A_93 = tpu.memref_squeeze %dma_start3A_92 : memref<1x128xi32, #tpu.memory_space<vmem>> -> memref<128xi32, #tpu.memory_space<vmem>>
    %dma_start3A_94 = arith.constant 0 : i32
    %dma_start3A_95 = arith.constant 0 : i32
    %dma_start3A_96 = tpu.memref_slice %arg6[%dma_start3A_94, %dma_start3A_95] : memref<10112x64xf32, #tpu.memory_space<hbm>> -> memref<10112x64xf32, #tpu.memory_space<hbm>>
    tpu.enqueue_indirect_dma source(%dma_start3A_96 : memref<10112x64xf32, #tpu.memory_space<hbm>>) target(%dma_start3A_90 : memref<128x64xf32, #tpu.memory_space<vmem>>) offsets(%dma_start3A_93 : memref<128xi32, #tpu.memory_space<vmem>>) semaphore(%arg33 : memref<!tpu.dma_semaphore, #tpu.memory_space<semaphore_mem>>)
    %scan3A = arith.constant 0 : i32
    %scan3A_97 = arith.constant 0 : i32
    %scan3A_98 = arith.constant 20 : i32
    %scan3A_99 = arith.addi %scan3A_97, %scan3A_98 : i32
    %scan3A_100 = arith.constant 1 : i32
    scf.for %scan3A_176 = %scan3A_97 to %scan3A_99 step %scan3A_100  : i32 {
      %mul3A_177 = arith.constant 4 : i32
      %mul3A_178 = arith.muli %mul3A_177, %scan3A_176 : i32
      %add3A_179 = arith.constant 0 : i32
      %add3A_180 = arith.addi %mul3A_178, %add3A_179 : i32
      %dma_wait3A_181 = arith.constant 0 : i32
      %dma_wait3A_182 = arith.constant 0 : i32
      %dma_wait3A_183 = tpu.memref_slice %arg4[%dma_wait3A_181, %dma_wait3A_182] : memref<10112x16xf32, #tpu.memory_space<hbm>> -> memref<128x16xf32, #tpu.memory_space<hbm>>
      %dma_wait3A_184 = arith.constant 0 : i32
      %dma_wait3A_185 = arith.constant 0 : i32
      %dma_wait3A_186 = tpu.memref_slice %arg4[%dma_wait3A_184, %dma_wait3A_185] : memref<10112x16xf32, #tpu.memory_space<hbm>> -> memref<128x16xf32, #tpu.memory_space<hbm>>
      tpu.wait_dma2 semaphore(%arg33 : memref<!tpu.dma_semaphore, #tpu.memory_space<semaphore_mem>>) src(%dma_wait3A_186 : memref<128x16xf32, #tpu.memory_space<hbm>>) dst(%arg14 : memref<128x16xf32, #tpu.memory_space<vmem>>)
      %dma_wait3A_187 = arith.constant 0 : i32
      %dma_wait3A_188 = arith.constant 0 : i32
      %dma_wait3A_189 = tpu.memref_slice %arg4[%dma_wait3A_187, %dma_wait3A_188] : memref<10112x16xf32, #tpu.memory_space<hbm>> -> memref<128x16xf32, #tpu.memory_space<hbm>>
      %dma_wait3A_190 = arith.constant 0 : i32
      %dma_wait3A_191 = arith.constant 0 : i32
      %dma_wait3A_192 = tpu.memref_slice %arg4[%dma_wait3A_190, %dma_wait3A_191] : memref<10112x16xf32, #tpu.memory_space<hbm>> -> memref<128x16xf32, #tpu.memory_space<hbm>>
      tpu.wait_dma2 semaphore(%arg33 : memref<!tpu.dma_semaphore, #tpu.memory_space<semaphore_mem>>) src(%dma_wait3A_192 : memref<128x16xf32, #tpu.memory_space<hbm>>) dst(%arg15 : memref<128x16xf32, #tpu.memory_space<vmem>>)
      %dma_wait3A_193 = arith.constant 0 : i32
      %dma_wait3A_194 = arith.constant 0 : i32
      %dma_wait3A_195 = tpu.memref_slice %arg6[%dma_wait3A_193, %dma_wait3A_194] : memref<10112x64xf32, #tpu.memory_space<hbm>> -> memref<128x64xf32, #tpu.memory_space<hbm>>
      %dma_wait3A_196 = arith.constant 0 : i32
      %dma_wait3A_197 = arith.constant 0 : i32
      %dma_wait3A_198 = tpu.memref_slice %arg6[%dma_wait3A_196, %dma_wait3A_197] : memref<10112x64xf32, #tpu.memory_space<hbm>> -> memref<128x64xf32, #tpu.memory_space<hbm>>
      tpu.wait_dma2 semaphore(%arg33 : memref<!tpu.dma_semaphore, #tpu.memory_space<semaphore_mem>>) src(%dma_wait3A_198 : memref<128x64xf32, #tpu.memory_space<hbm>>) dst(%arg16 : memref<128x64xf32, #tpu.memory_space<vmem>>)
      %gt3A = arith.constant 0 : i32
      %gt3A_199 = arith.cmpi sgt, %add3A_180, %gt3A : i32
      %convert_element_type3A = arith.extui %gt3A_199 : i1 to i32
      %cond3A = arith.constant 0 : i32
      %cond3A_200 = arith.cmpi ne, %convert_element_type3A, %cond3A : i32
      scf.if %cond3A_200 {
        %sub3A_537 = arith.constant 1 : i32
        %sub3A_538 = arith.subi %add3A_180, %sub3A_537 : i32
        %mul3A_539 = arith.constant 1 : i32
        %mul3A_540 = arith.muli %sub3A_538, %mul3A_539 : i32
        %add3A_541 = arith.constant 0 : i32
        %add3A_542 = arith.addi %mul3A_540, %add3A_541 : i32
        %dma_wait3A_543 = arith.constant 0 : i32
        %dma_wait3A_544 = arith.constant 0 : i32
        %dma_wait3A_545 = tpu.memref_slice %arg29[%dma_wait3A_543, %dma_wait3A_544] : memref<128x16xf32, #tpu.memory_space<vmem>> -> memref<128x16xf32, #tpu.memory_space<vmem>>
        %dma_wait3A_546 = arith.constant 0 : i32
        %dma_wait3A_547 = tpu.memref_slice %arg13[%add3A_542, %dma_wait3A_546] : memref<83x128xi32, #tpu.memory_space<vmem>> -> memref<1x128xi32, #tpu.memory_space<vmem>>
        %dma_wait3A_548 = tpu.memref_squeeze %dma_wait3A_547 : memref<1x128xi32, #tpu.memory_space<vmem>> -> memref<128xi32, #tpu.memory_space<vmem>>
        %dma_wait3A_549 = arith.constant 0 : i32
        %dma_wait3A_550 = arith.constant 0 : i32
        %dma_wait3A_551 = tpu.memref_slice %arg32[%dma_wait3A_549, %dma_wait3A_550] : memref<10112x16xf32, #tpu.memory_space<vmem_shared>> -> memref<10112x16xf32, #tpu.memory_space<vmem_shared>>
        tpu.wait_indirect_dma semaphore(%arg34 : memref<!tpu.dma_semaphore, #tpu.memory_space<semaphore_mem>>) src(%dma_wait3A_545 : memref<128x16xf32, #tpu.memory_space<vmem>>) dst(%dma_wait3A_551 : memref<10112x16xf32, #tpu.memory_space<vmem_shared>>)
        %dma_wait3A_552 = arith.constant 0 : i32
        %dma_wait3A_553 = arith.constant 0 : i32
        %dma_wait3A_554 = tpu.memref_slice %arg28[%dma_wait3A_552, %dma_wait3A_553] : memref<128x64xf32, #tpu.memory_space<vmem>> -> memref<128x64xf32, #tpu.memory_space<vmem>>
        %dma_wait3A_555 = arith.constant 0 : i32
        %dma_wait3A_556 = tpu.memref_slice %arg13[%add3A_542, %dma_wait3A_555] : memref<83x128xi32, #tpu.memory_space<vmem>> -> memref<1x128xi32, #tpu.memory_space<vmem>>
        %dma_wait3A_557 = tpu.memref_squeeze %dma_wait3A_556 : memref<1x128xi32, #tpu.memory_space<vmem>> -> memref<128xi32, #tpu.memory_space<vmem>>
        %dma_wait3A_558 = arith.constant 0 : i32
        %dma_wait3A_559 = arith.constant 0 : i32
        %dma_wait3A_560 = tpu.memref_slice %arg31[%dma_wait3A_558, %dma_wait3A_559] : memref<10112x64xf32, #tpu.memory_space<vmem_shared>> -> memref<10112x64xf32, #tpu.memory_space<vmem_shared>>
        tpu.wait_indirect_dma semaphore(%arg34 : memref<!tpu.dma_semaphore, #tpu.memory_space<semaphore_mem>>) src(%dma_wait3A_554 : memref<128x64xf32, #tpu.memory_space<vmem>>) dst(%dma_wait3A_560 : memref<10112x64xf32, #tpu.memory_space<vmem_shared>>)
      } else {
      }
      %add3A_201 = arith.constant 4 : i32
      %add3A_202 = arith.addi %add3A_180, %add3A_201 : i32
      %sub3A = arith.constant 1 : i32
      %sub3A_203 = arith.subi %add3A_202, %sub3A : i32
      %mul3A_204 = arith.constant 1 : i32
      %mul3A_205 = arith.muli %sub3A_203, %mul3A_204 : i32
      %add3A_206 = arith.constant 0 : i32
      %add3A_207 = arith.addi %mul3A_205, %add3A_206 : i32
      %dma_start3A_208 = arith.constant 0 : i32
      %dma_start3A_209 = arith.constant 0 : i32
      %dma_start3A_210 = tpu.memref_slice %arg26[%dma_start3A_208, %dma_start3A_209] : memref<128x16xf32, #tpu.memory_space<vmem>> -> memref<128x16xf32, #tpu.memory_space<vmem>>
      %dma_start3A_211 = arith.constant 0 : i32
      %dma_start3A_212 = tpu.memref_slice %arg12[%add3A_207, %dma_start3A_211] : memref<83x128xi32, #tpu.memory_space<vmem>> -> memref<1x128xi32, #tpu.memory_space<vmem>>
      %dma_start3A_213 = tpu.memref_squeeze %dma_start3A_212 : memref<1x128xi32, #tpu.memory_space<vmem>> -> memref<128xi32, #tpu.memory_space<vmem>>
      %dma_start3A_214 = arith.constant 0 : i32
      %dma_start3A_215 = arith.constant 0 : i32
      %dma_start3A_216 = tpu.memref_slice %arg4[%dma_start3A_214, %dma_start3A_215] : memref<10112x16xf32, #tpu.memory_space<hbm>> -> memref<10112x16xf32, #tpu.memory_space<hbm>>
      tpu.enqueue_indirect_dma source(%dma_start3A_216 : memref<10112x16xf32, #tpu.memory_space<hbm>>) target(%dma_start3A_210 : memref<128x16xf32, #tpu.memory_space<vmem>>) offsets(%dma_start3A_213 : memref<128xi32, #tpu.memory_space<vmem>>) semaphore(%arg33 : memref<!tpu.dma_semaphore, #tpu.memory_space<semaphore_mem>>)
      %dma_start3A_217 = arith.constant 0 : i32
      %dma_start3A_218 = arith.constant 0 : i32
      %dma_start3A_219 = tpu.memref_slice %arg27[%dma_start3A_217, %dma_start3A_218] : memref<128x16xf32, #tpu.memory_space<vmem>> -> memref<128x16xf32, #tpu.memory_space<vmem>>
      %dma_start3A_220 = arith.constant 0 : i32
      %dma_start3A_221 = tpu.memref_slice %arg13[%add3A_207, %dma_start3A_220] : memref<83x128xi32, #tpu.memory_space<vmem>> -> memref<1x128xi32, #tpu.memory_space<vmem>>
      %dma_start3A_222 = tpu.memref_squeeze %dma_start3A_221 : memref<1x128xi32, #tpu.memory_space<vmem>> -> memref<128xi32, #tpu.memory_space<vmem>>
      %dma_start3A_223 = arith.constant 0 : i32
      %dma_start3A_224 = arith.constant 0 : i32
      %dma_start3A_225 = tpu.memref_slice %arg5[%dma_start3A_223, %dma_start3A_224] : memref<10112x16xf32, #tpu.memory_space<hbm>> -> memref<10112x16xf32, #tpu.memory_space<hbm>>
      tpu.enqueue_indirect_dma source(%dma_start3A_225 : memref<10112x16xf32, #tpu.memory_space<hbm>>) target(%dma_start3A_219 : memref<128x16xf32, #tpu.memory_space<vmem>>) offsets(%dma_start3A_222 : memref<128xi32, #tpu.memory_space<vmem>>) semaphore(%arg33 : memref<!tpu.dma_semaphore, #tpu.memory_space<semaphore_mem>>)
      %dma_start3A_226 = arith.constant 0 : i32
      %dma_start3A_227 = arith.constant 0 : i32
      %dma_start3A_228 = tpu.memref_slice %arg28[%dma_start3A_226, %dma_start3A_227] : memref<128x64xf32, #tpu.memory_space<vmem>> -> memref<128x64xf32, #tpu.memory_space<vmem>>
      %dma_start3A_229 = arith.constant 0 : i32
      %dma_start3A_230 = tpu.memref_slice %arg12[%add3A_207, %dma_start3A_229] : memref<83x128xi32, #tpu.memory_space<vmem>> -> memref<1x128xi32, #tpu.memory_space<vmem>>
      %dma_start3A_231 = tpu.memref_squeeze %dma_start3A_230 : memref<1x128xi32, #tpu.memory_space<vmem>> -> memref<128xi32, #tpu.memory_space<vmem>>
      %dma_start3A_232 = arith.constant 0 : i32
      %dma_start3A_233 = arith.constant 0 : i32
      %dma_start3A_234 = tpu.memref_slice %arg6[%dma_start3A_232, %dma_start3A_233] : memref<10112x64xf32, #tpu.memory_space<hbm>> -> memref<10112x64xf32, #tpu.memory_space<hbm>>
      tpu.enqueue_indirect_dma source(%dma_start3A_234 : memref<10112x64xf32, #tpu.memory_space<hbm>>) target(%dma_start3A_228 : memref<128x64xf32, #tpu.memory_space<vmem>>) offsets(%dma_start3A_231 : memref<128xi32, #tpu.memory_space<vmem>>) semaphore(%arg33 : memref<!tpu.dma_semaphore, #tpu.memory_space<semaphore_mem>>)
      %scan3A_235 = arith.constant 0 : i32
      %scan3A_236 = arith.constant 0 : i32
      %scan3A_237 = arith.constant 128 : i32
      %scan3A_238 = arith.addi %scan3A_236, %scan3A_237 : i32
      %scan3A_239 = arith.constant 1 : i32
      %scan3A_240 = scf.for %scan3A_537 = %scan3A_236 to %scan3A_238 step %scan3A_239 iter_args(%scan3A_538 = %scan3A_235) -> (i32)  : i32 {
        %get3A_539 = arith.index_cast %scan3A_537 : i32 to index
        %get3A_540 = arith.constant 0 : index
        %get3A_541 = tpu.vector_load %arg14[%get3A_539, %get3A_540] {strides = array<i32>} : memref<128x16xf32, #tpu.memory_space<vmem>>, vector<1x16xf32>,
        %get3A_542 = vector.shape_cast %get3A_541 : vector<1x16xf32> to vector<16xf32>
        %get3A_543 = arith.index_cast %scan3A_537 : i32 to index
        %get3A_544 = arith.constant 0 : index
        %get3A_545 = tpu.vector_load %arg15[%get3A_543, %get3A_544] {strides = array<i32>} : memref<128x16xf32, #tpu.memory_space<vmem>>, vector<1x16xf32>,
        %get3A_546 = vector.shape_cast %get3A_545 : vector<1x16xf32> to vector<16xf32>
        %add3A_547 = arith.addf %get3A_542, %get3A_546 : vector<16xf32>
        %gt3A_548 = arith.constant 0.000000e+00 : f32
        %gt3A_549 = vector.broadcast %gt3A_548 : f32 to vector<16xf32>
        %gt3A_550 = arith.cmpf ogt, %add3A_547, %gt3A_549 : vector<16xf32>
        %mul3A_551 = arith.constant 2.000000e-01 : f32
        %mul3A_552 = vector.broadcast %mul3A_551 : f32 to vector<16xf32>
        %mul3A_553 = arith.mulf %mul3A_552, %add3A_547 : vector<16xf32>
        %select_n3A = arith.select %gt3A_550, %add3A_547, %mul3A_553 : vector<16xi1>, vector<16xf32>
        %sub3A_554 = arith.subf %select_n3A, %get3A_6 : vector<16xf32>
        %exp3A = math.exp %sub3A_554 : vector<16xf32>
        %swap3A = arith.index_cast %scan3A_537 : i32 to index
        %swap3A_555 = arith.constant 0 : index
        %swap3A_556 = tpu.vector_load %arg17[%swap3A, %swap3A_555] {strides = array<i32>} : memref<128x16xf32, #tpu.memory_space<vmem>>, vector<1x16xf32>,
        %swap3A_557 = vector.shape_cast %swap3A_556 : vector<1x16xf32> to vector<16xf32>
        %swap3A_558 = vector.shape_cast %exp3A : vector<16xf32> to vector<1x16xf32>
        tpu.vector_store %arg17[%swap3A, %swap3A_555], %swap3A_558 {strides = array<i32>} : memref<128x16xf32, #tpu.memory_space<vmem>>, vector<1x16xf32>,
        %lt3A = arith.constant 0 : i32
        %lt3A_559 = vector.broadcast %lt3A : i32 to vector<16xi32>
        %lt3A_560 = arith.cmpi slt, %broadcast_in_dim3A_7, %lt3A_559 : vector<16xi32>
        %add3A_561 = arith.constant 16 : i32
        %add3A_562 = vector.broadcast %add3A_561 : i32 to vector<16xi32>
        %add3A_563 = arith.addi %broadcast_in_dim3A_7, %add3A_562 : vector<16xi32>
        %select_n3A_564 = arith.select %lt3A_560, %add3A_563, %broadcast_in_dim3A_7 : vector<16xi1>, vector<16xi32>
        %broadcast_in_dim3A_565 = vector.shape_cast %select_n3A_564 : vector<16xi32> to vector<16x1xi32>
        %gather3A = vector.shape_cast %broadcast_in_dim3A_565 : vector<16x1xi32> to vector<16xi32>
        %gather3A_566 = tpu.dynamic_gather %exp3A[%gather3A] in [0] : vector<16xf32>, vector<16xi32> -> vector<16xf32>
        %get3A_567 = arith.index_cast %scan3A_537 : i32 to index
        %get3A_568 = arith.constant 0 : index
        %get3A_569 = tpu.vector_load %arg16[%get3A_567, %get3A_568] {strides = array<i32>} : memref<128x64xf32, #tpu.memory_space<vmem>>, vector<1x16xf32>,
        %get3A_570 = vector.shape_cast %get3A_569 : vector<1x16xf32> to vector<16xf32>
        %mul3A_571 = arith.mulf %get3A_570, %gather3A_566 : vector<16xf32>
        %swap3A_572 = arith.index_cast %scan3A_537 : i32 to index
        %swap3A_573 = arith.constant 0 : index
        %swap3A_574 = tpu.vector_load %arg16[%swap3A_572, %swap3A_573] {strides = array<i32>} : memref<128x64xf32, #tpu.memory_space<vmem>>, vector<1x16xf32>,
        %swap3A_575 = vector.shape_cast %swap3A_574 : vector<1x16xf32> to vector<16xf32>
        %swap3A_576 = vector.shape_cast %mul3A_571 : vector<16xf32> to vector<1x16xf32>
        tpu.vector_store %arg16[%swap3A_572, %swap3A_573], %swap3A_576 {strides = array<i32>} : memref<128x64xf32, #tpu.memory_space<vmem>>, vector<1x16xf32>,
        %lt3A_577 = arith.constant 0 : i32
        %lt3A_578 = vector.broadcast %lt3A_577 : i32 to vector<16xi32>
        %lt3A_579 = arith.cmpi slt, %broadcast_in_dim3A_7, %lt3A_578 : vector<16xi32>
        %add3A_580 = arith.constant 16 : i32
        %add3A_581 = vector.broadcast %add3A_580 : i32 to vector<16xi32>
        %add3A_582 = arith.addi %broadcast_in_dim3A_7, %add3A_581 : vector<16xi32>
        %select_n3A_583 = arith.select %lt3A_579, %add3A_582, %broadcast_in_dim3A_7 : vector<16xi1>, vector<16xi32>
        %broadcast_in_dim3A_584 = vector.shape_cast %select_n3A_583 : vector<16xi32> to vector<16x1xi32>
        %gather3A_585 = vector.shape_cast %broadcast_in_dim3A_584 : vector<16x1xi32> to vector<16xi32>
        %gather3A_586 = tpu.dynamic_gather %exp3A[%gather3A_585] in [0] : vector<16xf32>, vector<16xi32> -> vector<16xf32>
        %get3A_587 = arith.index_cast %scan3A_537 : i32 to index
        %get3A_588 = arith.constant 16 : index
        %get3A_589 = tpu.vector_load %arg16[%get3A_587, %get3A_588] {strides = array<i32>} : memref<128x64xf32, #tpu.memory_space<vmem>>, vector<1x16xf32>,
        %get3A_590 = vector.shape_cast %get3A_589 : vector<1x16xf32> to vector<16xf32>
        %mul3A_591 = arith.mulf %get3A_590, %gather3A_586 : vector<16xf32>
        %swap3A_592 = arith.index_cast %scan3A_537 : i32 to index
        %swap3A_593 = arith.constant 16 : index
        %swap3A_594 = tpu.vector_load %arg16[%swap3A_592, %swap3A_593] {strides = array<i32>} : memref<128x64xf32, #tpu.memory_space<vmem>>, vector<1x16xf32>,
        %swap3A_595 = vector.shape_cast %swap3A_594 : vector<1x16xf32> to vector<16xf32>
        %swap3A_596 = vector.shape_cast %mul3A_591 : vector<16xf32> to vector<1x16xf32>
        tpu.vector_store %arg16[%swap3A_592, %swap3A_593], %swap3A_596 {strides = array<i32>} : memref<128x64xf32, #tpu.memory_space<vmem>>, vector<1x16xf32>,
        %lt3A_597 = arith.constant 0 : i32
        %lt3A_598 = vector.broadcast %lt3A_597 : i32 to vector<16xi32>
        %lt3A_599 = arith.cmpi slt, %broadcast_in_dim3A_7, %lt3A_598 : vector<16xi32>
        %add3A_600 = arith.constant 16 : i32
        %add3A_601 = vector.broadcast %add3A_600 : i32 to vector<16xi32>
        %add3A_602 = arith.addi %broadcast_in_dim3A_7, %add3A_601 : vector<16xi32>
        %select_n3A_603 = arith.select %lt3A_599, %add3A_602, %broadcast_in_dim3A_7 : vector<16xi1>, vector<16xi32>
        %broadcast_in_dim3A_604 = vector.shape_cast %select_n3A_603 : vector<16xi32> to vector<16x1xi32>
        %gather3A_605 = vector.shape_cast %broadcast_in_dim3A_604 : vector<16x1xi32> to vector<16xi32>
        %gather3A_606 = tpu.dynamic_gather %exp3A[%gather3A_605] in [0] : vector<16xf32>, vector<16xi32> -> vector<16xf32>
        %get3A_607 = arith.index_cast %scan3A_537 : i32 to index
        %get3A_608 = arith.constant 32 : index
        %get3A_609 = tpu.vector_load %arg16[%get3A_607, %get3A_608] {strides = array<i32>} : memref<128x64xf32, #tpu.memory_space<vmem>>, vector<1x16xf32>,
        %get3A_610 = vector.shape_cast %get3A_609 : vector<1x16xf32> to vector<16xf32>
        %mul3A_611 = arith.mulf %get3A_610, %gather3A_606 : vector<16xf32>
        %swap3A_612 = arith.index_cast %scan3A_537 : i32 to index
        %swap3A_613 = arith.constant 32 : index
        %swap3A_614 = tpu.vector_load %arg16[%swap3A_612, %swap3A_613] {strides = array<i32>} : memref<128x64xf32, #tpu.memory_space<vmem>>, vector<1x16xf32>,
        %swap3A_615 = vector.shape_cast %swap3A_614 : vector<1x16xf32> to vector<16xf32>
        %swap3A_616 = vector.shape_cast %mul3A_611 : vector<16xf32> to vector<1x16xf32>
        tpu.vector_store %arg16[%swap3A_612, %swap3A_613], %swap3A_616 {strides = array<i32>} : memref<128x64xf32, #tpu.memory_space<vmem>>, vector<1x16xf32>,
        %lt3A_617 = arith.constant 0 : i32
        %lt3A_618 = vector.broadcast %lt3A_617 : i32 to vector<16xi32>
        %lt3A_619 = arith.cmpi slt, %broadcast_in_dim3A_7, %lt3A_618 : vector<16xi32>
        %add3A_620 = arith.constant 16 : i32
        %add3A_621 = vector.broadcast %add3A_620 : i32 to vector<16xi32>
        %add3A_622 = arith.addi %broadcast_in_dim3A_7, %add3A_621 : vector<16xi32>
        %select_n3A_623 = arith.select %lt3A_619, %add3A_622, %broadcast_in_dim3A_7 : vector<16xi1>, vector<16xi32>
        %broadcast_in_dim3A_624 = vector.shape_cast %select_n3A_623 : vector<16xi32> to vector<16x1xi32>
        %gather3A_625 = vector.shape_cast %broadcast_in_dim3A_624 : vector<16x1xi32> to vector<16xi32>
        %gather3A_626 = tpu.dynamic_gather %exp3A[%gather3A_625] in [0] : vector<16xf32>, vector<16xi32> -> vector<16xf32>
        %get3A_627 = arith.index_cast %scan3A_537 : i32 to index
        %get3A_628 = arith.constant 48 : index
        %get3A_629 = tpu.vector_load %arg16[%get3A_627, %get3A_628] {strides = array<i32>} : memref<128x64xf32, #tpu.memory_space<vmem>>, vector<1x16xf32>,
        %get3A_630 = vector.shape_cast %get3A_629 : vector<1x16xf32> to vector<16xf32>
        %mul3A_631 = arith.mulf %get3A_630, %gather3A_626 : vector<16xf32>
        %swap3A_632 = arith.index_cast %scan3A_537 : i32 to index
        %swap3A_633 = arith.constant 48 : index
        %swap3A_634 = tpu.vector_load %arg16[%swap3A_632, %swap3A_633] {strides = array<i32>} : memref<128x64xf32, #tpu.memory_space<vmem>>, vector<1x16xf32>,
        %swap3A_635 = vector.shape_cast %swap3A_634 : vector<1x16xf32> to vector<16xf32>
        %swap3A_636 = vector.shape_cast %mul3A_631 : vector<16xf32> to vector<1x16xf32>
        tpu.vector_store %arg16[%swap3A_632, %swap3A_633], %swap3A_636 {strides = array<i32>} : memref<128x64xf32, #tpu.memory_space<vmem>>, vector<1x16xf32>,
        %scan3A_637 = arith.constant 0 : i32
        scf.yield %scan3A_637 : i32
      }
      %scan3A_241 = arith.constant 128 : i32
      %mul3A_242 = arith.constant 1 : i32
      %mul3A_243 = arith.muli %add3A_180, %mul3A_242 : i32
      %add3A_244 = arith.constant 0 : i32
      %add3A_245 = arith.addi %mul3A_243, %add3A_244 : i32
      %dma_start3A_246 = arith.constant 0 : i32
      %dma_start3A_247 = arith.constant 0 : i32
      %dma_start3A_248 = tpu.memref_slice %arg17[%dma_start3A_246, %dma_start3A_247] : memref<128x16xf32, #tpu.memory_space<vmem>> -> memref<128x16xf32, #tpu.memory_space<vmem>>
      %dma_start3A_249 = arith.constant 0 : i32
      %dma_start3A_250 = tpu.memref_slice %arg13[%add3A_245, %dma_start3A_249] : memref<83x128xi32, #tpu.memory_space<vmem>> -> memref<1x128xi32, #tpu.memory_space<vmem>>
      %dma_start3A_251 = tpu.memref_squeeze %dma_start3A_250 : memref<1x128xi32, #tpu.memory_space<vmem>> -> memref<128xi32, #tpu.memory_space<vmem>>
      %dma_start3A_252 = arith.constant 0 : i32
      %dma_start3A_253 = arith.constant 0 : i32
      %dma_start3A_254 = tpu.memref_slice %arg32[%dma_start3A_252, %dma_start3A_253] : memref<10112x16xf32, #tpu.memory_space<vmem_shared>> -> memref<10112x16xf32, #tpu.memory_space<vmem_shared>>
      tpu.enqueue_indirect_dma source(%dma_start3A_248 : memref<128x16xf32, #tpu.memory_space<vmem>>) target(%dma_start3A_254 : memref<10112x16xf32, #tpu.memory_space<vmem_shared>>) offsets(%dma_start3A_251 : memref<128xi32, #tpu.memory_space<vmem>>) semaphore(%arg34 : memref<!tpu.dma_semaphore, #tpu.memory_space<semaphore_mem>>) {add = true}
      %dma_start3A_255 = arith.constant 0 : i32
      %dma_start3A_256 = arith.constant 0 : i32
      %dma_start3A_257 = tpu.memref_slice %arg16[%dma_start3A_255, %dma_start3A_256] : memref<128x64xf32, #tpu.memory_space<vmem>> -> memref<128x64xf32, #tpu.memory_space<vmem>>
      %dma_start3A_258 = arith.constant 0 : i32
      %dma_start3A_259 = tpu.memref_slice %arg13[%add3A_245, %dma_start3A_258] : memref<83x128xi32, #tpu.memory_space<vmem>> -> memref<1x128xi32, #tpu.memory_space<vmem>>
      %dma_start3A_260 = tpu.memref_squeeze %dma_start3A_259 : memref<1x128xi32, #tpu.memory_space<vmem>> -> memref<128xi32, #tpu.memory_space<vmem>>
      %dma_start3A_261 = arith.constant 0 : i32
      %dma_start3A_262 = arith.constant 0 : i32
      %dma_start3A_263 = tpu.memref_slice %arg31[%dma_start3A_261, %dma_start3A_262] : memref<10112x64xf32, #tpu.memory_space<vmem_shared>> -> memref<10112x64xf32, #tpu.memory_space<vmem_shared>>
      tpu.enqueue_indirect_dma source(%dma_start3A_257 : memref<128x64xf32, #tpu.memory_space<vmem>>) target(%dma_start3A_263 : memref<10112x64xf32, #tpu.memory_space<vmem_shared>>) offsets(%dma_start3A_260 : memref<128xi32, #tpu.memory_space<vmem>>) semaphore(%arg34 : memref<!tpu.dma_semaphore, #tpu.memory_space<semaphore_mem>>) {add = true}
      %mul3A_264 = arith.constant 4 : i32
      %mul3A_265 = arith.muli %mul3A_264, %scan3A_176 : i32
      %add3A_266 = arith.constant 1 : i32
      %add3A_267 = arith.addi %mul3A_265, %add3A_266 : i32
      %dma_wait3A_268 = arith.constant 0 : i32
      %dma_wait3A_269 = arith.constant 0 : i32
      %dma_wait3A_270 = tpu.memref_slice %arg4[%dma_wait3A_268, %dma_wait3A_269] : memref<10112x16xf32, #tpu.memory_space<hbm>> -> memref<128x16xf32, #tpu.memory_space<hbm>>
      %dma_wait3A_271 = arith.constant 0 : i32
      %dma_wait3A_272 = arith.constant 0 : i32
      %dma_wait3A_273 = tpu.memref_slice %arg4[%dma_wait3A_271, %dma_wait3A_272] : memref<10112x16xf32, #tpu.memory_space<hbm>> -> memref<128x16xf32, #tpu.memory_space<hbm>>
      tpu.wait_dma2 semaphore(%arg33 : memref<!tpu.dma_semaphore, #tpu.memory_space<semaphore_mem>>) src(%dma_wait3A_273 : memref<128x16xf32, #tpu.memory_space<hbm>>) dst(%arg18 : memref<128x16xf32, #tpu.memory_space<vmem>>)
      %dma_wait3A_274 = arith.constant 0 : i32
      %dma_wait3A_275 = arith.constant 0 : i32
      %dma_wait3A_276 = tpu.memref_slice %arg4[%dma_wait3A_274, %dma_wait3A_275] : memref<10112x16xf32, #tpu.memory_space<hbm>> -> memref<128x16xf32, #tpu.memory_space<hbm>>
      %dma_wait3A_277 = arith.constant 0 : i32
      %dma_wait3A_278 = arith.constant 0 : i32
      %dma_wait3A_279 = tpu.memref_slice %arg4[%dma_wait3A_277, %dma_wait3A_278] : memref<10112x16xf32, #tpu.memory_space<hbm>> -> memref<128x16xf32, #tpu.memory_space<hbm>>
      tpu.wait_dma2 semaphore(%arg33 : memref<!tpu.dma_semaphore, #tpu.memory_space<semaphore_mem>>) src(%dma_wait3A_279 : memref<128x16xf32, #tpu.memory_space<hbm>>) dst(%arg19 : memref<128x16xf32, #tpu.memory_space<vmem>>)
      %dma_wait3A_280 = arith.constant 0 : i32
      %dma_wait3A_281 = arith.constant 0 : i32
      %dma_wait3A_282 = tpu.memref_slice %arg6[%dma_wait3A_280, %dma_wait3A_281] : memref<10112x64xf32, #tpu.memory_space<hbm>> -> memref<128x64xf32, #tpu.memory_space<hbm>>
      %dma_wait3A_283 = arith.constant 0 : i32
      %dma_wait3A_284 = arith.constant 0 : i32
      %dma_wait3A_285 = tpu.memref_slice %arg6[%dma_wait3A_283, %dma_wait3A_284] : memref<10112x64xf32, #tpu.memory_space<hbm>> -> memref<128x64xf32, #tpu.memory_space<hbm>>
      tpu.wait_dma2 semaphore(%arg33 : memref<!tpu.dma_semaphore, #tpu.memory_space<semaphore_mem>>) src(%dma_wait3A_285 : memref<128x64xf32, #tpu.memory_space<hbm>>) dst(%arg20 : memref<128x64xf32, #tpu.memory_space<vmem>>)
      %gt3A_286 = arith.constant 0 : i32
      %gt3A_287 = arith.cmpi sgt, %add3A_267, %gt3A_286 : i32
      %convert_element_type3A_288 = arith.extui %gt3A_287 : i1 to i32
      %cond3A_289 = arith.constant 0 : i32
      %cond3A_290 = arith.cmpi ne, %convert_element_type3A_288, %cond3A_289 : i32
      scf.if %cond3A_290 {
        %sub3A_537 = arith.constant 1 : i32
        %sub3A_538 = arith.subi %add3A_267, %sub3A_537 : i32
        %mul3A_539 = arith.constant 1 : i32
        %mul3A_540 = arith.muli %sub3A_538, %mul3A_539 : i32
        %add3A_541 = arith.constant 0 : i32
        %add3A_542 = arith.addi %mul3A_540, %add3A_541 : i32
        %dma_wait3A_543 = arith.constant 0 : i32
        %dma_wait3A_544 = arith.constant 0 : i32
        %dma_wait3A_545 = tpu.memref_slice %arg17[%dma_wait3A_543, %dma_wait3A_544] : memref<128x16xf32, #tpu.memory_space<vmem>> -> memref<128x16xf32, #tpu.memory_space<vmem>>
        %dma_wait3A_546 = arith.constant 0 : i32
        %dma_wait3A_547 = tpu.memref_slice %arg13[%add3A_542, %dma_wait3A_546] : memref<83x128xi32, #tpu.memory_space<vmem>> -> memref<1x128xi32, #tpu.memory_space<vmem>>
        %dma_wait3A_548 = tpu.memref_squeeze %dma_wait3A_547 : memref<1x128xi32, #tpu.memory_space<vmem>> -> memref<128xi32, #tpu.memory_space<vmem>>
        %dma_wait3A_549 = arith.constant 0 : i32
        %dma_wait3A_550 = arith.constant 0 : i32
        %dma_wait3A_551 = tpu.memref_slice %arg32[%dma_wait3A_549, %dma_wait3A_550] : memref<10112x16xf32, #tpu.memory_space<vmem_shared>> -> memref<10112x16xf32, #tpu.memory_space<vmem_shared>>
        tpu.wait_indirect_dma semaphore(%arg34 : memref<!tpu.dma_semaphore, #tpu.memory_space<semaphore_mem>>) src(%dma_wait3A_545 : memref<128x16xf32, #tpu.memory_space<vmem>>) dst(%dma_wait3A_551 : memref<10112x16xf32, #tpu.memory_space<vmem_shared>>)
        %dma_wait3A_552 = arith.constant 0 : i32
        %dma_wait3A_553 = arith.constant 0 : i32
        %dma_wait3A_554 = tpu.memref_slice %arg16[%dma_wait3A_552, %dma_wait3A_553] : memref<128x64xf32, #tpu.memory_space<vmem>> -> memref<128x64xf32, #tpu.memory_space<vmem>>
        %dma_wait3A_555 = arith.constant 0 : i32
        %dma_wait3A_556 = tpu.memref_slice %arg13[%add3A_542, %dma_wait3A_555] : memref<83x128xi32, #tpu.memory_space<vmem>> -> memref<1x128xi32, #tpu.memory_space<vmem>>
        %dma_wait3A_557 = tpu.memref_squeeze %dma_wait3A_556 : memref<1x128xi32, #tpu.memory_space<vmem>> -> memref<128xi32, #tpu.memory_space<vmem>>
        %dma_wait3A_558 = arith.constant 0 : i32
        %dma_wait3A_559 = arith.constant 0 : i32
        %dma_wait3A_560 = tpu.memref_slice %arg31[%dma_wait3A_558, %dma_wait3A_559] : memref<10112x64xf32, #tpu.memory_space<vmem_shared>> -> memref<10112x64xf32, #tpu.memory_space<vmem_shared>>
        tpu.wait_indirect_dma semaphore(%arg34 : memref<!tpu.dma_semaphore, #tpu.memory_space<semaphore_mem>>) src(%dma_wait3A_554 : memref<128x64xf32, #tpu.memory_space<vmem>>) dst(%dma_wait3A_560 : memref<10112x64xf32, #tpu.memory_space<vmem_shared>>)
      } else {
      }
      %add3A_291 = arith.constant 4 : i32
      %add3A_292 = arith.addi %add3A_267, %add3A_291 : i32
      %sub3A_293 = arith.constant 1 : i32
      %sub3A_294 = arith.subi %add3A_292, %sub3A_293 : i32
      %mul3A_295 = arith.constant 1 : i32
      %mul3A_296 = arith.muli %sub3A_294, %mul3A_295 : i32
      %add3A_297 = arith.constant 0 : i32
      %add3A_298 = arith.addi %mul3A_296, %add3A_297 : i32
      %dma_start3A_299 = arith.constant 0 : i32
      %dma_start3A_300 = arith.constant 0 : i32
      %dma_start3A_301 = tpu.memref_slice %arg14[%dma_start3A_299, %dma_start3A_300] : memref<128x16xf32, #tpu.memory_space<vmem>> -> memref<128x16xf32, #tpu.memory_space<vmem>>
      %dma_start3A_302 = arith.constant 0 : i32
      %dma_start3A_303 = tpu.memref_slice %arg12[%add3A_298, %dma_start3A_302] : memref<83x128xi32, #tpu.memory_space<vmem>> -> memref<1x128xi32, #tpu.memory_space<vmem>>
      %dma_start3A_304 = tpu.memref_squeeze %dma_start3A_303 : memref<1x128xi32, #tpu.memory_space<vmem>> -> memref<128xi32, #tpu.memory_space<vmem>>
      %dma_start3A_305 = arith.constant 0 : i32
      %dma_start3A_306 = arith.constant 0 : i32
      %dma_start3A_307 = tpu.memref_slice %arg4[%dma_start3A_305, %dma_start3A_306] : memref<10112x16xf32, #tpu.memory_space<hbm>> -> memref<10112x16xf32, #tpu.memory_space<hbm>>
      tpu.enqueue_indirect_dma source(%dma_start3A_307 : memref<10112x16xf32, #tpu.memory_space<hbm>>) target(%dma_start3A_301 : memref<128x16xf32, #tpu.memory_space<vmem>>) offsets(%dma_start3A_304 : memref<128xi32, #tpu.memory_space<vmem>>) semaphore(%arg33 : memref<!tpu.dma_semaphore, #tpu.memory_space<semaphore_mem>>)
      %dma_start3A_308 = arith.constant 0 : i32
      %dma_start3A_309 = arith.constant 0 : i32
      %dma_start3A_310 = tpu.memref_slice %arg15[%dma_start3A_308, %dma_start3A_309] : memref<128x16xf32, #tpu.memory_space<vmem>> -> memref<128x16xf32, #tpu.memory_space<vmem>>
      %dma_start3A_311 = arith.constant 0 : i32
      %dma_start3A_312 = tpu.memref_slice %arg13[%add3A_298, %dma_start3A_311] : memref<83x128xi32, #tpu.memory_space<vmem>> -> memref<1x128xi32, #tpu.memory_space<vmem>>
      %dma_start3A_313 = tpu.memref_squeeze %dma_start3A_312 : memref<1x128xi32, #tpu.memory_space<vmem>> -> memref<128xi32, #tpu.memory_space<vmem>>
      %dma_start3A_314 = arith.constant 0 : i32
      %dma_start3A_315 = arith.constant 0 : i32
      %dma_start3A_316 = tpu.memref_slice %arg5[%dma_start3A_314, %dma_start3A_315] : memref<10112x16xf32, #tpu.memory_space<hbm>> -> memref<10112x16xf32, #tpu.memory_space<hbm>>
      tpu.enqueue_indirect_dma source(%dma_start3A_316 : memref<10112x16xf32, #tpu.memory_space<hbm>>) target(%dma_start3A_310 : memref<128x16xf32, #tpu.memory_space<vmem>>) offsets(%dma_start3A_313 : memref<128xi32, #tpu.memory_space<vmem>>) semaphore(%arg33 : memref<!tpu.dma_semaphore, #tpu.memory_space<semaphore_mem>>)
      %dma_start3A_317 = arith.constant 0 : i32
      %dma_start3A_318 = arith.constant 0 : i32
      %dma_start3A_319 = tpu.memref_slice %arg16[%dma_start3A_317, %dma_start3A_318] : memref<128x64xf32, #tpu.memory_space<vmem>> -> memref<128x64xf32, #tpu.memory_space<vmem>>
      %dma_start3A_320 = arith.constant 0 : i32
      %dma_start3A_321 = tpu.memref_slice %arg12[%add3A_298, %dma_start3A_320] : memref<83x128xi32, #tpu.memory_space<vmem>> -> memref<1x128xi32, #tpu.memory_space<vmem>>
      %dma_start3A_322 = tpu.memref_squeeze %dma_start3A_321 : memref<1x128xi32, #tpu.memory_space<vmem>> -> memref<128xi32, #tpu.memory_space<vmem>>
      %dma_start3A_323 = arith.constant 0 : i32
      %dma_start3A_324 = arith.constant 0 : i32
      %dma_start3A_325 = tpu.memref_slice %arg6[%dma_start3A_323, %dma_start3A_324] : memref<10112x64xf32, #tpu.memory_space<hbm>> -> memref<10112x64xf32, #tpu.memory_space<hbm>>
      tpu.enqueue_indirect_dma source(%dma_start3A_325 : memref<10112x64xf32, #tpu.memory_space<hbm>>) target(%dma_start3A_319 : memref<128x64xf32, #tpu.memory_space<vmem>>) offsets(%dma_start3A_322 : memref<128xi32, #tpu.memory_space<vmem>>) semaphore(%arg33 : memref<!tpu.dma_semaphore, #tpu.memory_space<semaphore_mem>>)
      %scan3A_326 = arith.constant 0 : i32
      %scan3A_327 = arith.constant 0 : i32
      %scan3A_328 = arith.constant 128 : i32
      %scan3A_329 = arith.addi %scan3A_327, %scan3A_328 : i32
      %scan3A_330 = arith.constant 1 : i32
      %scan3A_331 = scf.for %scan3A_537 = %scan3A_327 to %scan3A_329 step %scan3A_330 iter_args(%scan3A_538 = %scan3A_326) -> (i32)  : i32 {
        %get3A_539 = arith.index_cast %scan3A_537 : i32 to index
        %get3A_540 = arith.constant 0 : index
        %get3A_541 = tpu.vector_load %arg18[%get3A_539, %get3A_540] {strides = array<i32>} : memref<128x16xf32, #tpu.memory_space<vmem>>, vector<1x16xf32>,
        %get3A_542 = vector.shape_cast %get3A_541 : vector<1x16xf32> to vector<16xf32>
        %get3A_543 = arith.index_cast %scan3A_537 : i32 to index
        %get3A_544 = arith.constant 0 : index
        %get3A_545 = tpu.vector_load %arg19[%get3A_543, %get3A_544] {strides = array<i32>} : memref<128x16xf32, #tpu.memory_space<vmem>>, vector<1x16xf32>,
        %get3A_546 = vector.shape_cast %get3A_545 : vector<1x16xf32> to vector<16xf32>
        %add3A_547 = arith.addf %get3A_542, %get3A_546 : vector<16xf32>
        %gt3A_548 = arith.constant 0.000000e+00 : f32
        %gt3A_549 = vector.broadcast %gt3A_548 : f32 to vector<16xf32>
        %gt3A_550 = arith.cmpf ogt, %add3A_547, %gt3A_549 : vector<16xf32>
        %mul3A_551 = arith.constant 2.000000e-01 : f32
        %mul3A_552 = vector.broadcast %mul3A_551 : f32 to vector<16xf32>
        %mul3A_553 = arith.mulf %mul3A_552, %add3A_547 : vector<16xf32>
        %select_n3A = arith.select %gt3A_550, %add3A_547, %mul3A_553 : vector<16xi1>, vector<16xf32>
        %sub3A_554 = arith.subf %select_n3A, %get3A_6 : vector<16xf32>
        %exp3A = math.exp %sub3A_554 : vector<16xf32>
        %swap3A = arith.index_cast %scan3A_537 : i32 to index
        %swap3A_555 = arith.constant 0 : index
        %swap3A_556 = tpu.vector_load %arg21[%swap3A, %swap3A_555] {strides = array<i32>} : memref<128x16xf32, #tpu.memory_space<vmem>>, vector<1x16xf32>,
        %swap3A_557 = vector.shape_cast %swap3A_556 : vector<1x16xf32> to vector<16xf32>
        %swap3A_558 = vector.shape_cast %exp3A : vector<16xf32> to vector<1x16xf32>
        tpu.vector_store %arg21[%swap3A, %swap3A_555], %swap3A_558 {strides = array<i32>} : memref<128x16xf32, #tpu.memory_space<vmem>>, vector<1x16xf32>,
        %lt3A = arith.constant 0 : i32
        %lt3A_559 = vector.broadcast %lt3A : i32 to vector<16xi32>
        %lt3A_560 = arith.cmpi slt, %broadcast_in_dim3A_7, %lt3A_559 : vector<16xi32>
        %add3A_561 = arith.constant 16 : i32
        %add3A_562 = vector.broadcast %add3A_561 : i32 to vector<16xi32>
        %add3A_563 = arith.addi %broadcast_in_dim3A_7, %add3A_562 : vector<16xi32>
        %select_n3A_564 = arith.select %lt3A_560, %add3A_563, %broadcast_in_dim3A_7 : vector<16xi1>, vector<16xi32>
        %broadcast_in_dim3A_565 = vector.shape_cast %select_n3A_564 : vector<16xi32> to vector<16x1xi32>
        %gather3A = vector.shape_cast %broadcast_in_dim3A_565 : vector<16x1xi32> to vector<16xi32>
        %gather3A_566 = tpu.dynamic_gather %exp3A[%gather3A] in [0] : vector<16xf32>, vector<16xi32> -> vector<16xf32>
        %get3A_567 = arith.index_cast %scan3A_537 : i32 to index
        %get3A_568 = arith.constant 0 : index
        %get3A_569 = tpu.vector_load %arg20[%get3A_567, %get3A_568] {strides = array<i32>} : memref<128x64xf32, #tpu.memory_space<vmem>>, vector<1x16xf32>,
        %get3A_570 = vector.shape_cast %get3A_569 : vector<1x16xf32> to vector<16xf32>
        %mul3A_571 = arith.mulf %get3A_570, %gather3A_566 : vector<16xf32>
        %swap3A_572 = arith.index_cast %scan3A_537 : i32 to index
        %swap3A_573 = arith.constant 0 : index
        %swap3A_574 = tpu.vector_load %arg20[%swap3A_572, %swap3A_573] {strides = array<i32>} : memref<128x64xf32, #tpu.memory_space<vmem>>, vector<1x16xf32>,
        %swap3A_575 = vector.shape_cast %swap3A_574 : vector<1x16xf32> to vector<16xf32>
        %swap3A_576 = vector.shape_cast %mul3A_571 : vector<16xf32> to vector<1x16xf32>
        tpu.vector_store %arg20[%swap3A_572, %swap3A_573], %swap3A_576 {strides = array<i32>} : memref<128x64xf32, #tpu.memory_space<vmem>>, vector<1x16xf32>,
        %lt3A_577 = arith.constant 0 : i32
        %lt3A_578 = vector.broadcast %lt3A_577 : i32 to vector<16xi32>
        %lt3A_579 = arith.cmpi slt, %broadcast_in_dim3A_7, %lt3A_578 : vector<16xi32>
        %add3A_580 = arith.constant 16 : i32
        %add3A_581 = vector.broadcast %add3A_580 : i32 to vector<16xi32>
        %add3A_582 = arith.addi %broadcast_in_dim3A_7, %add3A_581 : vector<16xi32>
        %select_n3A_583 = arith.select %lt3A_579, %add3A_582, %broadcast_in_dim3A_7 : vector<16xi1>, vector<16xi32>
        %broadcast_in_dim3A_584 = vector.shape_cast %select_n3A_583 : vector<16xi32> to vector<16x1xi32>
        %gather3A_585 = vector.shape_cast %broadcast_in_dim3A_584 : vector<16x1xi32> to vector<16xi32>
        %gather3A_586 = tpu.dynamic_gather %exp3A[%gather3A_585] in [0] : vector<16xf32>, vector<16xi32> -> vector<16xf32>
        %get3A_587 = arith.index_cast %scan3A_537 : i32 to index
        %get3A_588 = arith.constant 16 : index
        %get3A_589 = tpu.vector_load %arg20[%get3A_587, %get3A_588] {strides = array<i32>} : memref<128x64xf32, #tpu.memory_space<vmem>>, vector<1x16xf32>,
        %get3A_590 = vector.shape_cast %get3A_589 : vector<1x16xf32> to vector<16xf32>
        %mul3A_591 = arith.mulf %get3A_590, %gather3A_586 : vector<16xf32>
        %swap3A_592 = arith.index_cast %scan3A_537 : i32 to index
        %swap3A_593 = arith.constant 16 : index
        %swap3A_594 = tpu.vector_load %arg20[%swap3A_592, %swap3A_593] {strides = array<i32>} : memref<128x64xf32, #tpu.memory_space<vmem>>, vector<1x16xf32>,
        %swap3A_595 = vector.shape_cast %swap3A_594 : vector<1x16xf32> to vector<16xf32>
        %swap3A_596 = vector.shape_cast %mul3A_591 : vector<16xf32> to vector<1x16xf32>
        tpu.vector_store %arg20[%swap3A_592, %swap3A_593], %swap3A_596 {strides = array<i32>} : memref<128x64xf32, #tpu.memory_space<vmem>>, vector<1x16xf32>,
        %lt3A_597 = arith.constant 0 : i32
        %lt3A_598 = vector.broadcast %lt3A_597 : i32 to vector<16xi32>
        %lt3A_599 = arith.cmpi slt, %broadcast_in_dim3A_7, %lt3A_598 : vector<16xi32>
        %add3A_600 = arith.constant 16 : i32
        %add3A_601 = vector.broadcast %add3A_600 : i32 to vector<16xi32>
        %add3A_602 = arith.addi %broadcast_in_dim3A_7, %add3A_601 : vector<16xi32>
        %select_n3A_603 = arith.select %lt3A_599, %add3A_602, %broadcast_in_dim3A_7 : vector<16xi1>, vector<16xi32>
        %broadcast_in_dim3A_604 = vector.shape_cast %select_n3A_603 : vector<16xi32> to vector<16x1xi32>
        %gather3A_605 = vector.shape_cast %broadcast_in_dim3A_604 : vector<16x1xi32> to vector<16xi32>
        %gather3A_606 = tpu.dynamic_gather %exp3A[%gather3A_605] in [0] : vector<16xf32>, vector<16xi32> -> vector<16xf32>
        %get3A_607 = arith.index_cast %scan3A_537 : i32 to index
        %get3A_608 = arith.constant 32 : index
        %get3A_609 = tpu.vector_load %arg20[%get3A_607, %get3A_608] {strides = array<i32>} : memref<128x64xf32, #tpu.memory_space<vmem>>, vector<1x16xf32>,
        %get3A_610 = vector.shape_cast %get3A_609 : vector<1x16xf32> to vector<16xf32>
        %mul3A_611 = arith.mulf %get3A_610, %gather3A_606 : vector<16xf32>
        %swap3A_612 = arith.index_cast %scan3A_537 : i32 to index
        %swap3A_613 = arith.constant 32 : index
        %swap3A_614 = tpu.vector_load %arg20[%swap3A_612, %swap3A_613] {strides = array<i32>} : memref<128x64xf32, #tpu.memory_space<vmem>>, vector<1x16xf32>,
        %swap3A_615 = vector.shape_cast %swap3A_614 : vector<1x16xf32> to vector<16xf32>
        %swap3A_616 = vector.shape_cast %mul3A_611 : vector<16xf32> to vector<1x16xf32>
        tpu.vector_store %arg20[%swap3A_612, %swap3A_613], %swap3A_616 {strides = array<i32>} : memref<128x64xf32, #tpu.memory_space<vmem>>, vector<1x16xf32>,
        %lt3A_617 = arith.constant 0 : i32
        %lt3A_618 = vector.broadcast %lt3A_617 : i32 to vector<16xi32>
        %lt3A_619 = arith.cmpi slt, %broadcast_in_dim3A_7, %lt3A_618 : vector<16xi32>
        %add3A_620 = arith.constant 16 : i32
        %add3A_621 = vector.broadcast %add3A_620 : i32 to vector<16xi32>
        %add3A_622 = arith.addi %broadcast_in_dim3A_7, %add3A_621 : vector<16xi32>
        %select_n3A_623 = arith.select %lt3A_619, %add3A_622, %broadcast_in_dim3A_7 : vector<16xi1>, vector<16xi32>
        %broadcast_in_dim3A_624 = vector.shape_cast %select_n3A_623 : vector<16xi32> to vector<16x1xi32>
        %gather3A_625 = vector.shape_cast %broadcast_in_dim3A_624 : vector<16x1xi32> to vector<16xi32>
        %gather3A_626 = tpu.dynamic_gather %exp3A[%gather3A_625] in [0] : vector<16xf32>, vector<16xi32> -> vector<16xf32>
        %get3A_627 = arith.index_cast %scan3A_537 : i32 to index
        %get3A_628 = arith.constant 48 : index
        %get3A_629 = tpu.vector_load %arg20[%get3A_627, %get3A_628] {strides = array<i32>} : memref<128x64xf32, #tpu.memory_space<vmem>>, vector<1x16xf32>,
        %get3A_630 = vector.shape_cast %get3A_629 : vector<1x16xf32> to vector<16xf32>
        %mul3A_631 = arith.mulf %get3A_630, %gather3A_626 : vector<16xf32>
        %swap3A_632 = arith.index_cast %scan3A_537 : i32 to index
        %swap3A_633 = arith.constant 48 : index
        %swap3A_634 = tpu.vector_load %arg20[%swap3A_632, %swap3A_633] {strides = array<i32>} : memref<128x64xf32, #tpu.memory_space<vmem>>, vector<1x16xf32>,
        %swap3A_635 = vector.shape_cast %swap3A_634 : vector<1x16xf32> to vector<16xf32>
        %swap3A_636 = vector.shape_cast %mul3A_631 : vector<16xf32> to vector<1x16xf32>
        tpu.vector_store %arg20[%swap3A_632, %swap3A_633], %swap3A_636 {strides = array<i32>} : memref<128x64xf32, #tpu.memory_space<vmem>>, vector<1x16xf32>,
        %scan3A_637 = arith.constant 0 : i32
        scf.yield %scan3A_637 : i32
      }
      %scan3A_332 = arith.constant 128 : i32
      %mul3A_333 = arith.constant 1 : i32
      %mul3A_334 = arith.muli %add3A_267, %mul3A_333 : i32
      %add3A_335 = arith.constant 0 : i32
      %add3A_336 = arith.addi %mul3A_334, %add3A_335 : i32
      %dma_start3A_337 = arith.constant 0 : i32
      %dma_start3A_338 = arith.constant 0 : i32
      %dma_start3A_339 = tpu.memref_slice %arg21[%dma_start3A_337, %dma_start3A_338] : memref<128x16xf32, #tpu.memory_space<vmem>> -> memref<128x16xf32, #tpu.memory_space<vmem>>
      %dma_start3A_340 = arith.constant 0 : i32
      %dma_start3A_341 = tpu.memref_slice %arg13[%add3A_336, %dma_start3A_340] : memref<83x128xi32, #tpu.memory_space<vmem>> -> memref<1x128xi32, #tpu.memory_space<vmem>>
      %dma_start3A_342 = tpu.memref_squeeze %dma_start3A_341 : memref<1x128xi32, #tpu.memory_space<vmem>> -> memref<128xi32, #tpu.memory_space<vmem>>
      %dma_start3A_343 = arith.constant 0 : i32
      %dma_start3A_344 = arith.constant 0 : i32
      %dma_start3A_345 = tpu.memref_slice %arg32[%dma_start3A_343, %dma_start3A_344] : memref<10112x16xf32, #tpu.memory_space<vmem_shared>> -> memref<10112x16xf32, #tpu.memory_space<vmem_shared>>
      tpu.enqueue_indirect_dma source(%dma_start3A_339 : memref<128x16xf32, #tpu.memory_space<vmem>>) target(%dma_start3A_345 : memref<10112x16xf32, #tpu.memory_space<vmem_shared>>) offsets(%dma_start3A_342 : memref<128xi32, #tpu.memory_space<vmem>>) semaphore(%arg34 : memref<!tpu.dma_semaphore, #tpu.memory_space<semaphore_mem>>) {add = true}
      %dma_start3A_346 = arith.constant 0 : i32
      %dma_start3A_347 = arith.constant 0 : i32
      %dma_start3A_348 = tpu.memref_slice %arg20[%dma_start3A_346, %dma_start3A_347] : memref<128x64xf32, #tpu.memory_space<vmem>> -> memref<128x64xf32, #tpu.memory_space<vmem>>
      %dma_start3A_349 = arith.constant 0 : i32
      %dma_start3A_350 = tpu.memref_slice %arg13[%add3A_336, %dma_start3A_349] : memref<83x128xi32, #tpu.memory_space<vmem>> -> memref<1x128xi32, #tpu.memory_space<vmem>>
      %dma_start3A_351 = tpu.memref_squeeze %dma_start3A_350 : memref<1x128xi32, #tpu.memory_space<vmem>> -> memref<128xi32, #tpu.memory_space<vmem>>
      %dma_start3A_352 = arith.constant 0 : i32
      %dma_start3A_353 = arith.constant 0 : i32
      %dma_start3A_354 = tpu.memref_slice %arg31[%dma_start3A_352, %dma_start3A_353] : memref<10112x64xf32, #tpu.memory_space<vmem_shared>> -> memref<10112x64xf32, #tpu.memory_space<vmem_shared>>
      tpu.enqueue_indirect_dma source(%dma_start3A_348 : memref<128x64xf32, #tpu.memory_space<vmem>>) target(%dma_start3A_354 : memref<10112x64xf32, #tpu.memory_space<vmem_shared>>) offsets(%dma_start3A_351 : memref<128xi32, #tpu.memory_space<vmem>>) semaphore(%arg34 : memref<!tpu.dma_semaphore, #tpu.memory_space<semaphore_mem>>) {add = true}
      %mul3A_355 = arith.constant 4 : i32
      %mul3A_356 = arith.muli %mul3A_355, %scan3A_176 : i32
      %add3A_357 = arith.constant 2 : i32
      %add3A_358 = arith.addi %mul3A_356, %add3A_357 : i32
      %dma_wait3A_359 = arith.constant 0 : i32
      %dma_wait3A_360 = arith.constant 0 : i32
      %dma_wait3A_361 = tpu.memref_slice %arg4[%dma_wait3A_359, %dma_wait3A_360] : memref<10112x16xf32, #tpu.memory_space<hbm>> -> memref<128x16xf32, #tpu.memory_space<hbm>>
      %dma_wait3A_362 = arith.constant 0 : i32
      %dma_wait3A_363 = arith.constant 0 : i32
      %dma_wait3A_364 = tpu.memref_slice %arg4[%dma_wait3A_362, %dma_wait3A_363] : memref<10112x16xf32, #tpu.memory_space<hbm>> -> memref<128x16xf32, #tpu.memory_space<hbm>>
      tpu.wait_dma2 semaphore(%arg33 : memref<!tpu.dma_semaphore, #tpu.memory_space<semaphore_mem>>) src(%dma_wait3A_364 : memref<128x16xf32, #tpu.memory_space<hbm>>) dst(%arg22 : memref<128x16xf32, #tpu.memory_space<vmem>>)
      %dma_wait3A_365 = arith.constant 0 : i32
      %dma_wait3A_366 = arith.constant 0 : i32
      %dma_wait3A_367 = tpu.memref_slice %arg4[%dma_wait3A_365, %dma_wait3A_366] : memref<10112x16xf32, #tpu.memory_space<hbm>> -> memref<128x16xf32, #tpu.memory_space<hbm>>
      %dma_wait3A_368 = arith.constant 0 : i32
      %dma_wait3A_369 = arith.constant 0 : i32
      %dma_wait3A_370 = tpu.memref_slice %arg4[%dma_wait3A_368, %dma_wait3A_369] : memref<10112x16xf32, #tpu.memory_space<hbm>> -> memref<128x16xf32, #tpu.memory_space<hbm>>
      tpu.wait_dma2 semaphore(%arg33 : memref<!tpu.dma_semaphore, #tpu.memory_space<semaphore_mem>>) src(%dma_wait3A_370 : memref<128x16xf32, #tpu.memory_space<hbm>>) dst(%arg23 : memref<128x16xf32, #tpu.memory_space<vmem>>)
      %dma_wait3A_371 = arith.constant 0 : i32
      %dma_wait3A_372 = arith.constant 0 : i32
      %dma_wait3A_373 = tpu.memref_slice %arg6[%dma_wait3A_371, %dma_wait3A_372] : memref<10112x64xf32, #tpu.memory_space<hbm>> -> memref<128x64xf32, #tpu.memory_space<hbm>>
      %dma_wait3A_374 = arith.constant 0 : i32
      %dma_wait3A_375 = arith.constant 0 : i32
      %dma_wait3A_376 = tpu.memref_slice %arg6[%dma_wait3A_374, %dma_wait3A_375] : memref<10112x64xf32, #tpu.memory_space<hbm>> -> memref<128x64xf32, #tpu.memory_space<hbm>>
      tpu.wait_dma2 semaphore(%arg33 : memref<!tpu.dma_semaphore, #tpu.memory_space<semaphore_mem>>) src(%dma_wait3A_376 : memref<128x64xf32, #tpu.memory_space<hbm>>) dst(%arg24 : memref<128x64xf32, #tpu.memory_space<vmem>>)
      %gt3A_377 = arith.constant 0 : i32
      %gt3A_378 = arith.cmpi sgt, %add3A_358, %gt3A_377 : i32
      %convert_element_type3A_379 = arith.extui %gt3A_378 : i1 to i32
      %cond3A_380 = arith.constant 0 : i32
      %cond3A_381 = arith.cmpi ne, %convert_element_type3A_379, %cond3A_380 : i32
      scf.if %cond3A_381 {
        %sub3A_537 = arith.constant 1 : i32
        %sub3A_538 = arith.subi %add3A_358, %sub3A_537 : i32
        %mul3A_539 = arith.constant 1 : i32
        %mul3A_540 = arith.muli %sub3A_538, %mul3A_539 : i32
        %add3A_541 = arith.constant 0 : i32
        %add3A_542 = arith.addi %mul3A_540, %add3A_541 : i32
        %dma_wait3A_543 = arith.constant 0 : i32
        %dma_wait3A_544 = arith.constant 0 : i32
        %dma_wait3A_545 = tpu.memref_slice %arg21[%dma_wait3A_543, %dma_wait3A_544] : memref<128x16xf32, #tpu.memory_space<vmem>> -> memref<128x16xf32, #tpu.memory_space<vmem>>
        %dma_wait3A_546 = arith.constant 0 : i32
        %dma_wait3A_547 = tpu.memref_slice %arg13[%add3A_542, %dma_wait3A_546] : memref<83x128xi32, #tpu.memory_space<vmem>> -> memref<1x128xi32, #tpu.memory_space<vmem>>
        %dma_wait3A_548 = tpu.memref_squeeze %dma_wait3A_547 : memref<1x128xi32, #tpu.memory_space<vmem>> -> memref<128xi32, #tpu.memory_space<vmem>>
        %dma_wait3A_549 = arith.constant 0 : i32
        %dma_wait3A_550 = arith.constant 0 : i32
        %dma_wait3A_551 = tpu.memref_slice %arg32[%dma_wait3A_549, %dma_wait3A_550] : memref<10112x16xf32, #tpu.memory_space<vmem_shared>> -> memref<10112x16xf32, #tpu.memory_space<vmem_shared>>
        tpu.wait_indirect_dma semaphore(%arg34 : memref<!tpu.dma_semaphore, #tpu.memory_space<semaphore_mem>>) src(%dma_wait3A_545 : memref<128x16xf32, #tpu.memory_space<vmem>>) dst(%dma_wait3A_551 : memref<10112x16xf32, #tpu.memory_space<vmem_shared>>)
        %dma_wait3A_552 = arith.constant 0 : i32
        %dma_wait3A_553 = arith.constant 0 : i32
        %dma_wait3A_554 = tpu.memref_slice %arg20[%dma_wait3A_552, %dma_wait3A_553] : memref<128x64xf32, #tpu.memory_space<vmem>> -> memref<128x64xf32, #tpu.memory_space<vmem>>
        %dma_wait3A_555 = arith.constant 0 : i32
        %dma_wait3A_556 = tpu.memref_slice %arg13[%add3A_542, %dma_wait3A_555] : memref<83x128xi32, #tpu.memory_space<vmem>> -> memref<1x128xi32, #tpu.memory_space<vmem>>
        %dma_wait3A_557 = tpu.memref_squeeze %dma_wait3A_556 : memref<1x128xi32, #tpu.memory_space<vmem>> -> memref<128xi32, #tpu.memory_space<vmem>>
        %dma_wait3A_558 = arith.constant 0 : i32
        %dma_wait3A_559 = arith.constant 0 : i32
        %dma_wait3A_560 = tpu.memref_slice %arg31[%dma_wait3A_558, %dma_wait3A_559] : memref<10112x64xf32, #tpu.memory_space<vmem_shared>> -> memref<10112x64xf32, #tpu.memory_space<vmem_shared>>
        tpu.wait_indirect_dma semaphore(%arg34 : memref<!tpu.dma_semaphore, #tpu.memory_space<semaphore_mem>>) src(%dma_wait3A_554 : memref<128x64xf32, #tpu.memory_space<vmem>>) dst(%dma_wait3A_560 : memref<10112x64xf32, #tpu.memory_space<vmem_shared>>)
      } else {
      }
      %add3A_382 = arith.constant 4 : i32
      %add3A_383 = arith.addi %add3A_358, %add3A_382 : i32
      %sub3A_384 = arith.constant 1 : i32
      %sub3A_385 = arith.subi %add3A_383, %sub3A_384 : i32
      %mul3A_386 = arith.constant 1 : i32
      %mul3A_387 = arith.muli %sub3A_385, %mul3A_386 : i32
      %add3A_388 = arith.constant 0 : i32
      %add3A_389 = arith.addi %mul3A_387, %add3A_388 : i32
      %dma_start3A_390 = arith.constant 0 : i32
      %dma_start3A_391 = arith.constant 0 : i32
      %dma_start3A_392 = tpu.memref_slice %arg18[%dma_start3A_390, %dma_start3A_391] : memref<128x16xf32, #tpu.memory_space<vmem>> -> memref<128x16xf32, #tpu.memory_space<vmem>>
      %dma_start3A_393 = arith.constant 0 : i32
      %dma_start3A_394 = tpu.memref_slice %arg12[%add3A_389, %dma_start3A_393] : memref<83x128xi32, #tpu.memory_space<vmem>> -> memref<1x128xi32, #tpu.memory_space<vmem>>
      %dma_start3A_395 = tpu.memref_squeeze %dma_start3A_394 : memref<1x128xi32, #tpu.memory_space<vmem>> -> memref<128xi32, #tpu.memory_space<vmem>>
      %dma_start3A_396 = arith.constant 0 : i32
      %dma_start3A_397 = arith.constant 0 : i32
      %dma_start3A_398 = tpu.memref_slice %arg4[%dma_start3A_396, %dma_start3A_397] : memref<10112x16xf32, #tpu.memory_space<hbm>> -> memref<10112x16xf32, #tpu.memory_space<hbm>>
      tpu.enqueue_indirect_dma source(%dma_start3A_398 : memref<10112x16xf32, #tpu.memory_space<hbm>>) target(%dma_start3A_392 : memref<128x16xf32, #tpu.memory_space<vmem>>) offsets(%dma_start3A_395 : memref<128xi32, #tpu.memory_space<vmem>>) semaphore(%arg33 : memref<!tpu.dma_semaphore, #tpu.memory_space<semaphore_mem>>)
      %dma_start3A_399 = arith.constant 0 : i32
      %dma_start3A_400 = arith.constant 0 : i32
      %dma_start3A_401 = tpu.memref_slice %arg19[%dma_start3A_399, %dma_start3A_400] : memref<128x16xf32, #tpu.memory_space<vmem>> -> memref<128x16xf32, #tpu.memory_space<vmem>>
      %dma_start3A_402 = arith.constant 0 : i32
      %dma_start3A_403 = tpu.memref_slice %arg13[%add3A_389, %dma_start3A_402] : memref<83x128xi32, #tpu.memory_space<vmem>> -> memref<1x128xi32, #tpu.memory_space<vmem>>
      %dma_start3A_404 = tpu.memref_squeeze %dma_start3A_403 : memref<1x128xi32, #tpu.memory_space<vmem>> -> memref<128xi32, #tpu.memory_space<vmem>>
      %dma_start3A_405 = arith.constant 0 : i32
      %dma_start3A_406 = arith.constant 0 : i32
      %dma_start3A_407 = tpu.memref_slice %arg5[%dma_start3A_405, %dma_start3A_406] : memref<10112x16xf32, #tpu.memory_space<hbm>> -> memref<10112x16xf32, #tpu.memory_space<hbm>>
      tpu.enqueue_indirect_dma source(%dma_start3A_407 : memref<10112x16xf32, #tpu.memory_space<hbm>>) target(%dma_start3A_401 : memref<128x16xf32, #tpu.memory_space<vmem>>) offsets(%dma_start3A_404 : memref<128xi32, #tpu.memory_space<vmem>>) semaphore(%arg33 : memref<!tpu.dma_semaphore, #tpu.memory_space<semaphore_mem>>)
      %dma_start3A_408 = arith.constant 0 : i32
      %dma_start3A_409 = arith.constant 0 : i32
      %dma_start3A_410 = tpu.memref_slice %arg20[%dma_start3A_408, %dma_start3A_409] : memref<128x64xf32, #tpu.memory_space<vmem>> -> memref<128x64xf32, #tpu.memory_space<vmem>>
      %dma_start3A_411 = arith.constant 0 : i32
      %dma_start3A_412 = tpu.memref_slice %arg12[%add3A_389, %dma_start3A_411] : memref<83x128xi32, #tpu.memory_space<vmem>> -> memref<1x128xi32, #tpu.memory_space<vmem>>
      %dma_start3A_413 = tpu.memref_squeeze %dma_start3A_412 : memref<1x128xi32, #tpu.memory_space<vmem>> -> memref<128xi32, #tpu.memory_space<vmem>>
      %dma_start3A_414 = arith.constant 0 : i32
      %dma_start3A_415 = arith.constant 0 : i32
      %dma_start3A_416 = tpu.memref_slice %arg6[%dma_start3A_414, %dma_start3A_415] : memref<10112x64xf32, #tpu.memory_space<hbm>> -> memref<10112x64xf32, #tpu.memory_space<hbm>>
      tpu.enqueue_indirect_dma source(%dma_start3A_416 : memref<10112x64xf32, #tpu.memory_space<hbm>>) target(%dma_start3A_410 : memref<128x64xf32, #tpu.memory_space<vmem>>) offsets(%dma_start3A_413 : memref<128xi32, #tpu.memory_space<vmem>>) semaphore(%arg33 : memref<!tpu.dma_semaphore, #tpu.memory_space<semaphore_mem>>)
      %scan3A_417 = arith.constant 0 : i32
      %scan3A_418 = arith.constant 0 : i32
      %scan3A_419 = arith.constant 128 : i32
      %scan3A_420 = arith.addi %scan3A_418, %scan3A_419 : i32
      %scan3A_421 = arith.constant 1 : i32
      %scan3A_422 = scf.for %scan3A_537 = %scan3A_418 to %scan3A_420 step %scan3A_421 iter_args(%scan3A_538 = %scan3A_417) -> (i32)  : i32 {
        %get3A_539 = arith.index_cast %scan3A_537 : i32 to index
        %get3A_540 = arith.constant 0 : index
        %get3A_541 = tpu.vector_load %arg22[%get3A_539, %get3A_540] {strides = array<i32>} : memref<128x16xf32, #tpu.memory_space<vmem>>, vector<1x16xf32>,
        %get3A_542 = vector.shape_cast %get3A_541 : vector<1x16xf32> to vector<16xf32>
        %get3A_543 = arith.index_cast %scan3A_537 : i32 to index
        %get3A_544 = arith.constant 0 : index
        %get3A_545 = tpu.vector_load %arg23[%get3A_543, %get3A_544] {strides = array<i32>} : memref<128x16xf32, #tpu.memory_space<vmem>>, vector<1x16xf32>,
        %get3A_546 = vector.shape_cast %get3A_545 : vector<1x16xf32> to vector<16xf32>
        %add3A_547 = arith.addf %get3A_542, %get3A_546 : vector<16xf32>
        %gt3A_548 = arith.constant 0.000000e+00 : f32
        %gt3A_549 = vector.broadcast %gt3A_548 : f32 to vector<16xf32>
        %gt3A_550 = arith.cmpf ogt, %add3A_547, %gt3A_549 : vector<16xf32>
        %mul3A_551 = arith.constant 2.000000e-01 : f32
        %mul3A_552 = vector.broadcast %mul3A_551 : f32 to vector<16xf32>
        %mul3A_553 = arith.mulf %mul3A_552, %add3A_547 : vector<16xf32>
        %select_n3A = arith.select %gt3A_550, %add3A_547, %mul3A_553 : vector<16xi1>, vector<16xf32>
        %sub3A_554 = arith.subf %select_n3A, %get3A_6 : vector<16xf32>
        %exp3A = math.exp %sub3A_554 : vector<16xf32>
        %swap3A = arith.index_cast %scan3A_537 : i32 to index
        %swap3A_555 = arith.constant 0 : index
        %swap3A_556 = tpu.vector_load %arg25[%swap3A, %swap3A_555] {strides = array<i32>} : memref<128x16xf32, #tpu.memory_space<vmem>>, vector<1x16xf32>,
        %swap3A_557 = vector.shape_cast %swap3A_556 : vector<1x16xf32> to vector<16xf32>
        %swap3A_558 = vector.shape_cast %exp3A : vector<16xf32> to vector<1x16xf32>
        tpu.vector_store %arg25[%swap3A, %swap3A_555], %swap3A_558 {strides = array<i32>} : memref<128x16xf32, #tpu.memory_space<vmem>>, vector<1x16xf32>,
        %lt3A = arith.constant 0 : i32
        %lt3A_559 = vector.broadcast %lt3A : i32 to vector<16xi32>
        %lt3A_560 = arith.cmpi slt, %broadcast_in_dim3A_7, %lt3A_559 : vector<16xi32>
        %add3A_561 = arith.constant 16 : i32
        %add3A_562 = vector.broadcast %add3A_561 : i32 to vector<16xi32>
        %add3A_563 = arith.addi %broadcast_in_dim3A_7, %add3A_562 : vector<16xi32>
        %select_n3A_564 = arith.select %lt3A_560, %add3A_563, %broadcast_in_dim3A_7 : vector<16xi1>, vector<16xi32>
        %broadcast_in_dim3A_565 = vector.shape_cast %select_n3A_564 : vector<16xi32> to vector<16x1xi32>
        %gather3A = vector.shape_cast %broadcast_in_dim3A_565 : vector<16x1xi32> to vector<16xi32>
        %gather3A_566 = tpu.dynamic_gather %exp3A[%gather3A] in [0] : vector<16xf32>, vector<16xi32> -> vector<16xf32>
        %get3A_567 = arith.index_cast %scan3A_537 : i32 to index
        %get3A_568 = arith.constant 0 : index
        %get3A_569 = tpu.vector_load %arg24[%get3A_567, %get3A_568] {strides = array<i32>} : memref<128x64xf32, #tpu.memory_space<vmem>>, vector<1x16xf32>,
        %get3A_570 = vector.shape_cast %get3A_569 : vector<1x16xf32> to vector<16xf32>
        %mul3A_571 = arith.mulf %get3A_570, %gather3A_566 : vector<16xf32>
        %swap3A_572 = arith.index_cast %scan3A_537 : i32 to index
        %swap3A_573 = arith.constant 0 : index
        %swap3A_574 = tpu.vector_load %arg24[%swap3A_572, %swap3A_573] {strides = array<i32>} : memref<128x64xf32, #tpu.memory_space<vmem>>, vector<1x16xf32>,
        %swap3A_575 = vector.shape_cast %swap3A_574 : vector<1x16xf32> to vector<16xf32>
        %swap3A_576 = vector.shape_cast %mul3A_571 : vector<16xf32> to vector<1x16xf32>
        tpu.vector_store %arg24[%swap3A_572, %swap3A_573], %swap3A_576 {strides = array<i32>} : memref<128x64xf32, #tpu.memory_space<vmem>>, vector<1x16xf32>,
        %lt3A_577 = arith.constant 0 : i32
        %lt3A_578 = vector.broadcast %lt3A_577 : i32 to vector<16xi32>
        %lt3A_579 = arith.cmpi slt, %broadcast_in_dim3A_7, %lt3A_578 : vector<16xi32>
        %add3A_580 = arith.constant 16 : i32
        %add3A_581 = vector.broadcast %add3A_580 : i32 to vector<16xi32>
        %add3A_582 = arith.addi %broadcast_in_dim3A_7, %add3A_581 : vector<16xi32>
        %select_n3A_583 = arith.select %lt3A_579, %add3A_582, %broadcast_in_dim3A_7 : vector<16xi1>, vector<16xi32>
        %broadcast_in_dim3A_584 = vector.shape_cast %select_n3A_583 : vector<16xi32> to vector<16x1xi32>
        %gather3A_585 = vector.shape_cast %broadcast_in_dim3A_584 : vector<16x1xi32> to vector<16xi32>
        %gather3A_586 = tpu.dynamic_gather %exp3A[%gather3A_585] in [0] : vector<16xf32>, vector<16xi32> -> vector<16xf32>
        %get3A_587 = arith.index_cast %scan3A_537 : i32 to index
        %get3A_588 = arith.constant 16 : index
        %get3A_589 = tpu.vector_load %arg24[%get3A_587, %get3A_588] {strides = array<i32>} : memref<128x64xf32, #tpu.memory_space<vmem>>, vector<1x16xf32>,
        %get3A_590 = vector.shape_cast %get3A_589 : vector<1x16xf32> to vector<16xf32>
        %mul3A_591 = arith.mulf %get3A_590, %gather3A_586 : vector<16xf32>
        %swap3A_592 = arith.index_cast %scan3A_537 : i32 to index
        %swap3A_593 = arith.constant 16 : index
        %swap3A_594 = tpu.vector_load %arg24[%swap3A_592, %swap3A_593] {strides = array<i32>} : memref<128x64xf32, #tpu.memory_space<vmem>>, vector<1x16xf32>,
        %swap3A_595 = vector.shape_cast %swap3A_594 : vector<1x16xf32> to vector<16xf32>
        %swap3A_596 = vector.shape_cast %mul3A_591 : vector<16xf32> to vector<1x16xf32>
        tpu.vector_store %arg24[%swap3A_592, %swap3A_593], %swap3A_596 {strides = array<i32>} : memref<128x64xf32, #tpu.memory_space<vmem>>, vector<1x16xf32>,
        %lt3A_597 = arith.constant 0 : i32
        %lt3A_598 = vector.broadcast %lt3A_597 : i32 to vector<16xi32>
        %lt3A_599 = arith.cmpi slt, %broadcast_in_dim3A_7, %lt3A_598 : vector<16xi32>
        %add3A_600 = arith.constant 16 : i32
        %add3A_601 = vector.broadcast %add3A_600 : i32 to vector<16xi32>
        %add3A_602 = arith.addi %broadcast_in_dim3A_7, %add3A_601 : vector<16xi32>
        %select_n3A_603 = arith.select %lt3A_599, %add3A_602, %broadcast_in_dim3A_7 : vector<16xi1>, vector<16xi32>
        %broadcast_in_dim3A_604 = vector.shape_cast %select_n3A_603 : vector<16xi32> to vector<16x1xi32>
        %gather3A_605 = vector.shape_cast %broadcast_in_dim3A_604 : vector<16x1xi32> to vector<16xi32>
        %gather3A_606 = tpu.dynamic_gather %exp3A[%gather3A_605] in [0] : vector<16xf32>, vector<16xi32> -> vector<16xf32>
        %get3A_607 = arith.index_cast %scan3A_537 : i32 to index
        %get3A_608 = arith.constant 32 : index
        %get3A_609 = tpu.vector_load %arg24[%get3A_607, %get3A_608] {strides = array<i32>} : memref<128x64xf32, #tpu.memory_space<vmem>>, vector<1x16xf32>,
        %get3A_610 = vector.shape_cast %get3A_609 : vector<1x16xf32> to vector<16xf32>
        %mul3A_611 = arith.mulf %get3A_610, %gather3A_606 : vector<16xf32>
        %swap3A_612 = arith.index_cast %scan3A_537 : i32 to index
        %swap3A_613 = arith.constant 32 : index
        %swap3A_614 = tpu.vector_load %arg24[%swap3A_612, %swap3A_613] {strides = array<i32>} : memref<128x64xf32, #tpu.memory_space<vmem>>, vector<1x16xf32>,
        %swap3A_615 = vector.shape_cast %swap3A_614 : vector<1x16xf32> to vector<16xf32>
        %swap3A_616 = vector.shape_cast %mul3A_611 : vector<16xf32> to vector<1x16xf32>
        tpu.vector_store %arg24[%swap3A_612, %swap3A_613], %swap3A_616 {strides = array<i32>} : memref<128x64xf32, #tpu.memory_space<vmem>>, vector<1x16xf32>,
        %lt3A_617 = arith.constant 0 : i32
        %lt3A_618 = vector.broadcast %lt3A_617 : i32 to vector<16xi32>
        %lt3A_619 = arith.cmpi slt, %broadcast_in_dim3A_7, %lt3A_618 : vector<16xi32>
        %add3A_620 = arith.constant 16 : i32
        %add3A_621 = vector.broadcast %add3A_620 : i32 to vector<16xi32>
        %add3A_622 = arith.addi %broadcast_in_dim3A_7, %add3A_621 : vector<16xi32>
        %select_n3A_623 = arith.select %lt3A_619, %add3A_622, %broadcast_in_dim3A_7 : vector<16xi1>, vector<16xi32>
        %broadcast_in_dim3A_624 = vector.shape_cast %select_n3A_623 : vector<16xi32> to vector<16x1xi32>
        %gather3A_625 = vector.shape_cast %broadcast_in_dim3A_624 : vector<16x1xi32> to vector<16xi32>
        %gather3A_626 = tpu.dynamic_gather %exp3A[%gather3A_625] in [0] : vector<16xf32>, vector<16xi32> -> vector<16xf32>
        %get3A_627 = arith.index_cast %scan3A_537 : i32 to index
        %get3A_628 = arith.constant 48 : index
        %get3A_629 = tpu.vector_load %arg24[%get3A_627, %get3A_628] {strides = array<i32>} : memref<128x64xf32, #tpu.memory_space<vmem>>, vector<1x16xf32>,
        %get3A_630 = vector.shape_cast %get3A_629 : vector<1x16xf32> to vector<16xf32>
        %mul3A_631 = arith.mulf %get3A_630, %gather3A_626 : vector<16xf32>
        %swap3A_632 = arith.index_cast %scan3A_537 : i32 to index
        %swap3A_633 = arith.constant 48 : index
        %swap3A_634 = tpu.vector_load %arg24[%swap3A_632, %swap3A_633] {strides = array<i32>} : memref<128x64xf32, #tpu.memory_space<vmem>>, vector<1x16xf32>,
        %swap3A_635 = vector.shape_cast %swap3A_634 : vector<1x16xf32> to vector<16xf32>
        %swap3A_636 = vector.shape_cast %mul3A_631 : vector<16xf32> to vector<1x16xf32>
        tpu.vector_store %arg24[%swap3A_632, %swap3A_633], %swap3A_636 {strides = array<i32>} : memref<128x64xf32, #tpu.memory_space<vmem>>, vector<1x16xf32>,
        %scan3A_637 = arith.constant 0 : i32
        scf.yield %scan3A_637 : i32
      }
      %scan3A_423 = arith.constant 128 : i32
      %mul3A_424 = arith.constant 1 : i32
      %mul3A_425 = arith.muli %add3A_358, %mul3A_424 : i32
      %add3A_426 = arith.constant 0 : i32
      %add3A_427 = arith.addi %mul3A_425, %add3A_426 : i32
      %dma_start3A_428 = arith.constant 0 : i32
      %dma_start3A_429 = arith.constant 0 : i32
      %dma_start3A_430 = tpu.memref_slice %arg25[%dma_start3A_428, %dma_start3A_429] : memref<128x16xf32, #tpu.memory_space<vmem>> -> memref<128x16xf32, #tpu.memory_space<vmem>>
      %dma_start3A_431 = arith.constant 0 : i32
      %dma_start3A_432 = tpu.memref_slice %arg13[%add3A_427, %dma_start3A_431] : memref<83x128xi32, #tpu.memory_space<vmem>> -> memref<1x128xi32, #tpu.memory_space<vmem>>
      %dma_start3A_433 = tpu.memref_squeeze %dma_start3A_432 : memref<1x128xi32, #tpu.memory_space<vmem>> -> memref<128xi32, #tpu.memory_space<vmem>>
      %dma_start3A_434 = arith.constant 0 : i32
      %dma_start3A_435 = arith.constant 0 : i32
      %dma_start3A_436 = tpu.memref_slice %arg32[%dma_start3A_434, %dma_start3A_435] : memref<10112x16xf32, #tpu.memory_space<vmem_shared>> -> memref<10112x16xf32, #tpu.memory_space<vmem_shared>>
      tpu.enqueue_indirect_dma source(%dma_start3A_430 : memref<128x16xf32, #tpu.memory_space<vmem>>) target(%dma_start3A_436 : memref<10112x16xf32, #tpu.memory_space<vmem_shared>>) offsets(%dma_start3A_433 : memref<128xi32, #tpu.memory_space<vmem>>) semaphore(%arg34 : memref<!tpu.dma_semaphore, #tpu.memory_space<semaphore_mem>>) {add = true}
      %dma_start3A_437 = arith.constant 0 : i32
      %dma_start3A_438 = arith.constant 0 : i32
      %dma_start3A_439 = tpu.memref_slice %arg24[%dma_start3A_437, %dma_start3A_438] : memref<128x64xf32, #tpu.memory_space<vmem>> -> memref<128x64xf32, #tpu.memory_space<vmem>>
      %dma_start3A_440 = arith.constant 0 : i32
      %dma_start3A_441 = tpu.memref_slice %arg13[%add3A_427, %dma_start3A_440] : memref<83x128xi32, #tpu.memory_space<vmem>> -> memref<1x128xi32, #tpu.memory_space<vmem>>
      %dma_start3A_442 = tpu.memref_squeeze %dma_start3A_441 : memref<1x128xi32, #tpu.memory_space<vmem>> -> memref<128xi32, #tpu.memory_space<vmem>>
      %dma_start3A_443 = arith.constant 0 : i32
      %dma_start3A_444 = arith.constant 0 : i32
      %dma_start3A_445 = tpu.memref_slice %arg31[%dma_start3A_443, %dma_start3A_444] : memref<10112x64xf32, #tpu.memory_space<vmem_shared>> -> memref<10112x64xf32, #tpu.memory_space<vmem_shared>>
      tpu.enqueue_indirect_dma source(%dma_start3A_439 : memref<128x64xf32, #tpu.memory_space<vmem>>) target(%dma_start3A_445 : memref<10112x64xf32, #tpu.memory_space<vmem_shared>>) offsets(%dma_start3A_442 : memref<128xi32, #tpu.memory_space<vmem>>) semaphore(%arg34 : memref<!tpu.dma_semaphore, #tpu.memory_space<semaphore_mem>>) {add = true}
      %mul3A_446 = arith.constant 4 : i32
      %mul3A_447 = arith.muli %mul3A_446, %scan3A_176 : i32
      %add3A_448 = arith.constant 3 : i32
      %add3A_449 = arith.addi %mul3A_447, %add3A_448 : i32
      %dma_wait3A_450 = arith.constant 0 : i32
      %dma_wait3A_451 = arith.constant 0 : i32
      %dma_wait3A_452 = tpu.memref_slice %arg4[%dma_wait3A_450, %dma_wait3A_451] : memref<10112x16xf32, #tpu.memory_space<hbm>> -> memref<128x16xf32, #tpu.memory_space<hbm>>
      %dma_wait3A_453 = arith.constant 0 : i32
      %dma_wait3A_454 = arith.constant 0 : i32
      %dma_wait3A_455 = tpu.memref_slice %arg4[%dma_wait3A_453, %dma_wait3A_454] : memref<10112x16xf32, #tpu.memory_space<hbm>> -> memref<128x16xf32, #tpu.memory_space<hbm>>
      tpu.wait_dma2 semaphore(%arg33 : memref<!tpu.dma_semaphore, #tpu.memory_space<semaphore_mem>>) src(%dma_wait3A_455 : memref<128x16xf32, #tpu.memory_space<hbm>>) dst(%arg26 : memref<128x16xf32, #tpu.memory_space<vmem>>)
      %dma_wait3A_456 = arith.constant 0 : i32
      %dma_wait3A_457 = arith.constant 0 : i32
      %dma_wait3A_458 = tpu.memref_slice %arg4[%dma_wait3A_456, %dma_wait3A_457] : memref<10112x16xf32, #tpu.memory_space<hbm>> -> memref<128x16xf32, #tpu.memory_space<hbm>>
      %dma_wait3A_459 = arith.constant 0 : i32
      %dma_wait3A_460 = arith.constant 0 : i32
      %dma_wait3A_461 = tpu.memref_slice %arg4[%dma_wait3A_459, %dma_wait3A_460] : memref<10112x16xf32, #tpu.memory_space<hbm>> -> memref<128x16xf32, #tpu.memory_space<hbm>>
      tpu.wait_dma2 semaphore(%arg33 : memref<!tpu.dma_semaphore, #tpu.memory_space<semaphore_mem>>) src(%dma_wait3A_461 : memref<128x16xf32, #tpu.memory_space<hbm>>) dst(%arg27 : memref<128x16xf32, #tpu.memory_space<vmem>>)
      %dma_wait3A_462 = arith.constant 0 : i32
      %dma_wait3A_463 = arith.constant 0 : i32
      %dma_wait3A_464 = tpu.memref_slice %arg6[%dma_wait3A_462, %dma_wait3A_463] : memref<10112x64xf32, #tpu.memory_space<hbm>> -> memref<128x64xf32, #tpu.memory_space<hbm>>
      %dma_wait3A_465 = arith.constant 0 : i32
      %dma_wait3A_466 = arith.constant 0 : i32
      %dma_wait3A_467 = tpu.memref_slice %arg6[%dma_wait3A_465, %dma_wait3A_466] : memref<10112x64xf32, #tpu.memory_space<hbm>> -> memref<128x64xf32, #tpu.memory_space<hbm>>
      tpu.wait_dma2 semaphore(%arg33 : memref<!tpu.dma_semaphore, #tpu.memory_space<semaphore_mem>>) src(%dma_wait3A_467 : memref<128x64xf32, #tpu.memory_space<hbm>>) dst(%arg28 : memref<128x64xf32, #tpu.memory_space<vmem>>)
      %gt3A_468 = arith.constant 0 : i32
      %gt3A_469 = arith.cmpi sgt, %add3A_449, %gt3A_468 : i32
      %convert_element_type3A_470 = arith.extui %gt3A_469 : i1 to i32
      %cond3A_471 = arith.constant 0 : i32
      %cond3A_472 = arith.cmpi ne, %convert_element_type3A_470, %cond3A_471 : i32
      scf.if %cond3A_472 {
        %sub3A_537 = arith.constant 1 : i32
        %sub3A_538 = arith.subi %add3A_449, %sub3A_537 : i32
        %mul3A_539 = arith.constant 1 : i32
        %mul3A_540 = arith.muli %sub3A_538, %mul3A_539 : i32
        %add3A_541 = arith.constant 0 : i32
        %add3A_542 = arith.addi %mul3A_540, %add3A_541 : i32
        %dma_wait3A_543 = arith.constant 0 : i32
        %dma_wait3A_544 = arith.constant 0 : i32
        %dma_wait3A_545 = tpu.memref_slice %arg25[%dma_wait3A_543, %dma_wait3A_544] : memref<128x16xf32, #tpu.memory_space<vmem>> -> memref<128x16xf32, #tpu.memory_space<vmem>>
        %dma_wait3A_546 = arith.constant 0 : i32
        %dma_wait3A_547 = tpu.memref_slice %arg13[%add3A_542, %dma_wait3A_546] : memref<83x128xi32, #tpu.memory_space<vmem>> -> memref<1x128xi32, #tpu.memory_space<vmem>>
        %dma_wait3A_548 = tpu.memref_squeeze %dma_wait3A_547 : memref<1x128xi32, #tpu.memory_space<vmem>> -> memref<128xi32, #tpu.memory_space<vmem>>
        %dma_wait3A_549 = arith.constant 0 : i32
        %dma_wait3A_550 = arith.constant 0 : i32
        %dma_wait3A_551 = tpu.memref_slice %arg32[%dma_wait3A_549, %dma_wait3A_550] : memref<10112x16xf32, #tpu.memory_space<vmem_shared>> -> memref<10112x16xf32, #tpu.memory_space<vmem_shared>>
        tpu.wait_indirect_dma semaphore(%arg34 : memref<!tpu.dma_semaphore, #tpu.memory_space<semaphore_mem>>) src(%dma_wait3A_545 : memref<128x16xf32, #tpu.memory_space<vmem>>) dst(%dma_wait3A_551 : memref<10112x16xf32, #tpu.memory_space<vmem_shared>>)
        %dma_wait3A_552 = arith.constant 0 : i32
        %dma_wait3A_553 = arith.constant 0 : i32
        %dma_wait3A_554 = tpu.memref_slice %arg24[%dma_wait3A_552, %dma_wait3A_553] : memref<128x64xf32, #tpu.memory_space<vmem>> -> memref<128x64xf32, #tpu.memory_space<vmem>>
        %dma_wait3A_555 = arith.constant 0 : i32
        %dma_wait3A_556 = tpu.memref_slice %arg13[%add3A_542, %dma_wait3A_555] : memref<83x128xi32, #tpu.memory_space<vmem>> -> memref<1x128xi32, #tpu.memory_space<vmem>>
        %dma_wait3A_557 = tpu.memref_squeeze %dma_wait3A_556 : memref<1x128xi32, #tpu.memory_space<vmem>> -> memref<128xi32, #tpu.memory_space<vmem>>
        %dma_wait3A_558 = arith.constant 0 : i32
        %dma_wait3A_559 = arith.constant 0 : i32
        %dma_wait3A_560 = tpu.memref_slice %arg31[%dma_wait3A_558, %dma_wait3A_559] : memref<10112x64xf32, #tpu.memory_space<vmem_shared>> -> memref<10112x64xf32, #tpu.memory_space<vmem_shared>>
        tpu.wait_indirect_dma semaphore(%arg34 : memref<!tpu.dma_semaphore, #tpu.memory_space<semaphore_mem>>) src(%dma_wait3A_554 : memref<128x64xf32, #tpu.memory_space<vmem>>) dst(%dma_wait3A_560 : memref<10112x64xf32, #tpu.memory_space<vmem_shared>>)
      } else {
      }
      %add3A_473 = arith.constant 4 : i32
      %add3A_474 = arith.addi %add3A_449, %add3A_473 : i32
      %sub3A_475 = arith.constant 1 : i32
      %sub3A_476 = arith.subi %add3A_474, %sub3A_475 : i32
      %mul3A_477 = arith.constant 1 : i32
      %mul3A_478 = arith.muli %sub3A_476, %mul3A_477 : i32
      %add3A_479 = arith.constant 0 : i32
      %add3A_480 = arith.addi %mul3A_478, %add3A_479 : i32
      %dma_start3A_481 = arith.constant 0 : i32
      %dma_start3A_482 = arith.constant 0 : i32
      %dma_start3A_483 = tpu.memref_slice %arg22[%dma_start3A_481, %dma_start3A_482] : memref<128x16xf32, #tpu.memory_space<vmem>> -> memref<128x16xf32, #tpu.memory_space<vmem>>
      %dma_start3A_484 = arith.constant 0 : i32
      %dma_start3A_485 = tpu.memref_slice %arg12[%add3A_480, %dma_start3A_484] : memref<83x128xi32, #tpu.memory_space<vmem>> -> memref<1x128xi32, #tpu.memory_space<vmem>>
      %dma_start3A_486 = tpu.memref_squeeze %dma_start3A_485 : memref<1x128xi32, #tpu.memory_space<vmem>> -> memref<128xi32, #tpu.memory_space<vmem>>
      %dma_start3A_487 = arith.constant 0 : i32
      %dma_start3A_488 = arith.constant 0 : i32
      %dma_start3A_489 = tpu.memref_slice %arg4[%dma_start3A_487, %dma_start3A_488] : memref<10112x16xf32, #tpu.memory_space<hbm>> -> memref<10112x16xf32, #tpu.memory_space<hbm>>
      tpu.enqueue_indirect_dma source(%dma_start3A_489 : memref<10112x16xf32, #tpu.memory_space<hbm>>) target(%dma_start3A_483 : memref<128x16xf32, #tpu.memory_space<vmem>>) offsets(%dma_start3A_486 : memref<128xi32, #tpu.memory_space<vmem>>) semaphore(%arg33 : memref<!tpu.dma_semaphore, #tpu.memory_space<semaphore_mem>>)
      %dma_start3A_490 = arith.constant 0 : i32
      %dma_start3A_491 = arith.constant 0 : i32
      %dma_start3A_492 = tpu.memref_slice %arg23[%dma_start3A_490, %dma_start3A_491] : memref<128x16xf32, #tpu.memory_space<vmem>> -> memref<128x16xf32, #tpu.memory_space<vmem>>
      %dma_start3A_493 = arith.constant 0 : i32
      %dma_start3A_494 = tpu.memref_slice %arg13[%add3A_480, %dma_start3A_493] : memref<83x128xi32, #tpu.memory_space<vmem>> -> memref<1x128xi32, #tpu.memory_space<vmem>>
      %dma_start3A_495 = tpu.memref_squeeze %dma_start3A_494 : memref<1x128xi32, #tpu.memory_space<vmem>> -> memref<128xi32, #tpu.memory_space<vmem>>
      %dma_start3A_496 = arith.constant 0 : i32
      %dma_start3A_497 = arith.constant 0 : i32
      %dma_start3A_498 = tpu.memref_slice %arg5[%dma_start3A_496, %dma_start3A_497] : memref<10112x16xf32, #tpu.memory_space<hbm>> -> memref<10112x16xf32, #tpu.memory_space<hbm>>
      tpu.enqueue_indirect_dma source(%dma_start3A_498 : memref<10112x16xf32, #tpu.memory_space<hbm>>) target(%dma_start3A_492 : memref<128x16xf32, #tpu.memory_space<vmem>>) offsets(%dma_start3A_495 : memref<128xi32, #tpu.memory_space<vmem>>) semaphore(%arg33 : memref<!tpu.dma_semaphore, #tpu.memory_space<semaphore_mem>>)
      %dma_start3A_499 = arith.constant 0 : i32
      %dma_start3A_500 = arith.constant 0 : i32
      %dma_start3A_501 = tpu.memref_slice %arg24[%dma_start3A_499, %dma_start3A_500] : memref<128x64xf32, #tpu.memory_space<vmem>> -> memref<128x64xf32, #tpu.memory_space<vmem>>
      %dma_start3A_502 = arith.constant 0 : i32
      %dma_start3A_503 = tpu.memref_slice %arg12[%add3A_480, %dma_start3A_502] : memref<83x128xi32, #tpu.memory_space<vmem>> -> memref<1x128xi32, #tpu.memory_space<vmem>>
      %dma_start3A_504 = tpu.memref_squeeze %dma_start3A_503 : memref<1x128xi32, #tpu.memory_space<vmem>> -> memref<128xi32, #tpu.memory_space<vmem>>
      %dma_start3A_505 = arith.constant 0 : i32
      %dma_start3A_506 = arith.constant 0 : i32
      %dma_start3A_507 = tpu.memref_slice %arg6[%dma_start3A_505, %dma_start3A_506] : memref<10112x64xf32, #tpu.memory_space<hbm>> -> memref<10112x64xf32, #tpu.memory_space<hbm>>
      tpu.enqueue_indirect_dma source(%dma_start3A_507 : memref<10112x64xf32, #tpu.memory_space<hbm>>) target(%dma_start3A_501 : memref<128x64xf32, #tpu.memory_space<vmem>>) offsets(%dma_start3A_504 : memref<128xi32, #tpu.memory_space<vmem>>) semaphore(%arg33 : memref<!tpu.dma_semaphore, #tpu.memory_space<semaphore_mem>>)
      %scan3A_508 = arith.constant 0 : i32
      %scan3A_509 = arith.constant 0 : i32
      %scan3A_510 = arith.constant 128 : i32
      %scan3A_511 = arith.addi %scan3A_509, %scan3A_510 : i32
      %scan3A_512 = arith.constant 1 : i32
      %scan3A_513 = scf.for %scan3A_537 = %scan3A_509 to %scan3A_511 step %scan3A_512 iter_args(%scan3A_538 = %scan3A_508) -> (i32)  : i32 {
        %get3A_539 = arith.index_cast %scan3A_537 : i32 to index
        %get3A_540 = arith.constant 0 : index
        %get3A_541 = tpu.vector_load %arg26[%get3A_539, %get3A_540] {strides = array<i32>} : memref<128x16xf32, #tpu.memory_space<vmem>>, vector<1x16xf32>,
        %get3A_542 = vector.shape_cast %get3A_541 : vector<1x16xf32> to vector<16xf32>
        %get3A_543 = arith.index_cast %scan3A_537 : i32 to index
        %get3A_544 = arith.constant 0 : index
        %get3A_545 = tpu.vector_load %arg27[%get3A_543, %get3A_544] {strides = array<i32>} : memref<128x16xf32, #tpu.memory_space<vmem>>, vector<1x16xf32>,
        %get3A_546 = vector.shape_cast %get3A_545 : vector<1x16xf32> to vector<16xf32>
        %add3A_547 = arith.addf %get3A_542, %get3A_546 : vector<16xf32>
        %gt3A_548 = arith.constant 0.000000e+00 : f32
        %gt3A_549 = vector.broadcast %gt3A_548 : f32 to vector<16xf32>
        %gt3A_550 = arith.cmpf ogt, %add3A_547, %gt3A_549 : vector<16xf32>
        %mul3A_551 = arith.constant 2.000000e-01 : f32
        %mul3A_552 = vector.broadcast %mul3A_551 : f32 to vector<16xf32>
        %mul3A_553 = arith.mulf %mul3A_552, %add3A_547 : vector<16xf32>
        %select_n3A = arith.select %gt3A_550, %add3A_547, %mul3A_553 : vector<16xi1>, vector<16xf32>
        %sub3A_554 = arith.subf %select_n3A, %get3A_6 : vector<16xf32>
        %exp3A = math.exp %sub3A_554 : vector<16xf32>
        %swap3A = arith.index_cast %scan3A_537 : i32 to index
        %swap3A_555 = arith.constant 0 : index
        %swap3A_556 = tpu.vector_load %arg29[%swap3A, %swap3A_555] {strides = array<i32>} : memref<128x16xf32, #tpu.memory_space<vmem>>, vector<1x16xf32>,
        %swap3A_557 = vector.shape_cast %swap3A_556 : vector<1x16xf32> to vector<16xf32>
        %swap3A_558 = vector.shape_cast %exp3A : vector<16xf32> to vector<1x16xf32>
        tpu.vector_store %arg29[%swap3A, %swap3A_555], %swap3A_558 {strides = array<i32>} : memref<128x16xf32, #tpu.memory_space<vmem>>, vector<1x16xf32>,
        %lt3A = arith.constant 0 : i32
        %lt3A_559 = vector.broadcast %lt3A : i32 to vector<16xi32>
        %lt3A_560 = arith.cmpi slt, %broadcast_in_dim3A_7, %lt3A_559 : vector<16xi32>
        %add3A_561 = arith.constant 16 : i32
        %add3A_562 = vector.broadcast %add3A_561 : i32 to vector<16xi32>
        %add3A_563 = arith.addi %broadcast_in_dim3A_7, %add3A_562 : vector<16xi32>
        %select_n3A_564 = arith.select %lt3A_560, %add3A_563, %broadcast_in_dim3A_7 : vector<16xi1>, vector<16xi32>
        %broadcast_in_dim3A_565 = vector.shape_cast %select_n3A_564 : vector<16xi32> to vector<16x1xi32>
        %gather3A = vector.shape_cast %broadcast_in_dim3A_565 : vector<16x1xi32> to vector<16xi32>
        %gather3A_566 = tpu.dynamic_gather %exp3A[%gather3A] in [0] : vector<16xf32>, vector<16xi32> -> vector<16xf32>
        %get3A_567 = arith.index_cast %scan3A_537 : i32 to index
        %get3A_568 = arith.constant 0 : index
        %get3A_569 = tpu.vector_load %arg28[%get3A_567, %get3A_568] {strides = array<i32>} : memref<128x64xf32, #tpu.memory_space<vmem>>, vector<1x16xf32>,
        %get3A_570 = vector.shape_cast %get3A_569 : vector<1x16xf32> to vector<16xf32>
        %mul3A_571 = arith.mulf %get3A_570, %gather3A_566 : vector<16xf32>
        %swap3A_572 = arith.index_cast %scan3A_537 : i32 to index
        %swap3A_573 = arith.constant 0 : index
        %swap3A_574 = tpu.vector_load %arg28[%swap3A_572, %swap3A_573] {strides = array<i32>} : memref<128x64xf32, #tpu.memory_space<vmem>>, vector<1x16xf32>,
        %swap3A_575 = vector.shape_cast %swap3A_574 : vector<1x16xf32> to vector<16xf32>
        %swap3A_576 = vector.shape_cast %mul3A_571 : vector<16xf32> to vector<1x16xf32>
        tpu.vector_store %arg28[%swap3A_572, %swap3A_573], %swap3A_576 {strides = array<i32>} : memref<128x64xf32, #tpu.memory_space<vmem>>, vector<1x16xf32>,
        %lt3A_577 = arith.constant 0 : i32
        %lt3A_578 = vector.broadcast %lt3A_577 : i32 to vector<16xi32>
        %lt3A_579 = arith.cmpi slt, %broadcast_in_dim3A_7, %lt3A_578 : vector<16xi32>
        %add3A_580 = arith.constant 16 : i32
        %add3A_581 = vector.broadcast %add3A_580 : i32 to vector<16xi32>
        %add3A_582 = arith.addi %broadcast_in_dim3A_7, %add3A_581 : vector<16xi32>
        %select_n3A_583 = arith.select %lt3A_579, %add3A_582, %broadcast_in_dim3A_7 : vector<16xi1>, vector<16xi32>
        %broadcast_in_dim3A_584 = vector.shape_cast %select_n3A_583 : vector<16xi32> to vector<16x1xi32>
        %gather3A_585 = vector.shape_cast %broadcast_in_dim3A_584 : vector<16x1xi32> to vector<16xi32>
        %gather3A_586 = tpu.dynamic_gather %exp3A[%gather3A_585] in [0] : vector<16xf32>, vector<16xi32> -> vector<16xf32>
        %get3A_587 = arith.index_cast %scan3A_537 : i32 to index
        %get3A_588 = arith.constant 16 : index
        %get3A_589 = tpu.vector_load %arg28[%get3A_587, %get3A_588] {strides = array<i32>} : memref<128x64xf32, #tpu.memory_space<vmem>>, vector<1x16xf32>,
        %get3A_590 = vector.shape_cast %get3A_589 : vector<1x16xf32> to vector<16xf32>
        %mul3A_591 = arith.mulf %get3A_590, %gather3A_586 : vector<16xf32>
        %swap3A_592 = arith.index_cast %scan3A_537 : i32 to index
        %swap3A_593 = arith.constant 16 : index
        %swap3A_594 = tpu.vector_load %arg28[%swap3A_592, %swap3A_593] {strides = array<i32>} : memref<128x64xf32, #tpu.memory_space<vmem>>, vector<1x16xf32>,
        %swap3A_595 = vector.shape_cast %swap3A_594 : vector<1x16xf32> to vector<16xf32>
        %swap3A_596 = vector.shape_cast %mul3A_591 : vector<16xf32> to vector<1x16xf32>
        tpu.vector_store %arg28[%swap3A_592, %swap3A_593], %swap3A_596 {strides = array<i32>} : memref<128x64xf32, #tpu.memory_space<vmem>>, vector<1x16xf32>,
        %lt3A_597 = arith.constant 0 : i32
        %lt3A_598 = vector.broadcast %lt3A_597 : i32 to vector<16xi32>
        %lt3A_599 = arith.cmpi slt, %broadcast_in_dim3A_7, %lt3A_598 : vector<16xi32>
        %add3A_600 = arith.constant 16 : i32
        %add3A_601 = vector.broadcast %add3A_600 : i32 to vector<16xi32>
        %add3A_602 = arith.addi %broadcast_in_dim3A_7, %add3A_601 : vector<16xi32>
        %select_n3A_603 = arith.select %lt3A_599, %add3A_602, %broadcast_in_dim3A_7 : vector<16xi1>, vector<16xi32>
        %broadcast_in_dim3A_604 = vector.shape_cast %select_n3A_603 : vector<16xi32> to vector<16x1xi32>
        %gather3A_605 = vector.shape_cast %broadcast_in_dim3A_604 : vector<16x1xi32> to vector<16xi32>
        %gather3A_606 = tpu.dynamic_gather %exp3A[%gather3A_605] in [0] : vector<16xf32>, vector<16xi32> -> vector<16xf32>
        %get3A_607 = arith.index_cast %scan3A_537 : i32 to index
        %get3A_608 = arith.constant 32 : index
        %get3A_609 = tpu.vector_load %arg28[%get3A_607, %get3A_608] {strides = array<i32>} : memref<128x64xf32, #tpu.memory_space<vmem>>, vector<1x16xf32>,
        %get3A_610 = vector.shape_cast %get3A_609 : vector<1x16xf32> to vector<16xf32>
        %mul3A_611 = arith.mulf %get3A_610, %gather3A_606 : vector<16xf32>
        %swap3A_612 = arith.index_cast %scan3A_537 : i32 to index
        %swap3A_613 = arith.constant 32 : index
        %swap3A_614 = tpu.vector_load %arg28[%swap3A_612, %swap3A_613] {strides = array<i32>} : memref<128x64xf32, #tpu.memory_space<vmem>>, vector<1x16xf32>,
        %swap3A_615 = vector.shape_cast %swap3A_614 : vector<1x16xf32> to vector<16xf32>
        %swap3A_616 = vector.shape_cast %mul3A_611 : vector<16xf32> to vector<1x16xf32>
        tpu.vector_store %arg28[%swap3A_612, %swap3A_613], %swap3A_616 {strides = array<i32>} : memref<128x64xf32, #tpu.memory_space<vmem>>, vector<1x16xf32>,
        %lt3A_617 = arith.constant 0 : i32
        %lt3A_618 = vector.broadcast %lt3A_617 : i32 to vector<16xi32>
        %lt3A_619 = arith.cmpi slt, %broadcast_in_dim3A_7, %lt3A_618 : vector<16xi32>
        %add3A_620 = arith.constant 16 : i32
        %add3A_621 = vector.broadcast %add3A_620 : i32 to vector<16xi32>
        %add3A_622 = arith.addi %broadcast_in_dim3A_7, %add3A_621 : vector<16xi32>
        %select_n3A_623 = arith.select %lt3A_619, %add3A_622, %broadcast_in_dim3A_7 : vector<16xi1>, vector<16xi32>
        %broadcast_in_dim3A_624 = vector.shape_cast %select_n3A_623 : vector<16xi32> to vector<16x1xi32>
        %gather3A_625 = vector.shape_cast %broadcast_in_dim3A_624 : vector<16x1xi32> to vector<16xi32>
        %gather3A_626 = tpu.dynamic_gather %exp3A[%gather3A_625] in [0] : vector<16xf32>, vector<16xi32> -> vector<16xf32>
        %get3A_627 = arith.index_cast %scan3A_537 : i32 to index
        %get3A_628 = arith.constant 48 : index
        %get3A_629 = tpu.vector_load %arg28[%get3A_627, %get3A_628] {strides = array<i32>} : memref<128x64xf32, #tpu.memory_space<vmem>>, vector<1x16xf32>,
        %get3A_630 = vector.shape_cast %get3A_629 : vector<1x16xf32> to vector<16xf32>
        %mul3A_631 = arith.mulf %get3A_630, %gather3A_626 : vector<16xf32>
        %swap3A_632 = arith.index_cast %scan3A_537 : i32 to index
        %swap3A_633 = arith.constant 48 : index
        %swap3A_634 = tpu.vector_load %arg28[%swap3A_632, %swap3A_633] {strides = array<i32>} : memref<128x64xf32, #tpu.memory_space<vmem>>, vector<1x16xf32>,
        %swap3A_635 = vector.shape_cast %swap3A_634 : vector<1x16xf32> to vector<16xf32>
        %swap3A_636 = vector.shape_cast %mul3A_631 : vector<16xf32> to vector<1x16xf32>
        tpu.vector_store %arg28[%swap3A_632, %swap3A_633], %swap3A_636 {strides = array<i32>} : memref<128x64xf32, #tpu.memory_space<vmem>>, vector<1x16xf32>,
        %scan3A_637 = arith.constant 0 : i32
        scf.yield %scan3A_637 : i32
      }
      %scan3A_514 = arith.constant 128 : i32
      %mul3A_515 = arith.constant 1 : i32
      %mul3A_516 = arith.muli %add3A_449, %mul3A_515 : i32
      %add3A_517 = arith.constant 0 : i32
      %add3A_518 = arith.addi %mul3A_516, %add3A_517 : i32
      %dma_start3A_519 = arith.constant 0 : i32
      %dma_start3A_520 = arith.constant 0 : i32
      %dma_start3A_521 = tpu.memref_slice %arg29[%dma_start3A_519, %dma_start3A_520] : memref<128x16xf32, #tpu.memory_space<vmem>> -> memref<128x16xf32, #tpu.memory_space<vmem>>
      %dma_start3A_522 = arith.constant 0 : i32
      %dma_start3A_523 = tpu.memref_slice %arg13[%add3A_518, %dma_start3A_522] : memref<83x128xi32, #tpu.memory_space<vmem>> -> memref<1x128xi32, #tpu.memory_space<vmem>>
      %dma_start3A_524 = tpu.memref_squeeze %dma_start3A_523 : memref<1x128xi32, #tpu.memory_space<vmem>> -> memref<128xi32, #tpu.memory_space<vmem>>
      %dma_start3A_525 = arith.constant 0 : i32
      %dma_start3A_526 = arith.constant 0 : i32
      %dma_start3A_527 = tpu.memref_slice %arg32[%dma_start3A_525, %dma_start3A_526] : memref<10112x16xf32, #tpu.memory_space<vmem_shared>> -> memref<10112x16xf32, #tpu.memory_space<vmem_shared>>
      tpu.enqueue_indirect_dma source(%dma_start3A_521 : memref<128x16xf32, #tpu.memory_space<vmem>>) target(%dma_start3A_527 : memref<10112x16xf32, #tpu.memory_space<vmem_shared>>) offsets(%dma_start3A_524 : memref<128xi32, #tpu.memory_space<vmem>>) semaphore(%arg34 : memref<!tpu.dma_semaphore, #tpu.memory_space<semaphore_mem>>) {add = true}
      %dma_start3A_528 = arith.constant 0 : i32
      %dma_start3A_529 = arith.constant 0 : i32
      %dma_start3A_530 = tpu.memref_slice %arg28[%dma_start3A_528, %dma_start3A_529] : memref<128x64xf32, #tpu.memory_space<vmem>> -> memref<128x64xf32, #tpu.memory_space<vmem>>
      %dma_start3A_531 = arith.constant 0 : i32
      %dma_start3A_532 = tpu.memref_slice %arg13[%add3A_518, %dma_start3A_531] : memref<83x128xi32, #tpu.memory_space<vmem>> -> memref<1x128xi32, #tpu.memory_space<vmem>>
      %dma_start3A_533 = tpu.memref_squeeze %dma_start3A_532 : memref<1x128xi32, #tpu.memory_space<vmem>> -> memref<128xi32, #tpu.memory_space<vmem>>
      %dma_start3A_534 = arith.constant 0 : i32
      %dma_start3A_535 = arith.constant 0 : i32
      %dma_start3A_536 = tpu.memref_slice %arg31[%dma_start3A_534, %dma_start3A_535] : memref<10112x64xf32, #tpu.memory_space<vmem_shared>> -> memref<10112x64xf32, #tpu.memory_space<vmem_shared>>
      tpu.enqueue_indirect_dma source(%dma_start3A_530 : memref<128x64xf32, #tpu.memory_space<vmem>>) target(%dma_start3A_536 : memref<10112x64xf32, #tpu.memory_space<vmem_shared>>) offsets(%dma_start3A_533 : memref<128xi32, #tpu.memory_space<vmem>>) semaphore(%arg34 : memref<!tpu.dma_semaphore, #tpu.memory_space<semaphore_mem>>) {add = true}
    }
    %scan3A_101 = arith.constant 20 : i32
    %dma_wait3A = arith.constant 0 : i32
    %dma_wait3A_102 = arith.constant 0 : i32
    %dma_wait3A_103 = tpu.memref_slice %arg4[%dma_wait3A, %dma_wait3A_102] : memref<10112x16xf32, #tpu.memory_space<hbm>> -> memref<128x16xf32, #tpu.memory_space<hbm>>
    %dma_wait3A_104 = arith.constant 0 : i32
    %dma_wait3A_105 = arith.constant 0 : i32
    %dma_wait3A_106 = tpu.memref_slice %arg4[%dma_wait3A_104, %dma_wait3A_105] : memref<10112x16xf32, #tpu.memory_space<hbm>> -> memref<128x16xf32, #tpu.memory_space<hbm>>
    tpu.wait_dma2 semaphore(%arg33 : memref<!tpu.dma_semaphore, #tpu.memory_space<semaphore_mem>>) src(%dma_wait3A_106 : memref<128x16xf32, #tpu.memory_space<hbm>>) dst(%arg14 : memref<128x16xf32, #tpu.memory_space<vmem>>)
    %dma_wait3A_107 = arith.constant 0 : i32
    %dma_wait3A_108 = arith.constant 0 : i32
    %dma_wait3A_109 = tpu.memref_slice %arg4[%dma_wait3A_107, %dma_wait3A_108] : memref<10112x16xf32, #tpu.memory_space<hbm>> -> memref<128x16xf32, #tpu.memory_space<hbm>>
    %dma_wait3A_110 = arith.constant 0 : i32
    %dma_wait3A_111 = arith.constant 0 : i32
    %dma_wait3A_112 = tpu.memref_slice %arg4[%dma_wait3A_110, %dma_wait3A_111] : memref<10112x16xf32, #tpu.memory_space<hbm>> -> memref<128x16xf32, #tpu.memory_space<hbm>>
    tpu.wait_dma2 semaphore(%arg33 : memref<!tpu.dma_semaphore, #tpu.memory_space<semaphore_mem>>) src(%dma_wait3A_112 : memref<128x16xf32, #tpu.memory_space<hbm>>) dst(%arg15 : memref<128x16xf32, #tpu.memory_space<vmem>>)
    %dma_wait3A_113 = arith.constant 0 : i32
    %dma_wait3A_114 = arith.constant 0 : i32
    %dma_wait3A_115 = tpu.memref_slice %arg6[%dma_wait3A_113, %dma_wait3A_114] : memref<10112x64xf32, #tpu.memory_space<hbm>> -> memref<128x64xf32, #tpu.memory_space<hbm>>
    %dma_wait3A_116 = arith.constant 0 : i32
    %dma_wait3A_117 = arith.constant 0 : i32
    %dma_wait3A_118 = tpu.memref_slice %arg6[%dma_wait3A_116, %dma_wait3A_117] : memref<10112x64xf32, #tpu.memory_space<hbm>> -> memref<128x64xf32, #tpu.memory_space<hbm>>
    tpu.wait_dma2 semaphore(%arg33 : memref<!tpu.dma_semaphore, #tpu.memory_space<semaphore_mem>>) src(%dma_wait3A_118 : memref<128x64xf32, #tpu.memory_space<hbm>>) dst(%arg16 : memref<128x64xf32, #tpu.memory_space<vmem>>)
    %dma_wait3A_119 = arith.constant 0 : i32
    %dma_wait3A_120 = arith.constant 0 : i32
    %dma_wait3A_121 = tpu.memref_slice %arg4[%dma_wait3A_119, %dma_wait3A_120] : memref<10112x16xf32, #tpu.memory_space<hbm>> -> memref<128x16xf32, #tpu.memory_space<hbm>>
    %dma_wait3A_122 = arith.constant 0 : i32
    %dma_wait3A_123 = arith.constant 0 : i32
    %dma_wait3A_124 = tpu.memref_slice %arg4[%dma_wait3A_122, %dma_wait3A_123] : memref<10112x16xf32, #tpu.memory_space<hbm>> -> memref<128x16xf32, #tpu.memory_space<hbm>>
    tpu.wait_dma2 semaphore(%arg33 : memref<!tpu.dma_semaphore, #tpu.memory_space<semaphore_mem>>) src(%dma_wait3A_124 : memref<128x16xf32, #tpu.memory_space<hbm>>) dst(%arg18 : memref<128x16xf32, #tpu.memory_space<vmem>>)
    %dma_wait3A_125 = arith.constant 0 : i32
    %dma_wait3A_126 = arith.constant 0 : i32
    %dma_wait3A_127 = tpu.memref_slice %arg4[%dma_wait3A_125, %dma_wait3A_126] : memref<10112x16xf32, #tpu.memory_space<hbm>> -> memref<128x16xf32, #tpu.memory_space<hbm>>
    %dma_wait3A_128 = arith.constant 0 : i32
    %dma_wait3A_129 = arith.constant 0 : i32
    %dma_wait3A_130 = tpu.memref_slice %arg4[%dma_wait3A_128, %dma_wait3A_129] : memref<10112x16xf32, #tpu.memory_space<hbm>> -> memref<128x16xf32, #tpu.memory_space<hbm>>
    tpu.wait_dma2 semaphore(%arg33 : memref<!tpu.dma_semaphore, #tpu.memory_space<semaphore_mem>>) src(%dma_wait3A_130 : memref<128x16xf32, #tpu.memory_space<hbm>>) dst(%arg19 : memref<128x16xf32, #tpu.memory_space<vmem>>)
    %dma_wait3A_131 = arith.constant 0 : i32
    %dma_wait3A_132 = arith.constant 0 : i32
    %dma_wait3A_133 = tpu.memref_slice %arg6[%dma_wait3A_131, %dma_wait3A_132] : memref<10112x64xf32, #tpu.memory_space<hbm>> -> memref<128x64xf32, #tpu.memory_space<hbm>>
    %dma_wait3A_134 = arith.constant 0 : i32
    %dma_wait3A_135 = arith.constant 0 : i32
    %dma_wait3A_136 = tpu.memref_slice %arg6[%dma_wait3A_134, %dma_wait3A_135] : memref<10112x64xf32, #tpu.memory_space<hbm>> -> memref<128x64xf32, #tpu.memory_space<hbm>>
    tpu.wait_dma2 semaphore(%arg33 : memref<!tpu.dma_semaphore, #tpu.memory_space<semaphore_mem>>) src(%dma_wait3A_136 : memref<128x64xf32, #tpu.memory_space<hbm>>) dst(%arg20 : memref<128x64xf32, #tpu.memory_space<vmem>>)
    %dma_wait3A_137 = arith.constant 0 : i32
    %dma_wait3A_138 = arith.constant 0 : i32
    %dma_wait3A_139 = tpu.memref_slice %arg4[%dma_wait3A_137, %dma_wait3A_138] : memref<10112x16xf32, #tpu.memory_space<hbm>> -> memref<128x16xf32, #tpu.memory_space<hbm>>
    %dma_wait3A_140 = arith.constant 0 : i32
    %dma_wait3A_141 = arith.constant 0 : i32
    %dma_wait3A_142 = tpu.memref_slice %arg4[%dma_wait3A_140, %dma_wait3A_141] : memref<10112x16xf32, #tpu.memory_space<hbm>> -> memref<128x16xf32, #tpu.memory_space<hbm>>
    tpu.wait_dma2 semaphore(%arg33 : memref<!tpu.dma_semaphore, #tpu.memory_space<semaphore_mem>>) src(%dma_wait3A_142 : memref<128x16xf32, #tpu.memory_space<hbm>>) dst(%arg22 : memref<128x16xf32, #tpu.memory_space<vmem>>)
    %dma_wait3A_143 = arith.constant 0 : i32
    %dma_wait3A_144 = arith.constant 0 : i32
    %dma_wait3A_145 = tpu.memref_slice %arg4[%dma_wait3A_143, %dma_wait3A_144] : memref<10112x16xf32, #tpu.memory_space<hbm>> -> memref<128x16xf32, #tpu.memory_space<hbm>>
    %dma_wait3A_146 = arith.constant 0 : i32
    %dma_wait3A_147 = arith.constant 0 : i32
    %dma_wait3A_148 = tpu.memref_slice %arg4[%dma_wait3A_146, %dma_wait3A_147] : memref<10112x16xf32, #tpu.memory_space<hbm>> -> memref<128x16xf32, #tpu.memory_space<hbm>>
    tpu.wait_dma2 semaphore(%arg33 : memref<!tpu.dma_semaphore, #tpu.memory_space<semaphore_mem>>) src(%dma_wait3A_148 : memref<128x16xf32, #tpu.memory_space<hbm>>) dst(%arg23 : memref<128x16xf32, #tpu.memory_space<vmem>>)
    %dma_wait3A_149 = arith.constant 0 : i32
    %dma_wait3A_150 = arith.constant 0 : i32
    %dma_wait3A_151 = tpu.memref_slice %arg6[%dma_wait3A_149, %dma_wait3A_150] : memref<10112x64xf32, #tpu.memory_space<hbm>> -> memref<128x64xf32, #tpu.memory_space<hbm>>
    %dma_wait3A_152 = arith.constant 0 : i32
    %dma_wait3A_153 = arith.constant 0 : i32
    %dma_wait3A_154 = tpu.memref_slice %arg6[%dma_wait3A_152, %dma_wait3A_153] : memref<10112x64xf32, #tpu.memory_space<hbm>> -> memref<128x64xf32, #tpu.memory_space<hbm>>
    tpu.wait_dma2 semaphore(%arg33 : memref<!tpu.dma_semaphore, #tpu.memory_space<semaphore_mem>>) src(%dma_wait3A_154 : memref<128x64xf32, #tpu.memory_space<hbm>>) dst(%arg24 : memref<128x64xf32, #tpu.memory_space<vmem>>)
    %dma_wait3A_155 = arith.constant 79 : i32
    %dma_wait3A_156 = arith.constant 0 : i32
    %dma_wait3A_157 = arith.constant 0 : i32
    %dma_wait3A_158 = tpu.memref_slice %arg29[%dma_wait3A_156, %dma_wait3A_157] : memref<128x16xf32, #tpu.memory_space<vmem>> -> memref<128x16xf32, #tpu.memory_space<vmem>>
    %dma_wait3A_159 = arith.constant 0 : i32
    %dma_wait3A_160 = tpu.memref_slice %arg13[%dma_wait3A_155, %dma_wait3A_159] : memref<83x128xi32, #tpu.memory_space<vmem>> -> memref<1x128xi32, #tpu.memory_space<vmem>>
    %dma_wait3A_161 = tpu.memref_squeeze %dma_wait3A_160 : memref<1x128xi32, #tpu.memory_space<vmem>> -> memref<128xi32, #tpu.memory_space<vmem>>
    %dma_wait3A_162 = arith.constant 0 : i32
    %dma_wait3A_163 = arith.constant 0 : i32
    %dma_wait3A_164 = tpu.memref_slice %arg32[%dma_wait3A_162, %dma_wait3A_163] : memref<10112x16xf32, #tpu.memory_space<vmem_shared>> -> memref<10112x16xf32, #tpu.memory_space<vmem_shared>>
    tpu.wait_indirect_dma semaphore(%arg34 : memref<!tpu.dma_semaphore, #tpu.memory_space<semaphore_mem>>) src(%dma_wait3A_158 : memref<128x16xf32, #tpu.memory_space<vmem>>) dst(%dma_wait3A_164 : memref<10112x16xf32, #tpu.memory_space<vmem_shared>>)
    %dma_wait3A_165 = arith.constant 79 : i32
    %dma_wait3A_166 = arith.constant 0 : i32
    %dma_wait3A_167 = arith.constant 0 : i32
    %dma_wait3A_168 = tpu.memref_slice %arg28[%dma_wait3A_166, %dma_wait3A_167] : memref<128x64xf32, #tpu.memory_space<vmem>> -> memref<128x64xf32, #tpu.memory_space<vmem>>
    %dma_wait3A_169 = arith.constant 0 : i32
    %dma_wait3A_170 = tpu.memref_slice %arg13[%dma_wait3A_165, %dma_wait3A_169] : memref<83x128xi32, #tpu.memory_space<vmem>> -> memref<1x128xi32, #tpu.memory_space<vmem>>
    %dma_wait3A_171 = tpu.memref_squeeze %dma_wait3A_170 : memref<1x128xi32, #tpu.memory_space<vmem>> -> memref<128xi32, #tpu.memory_space<vmem>>
    %dma_wait3A_172 = arith.constant 0 : i32
    %dma_wait3A_173 = arith.constant 0 : i32
    %dma_wait3A_174 = tpu.memref_slice %arg31[%dma_wait3A_172, %dma_wait3A_173] : memref<10112x64xf32, #tpu.memory_space<vmem_shared>> -> memref<10112x64xf32, #tpu.memory_space<vmem_shared>>
    tpu.wait_indirect_dma semaphore(%arg34 : memref<!tpu.dma_semaphore, #tpu.memory_space<semaphore_mem>>) src(%dma_wait3A_168 : memref<128x64xf32, #tpu.memory_space<vmem>>) dst(%dma_wait3A_174 : memref<10112x64xf32, #tpu.memory_space<vmem_shared>>)
    %barrier3A_175 = arith.constant 0 : index
    tpu.barrier barrier_id(%barrier3A_175)
    "tpu.region"() ({
      %run_scoped3A = tpu.sem_alloc : memref<!tpu.dma_semaphore, #tpu.memory_space<semaphore_mem>>
      %dma_start3A_176 = arith.constant 0 : i32
      %dma_start3A_177 = tpu.memref_slice %arg10[%arg0, %mul3A_2, %dma_start3A_176] : memref<2x10112x64xf32, #tpu.memory_space<hbm>> -> memref<1x632x64xf32, #tpu.memory_space<hbm>>
      %dma_start3A_178 = tpu.memref_squeeze %dma_start3A_177 : memref<1x632x64xf32, #tpu.memory_space<hbm>> -> memref<632x64xf32, #tpu.memory_space<hbm>>
      %dma_start3A_179 = arith.constant 0 : i32
      %dma_start3A_180 = tpu.memref_slice %arg31[%mul3A_2, %dma_start3A_179] : memref<10112x64xf32, #tpu.memory_space<vmem_shared>> -> memref<632x64xf32, #tpu.memory_space<vmem_shared>>
      tpu.enqueue_dma source(%dma_start3A_180 : memref<632x64xf32, #tpu.memory_space<vmem_shared>>) target(%dma_start3A_178 : memref<632x64xf32, #tpu.memory_space<hbm>>) target_semaphore(%run_scoped3A : memref<!tpu.dma_semaphore, #tpu.memory_space<semaphore_mem>>)
      %dma_wait3A_181 = arith.constant 0 : i32
      %dma_wait3A_182 = tpu.memref_slice %arg10[%arg0, %mul3A_2, %dma_wait3A_181] : memref<2x10112x64xf32, #tpu.memory_space<hbm>> -> memref<1x632x64xf32, #tpu.memory_space<hbm>>
      %dma_wait3A_183 = tpu.memref_squeeze %dma_wait3A_182 : memref<1x632x64xf32, #tpu.memory_space<hbm>> -> memref<632x64xf32, #tpu.memory_space<hbm>>
      %dma_wait3A_184 = arith.constant 0 : i32
      %dma_wait3A_185 = tpu.memref_slice %arg31[%mul3A_2, %dma_wait3A_184] : memref<10112x64xf32, #tpu.memory_space<vmem_shared>> -> memref<632x64xf32, #tpu.memory_space<vmem_shared>>
      tpu.wait_dma2 semaphore(%run_scoped3A : memref<!tpu.dma_semaphore, #tpu.memory_space<semaphore_mem>>) src(%dma_wait3A_185 : memref<632x64xf32, #tpu.memory_space<vmem_shared>>) dst(%dma_wait3A_183 : memref<632x64xf32, #tpu.memory_space<hbm>>)
      tpu.yield
    }) : () -> ()
    "tpu.region"() ({
      %run_scoped3A = tpu.sem_alloc : memref<!tpu.dma_semaphore, #tpu.memory_space<semaphore_mem>>
      %dma_start3A_176 = arith.constant 0 : i32
      %dma_start3A_177 = tpu.memref_slice %arg11[%arg0, %mul3A_2, %dma_start3A_176] : memref<2x10112x16xf32, #tpu.memory_space<hbm>> -> memref<1x632x16xf32, #tpu.memory_space<hbm>>
      %dma_start3A_178 = tpu.memref_squeeze %dma_start3A_177 : memref<1x632x16xf32, #tpu.memory_space<hbm>> -> memref<632x16xf32, #tpu.memory_space<hbm>>
      %dma_start3A_179 = arith.constant 0 : i32
      %dma_start3A_180 = tpu.memref_slice %arg32[%mul3A_2, %dma_start3A_179] : memref<10112x16xf32, #tpu.memory_space<vmem_shared>> -> memref<632x16xf32, #tpu.memory_space<vmem_shared>>
      tpu.enqueue_dma source(%dma_start3A_180 : memref<632x16xf32, #tpu.memory_space<vmem_shared>>) target(%dma_start3A_178 : memref<632x16xf32, #tpu.memory_space<hbm>>) target_semaphore(%run_scoped3A : memref<!tpu.dma_semaphore, #tpu.memory_space<semaphore_mem>>)
      %dma_wait3A_181 = arith.constant 0 : i32
      %dma_wait3A_182 = tpu.memref_slice %arg11[%arg0, %mul3A_2, %dma_wait3A_181] : memref<2x10112x16xf32, #tpu.memory_space<hbm>> -> memref<1x632x16xf32, #tpu.memory_space<hbm>>
      %dma_wait3A_183 = tpu.memref_squeeze %dma_wait3A_182 : memref<1x632x16xf32, #tpu.memory_space<hbm>> -> memref<632x16xf32, #tpu.memory_space<hbm>>
      %dma_wait3A_184 = arith.constant 0 : i32
      %dma_wait3A_185 = tpu.memref_slice %arg32[%mul3A_2, %dma_wait3A_184] : memref<10112x16xf32, #tpu.memory_space<vmem_shared>> -> memref<632x16xf32, #tpu.memory_space<vmem_shared>>
      tpu.wait_dma2 semaphore(%run_scoped3A : memref<!tpu.dma_semaphore, #tpu.memory_space<semaphore_mem>>) src(%dma_wait3A_185 : memref<632x16xf32, #tpu.memory_space<vmem_shared>>) dst(%dma_wait3A_183 : memref<632x16xf32, #tpu.memory_space<hbm>>)
      tpu.yield
    }) : () -> ()
    return
  }
}

module attributes {stable_mosaic.version = 14 : i64} {
  func.func @_tc1_body(%arg0: i32, %arg1: memref<1264x128xf32, #tpu.memory_space<vmem>>, %arg2: memref<128x64xf32, #tpu.memory_space<vmem>>, %arg3: memref<64x16xf32, #tpu.memory_space<vmem>>, %arg4: memref<64x16xf32, #tpu.memory_space<vmem>>, %arg5: memref<1264x64xf32, #tpu.memory_space<vmem>>, %arg6: memref<1264x16xf32, #tpu.memory_space<vmem>>, %arg7: memref<1264x16xf32, #tpu.memory_space<vmem>>) attributes {dimension_semantics = [#tpu.dimension_semantics<arbitrary>], iteration_bounds = array<i64: 8>, scalar_prefetch = 0 : i64, scratch_operands = 0 : i64, tpu.core_type = #tpu.core_type<tc>, window_params = [{transform_indices = @transform_0, window_bounds = array<i64: 1264, 128>}, {pipeline_mode = #tpu.pipeline_mode<synchronous>, transform_indices = @transform_1, window_bounds = array<i64: 128, 64>}, {pipeline_mode = #tpu.pipeline_mode<synchronous>, transform_indices = @transform_2, window_bounds = array<i64: 64, 16>}, {pipeline_mode = #tpu.pipeline_mode<synchronous>, transform_indices = @transform_3, window_bounds = array<i64: 64, 16>}, {transform_indices = @transform_4, window_bounds = array<i64: 1264, 64>}, {transform_indices = @transform_5, window_bounds = array<i64: 1264, 16>}, {transform_indices = @transform_6, window_bounds = array<i64: 1264, 16>}]} {
    %get3A = arith.constant 0 : index
    %get3A_0 = arith.constant 0 : index
    %get3A_1 = vector.load %arg1[%get3A, %get3A_0] : memref<1264x128xf32, #tpu.memory_space<vmem>>, vector<1264x128xf32>
    %get3A_2 = arith.constant 0 : index
    %get3A_3 = arith.constant 0 : index
    %get3A_4 = vector.load %arg2[%get3A_2, %get3A_3] : memref<128x64xf32, #tpu.memory_space<vmem>>, vector<128x64xf32>
    %dot_general3A = arith.constant dense<0.000000e+00> : vector<1264x64xf32>
    %dot_general3A_5 = tpu.matmul %get3A_1, %get3A_4, %dot_general3A {dimension_numbers = #tpu.dot_dimension_numbers<[1], [0], [0], [1], [0, 0, 1, 1], [], []>, transpose_lhs_hint = false} : vector<1264x128xf32>, vector<128x64xf32>, vector<1264x64xf32> -> vector<1264x64xf32>
    %swap3A = arith.constant 0 : index
    %swap3A_6 = arith.constant 0 : index
    %swap3A_7 = vector.load %arg5[%swap3A, %swap3A_6] : memref<1264x64xf32, #tpu.memory_space<vmem>>, vector<1264x64xf32>
    tpu.vector_store %arg5[%swap3A, %swap3A_6], %dot_general3A_5 {strides = array<i32>} : memref<1264x64xf32, #tpu.memory_space<vmem>>, vector<1264x64xf32>,
    %get3A_8 = arith.constant 0 : index
    %get3A_9 = arith.constant 0 : index
    %get3A_10 = vector.load %arg3[%get3A_8, %get3A_9] : memref<64x16xf32, #tpu.memory_space<vmem>>, vector<64x16xf32>
    %dot_general3A_11 = arith.constant dense<0.000000e+00> : vector<1264x16xf32>
    %dot_general3A_12 = tpu.matmul %dot_general3A_5, %get3A_10, %dot_general3A_11 {dimension_numbers = #tpu.dot_dimension_numbers<[1], [0], [0], [1], [0, 0, 1, 1], [], []>, precision = #tpu.contract_precision<fp32>, transpose_lhs_hint = false} : vector<1264x64xf32>, vector<64x16xf32>, vector<1264x16xf32> -> vector<1264x16xf32>
    %swap3A_13 = arith.constant 0 : index
    %swap3A_14 = arith.constant 0 : index
    %swap3A_15 = vector.load %arg6[%swap3A_13, %swap3A_14] : memref<1264x16xf32, #tpu.memory_space<vmem>>, vector<1264x16xf32>
    tpu.vector_store %arg6[%swap3A_13, %swap3A_14], %dot_general3A_12 {strides = array<i32>} : memref<1264x16xf32, #tpu.memory_space<vmem>>, vector<1264x16xf32>,
    %get3A_16 = arith.constant 0 : index
    %get3A_17 = arith.constant 0 : index
    %get3A_18 = vector.load %arg4[%get3A_16, %get3A_17] : memref<64x16xf32, #tpu.memory_space<vmem>>, vector<64x16xf32>
    %dot_general3A_19 = arith.constant dense<0.000000e+00> : vector<1264x16xf32>
    %dot_general3A_20 = tpu.matmul %dot_general3A_5, %get3A_18, %dot_general3A_19 {dimension_numbers = #tpu.dot_dimension_numbers<[1], [0], [0], [1], [0, 0, 1, 1], [], []>, precision = #tpu.contract_precision<fp32>, transpose_lhs_hint = false} : vector<1264x64xf32>, vector<64x16xf32>, vector<1264x16xf32> -> vector<1264x16xf32>
    %swap3A_21 = arith.constant 0 : index
    %swap3A_22 = arith.constant 0 : index
    %swap3A_23 = vector.load %arg7[%swap3A_21, %swap3A_22] : memref<1264x16xf32, #tpu.memory_space<vmem>>, vector<1264x16xf32>
    tpu.vector_store %arg7[%swap3A_21, %swap3A_22], %dot_general3A_20 {strides = array<i32>} : memref<1264x16xf32, #tpu.memory_space<vmem>>, vector<1264x16xf32>,
    return
  }
  func.func @transform_0(%arg0: i32) -> (i32, i32) {
    %c0_i32 = arith.constant 0 : i32
    %c0_i32_0 = arith.constant 0 : i32
    return %arg0, %c0_i32 : i32, i32
  }
  func.func @transform_1(%arg0: i32) -> (i32, i32) {
    %c0_i32 = arith.constant 0 : i32
    %c0_i32_0 = arith.constant 0 : i32
    %c0_i32_1 = arith.constant 0 : i32
    return %c0_i32, %c0_i32_0 : i32, i32
  }
  func.func @transform_2(%arg0: i32) -> (i32, i32) {
    %c0_i32 = arith.constant 0 : i32
    %c0_i32_0 = arith.constant 0 : i32
    %c0_i32_1 = arith.constant 0 : i32
    return %c0_i32, %c0_i32_0 : i32, i32
  }
  func.func @transform_3(%arg0: i32) -> (i32, i32) {
    %c0_i32 = arith.constant 0 : i32
    %c0_i32_0 = arith.constant 0 : i32
    %c0_i32_1 = arith.constant 0 : i32
    return %c0_i32, %c0_i32_0 : i32, i32
  }
  func.func @transform_4(%arg0: i32) -> (i32, i32) {
    %c0_i32 = arith.constant 0 : i32
    %c0_i32_0 = arith.constant 0 : i32
    return %arg0, %c0_i32 : i32, i32
  }
  func.func @transform_5(%arg0: i32) -> (i32, i32) {
    %c0_i32 = arith.constant 0 : i32
    %c0_i32_0 = arith.constant 0 : i32
    return %arg0, %c0_i32 : i32, i32
  }
  func.func @transform_6(%arg0: i32) -> (i32, i32) {
    %c0_i32 = arith.constant 0 : i32
    %c0_i32_0 = arith.constant 0 : i32
    return %arg0, %c0_i32 : i32, i32
  }
}

module attributes {stable_mosaic.version = 14 : i64} {
  func.func @_tc2_body(%arg0: i32, %arg1: memref<1264x64xf32, #tpu.memory_space<vmem>>, %arg2: memref<1264x64xf32, #tpu.memory_space<vmem>>, %arg3: memref<1264x16xf32, #tpu.memory_space<vmem>>, %arg4: memref<1264x16xf32, #tpu.memory_space<vmem>>, %arg5: memref<16x64xf32, #tpu.memory_space<vmem>>, %arg6: memref<1x64xf32, #tpu.memory_space<vmem>>, %arg7: memref<64x64xf32, #tpu.memory_space<vmem>>, %arg8: memref<64x16xf32, #tpu.memory_space<vmem>>, %arg9: memref<64x16xf32, #tpu.memory_space<vmem>>, %arg10: memref<1264x64xf32, #tpu.memory_space<vmem>>, %arg11: memref<1264x16xf32, #tpu.memory_space<vmem>>, %arg12: memref<1264x16xf32, #tpu.memory_space<vmem>>) attributes {dimension_semantics = [#tpu.dimension_semantics<arbitrary>], iteration_bounds = array<i64: 8>, scalar_prefetch = 0 : i64, scratch_operands = 0 : i64, tpu.core_type = #tpu.core_type<tc>, window_params = [{transform_indices = @transform_0, window_bounds = array<i64: 1264, 64>}, {transform_indices = @transform_1, window_bounds = array<i64: 1264, 64>}, {transform_indices = @transform_2, window_bounds = array<i64: 1264, 16>}, {transform_indices = @transform_3, window_bounds = array<i64: 1264, 16>}, {pipeline_mode = #tpu.pipeline_mode<synchronous>, transform_indices = @transform_4, window_bounds = array<i64: 16, 64>}, {pipeline_mode = #tpu.pipeline_mode<synchronous>, transform_indices = @transform_5, window_bounds = array<i64: 1, 64>}, {pipeline_mode = #tpu.pipeline_mode<synchronous>, transform_indices = @transform_6, window_bounds = array<i64: 64, 64>}, {pipeline_mode = #tpu.pipeline_mode<synchronous>, transform_indices = @transform_7, window_bounds = array<i64: 64, 16>}, {pipeline_mode = #tpu.pipeline_mode<synchronous>, transform_indices = @transform_8, window_bounds = array<i64: 64, 16>}, {transform_indices = @transform_9, window_bounds = array<i64: 1264, 64>}, {transform_indices = @transform_10, window_bounds = array<i64: 1264, 16>}, {transform_indices = @transform_11, window_bounds = array<i64: 1264, 16>}]} {
    %get3A = arith.constant 0 : index
    %get3A_0 = arith.constant 0 : index
    %get3A_1 = vector.load %arg3[%get3A, %get3A_0] : memref<1264x16xf32, #tpu.memory_space<vmem>>, vector<1264x16xf32>
    %get3A_2 = arith.constant 0 : index
    %get3A_3 = arith.constant 0 : index
    %get3A_4 = vector.load %arg4[%get3A_2, %get3A_3] : memref<1264x16xf32, #tpu.memory_space<vmem>>, vector<1264x16xf32>
    %add3A = arith.addf %get3A_1, %get3A_4 : vector<1264x16xf32>
    %get3A_5 = arith.constant 0 : index
    %get3A_6 = arith.constant 0 : index
    %get3A_7 = vector.load %arg5[%get3A_5, %get3A_6] : memref<16x64xf32, #tpu.memory_space<vmem>>, vector<16x64xf32>
    %dot_general3A = arith.constant dense<0.000000e+00> : vector<1264x64xf32>
    %dot_general3A_8 = tpu.matmul %add3A, %get3A_7, %dot_general3A {dimension_numbers = #tpu.dot_dimension_numbers<[1], [0], [0], [1], [0, 0, 1, 1], [], []>, transpose_lhs_hint = false} : vector<1264x16xf32>, vector<16x64xf32>, vector<1264x64xf32> -> vector<1264x64xf32>
    %add3A_9 = arith.constant 1.000000e-16 : f32
    %add3A_10 = vector.broadcast %add3A_9 : f32 to vector<1264x64xf32>
    %add3A_11 = arith.addf %dot_general3A_8, %add3A_10 : vector<1264x64xf32>
    %get3A_12 = arith.constant 0 : index
    %get3A_13 = arith.constant 0 : index
    %get3A_14 = vector.load %arg1[%get3A_12, %get3A_13] : memref<1264x64xf32, #tpu.memory_space<vmem>>, vector<1264x64xf32>
    %get3A_15 = arith.constant 0 : index
    %get3A_16 = arith.constant 0 : index
    %get3A_17 = vector.load %arg2[%get3A_15, %get3A_16] : memref<1264x64xf32, #tpu.memory_space<vmem>>, vector<1264x64xf32>
    %add3A_18 = arith.addf %get3A_14, %get3A_17 : vector<1264x64xf32>
    %div3A = arith.divf %add3A_18, %add3A_11 : vector<1264x64xf32>
    %get3A_19 = arith.constant 0 : index
    %get3A_20 = arith.constant 0 : index
    %get3A_21 = vector.load %arg6[%get3A_19, %get3A_20] : memref<1x64xf32, #tpu.memory_space<vmem>>, vector<1x64xf32>
    %add3A_22 = vector.broadcast %get3A_21 : vector<1x64xf32> to vector<1264x64xf32>
    %add3A_23 = arith.addf %div3A, %add3A_22 : vector<1264x64xf32>
    %gt3A = arith.constant 0.000000e+00 : f32
    %gt3A_24 = vector.broadcast %gt3A : f32 to vector<1264x64xf32>
    %gt3A_25 = arith.cmpf ogt, %add3A_23, %gt3A_24 : vector<1264x64xf32>
    %min3A = arith.constant 0.000000e+00 : f32
    %min3A_26 = vector.broadcast %min3A : f32 to vector<1264x64xf32>
    %min3A_27 = arith.minimumf %add3A_23, %min3A_26 : vector<1264x64xf32>
    %exp3A = math.exp %min3A_27 : vector<1264x64xf32>
    %sub3A = arith.constant 1.000000e+00 : f32
    %sub3A_28 = vector.broadcast %sub3A : f32 to vector<1264x64xf32>
    %sub3A_29 = arith.subf %exp3A, %sub3A_28 : vector<1264x64xf32>
    %select_n3A = arith.select %gt3A_25, %add3A_23, %sub3A_29 : vector<1264x64xi1>, vector<1264x64xf32>
    %get3A_30 = arith.constant 0 : index
    %get3A_31 = arith.constant 0 : index
    %get3A_32 = vector.load %arg7[%get3A_30, %get3A_31] : memref<64x64xf32, #tpu.memory_space<vmem>>, vector<64x64xf32>
    %dot_general3A_33 = arith.constant dense<0.000000e+00> : vector<1264x64xf32>
    %dot_general3A_34 = tpu.matmul %select_n3A, %get3A_32, %dot_general3A_33 {dimension_numbers = #tpu.dot_dimension_numbers<[1], [0], [0], [1], [0, 0, 1, 1], [], []>, transpose_lhs_hint = false} : vector<1264x64xf32>, vector<64x64xf32>, vector<1264x64xf32> -> vector<1264x64xf32>
    %swap3A = arith.constant 0 : index
    %swap3A_35 = arith.constant 0 : index
    %swap3A_36 = vector.load %arg10[%swap3A, %swap3A_35] : memref<1264x64xf32, #tpu.memory_space<vmem>>, vector<1264x64xf32>
    tpu.vector_store %arg10[%swap3A, %swap3A_35], %dot_general3A_34 {strides = array<i32>} : memref<1264x64xf32, #tpu.memory_space<vmem>>, vector<1264x64xf32>,
    %get3A_37 = arith.constant 0 : index
    %get3A_38 = arith.constant 0 : index
    %get3A_39 = vector.load %arg8[%get3A_37, %get3A_38] : memref<64x16xf32, #tpu.memory_space<vmem>>, vector<64x16xf32>
    %dot_general3A_40 = arith.constant dense<0.000000e+00> : vector<1264x16xf32>
    %dot_general3A_41 = tpu.matmul %dot_general3A_34, %get3A_39, %dot_general3A_40 {dimension_numbers = #tpu.dot_dimension_numbers<[1], [0], [0], [1], [0, 0, 1, 1], [], []>, precision = #tpu.contract_precision<fp32>, transpose_lhs_hint = false} : vector<1264x64xf32>, vector<64x16xf32>, vector<1264x16xf32> -> vector<1264x16xf32>
    %swap3A_42 = arith.constant 0 : index
    %swap3A_43 = arith.constant 0 : index
    %swap3A_44 = vector.load %arg11[%swap3A_42, %swap3A_43] : memref<1264x16xf32, #tpu.memory_space<vmem>>, vector<1264x16xf32>
    tpu.vector_store %arg11[%swap3A_42, %swap3A_43], %dot_general3A_41 {strides = array<i32>} : memref<1264x16xf32, #tpu.memory_space<vmem>>, vector<1264x16xf32>,
    %get3A_45 = arith.constant 0 : index
    %get3A_46 = arith.constant 0 : index
    %get3A_47 = vector.load %arg9[%get3A_45, %get3A_46] : memref<64x16xf32, #tpu.memory_space<vmem>>, vector<64x16xf32>
    %dot_general3A_48 = arith.constant dense<0.000000e+00> : vector<1264x16xf32>
    %dot_general3A_49 = tpu.matmul %dot_general3A_34, %get3A_47, %dot_general3A_48 {dimension_numbers = #tpu.dot_dimension_numbers<[1], [0], [0], [1], [0, 0, 1, 1], [], []>, precision = #tpu.contract_precision<fp32>, transpose_lhs_hint = false} : vector<1264x64xf32>, vector<64x16xf32>, vector<1264x16xf32> -> vector<1264x16xf32>
    %swap3A_50 = arith.constant 0 : index
    %swap3A_51 = arith.constant 0 : index
    %swap3A_52 = vector.load %arg12[%swap3A_50, %swap3A_51] : memref<1264x16xf32, #tpu.memory_space<vmem>>, vector<1264x16xf32>
    tpu.vector_store %arg12[%swap3A_50, %swap3A_51], %dot_general3A_49 {strides = array<i32>} : memref<1264x16xf32, #tpu.memory_space<vmem>>, vector<1264x16xf32>,
    return
  }
  func.func @transform_0(%arg0: i32) -> (i32, i32) {
    %c0_i32 = arith.constant 0 : i32
    %c0_i32_0 = arith.constant 0 : i32
    return %arg0, %c0_i32 : i32, i32
  }
  func.func @transform_1(%arg0: i32) -> (i32, i32) {
    %c0_i32 = arith.constant 0 : i32
    %c0_i32_0 = arith.constant 0 : i32
    return %arg0, %c0_i32 : i32, i32
  }
  func.func @transform_2(%arg0: i32) -> (i32, i32) {
    %c0_i32 = arith.constant 0 : i32
    %c0_i32_0 = arith.constant 0 : i32
    return %arg0, %c0_i32 : i32, i32
  }
  func.func @transform_3(%arg0: i32) -> (i32, i32) {
    %c0_i32 = arith.constant 0 : i32
    %c0_i32_0 = arith.constant 0 : i32
    return %arg0, %c0_i32 : i32, i32
  }
  func.func @transform_4(%arg0: i32) -> (i32, i32) {
    %c0_i32 = arith.constant 0 : i32
    %c0_i32_0 = arith.constant 0 : i32
    %c0_i32_1 = arith.constant 0 : i32
    return %c0_i32, %c0_i32_0 : i32, i32
  }
  func.func @transform_5(%arg0: i32) -> (i32, i32) {
    %c0_i32 = arith.constant 0 : i32
    %c0_i32_0 = arith.constant 0 : i32
    %c0_i32_1 = arith.constant 0 : i32
    return %c0_i32, %c0_i32_0 : i32, i32
  }
  func.func @transform_6(%arg0: i32) -> (i32, i32) {
    %c0_i32 = arith.constant 0 : i32
    %c0_i32_0 = arith.constant 0 : i32
    %c0_i32_1 = arith.constant 0 : i32
    return %c0_i32, %c0_i32_0 : i32, i32
  }
  func.func @transform_7(%arg0: i32) -> (i32, i32) {
    %c0_i32 = arith.constant 0 : i32
    %c0_i32_0 = arith.constant 0 : i32
    %c0_i32_1 = arith.constant 0 : i32
    return %c0_i32, %c0_i32_0 : i32, i32
  }
  func.func @transform_8(%arg0: i32) -> (i32, i32) {
    %c0_i32 = arith.constant 0 : i32
    %c0_i32_0 = arith.constant 0 : i32
    %c0_i32_1 = arith.constant 0 : i32
    return %c0_i32, %c0_i32_0 : i32, i32
  }
  func.func @transform_9(%arg0: i32) -> (i32, i32) {
    %c0_i32 = arith.constant 0 : i32
    %c0_i32_0 = arith.constant 0 : i32
    return %arg0, %c0_i32 : i32, i32
  }
  func.func @transform_10(%arg0: i32) -> (i32, i32) {
    %c0_i32 = arith.constant 0 : i32
    %c0_i32_0 = arith.constant 0 : i32
    return %arg0, %c0_i32 : i32, i32
  }
  func.func @transform_11(%arg0: i32) -> (i32, i32) {
    %c0_i32 = arith.constant 0 : i32
    %c0_i32_0 = arith.constant 0 : i32
    return %arg0, %c0_i32 : i32, i32
  }
}

module attributes {stable_mosaic.version = 14 : i64} {
  func.func @_tc3_body(%arg0: i32, %arg1: memref<1264x64xf32, #tpu.memory_space<vmem>>, %arg2: memref<1264x64xf32, #tpu.memory_space<vmem>>, %arg3: memref<1264x16xf32, #tpu.memory_space<vmem>>, %arg4: memref<1264x16xf32, #tpu.memory_space<vmem>>, %arg5: memref<16x64xf32, #tpu.memory_space<vmem>>, %arg6: memref<1x64xf32, #tpu.memory_space<vmem>>, %arg7: memref<64x96xf32, #tpu.memory_space<vmem>>, %arg8: memref<1x96xf32, #tpu.memory_space<vmem>>, %arg9: memref<96x8xf32, #tpu.memory_space<vmem>>, %arg10: memref<1x8xf32, #tpu.memory_space<vmem>>, %arg11: memref<1264x8xf32, #tpu.memory_space<vmem>>) attributes {dimension_semantics = [#tpu.dimension_semantics<arbitrary>], iteration_bounds = array<i64: 8>, scalar_prefetch = 0 : i64, scratch_operands = 0 : i64, tpu.core_type = #tpu.core_type<tc>, window_params = [{transform_indices = @transform_0, window_bounds = array<i64: 1264, 64>}, {transform_indices = @transform_1, window_bounds = array<i64: 1264, 64>}, {transform_indices = @transform_2, window_bounds = array<i64: 1264, 16>}, {transform_indices = @transform_3, window_bounds = array<i64: 1264, 16>}, {pipeline_mode = #tpu.pipeline_mode<synchronous>, transform_indices = @transform_4, window_bounds = array<i64: 16, 64>}, {pipeline_mode = #tpu.pipeline_mode<synchronous>, transform_indices = @transform_5, window_bounds = array<i64: 1, 64>}, {pipeline_mode = #tpu.pipeline_mode<synchronous>, transform_indices = @transform_6, window_bounds = array<i64: 64, 96>}, {pipeline_mode = #tpu.pipeline_mode<synchronous>, transform_indices = @transform_7, window_bounds = array<i64: 1, 96>}, {pipeline_mode = #tpu.pipeline_mode<synchronous>, transform_indices = @transform_8, window_bounds = array<i64: 96, 8>}, {pipeline_mode = #tpu.pipeline_mode<synchronous>, transform_indices = @transform_9, window_bounds = array<i64: 1, 8>}, {transform_indices = @transform_10, window_bounds = array<i64: 1264, 8>}]} {
    %get3A = arith.constant 0 : index
    %get3A_0 = arith.constant 0 : index
    %get3A_1 = vector.load %arg3[%get3A, %get3A_0] : memref<1264x16xf32, #tpu.memory_space<vmem>>, vector<1264x16xf32>
    %get3A_2 = arith.constant 0 : index
    %get3A_3 = arith.constant 0 : index
    %get3A_4 = vector.load %arg4[%get3A_2, %get3A_3] : memref<1264x16xf32, #tpu.memory_space<vmem>>, vector<1264x16xf32>
    %add3A = arith.addf %get3A_1, %get3A_4 : vector<1264x16xf32>
    %get3A_5 = arith.constant 0 : index
    %get3A_6 = arith.constant 0 : index
    %get3A_7 = vector.load %arg5[%get3A_5, %get3A_6] : memref<16x64xf32, #tpu.memory_space<vmem>>, vector<16x64xf32>
    %dot_general3A = arith.constant dense<0.000000e+00> : vector<1264x64xf32>
    %dot_general3A_8 = tpu.matmul %add3A, %get3A_7, %dot_general3A {dimension_numbers = #tpu.dot_dimension_numbers<[1], [0], [0], [1], [0, 0, 1, 1], [], []>, transpose_lhs_hint = false} : vector<1264x16xf32>, vector<16x64xf32>, vector<1264x64xf32> -> vector<1264x64xf32>
    %add3A_9 = arith.constant 1.000000e-16 : f32
    %add3A_10 = vector.broadcast %add3A_9 : f32 to vector<1264x64xf32>
    %add3A_11 = arith.addf %dot_general3A_8, %add3A_10 : vector<1264x64xf32>
    %get3A_12 = arith.constant 0 : index
    %get3A_13 = arith.constant 0 : index
    %get3A_14 = vector.load %arg1[%get3A_12, %get3A_13] : memref<1264x64xf32, #tpu.memory_space<vmem>>, vector<1264x64xf32>
    %get3A_15 = arith.constant 0 : index
    %get3A_16 = arith.constant 0 : index
    %get3A_17 = vector.load %arg2[%get3A_15, %get3A_16] : memref<1264x64xf32, #tpu.memory_space<vmem>>, vector<1264x64xf32>
    %add3A_18 = arith.addf %get3A_14, %get3A_17 : vector<1264x64xf32>
    %div3A = arith.divf %add3A_18, %add3A_11 : vector<1264x64xf32>
    %get3A_19 = arith.constant 0 : index
    %get3A_20 = arith.constant 0 : index
    %get3A_21 = vector.load %arg6[%get3A_19, %get3A_20] : memref<1x64xf32, #tpu.memory_space<vmem>>, vector<1x64xf32>
    %add3A_22 = vector.broadcast %get3A_21 : vector<1x64xf32> to vector<1264x64xf32>
    %add3A_23 = arith.addf %div3A, %add3A_22 : vector<1264x64xf32>
    %gt3A = arith.constant 0.000000e+00 : f32
    %gt3A_24 = vector.broadcast %gt3A : f32 to vector<1264x64xf32>
    %gt3A_25 = arith.cmpf ogt, %add3A_23, %gt3A_24 : vector<1264x64xf32>
    %min3A = arith.constant 0.000000e+00 : f32
    %min3A_26 = vector.broadcast %min3A : f32 to vector<1264x64xf32>
    %min3A_27 = arith.minimumf %add3A_23, %min3A_26 : vector<1264x64xf32>
    %exp3A = math.exp %min3A_27 : vector<1264x64xf32>
    %sub3A = arith.constant 1.000000e+00 : f32
    %sub3A_28 = vector.broadcast %sub3A : f32 to vector<1264x64xf32>
    %sub3A_29 = arith.subf %exp3A, %sub3A_28 : vector<1264x64xf32>
    %select_n3A = arith.select %gt3A_25, %add3A_23, %sub3A_29 : vector<1264x64xi1>, vector<1264x64xf32>
    %get3A_30 = arith.constant 0 : index
    %get3A_31 = arith.constant 0 : index
    %get3A_32 = vector.load %arg7[%get3A_30, %get3A_31] : memref<64x96xf32, #tpu.memory_space<vmem>>, vector<64x96xf32>
    %dot_general3A_33 = arith.constant dense<0.000000e+00> : vector<1264x96xf32>
    %dot_general3A_34 = tpu.matmul %select_n3A, %get3A_32, %dot_general3A_33 {dimension_numbers = #tpu.dot_dimension_numbers<[1], [0], [0], [1], [0, 0, 1, 1], [], []>, transpose_lhs_hint = false} : vector<1264x64xf32>, vector<64x96xf32>, vector<1264x96xf32> -> vector<1264x96xf32>
    %get3A_35 = arith.constant 0 : index
    %get3A_36 = arith.constant 0 : index
    %get3A_37 = vector.load %arg8[%get3A_35, %get3A_36] : memref<1x96xf32, #tpu.memory_space<vmem>>, vector<1x96xf32>
    %add3A_38 = vector.broadcast %get3A_37 : vector<1x96xf32> to vector<1264x96xf32>
    %add3A_39 = arith.addf %dot_general3A_34, %add3A_38 : vector<1264x96xf32>
    %max3A = arith.constant 0.000000e+00 : f32
    %max3A_40 = vector.broadcast %max3A : f32 to vector<1264x96xf32>
    %max3A_41 = arith.maximumf %add3A_39, %max3A_40 : vector<1264x96xf32>
    %get3A_42 = arith.constant 0 : index
    %get3A_43 = arith.constant 0 : index
    %get3A_44 = vector.load %arg9[%get3A_42, %get3A_43] : memref<96x8xf32, #tpu.memory_space<vmem>>, vector<96x8xf32>
    %dot_general3A_45 = arith.constant dense<0.000000e+00> : vector<1264x8xf32>
    %dot_general3A_46 = tpu.matmul %max3A_41, %get3A_44, %dot_general3A_45 {dimension_numbers = #tpu.dot_dimension_numbers<[1], [0], [0], [1], [0, 0, 1, 1], [], []>, transpose_lhs_hint = false} : vector<1264x96xf32>, vector<96x8xf32>, vector<1264x8xf32> -> vector<1264x8xf32>
    %get3A_47 = arith.constant 0 : index
    %get3A_48 = arith.constant 0 : index
    %get3A_49 = vector.load %arg10[%get3A_47, %get3A_48] : memref<1x8xf32, #tpu.memory_space<vmem>>, vector<1x8xf32>
    %add3A_50 = vector.broadcast %get3A_49 : vector<1x8xf32> to vector<1264x8xf32>
    %add3A_51 = arith.addf %dot_general3A_46, %add3A_50 : vector<1264x8xf32>
    %swap3A = arith.constant 0 : index
    %swap3A_52 = arith.constant 0 : index
    %swap3A_53 = vector.load %arg11[%swap3A, %swap3A_52] : memref<1264x8xf32, #tpu.memory_space<vmem>>, vector<1264x8xf32>
    tpu.vector_store %arg11[%swap3A, %swap3A_52], %add3A_51 {strides = array<i32>} : memref<1264x8xf32, #tpu.memory_space<vmem>>, vector<1264x8xf32>,
    return
  }
  func.func @transform_0(%arg0: i32) -> (i32, i32) {
    %c0_i32 = arith.constant 0 : i32
    %c0_i32_0 = arith.constant 0 : i32
    return %arg0, %c0_i32 : i32, i32
  }
  func.func @transform_1(%arg0: i32) -> (i32, i32) {
    %c0_i32 = arith.constant 0 : i32
    %c0_i32_0 = arith.constant 0 : i32
    return %arg0, %c0_i32 : i32, i32
  }
  func.func @transform_2(%arg0: i32) -> (i32, i32) {
    %c0_i32 = arith.constant 0 : i32
    %c0_i32_0 = arith.constant 0 : i32
    return %arg0, %c0_i32 : i32, i32
  }
  func.func @transform_3(%arg0: i32) -> (i32, i32) {
    %c0_i32 = arith.constant 0 : i32
    %c0_i32_0 = arith.constant 0 : i32
    return %arg0, %c0_i32 : i32, i32
  }
  func.func @transform_4(%arg0: i32) -> (i32, i32) {
    %c0_i32 = arith.constant 0 : i32
    %c0_i32_0 = arith.constant 0 : i32
    %c0_i32_1 = arith.constant 0 : i32
    return %c0_i32, %c0_i32_0 : i32, i32
  }
  func.func @transform_5(%arg0: i32) -> (i32, i32) {
    %c0_i32 = arith.constant 0 : i32
    %c0_i32_0 = arith.constant 0 : i32
    %c0_i32_1 = arith.constant 0 : i32
    return %c0_i32, %c0_i32_0 : i32, i32
  }
  func.func @transform_6(%arg0: i32) -> (i32, i32) {
    %c0_i32 = arith.constant 0 : i32
    %c0_i32_0 = arith.constant 0 : i32
    %c0_i32_1 = arith.constant 0 : i32
    return %c0_i32, %c0_i32_0 : i32, i32
  }
  func.func @transform_7(%arg0: i32) -> (i32, i32) {
    %c0_i32 = arith.constant 0 : i32
    %c0_i32_0 = arith.constant 0 : i32
    %c0_i32_1 = arith.constant 0 : i32
    return %c0_i32, %c0_i32_0 : i32, i32
  }
  func.func @transform_8(%arg0: i32) -> (i32, i32) {
    %c0_i32 = arith.constant 0 : i32
    %c0_i32_0 = arith.constant 0 : i32
    %c0_i32_1 = arith.constant 0 : i32
    return %c0_i32, %c0_i32_0 : i32, i32
  }
  func.func @transform_9(%arg0: i32) -> (i32, i32) {
    %c0_i32 = arith.constant 0 : i32
    %c0_i32_0 = arith.constant 0 : i32
    %c0_i32_1 = arith.constant 0 : i32
    return %c0_i32, %c0_i32_0 : i32, i32
  }
  func.func @transform_10(%arg0: i32) -> (i32, i32) {
    %c0_i32 = arith.constant 0 : i32
    %c0_i32_0 = arith.constant 0 : i32
    return %arg0, %c0_i32 : i32, i32
  }
}

</mosaic_0001>

<sc_bundles>
// kernel: kernel.10.cloned.1.call-start
scs
__scs_entry_jumppad:
0x0: {  	(pc) =	sbr.rel $0x88, $3  }
0x1: {  	(tag) =	ssettag $0x0;
	lr =	simm.s32 $0x1  }
0x2: {  	[smem:$0x3F8B] =	sst lr;
	_ =	strace $0xD0000000  }
0x3: {  	_ = 	snop  }
0x4: {  	_ = 	snop  }
0x5: {  	_ = 	snop  }
0x6: {  	_ = 	snop  }
0x7: {  	_ = 	snop  }
__scs_overlays_trampoline_lowered:
0x8: {  	[smem:$0x3F9A] =	sst s0  }
0x9: {  	[smem:$0x3F9B] =	sst s1  }
0xa: {  	[smem:$0x3F9C] =	sst s2  }
0xb: {  	[smem:$0x3F9D] =	sst s3  }
0xc: {  	[smem:$0x3F9E] =	sst s4  }
0xd: {  	[smem:$0x3F9F] =	sst s5  }
0xe: {  	[smem:$0x3FA0] =	sst s6  }
0xf: {  	[smem:$0x3FA1] =	sst s7  }
0x10: {  	[smem:$0x3FA2] =	sst s8  }
0x11: {  	[smem:$0x3FA3] =	sst s9;
	s0 =	simm.s32 @!p0 $0x0  }
0x12: {  	s1 =	sld [smem:$0x3F89];
	s0 =	simm.s32 @p0 $0x1  }
0x13: {  	[smem:$0x3FA4] =	sst s0;
	s0 =	simm.s32 @!p1 $0x0  }
0x14: {  	s2 =	sld [smem:$0x3F88];
	s0 =	simm.s32 @p1 $0x1  }
0x15: {  	[smem:$0x3FA5] =	sst s0;
	s0 =	simm.s32 @!p2 $0x0  }
0x16: {  	s3 =	sld [smem:$0x3FDB];
	s0 =	simm.s32 @p2 $0x1  }
0x17: {  	s4 =	simm.s32 $0x1BF5;
	[smem:$0x3FA7] =	sst s0  }
0x18: {  	s0 =	sld [smem:$0x3F8A];
	_ =	swait.ge [sflag:s4], $0x0  }
0x19: {  	s7 =	sld [smem:$0x3F8B]  }
0x1a: {  	s8 =	sadd.s32 $0xFFFFE003, lr  }
0x1b: {  	s9 =	sadd.s32 $0xFFFFFEF7, lr;
	s5 =	simm.s32 $0xFFFFFFFF;
	p2 =	slt.u32 s8, $0xFFFFF086  }
0x1c: {  	p1 =	slt.u32 s9, $0xF7A;
	s5 =	simm.s32 @!p2 $0x0  }
0x1d: {  	s5 =	simm.s32 @p1 $0x1;
	p0 =	seq.s32 s7, s2  }
0x1e: {  	s7 =	smul.u32 @!p0 $0xF7A, s2;
	p2 =	seq.s32 @!p0 s5, $0x0  }
0x1f: {  	s9 =	smul.u32 $0xF7A, s1;
	s8 =	simm.s32 @!p0 $0x1BF5;
	p2 =	por !p2, p0  }
0x20: {  	[sflag:s8] =	ssyncset.s32 @!p0 $0xFFFFF086;
	s6 =	sadd.s32 @!p0 s3, s7;
	s7 =	simm.s32 @!p0 $0x108  }
0x21: {  	s3 =	sadd.s32 s3, s9;
	s6 =	sadd.s32 @!p0 $0x88, s6;
	s7 =	simm.s32 @p2 $0x1082  }
0x22: {  	[simem:s7], [sflag:s8] =	dma.local @!p0 [hbm:s6], $0xF7A  }
0x23: {  	s9 =	sor.u32 $0xD0000000, s2;
	s6 =	simm.s32 $0x108;
	_ =	swait.ge @!p0 [sflag:s8], $0x0  }
0x24: {  	s3 =	sadd.s32 $0x88, s3;
	s6 =	simm.s32 @!p1 $0x1082;
	[sflag:s4] =	ssyncset.s32 $0xFFFFF086  }
0x25: {  	[simem:s6], [sflag:s4] =	dma.local [hbm:s3], $0xF7A  }
0x26: {  	[smem:$0x3F8B] =	sst s1;
	(tag) =	ssettag s2;
	_ =	strace s9  }
0x27: {  	s1 =	sld [smem:$0x3F9B]  }
0x28: {  	s2 =	sld [smem:$0x3F9C]  }
0x29: {  	s4 =	sld [smem:$0x3F9E]  }
0x2a: {  	p0 =	seq.s32 s5, $0x0;
	s5 =	sld [smem:$0x3F9F]  }
0x2b: {  	s6 =	sld [smem:$0x3FA0]  }
0x2c: {  	s7 =	sld [smem:$0x3FA1]  }
0x2d: {  	s3 =	simm.s32 $0x108;
	s8 =	sld [smem:$0x3FA2]  }
0x2e: {  	s3 =	simm.s32 @!p0 $0x1082;
	s9 =	sld [smem:$0x3FA3]  }
0x2f: {  	lr =	sadd.s32 s0, s3;
	s0 =	sld [smem:$0x3F9A]  }
0x30: {  	s3 =	sld [smem:$0x3F9D]  }
0x31: {  	[smem:$0x3FA6] =	sst s10  }
0x32: {  	s10 =	sld [smem:$0x3FA4];
	_ =	sdelay $0x3  }
0x33: {  	p0 =	seq.s32 s10, $0x1;
	s10 =	sld [smem:$0x3FA6];
	_ =	sdelay $0x3  }
0x34: {  	[smem:$0x3FA6] =	sst s10  }
0x35: {  	s10 =	sld [smem:$0x3FA5];
	_ =	sdelay $0x3  }
0x36: {  	p1 =	seq.s32 s10, $0x1;
	s10 =	sld [smem:$0x3FA6];
	_ =	sdelay $0x3  }
0x37: {  	[smem:$0x3FA6] =	sst s10  }
0x38: {  	s10 =	sld [smem:$0x3FA7]  }
0x39: {  	_ = 	snop;
	(pc) =	sbr.ind lr, $3  }
0x3a: {  	_ = 	snop  }
0x3b: {  	_ = 	snop  }
0x3c: {  	p2 =	seq.s32 s10, $0x1;
	s10 =	sld [smem:$0x3FA6]  }
0x3d: {  	_ =	shalt  }
0x3e: {  	_ =	shalt  }
0x3f: {  	_ =	shalt  }
0x40: {  	_ =	shalt  }
0x41: {  	_ =	shalt  }
0x42: {  	_ =	shalt  }
0x43: {  	_ =	shalt  }
0x44: {  	_ =	shalt  }
0x45: {  	_ =	shalt  }
0x46: {  	_ =	shalt  }
0x47: {  	_ =	shalt  }
0x48: {  	_ =	shalt  }
0x49: {  	_ =	shalt  }
0x4a: {  	_ =	shalt  }
0x4b: {  	_ =	shalt  }
0x4c: {  	_ =	shalt  }
0x4d: {  	_ =	shalt  }
0x4e: {  	_ =	shalt  }
0x4f: {  	_ =	shalt  }
0x50: {  	_ =	shalt  }
0x51: {  	_ =	shalt  }
0x52: {  	_ =	shalt  }
0x53: {  	_ =	shalt  }
0x54: {  	_ =	shalt  }
0x55: {  	_ =	shalt  }
0x56: {  	_ =	shalt  }
0x57: {  	_ =	shalt  }
0x58: {  	_ =	shalt  }
0x59: {  	_ =	shalt  }
0x5a: {  	_ =	shalt  }
0x5b: {  	_ =	shalt  }
0x5c: {  	_ =	shalt  }
0x5d: {  	_ =	shalt  }
0x5e: {  	_ =	shalt  }
0x5f: {  	_ =	shalt  }
0x60: {  	_ =	shalt  }
0x61: {  	_ =	shalt  }
0x62: {  	_ =	shalt  }
0x63: {  	_ =	shalt  }
0x64: {  	_ =	shalt  }
0x65: {  	_ =	shalt  }
0x66: {  	_ =	shalt  }
0x67: {  	_ =	shalt  }
0x68: {  	_ =	shalt  }
0x69: {  	_ =	shalt  }
0x6a: {  	_ =	shalt  }
0x6b: {  	_ =	shalt  }
0x6c: {  	_ =	shalt  }
0x6d: {  	_ =	shalt  }
0x6e: {  	_ =	shalt  }
0x6f: {  	_ =	shalt  }
0x70: {  	_ =	shalt  }
0x71: {  	_ =	shalt  }
0x72: {  	_ =	shalt  }
0x73: {  	_ =	shalt  }
0x74: {  	_ =	shalt  }
0x75: {  	_ =	shalt  }
0x76: {  	_ =	shalt  }
0x77: {  	_ =	shalt  }
0x78: {  	_ =	shalt  }
0x79: {  	_ =	shalt  }
0x7a: {  	_ =	shalt  }
0x7b: {  	_ =	shalt  }
0x7c: {  	_ =	shalt  }
0x7d: {  	_ =	shalt  }
0x7e: {  	_ =	shalt  }
0x7f: {  	_ =	shalt  }
0x80: {  	_ =	shalt  }
0x81: {  	_ =	shalt  }
0x82: {  	_ =	shalt  }
0x83: {  	_ =	shalt  }
0x84: {  	_ =	shalt  }
0x85: {  	_ =	shalt  }
0x86: {  	_ =	shalt  }
0x87: {  	_ =	shalt  }
.Lfunc_end0:
.L_simem_size_0:
called_computation.1_lowered:
.L_overlay_start_0:
0x88: {  	s2 =	sld [smem:$0x3FD9]  }
0x89: {  	s3 =	sld [smem:$0x3FFE];
	_ =	sdelay $0x1  }
0x8a: {  	s1 =	srdreg.scid  }
0x8b: {  	s0 =	sand.u32 $0x1, s1  }
0x8c: {  	s16 =	sshll.u32 s0, $0xA;
	s2 =	sadd.s32 s3, s2  }
0x8d: {  	s2 =	sadd.s32 s2, s16  }
0x8e: {  	[smem:$0x3FB2] =	sst s2  }
0x8f: {  	_ = 	snop  }
0x90: {  	(tm) =	ssettm $0x1  }
0x91: {  	s17 =	sld [smem:$0x3FFB];
	_ =	sdelay $0x3  }
0x92: {  	_ =	strace s17  }
0x93: {  	s2 =	sld [smem:$0x3FFC];
	_ =	sdelay $0x3  }
0x94: {  	_ =	strace s2  }
0x95: {  	s2 =	sld [smem:$0x3FFD];
	_ =	sdelay $0x3  }
0x96: {  	_ =	strace s2  }
0x97: {  	_ =	strace $0x8FFFFFFF  }
0x98: {  	s18 =	sld [smem:$0x3FDB];
	_ =	sdelay $0x1  }
0x99: {  	s19 =	simm.s32 $_scs_section_size  }
0x9a: {  	s4 =	simm.s32 $_size__tile_overlayer_lowered;
	s5 =	simm.s32 $_tile_overlayer_lowered  }
0x9b: {  	s22 =	simm.s32 $0x1BFF;
	s21 =	sshll.u32 s5, $0x1;
	s2 =	sadd.s32 s19, s18  }
0x9c: {  	s6 =	simm.s32 $0x0;
	s20 =	sshll.u32 s4, $0x1;
	s4 =	sadd.s32 s21, s2  }
0x9d: {  	[timem:s6], [sflag:s22] =	dma.local [hbm:s4], s20  }
0x9e: {  	_ =	swait.ge [sflag:s22], s20  }
0x9f: {  	s3 =	ssub.s32 $0x0, s20;
	[sflag:s22] =	ssyncset.done $0x0  }
0xa0: {  	[sflag:s22] =	ssyncadd.s32 s3;
	_ =	sdelay $0x1  }
0xa1: {  	s23 =	simm.s32 $0x1B8B  }
0xa2: {  	_ =	swait.ge [sflag:s23], $0x1  }
0xa3: {  	[sflag:s23] =	ssyncset.done $0x0  }
0xa4: {  	s25 =	simm.s32 $0x1B8E;
	s24 =	sld [smem:$0x3FFE];
	[sflag:s23] =	ssyncadd.s32 $0xFFFFFFFF  }
0xa5: {  	s26 =	simm.s32 $execute0_lowered;
	[smem:$0x3FD2] =	sst s25  }
0xa6: {  	s4 =	sshll.u32 s26, $0x1;
	_ =	strace $0x80000049;
	[dreg:$0x1] =	wrdreg $0xFFFFFFFF  }
0xa7: {  	s28 =	simm.s32 $_size_execute0_lowered;
	s2 =	sadd.s32 s2, s4;
	[dreg:$0x0] =	wrdreg $0x0  }
0xa8: {  	s4 =	sshll.u32 s28, $0x1;
	[dreg:$0x2] =	wrdreg s2  }
0xa9: {  	[dreg:$0x3] =	wrdreg s4  }
0xaa: {  	[dreg:$0x4] =	wrdreg $0xC0  }
0xab: {  	_ =	task [dreg:s6], $0x5FFFF  }
0xac: {  	[dreg:$0x1] =	wrdreg $0xFFFFFFFF  }
0xad: {  	[dreg:$0x0] =	wrdreg $0x60  }
0xae: {  	[dreg:$0x2] =	wrdreg s24  }
0xaf: {  	[dreg:$0x3] =	wrdreg $0x133100  }
0xb0: {  	[dreg:$0x4] =	wrdreg $0x1D1100  }
0xb1: {  	[dreg:$0x5] =	wrdreg $0x9  }
0xb2: {  	_ =	task.clear_ibuf [dreg:s6], $0x6FFFF;
	_ =	strace $0x90000049  }
0xb3: {  	s29 =	simm.s32 $0x9;
	_ =	strace $0x8000004B  }
0xb4: {  	_ =	swait.ge [sflag:s29], $0x1  }
0xb5: {  	[sflag:s29] =	ssyncadd.s32 $0xFFFFFFFF  }
0xb6: {  	_ =	strace $0x9000004B  }
0xb7: {  	_ =	sfence  }
0xb8: {  	s30 =	sld [smem:$0x0];
	_ =	sdelay $0x2  }
0xb9: {  	s31 =	sshll.u32 s1, $0xD;
	s1 =	sshrl.u32 s1, $0x2  }
0xba: {  	s3 =	sand.u32 $0x4000, s31;
	s1 =	sadd.s32 s1, s30  }
0xbb: {  	s0 =	sor.u32 s3, s0;
	s1 =	sshll.u32 s1, $0x11  }
0xbc: {  	s0 =	sor.u32 s1, s0  }
0xbd: {  	s0 =	sadd.s32 $0x8F2B, s0  }
0xbe: {  	[sflag:s0] =	ssyncadd.remote.s32 $0x1  }
0xbf: {  	_ =	sfence.sel $0xFFFF  }
0xc0: {  	[dreg:$0x0] =	wrdreg $0xFFFFFFFF;
	(pc) =	sbr.abs _section_cstart, $3  }
0xc1: {  	[dreg:$0x1] =	wrdreg $0xFFFFFFFF  }
0xc2: {  	_ =	task.clear_ibuf [dreg:s6], $0x2FFFF;
	_ =	strace $0x9FFFFFFF  }
0xc3: {  	(tm) =	ssettm $0x7FFFFFFF  }
tec
execute0_lowered:
.L_overlay_start_1:
0x0: {  	(tag) =	ssettag $0x1  }
0x1: {  	s0 =	rddreg [dreg:$0x0]  }
0x2: {  	s2 =	rddreg [dreg:$0x1];
	s1 =	srdreg.scid  }
0x3: {  	s15 =	stileid.u32;
	s3 =	rddreg [dreg:$0x2];
	s5 =	simm.s32 $0x0  }
0x4: {  	s29 =	simm.s32 $0x9300;
	s30 =	simm.s32 $0x9B00;
	s20 =	simm.s32 $0xCB00  }
0x5: {  	s28 =	simm.s32 $0xD300;
	s21 =	simm.s32 $0x8300;
	s18 =	simm.s32 $0x0  }
0x6: {  	s1 =	sand.u32 $0x1, s1;
	s4 =	sshll.u32 s15, $0x1;
	s8 =	smul.u32 $0x9E00, s15  }
0x7: {  	[smem:$0x7FF] =	sst s5;
	s5 =	sadd.s32 $0x6600, s0;
	s9 =	smul.u32 $0x2780, s15  }
0x8: {  	s6 =	sadd.s32 $0x1600, s0;
	s7 =	sadd.s32 $0x4C000, s0;
	s14 =	sadd.s32 $0x1400, s0  }
0x9: {  	s23 =	sshll.u32 s15, $0x6;
	s15 =	simm.s32 $0x12B00;
	s10 =	smul.u32 $0x9E000, s1  }
0xa: {  	s4 =	sor.u32 s1, s4;
	_ =	strace $0x8000004A;
	s13 =	smul.u32 $0x27800, s1  }
0xb: {  	[dreg:$0x4] =	wrdreg s14;
	s1 =	ssub.s32 $0x2, s1;
	s16 =	sor.u32 $0x1C03, s23  }
0xc: {  	s23 =	simm.s32 $0x5300;
	s14 =	simm.s32 $0xF300;
	s4 =	smul.u32 $0x500, s4  }
0xd: {  	s11 =	sshrl.u32 s8, $0x3;
	s12 =	sshrl.u32 s9, $0x3;
	s22 =	sshrl.u32 s1, $0x1  }
0xe: {  	[dreg:$0x6] =	wrdreg s16;
	s11 =	sadd.s32 s11, s0;
	s12 =	sadd.s32 s12, s0  }
0xf: {  	s10 =	sadd.s32 s8, s10;
	s13 =	sadd.s32 s9, s13;
	s1 =	ssub.s32 s1, s22  }
0x10: {  	s8 =	sadd.s32 s8, s2;
	s9 =	sadd.s32 s9, s3;
	s22 =	simm.s32 $0x80  }
0x11: {  	s4 =	sadd.s32 s4, s0;
	s10 =	sshrl.u32 s10, $0x3;
	s13 =	sshrl.u32 s13, $0x3  }
0x12: {  	s11 =	sadd.s32 $0x33400, s11;
	s24 =	sadd.s32 $0x47000, s12;
	s31 =	smax.u32 s1, $0x1  }
0x13: {  	s8 =	sshrl.u32 s8, $0x3;
	s17 =	sshrl.u32 s9, $0x3;
	[dreg:$0x5] =	wrdreg s11  }
0x14: {  	s1 =	simm.s32 $0xC300;
	s9 =	simm.s32 $0x10300;
	[dreg:$0x7] =	wrdreg s24  }
0x15: {  	s12 =	simm.s32 $0x2;
	s10 =	sadd.s32 s10, s0;
	[dreg:$0xc] =	wrdreg s31  }
0x16: {  	s0 =	sadd.s32 s13, s0;
	s25 =	sadd.s32 $0x29200, s4;
	[dreg:$0xd] =	wrdreg s8  }
0x17: {  	s4 =	sadd.s32 $0x1F000, s4;
	s24 =	simm.s32 $0x5B00;
	[dreg:$0xe] =	wrdreg s17  }
0x18: {  	s11 =	simm.s32 $0x10B00;
	s13 =	simm.s32 $0xBB00;
	[dreg:$0x8] =	wrdreg s25  }
0x19: {  	[dreg:$0x9] =	wrdreg s4;
	s26 =	sadd.s32 $0x5FC00, s10;
	s0 =	sadd.s32 $0xB600, s0  }
0x1a: {  	s10 =	simm.s32 $0x3;
	s25 =	simm.s32 $0x6300;
	[dreg:$0xa] =	wrdreg s26  }
0x1b: {  	v0 =	vimm.s32 $0x0;
	[dreg:$0xb] =	wrdreg s0;
	s26 =	simm.s32 $0x8B00;
	s0 =	simm.s32 $0x1  }
.LBB2_1:
0x1c: {  	[dreg:$0xf] =	wrdreg s18  }
0x1d: {  	s4 =	rddreg [dreg:$0x5]  }
0x1e: {  	[spmem:s8], [sflag:s16] =	dma.local [hbm:s4], $0x13C0  }
0x1f: {  	_ =	swait.ge [sflag:s10], $0x13C0  }
0x20: {  	[sflag:s10] =	ssyncset.done $0x0  }
0x21: {  	s8 =	rddreg [dreg:$0x7];
	[sflag:s10] =	ssyncadd.s32 $0xFFFFEC40  }
0x22: {  	[spmem:s17], [sflag:s16] =	dma.local [hbm:s8], $0x4F0  }
0x23: {  	_ =	swait.ge [sflag:s10], $0x4F0  }
0x24: {  	s19 =	simm.s32 $0x13300;
	[sflag:s10] =	ssyncset.done $0x0  }
0x25: {  	s4 =	simm.s32 $0x0;
	s18 =	rddreg [dreg:$0x4];
	[sflag:s10] =	ssyncadd.s32 $0xFFFFFB10  }
0x26: {  	[tilespmem:s19], [sflag:$0x3] =	stream.linear.gather [hbm4b:s18+s4], $0x10, $0x38;
	[tilespmem:$0x1F890] =	vst v63  }
0x27: {  	_ =	swait.ge [sflag:s10], $0x10  }
0x28: {  	[sflag:s10] =	ssyncset.done $0x0  }
0x29: {  	s17 =	rddreg [dreg:$0x8];
	[sflag:s10] =	ssyncadd.s32 $0xFFFFFFF0  }
0x2a: {  	[tilespmem:s4], [sflag:$0x3] =	stream.linear.gather [hbm4b:s17+s4], $0x2980, $0x38;
	[tilespmem:$0x1F890] =	vst v63  }
0x2b: {  	_ =	swait.ge [sflag:s10], $0x2980  }
0x2c: {  	[sflag:s10] =	ssyncset.done $0x0  }
0x2d: {  	s19 =	simm.s32 $0x2980;
	s18 =	rddreg [dreg:$0x9];
	[sflag:s10] =	ssyncadd.s32 $0xFFFFD680  }
0x2e: {  	[tilespmem:s19], [sflag:$0x3] =	stream.linear.gather [hbm4b:s18+s4], $0x2980, $0x38;
	[tilespmem:$0x1F890] =	vst v63  }
0x2f: {  	_ =	swait.ge [sflag:s10], $0x2980  }
0x30: {  	[sflag:s10] =	ssyncset.done $0x0  }
0x31: {  	[sflag:s10] =	ssyncadd.s32 $0xFFFFD680  }
0x32: {  	[bflag:$0x0] =	sbarrier.arrive $0xFFFF  }
0x33: {  	v1 =	vld [tilespmem:$0x13300];
	[tilespmem:s23], [sflag:$0x1] =	stream.indirect.gather [hbm4b:s5+s22], $0x10, s4, s22, $0xb8  }
0x34: {  	_ = 	snop  }
0x35: {  	[tilespmem:s24], [sflag:$0x1] =	stream.indirect.gather [hbm4b:s6+s22], $0x10, s19, s22, $0xb8;
	[tilespmem:$0x1F890] =	vst v63  }
0x36: {  	_ = 	snop  }
0x37: {  	[tilespmem:s25], [sflag:$0x1] =	stream.indirect.gather [hbm4b:s7+s22], $0x40, s4, s22, $0xb8;
	[tilespmem:$0x1F890] =	vst v63  }
0x38: {  	_ = 	snop  }
0x39: {  	[tilespmem:s26], [sflag:$0x1] =	stream.indirect.gather [hbm4b:s5+s22], $0x10, s22, s22, $0xb8;
	[tilespmem:$0x1F890] =	vst v63  }
0x3a: {  	s17 =	simm.s32 $0x2A00  }
0x3b: {  	[tilespmem:s29], [sflag:$0x1] =	stream.indirect.gather [hbm4b:s6+s22], $0x10, s17, s22, $0xb8;
	[tilespmem:$0x1F890] =	vst v63  }
0x3c: {  	_ = 	snop  }
0x3d: {  	[tilespmem:s30], [sflag:$0x1] =	stream.indirect.gather [hbm4b:s7+s22], $0x40, s22, s22, $0xb8;
	[tilespmem:$0x1F890] =	vst v63  }
0x3e: {  	s18 =	simm.s32 $0x100  }
0x3f: {  	[tilespmem:s1], [sflag:$0x1] =	stream.indirect.gather [hbm4b:s5+s22], $0x10, s18, s22, $0xb8;
	[tilespmem:$0x1F890] =	vst v63  }
0x40: {  	s19 =	simm.s32 $0x2A80  }
0x41: {  	[tilespmem:s20], [sflag:$0x1] =	stream.indirect.gather [hbm4b:s6+s22], $0x10, s19, s22, $0xb8;
	[tilespmem:$0x1F890] =	vst v63  }
0x42: {  	s31 =	simm.s32 $0x0  }
0x43: {  	[tilespmem:s28], [sflag:$0x1] =	stream.indirect.gather [hbm4b:s7+s22], $0x40, s18, s22, $0xb8;
	[tilespmem:$0x1F890] =	vst v63  }
.LBB2_2:
0x44: {  	_ =	swait.ge [sflag:s0], $0x800  }
0x45: {  	[sflag:s0] =	ssyncset.done $0x0  }
0x46: {  	[sflag:s0] =	ssyncadd.s32 $0xFFFFF800  }
0x47: {  	_ =	swait.ge [sflag:s0], $0x800  }
0x48: {  	[sflag:s0] =	ssyncset.done $0x0  }
0x49: {  	[sflag:s0] =	ssyncadd.s32 $0xFFFFF800  }
0x4a: {  	_ =	swait.ge [sflag:s0], $0x2000  }
0x4b: {  	p0 =	seq.s32 s31, $0x0;
	[sflag:s0] =	ssyncset.done $0x0  }
0x4c: {  	s4 =	simm.s32 @!p0 $0x2;
	[sflag:s0] =	ssyncadd.s32 $0xFFFFE000  }
0x4d: {  	_ =	swait.ge @!p0 [sflag:s4], $0x800  }
0x4e: {  	[sflag:s4] =	ssyncset.done @!p0 $0x0  }
0x4f: {  	[sflag:s4] =	ssyncadd.s32 @!p0 $0xFFFFF800  }
0x50: {  	_ =	swait.ge @!p0 [sflag:s4], $0x2000  }
0x51: {  	s19 =	sshll.u32 s31, $0x9;
	[sflag:s4] =	ssyncset.done @!p0 $0x0  }
0x52: {  	s8 =	simm.s32 $0xFB00;
	s18 =	sor.u32 $0x180, s19;
	[sflag:s4] =	ssyncadd.s32 @!p0 $0xFFFFE000  }
0x53: {  	[tilespmem:s8], [sflag:$0x1] =	stream.indirect.gather [hbm4b:s5+s22], $0x10, s18, s22, $0xb8;
	[tilespmem:$0x1F890] =	vst v63  }
0x54: {  	s17 =	sadd.s32 $0x2B00, s19  }
0x55: {  	[tilespmem:s9], [sflag:$0x1] =	stream.indirect.gather [hbm4b:s6+s22], $0x10, s17, s22, $0xb8;
	[tilespmem:$0x1F890] =	vst v63  }
0x56: {  	s10 =	simm.s32 $0x0  }
0x57: {  	[tilespmem:s11], [sflag:$0x1] =	stream.indirect.gather [hbm4b:s7+s22], $0x40, s18, s22, $0xb8;
	[tilespmem:$0x1F890] =	vst v63  }
0x58: {  	v2 =	vld [tilespmem:s10+$0x5300]  }
0x59: {  	v3 =	vld [tilespmem:s10+$0x5B00];
	_ =	sdelay $0x4  }
0x5a: {  	v2 =	vadd.f32 v3, v2;
	_ =	sdelay $0x1  }
0x5b: {  	v3 =	vmul.f32 $2.000000030e-01, v2  }
0x5c: {  	vm0 =	vgt.f32 v2, $0.0e+00  }
0x5d: {  	v2 =	vsel vm0, v2, v3  }
0x5e: {  	v2 =	vsub.f32 v2, v1;
	_ =	sdelay $0x1  }
0x5f: {  	v2 =	vmul.f32 $1.442695020e+00, v2;
	_ =	sdelay $0x1  }
0x60: {  	(erf) = vpow2.f32 v2;
	_ =	sdelay $0x8  }
0x61: {  	v2 =	vpop (erf)  }
0x62: {  	s4 =	simm.s32 $0x6320;
	[tilespmem:s10+$0x8300] =	vst v2  }
0x63: {  	v5 =	vld [tilespmem:s4+$0xFFFFFFE0]  }
0x64: {  	v6 =	vld [tilespmem:s4+$0xFFFFFFF0]  }
0x65: {  	v3 =	vld [tilespmem:s4+$0x0]  }
0x66: {  	s16 =	simm.s32 $0x40;
	v2 =	vperm.xlane v2, v0;
	s10 =	simm.s32 $0x6320;
	v4 =	vld [tilespmem:s4+$0x10]  }
.LBB2_3:
0x67: {  	p0 =	sne.s32 s16, $0x1FC0  }
0x68: {  	s4 =	sadd.s32 $0x40, s4;
	s18 =	smov.u32 s16;
	s16 =	sadd.s32 $0x40, s16  }
0x69: {  	v5 =	vmul.f32 v5, v2  }
0x6a: {  	v6 =	vmul.f32 v6, v2  }
0x6b: {  	[tilespmem:s10+$0xFFFFFFE0] =	vst v5;
	v3 =	vmul.f32 v3, v2  }
0x6c: {  	s18 =	sshra.s32 s18, $0x2;
	[tilespmem:s10+$0xFFFFFFF0] =	vst v6;
	v2 =	vmul.f32 v4, v2  }
0x6d: {  	[tilespmem:s10+$0x0] =	vst v3  }
0x6e: {  	[tilespmem:s10+$0x10] =	vst v2;
	s10 =	smov.u32 s4  }
0x6f: {  	v2 =	vld [tilespmem:s18+$0x5300]  }
0x70: {  	v3 =	vld [tilespmem:s18+$0x5B00];
	_ =	sdelay $0x4  }
0x71: {  	v2 =	vadd.f32 v3, v2;
	_ =	sdelay $0x1  }
0x72: {  	v3 =	vmul.f32 $2.000000030e-01, v2  }
0x73: {  	vm0 =	vgt.f32 v2, $0.0e+00  }
0x74: {  	v2 =	vsel vm0, v2, v3  }
0x75: {  	v2 =	vsub.f32 v2, v1;
	_ =	sdelay $0x1  }
0x76: {  	v2 =	vmul.f32 $1.442695020e+00, v2;
	_ =	sdelay $0x1  }
0x77: {  	(erf) = vpow2.f32 v2;
	_ =	sdelay $0x8  }
0x78: {  	v2 =	vpop (erf)  }
.Ltmp0:
0x79: {  	[tilespmem:s18+$0x8300] =	vst v2;
	(pc) =	sbr.rel @p0 .LBB2_3-.Ltmp0, $4  }
0x7a: {  	v5 =	vld [tilespmem:s4+$0xFFFFFFE0]  }
0x7b: {  	v6 =	vld [tilespmem:s4+$0xFFFFFFF0]  }
0x7c: {  	v3 =	vld [tilespmem:s4+$0x0]  }
0x7d: {  	v2 =	vperm.xlane v2, v0;
	v4 =	vld [tilespmem:s4+$0x10]  }
0x7e: {  	_ = 	snop  }
0x7f: {  	v5 =	vmul.f32 v5, v2  }
0x80: {  	v6 =	vmul.f32 v6, v2  }
0x81: {  	[tilespmem:s10+$0xFFFFFFE0] =	vst v5;
	v3 =	vmul.f32 v3, v2  }
0x82: {  	[tilespmem:s10+$0xFFFFFFF0] =	vst v6;
	v2 =	vmul.f32 v4, v2  }
0x83: {  	s4 =	sand.u32 $0x3FFFFE00, s19;
	[tilespmem:s10+$0x0] =	vst v3  }
0x84: {  	s18 =	sadd.s32 $0x2980, s4;
	[tilespmem:s10+$0x10] =	vst v2  }
0x85: {  	[spmem:s3] =	stream.indirect.scatter.add.f32 [tilespmem:s21], [sflag:$0x2], $0x10, s18, s22, $0xb8;
	[tilespmem:$0x1F890] =	vst v63  }
0x86: {  	_ = 	snop  }
0x87: {  	[spmem:s2] =	stream.indirect.scatter.add.f32 [tilespmem:s25], [sflag:$0x2], $0x40, s18, s22, $0xb8;
	[tilespmem:$0x1F890] =	vst v63  }
0x88: {  	_ =	swait.ge [sflag:s0], $0x800  }
0x89: {  	[sflag:s0] =	ssyncset.done $0x0  }
0x8a: {  	[sflag:s0] =	ssyncadd.s32 $0xFFFFF800  }
0x8b: {  	_ =	swait.ge [sflag:s0], $0x800  }
0x8c: {  	[sflag:s0] =	ssyncset.done $0x0  }
0x8d: {  	[sflag:s0] =	ssyncadd.s32 $0xFFFFF800  }
0x8e: {  	_ =	swait.ge [sflag:s0], $0x2000  }
0x8f: {  	[sflag:s0] =	ssyncset.done $0x0  }
0x90: {  	[sflag:s0] =	ssyncadd.s32 $0xFFFFE000  }
0x91: {  	_ =	swait.ge [sflag:s12], $0x800  }
0x92: {  	[sflag:s12] =	ssyncset.done $0x0  }
0x93: {  	[sflag:s12] =	ssyncadd.s32 $0xFFFFF800  }
0x94: {  	_ =	swait.ge [sflag:s12], $0x2000  }
0x95: {  	[sflag:s12] =	ssyncset.done $0x0  }
0x96: {  	s8 =	sadd.s32 $0x200, s19;
	[sflag:s12] =	ssyncadd.s32 $0xFFFFE000  }
0x97: {  	[tilespmem:s23], [sflag:$0x1] =	stream.indirect.gather [hbm4b:s5+s22], $0x10, s8, s22, $0xb8;
	[tilespmem:$0x1F890] =	vst v63  }
0x98: {  	s16 =	sadd.s32 $0x2B80, s19  }
0x99: {  	[tilespmem:s24], [sflag:$0x1] =	stream.indirect.gather [hbm4b:s6+s22], $0x10, s16, s22, $0xb8;
	[tilespmem:$0x1F890] =	vst v63  }
0x9a: {  	s18 =	simm.s32 $0x0  }
0x9b: {  	[tilespmem:s25], [sflag:$0x1] =	stream.indirect.gather [hbm4b:s7+s22], $0x40, s8, s22, $0xb8;
	[tilespmem:$0x1F890] =	vst v63  }
0x9c: {  	v2 =	vld [tilespmem:s18+$0x8B00]  }
0x9d: {  	v3 =	vld [tilespmem:s18+$0x9300];
	_ =	sdelay $0x4  }
0x9e: {  	v2 =	vadd.f32 v3, v2;
	_ =	sdelay $0x1  }
0x9f: {  	v3 =	vmul.f32 $2.000000030e-01, v2  }
0xa0: {  	vm0 =	vgt.f32 v2, $0.0e+00  }
0xa1: {  	v2 =	vsel vm0, v2, v3  }
0xa2: {  	v2 =	vsub.f32 v2, v1;
	_ =	sdelay $0x1  }
0xa3: {  	v2 =	vmul.f32 $1.442695020e+00, v2;
	_ =	sdelay $0x1  }
0xa4: {  	(erf) = vpow2.f32 v2;
	_ =	sdelay $0x8  }
0xa5: {  	v2 =	vpop (erf)  }
0xa6: {  	s10 =	simm.s32 $0x9B20;
	[tilespmem:s18+$0xBB00] =	vst v2  }
0xa7: {  	v5 =	vld [tilespmem:s10+$0xFFFFFFE0]  }
0xa8: {  	v6 =	vld [tilespmem:s10+$0xFFFFFFF0]  }
0xa9: {  	v3 =	vld [tilespmem:s10+$0x0]  }
0xaa: {  	s16 =	simm.s32 $0x9B20;
	s18 =	simm.s32 $0x40;
	v2 =	vperm.xlane v2, v0;
	v4 =	vld [tilespmem:s10+$0x10]  }
.LBB2_5:
0xab: {  	p0 =	sne.s32 s18, $0x1FC0  }
0xac: {  	s10 =	sadd.s32 $0x40, s10;
	s8 =	smov.u32 s18;
	s18 =	sadd.s32 $0x40, s18  }
0xad: {  	v5 =	vmul.f32 v5, v2  }
0xae: {  	v6 =	vmul.f32 v6, v2  }
0xaf: {  	[tilespmem:s16+$0xFFFFFFE0] =	vst v5;
	v3 =	vmul.f32 v3, v2  }
0xb0: {  	s8 =	sshra.s32 s8, $0x2;
	[tilespmem:s16+$0xFFFFFFF0] =	vst v6;
	v2 =	vmul.f32 v4, v2  }
0xb1: {  	[tilespmem:s16+$0x0] =	vst v3  }
0xb2: {  	[tilespmem:s16+$0x10] =	vst v2;
	s16 =	smov.u32 s10  }
0xb3: {  	v2 =	vld [tilespmem:s8+$0x8B00]  }
0xb4: {  	v3 =	vld [tilespmem:s8+$0x9300];
	_ =	sdelay $0x4  }
0xb5: {  	v2 =	vadd.f32 v3, v2;
	_ =	sdelay $0x1  }
0xb6: {  	v3 =	vmul.f32 $2.000000030e-01, v2  }
0xb7: {  	vm0 =	vgt.f32 v2, $0.0e+00  }
0xb8: {  	v2 =	vsel vm0, v2, v3  }
0xb9: {  	v2 =	vsub.f32 v2, v1;
	_ =	sdelay $0x1  }
0xba: {  	v2 =	vmul.f32 $1.442695020e+00, v2;
	_ =	sdelay $0x1  }
0xbb: {  	(erf) = vpow2.f32 v2;
	_ =	sdelay $0x8  }
0xbc: {  	v2 =	vpop (erf)  }
.Ltmp1:
0xbd: {  	[tilespmem:s8+$0xBB00] =	vst v2;
	(pc) =	sbr.rel @p0 .LBB2_5-.Ltmp1, $4  }
0xbe: {  	v5 =	vld [tilespmem:s10+$0xFFFFFFE0]  }
0xbf: {  	v6 =	vld [tilespmem:s10+$0xFFFFFFF0]  }
0xc0: {  	v3 =	vld [tilespmem:s10+$0x0]  }
0xc1: {  	v2 =	vperm.xlane v2, v0;
	v4 =	vld [tilespmem:s10+$0x10]  }
0xc2: {  	_ = 	snop  }
0xc3: {  	v5 =	vmul.f32 v5, v2  }
0xc4: {  	v6 =	vmul.f32 v6, v2  }
0xc5: {  	[tilespmem:s16+$0xFFFFFFE0] =	vst v5;
	v3 =	vmul.f32 v3, v2  }
0xc6: {  	[tilespmem:s16+$0xFFFFFFF0] =	vst v6;
	v2 =	vmul.f32 v4, v2  }
0xc7: {  	[tilespmem:s16+$0x0] =	vst v3  }
0xc8: {  	s8 =	sadd.s32 $0x2A00, s4;
	[tilespmem:s16+$0x10] =	vst v2  }
0xc9: {  	[spmem:s3] =	stream.indirect.scatter.add.f32 [tilespmem:s13], [sflag:$0x2], $0x10, s8, s22, $0xb8;
	[tilespmem:$0x1F890] =	vst v63  }
0xca: {  	_ = 	snop  }
0xcb: {  	[spmem:s2] =	stream.indirect.scatter.add.f32 [tilespmem:s30], [sflag:$0x2], $0x40, s8, s22, $0xb8;
	[tilespmem:$0x1F890] =	vst v63  }
0xcc: {  	_ =	swait.ge [sflag:s0], $0x800  }
0xcd: {  	[sflag:s0] =	ssyncset.done $0x0  }
0xce: {  	[sflag:s0] =	ssyncadd.s32 $0xFFFFF800  }
0xcf: {  	_ =	swait.ge [sflag:s0], $0x800  }
0xd0: {  	[sflag:s0] =	ssyncset.done $0x0  }
0xd1: {  	[sflag:s0] =	ssyncadd.s32 $0xFFFFF800  }
0xd2: {  	_ =	swait.ge [sflag:s0], $0x2000  }
0xd3: {  	[sflag:s0] =	ssyncset.done $0x0  }
0xd4: {  	[sflag:s0] =	ssyncadd.s32 $0xFFFFE000  }
0xd5: {  	_ =	swait.ge [sflag:s12], $0x800  }
0xd6: {  	[sflag:s12] =	ssyncset.done $0x0  }
0xd7: {  	[sflag:s12] =	ssyncadd.s32 $0xFFFFF800  }
0xd8: {  	_ =	swait.ge [sflag:s12], $0x2000  }
0xd9: {  	[sflag:s12] =	ssyncset.done $0x0  }
0xda: {  	s16 =	sadd.s32 $0x280, s19;
	[sflag:s12] =	ssyncadd.s32 $0xFFFFE000  }
0xdb: {  	[tilespmem:s26], [sflag:$0x1] =	stream.indirect.gather [hbm4b:s5+s22], $0x10, s16, s22, $0xb8;
	[tilespmem:$0x1F890] =	vst v63  }
0xdc: {  	s10 =	sadd.s32 $0x2C00, s19  }
0xdd: {  	[tilespmem:s29], [sflag:$0x1] =	stream.indirect.gather [hbm4b:s6+s22], $0x10, s10, s22, $0xb8;
	[tilespmem:$0x1F890] =	vst v63  }
0xde: {  	s18 =	simm.s32 $0x0  }
0xdf: {  	[tilespmem:s30], [sflag:$0x1] =	stream.indirect.gather [hbm4b:s7+s22], $0x40, s16, s22, $0xb8;
	[tilespmem:$0x1F890] =	vst v63  }
0xe0: {  	v2 =	vld [tilespmem:s18+$0xC300]  }
0xe1: {  	v3 =	vld [tilespmem:s18+$0xCB00];
	_ =	sdelay $0x4  }
0xe2: {  	v2 =	vadd.f32 v3, v2;
	_ =	sdelay $0x1  }
0xe3: {  	v3 =	vmul.f32 $2.000000030e-01, v2  }
0xe4: {  	vm0 =	vgt.f32 v2, $0.0e+00  }
0xe5: {  	v2 =	vsel vm0, v2, v3  }
0xe6: {  	v2 =	vsub.f32 v2, v1;
	_ =	sdelay $0x1  }
0xe7: {  	v2 =	vmul.f32 $1.442695020e+00, v2;
	_ =	sdelay $0x1  }
0xe8: {  	(erf) = vpow2.f32 v2;
	_ =	sdelay $0x8  }
0xe9: {  	v2 =	vpop (erf)  }
0xea: {  	s10 =	simm.s32 $0xD320;
	[tilespmem:s18+$0xF300] =	vst v2  }
0xeb: {  	v5 =	vld [tilespmem:s10+$0xFFFFFFE0]  }
0xec: {  	v6 =	vld [tilespmem:s10+$0xFFFFFFF0]  }
0xed: {  	v3 =	vld [tilespmem:s10+$0x0]  }
0xee: {  	s16 =	simm.s32 $0xD320;
	s18 =	simm.s32 $0x40;
	v2 =	vperm.xlane v2, v0;
	v4 =	vld [tilespmem:s10+$0x10]  }
.LBB2_7:
0xef: {  	p0 =	sne.s32 s18, $0x1FC0  }
0xf0: {  	s10 =	sadd.s32 $0x40, s10;
	s8 =	smov.u32 s18;
	s18 =	sadd.s32 $0x40, s18  }
0xf1: {  	v5 =	vmul.f32 v5, v2  }
0xf2: {  	v6 =	vmul.f32 v6, v2  }
0xf3: {  	[tilespmem:s16+$0xFFFFFFE0] =	vst v5;
	v3 =	vmul.f32 v3, v2  }
0xf4: {  	s8 =	sshra.s32 s8, $0x2;
	[tilespmem:s16+$0xFFFFFFF0] =	vst v6;
	v2 =	vmul.f32 v4, v2  }
0xf5: {  	[tilespmem:s16+$0x0] =	vst v3  }
0xf6: {  	[tilespmem:s16+$0x10] =	vst v2;
	s16 =	smov.u32 s10  }
0xf7: {  	v2 =	vld [tilespmem:s8+$0xC300]  }
0xf8: {  	v3 =	vld [tilespmem:s8+$0xCB00];
	_ =	sdelay $0x4  }
0xf9: {  	v2 =	vadd.f32 v3, v2;
	_ =	sdelay $0x1  }
0xfa: {  	v3 =	vmul.f32 $2.000000030e-01, v2  }
0xfb: {  	vm0 =	vgt.f32 v2, $0.0e+00  }
0xfc: {  	v2 =	vsel vm0, v2, v3  }
0xfd: {  	v2 =	vsub.f32 v2, v1;
	_ =	sdelay $0x1  }
0xfe: {  	v2 =	vmul.f32 $1.442695020e+00, v2;
	_ =	sdelay $0x1  }
0xff: {  	(erf) = vpow2.f32 v2;
	_ =	sdelay $0x8  }
0x100: {  	v2 =	vpop (erf)  }
.Ltmp2:
0x101: {  	[tilespmem:s8+$0xF300] =	vst v2;
	(pc) =	sbr.rel @p0 .LBB2_7-.Ltmp2, $4  }
0x102: {  	v5 =	vld [tilespmem:s10+$0xFFFFFFE0]  }
0x103: {  	v6 =	vld [tilespmem:s10+$0xFFFFFFF0]  }
0x104: {  	v3 =	vld [tilespmem:s10+$0x0]  }
0x105: {  	v2 =	vperm.xlane v2, v0;
	v4 =	vld [tilespmem:s10+$0x10]  }
0x106: {  	_ = 	snop  }
0x107: {  	v5 =	vmul.f32 v5, v2  }
0x108: {  	v6 =	vmul.f32 v6, v2  }
0x109: {  	[tilespmem:s16+$0xFFFFFFE0] =	vst v5;
	v3 =	vmul.f32 v3, v2  }
0x10a: {  	[tilespmem:s16+$0xFFFFFFF0] =	vst v6;
	v2 =	vmul.f32 v4, v2  }
0x10b: {  	[tilespmem:s16+$0x0] =	vst v3  }
0x10c: {  	s4 =	sadd.s32 $0x2A80, s4;
	[tilespmem:s16+$0x10] =	vst v2  }
0x10d: {  	[spmem:s3] =	stream.indirect.scatter.add.f32 [tilespmem:s14], [sflag:$0x2], $0x10, s4, s22, $0xb8;
	[tilespmem:$0x1F890] =	vst v63  }
0x10e: {  	_ = 	snop  }
0x10f: {  	[spmem:s2] =	stream.indirect.scatter.add.f32 [tilespmem:s28], [sflag:$0x2], $0x40, s4, s22, $0xb8;
	[tilespmem:$0x1F890] =	vst v63  }
0x110: {  	_ =	swait.ge [sflag:s0], $0x800  }
0x111: {  	[sflag:s0] =	ssyncset.done $0x0  }
0x112: {  	[sflag:s0] =	ssyncadd.s32 $0xFFFFF800  }
0x113: {  	_ =	swait.ge [sflag:s0], $0x800  }
0x114: {  	[sflag:s0] =	ssyncset.done $0x0  }
0x115: {  	[sflag:s0] =	ssyncadd.s32 $0xFFFFF800  }
0x116: {  	_ =	swait.ge [sflag:s0], $0x2000  }
0x117: {  	[sflag:s0] =	ssyncset.done $0x0  }
0x118: {  	[sflag:s0] =	ssyncadd.s32 $0xFFFFE000  }
0x119: {  	_ =	swait.ge [sflag:s12], $0x800  }
0x11a: {  	[sflag:s12] =	ssyncset.done $0x0  }
0x11b: {  	[sflag:s12] =	ssyncadd.s32 $0xFFFFF800  }
0x11c: {  	_ =	swait.ge [sflag:s12], $0x2000  }
0x11d: {  	[sflag:s12] =	ssyncset.done $0x0  }
0x11e: {  	s18 =	sadd.s32 $0x300, s19;
	[sflag:s12] =	ssyncadd.s32 $0xFFFFE000  }
0x11f: {  	[tilespmem:s1], [sflag:$0x1] =	stream.indirect.gather [hbm4b:s5+s22], $0x10, s18, s22, $0xb8;
	[tilespmem:$0x1F890] =	vst v63  }
0x120: {  	s8 =	sadd.s32 $0x2C80, s19  }
0x121: {  	[tilespmem:s20], [sflag:$0x1] =	stream.indirect.gather [hbm4b:s6+s22], $0x10, s8, s22, $0xb8;
	[tilespmem:$0x1F890] =	vst v63  }
0x122: {  	s19 =	simm.s32 $0x0  }
0x123: {  	[tilespmem:s28], [sflag:$0x1] =	stream.indirect.gather [hbm4b:s7+s22], $0x40, s18, s22, $0xb8;
	[tilespmem:$0x1F890] =	vst v63  }
0x124: {  	v2 =	vld [tilespmem:s19+$0xFB00]  }
0x125: {  	v3 =	vld [tilespmem:s19+$0x10300];
	_ =	sdelay $0x4  }
0x126: {  	v2 =	vadd.f32 v3, v2;
	_ =	sdelay $0x1  }
0x127: {  	v3 =	vmul.f32 $2.000000030e-01, v2  }
0x128: {  	vm0 =	vgt.f32 v2, $0.0e+00  }
0x129: {  	v2 =	vsel vm0, v2, v3  }
0x12a: {  	v2 =	vsub.f32 v2, v1;
	_ =	sdelay $0x1  }
0x12b: {  	v2 =	vmul.f32 $1.442695020e+00, v2;
	_ =	sdelay $0x1  }
0x12c: {  	(erf) = vpow2.f32 v2;
	_ =	sdelay $0x8  }
0x12d: {  	v2 =	vpop (erf)  }
0x12e: {  	s4 =	simm.s32 $0x10B20;
	[tilespmem:s19+$0x12B00] =	vst v2  }
0x12f: {  	v5 =	vld [tilespmem:s4+$0xFFFFFFE0]  }
0x130: {  	v6 =	vld [tilespmem:s4+$0xFFFFFFF0]  }
0x131: {  	v3 =	vld [tilespmem:s4+$0x0]  }
0x132: {  	s10 =	simm.s32 $0x10B20;
	s16 =	simm.s32 $0x40;
	v2 =	vperm.xlane v2, v0;
	v4 =	vld [tilespmem:s4+$0x10]  }
.LBB2_9:
0x133: {  	p0 =	sne.s32 s16, $0x1FC0  }
0x134: {  	s4 =	sadd.s32 $0x40, s4;
	s8 =	smov.u32 s16;
	s16 =	sadd.s32 $0x40, s16  }
0x135: {  	v5 =	vmul.f32 v5, v2  }
0x136: {  	v6 =	vmul.f32 v6, v2  }
0x137: {  	[tilespmem:s10+$0xFFFFFFE0] =	vst v5;
	v3 =	vmul.f32 v3, v2  }
0x138: {  	s8 =	sshra.s32 s8, $0x2;
	[tilespmem:s10+$0xFFFFFFF0] =	vst v6;
	v2 =	vmul.f32 v4, v2  }
0x139: {  	[tilespmem:s10+$0x0] =	vst v3  }
0x13a: {  	[tilespmem:s10+$0x10] =	vst v2;
	s10 =	smov.u32 s4  }
0x13b: {  	v2 =	vld [tilespmem:s8+$0xFB00]  }
0x13c: {  	v3 =	vld [tilespmem:s8+$0x10300];
	_ =	sdelay $0x4  }
0x13d: {  	v2 =	vadd.f32 v3, v2;
	_ =	sdelay $0x1  }
0x13e: {  	v3 =	vmul.f32 $2.000000030e-01, v2  }
0x13f: {  	vm0 =	vgt.f32 v2, $0.0e+00  }
0x140: {  	v2 =	vsel vm0, v2, v3  }
0x141: {  	v2 =	vsub.f32 v2, v1;
	_ =	sdelay $0x1  }
0x142: {  	v2 =	vmul.f32 $1.442695020e+00, v2;
	_ =	sdelay $0x1  }
0x143: {  	(erf) = vpow2.f32 v2;
	_ =	sdelay $0x8  }
0x144: {  	v2 =	vpop (erf)  }
.Ltmp3:
0x145: {  	[tilespmem:s8+$0x12B00] =	vst v2;
	(pc) =	sbr.rel @p0 .LBB2_9-.Ltmp3, $4  }
0x146: {  	v5 =	vld [tilespmem:s4+$0xFFFFFFE0]  }
0x147: {  	v6 =	vld [tilespmem:s4+$0xFFFFFFF0]  }
0x148: {  	v3 =	vld [tilespmem:s4+$0x0]  }
0x149: {  	v2 =	vperm.xlane v2, v0;
	v4 =	vld [tilespmem:s4+$0x10]  }
0x14a: {  	_ = 	snop  }
0x14b: {  	v5 =	vmul.f32 v5, v2  }
0x14c: {  	v6 =	vmul.f32 v6, v2  }
0x14d: {  	s31 =	sadd.s32 $0x1, s31;
	[tilespmem:s10+$0xFFFFFFE0] =	vst v5;
	v3 =	vmul.f32 v3, v2  }
0x14e: {  	p0 =	sne.s32 s31, $0x14;
	[tilespmem:s10+$0xFFFFFFF0] =	vst v6;
	v2 =	vmul.f32 v4, v2  }
.Ltmp4:
0x14f: {  	[tilespmem:s10+$0x0] =	vst v3;
	(pc) =	sbr.rel @p0 .LBB2_2-.Ltmp4, $4  }
0x150: {  	[tilespmem:s10+$0x10] =	vst v2  }
0x151: {  	[spmem:s3] =	stream.indirect.scatter.add.f32 [tilespmem:s15], [sflag:$0x2], $0x10, s17, s22, $0xb8;
	[tilespmem:$0x1F890] =	vst v63  }
0x152: {  	_ = 	snop  }
0x153: {  	[spmem:s2] =	stream.indirect.scatter.add.f32 [tilespmem:s11], [sflag:$0x2], $0x40, s17, s22, $0xb8;
	[tilespmem:$0x1F890] =	vst v63  }
0x154: {  	_ =	swait.ge [sflag:s0], $0x800  }
0x155: {  	[sflag:s0] =	ssyncset.done $0x0  }
0x156: {  	[sflag:s0] =	ssyncadd.s32 $0xFFFFF800  }
0x157: {  	_ =	swait.ge [sflag:s0], $0x800  }
0x158: {  	[sflag:s0] =	ssyncset.done $0x0  }
0x159: {  	[sflag:s0] =	ssyncadd.s32 $0xFFFFF800  }
0x15a: {  	_ =	swait.ge [sflag:s0], $0x2000  }
0x15b: {  	[sflag:s0] =	ssyncset.done $0x0  }
0x15c: {  	[sflag:s0] =	ssyncadd.s32 $0xFFFFE000  }
0x15d: {  	_ =	swait.ge [sflag:s0], $0x800  }
0x15e: {  	[sflag:s0] =	ssyncset.done $0x0  }
0x15f: {  	[sflag:s0] =	ssyncadd.s32 $0xFFFFF800  }
0x160: {  	_ =	swait.ge [sflag:s0], $0x800  }
0x161: {  	[sflag:s0] =	ssyncset.done $0x0  }
0x162: {  	[sflag:s0] =	ssyncadd.s32 $0xFFFFF800  }
0x163: {  	_ =	swait.ge [sflag:s0], $0x2000  }
0x164: {  	[sflag:s0] =	ssyncset.done $0x0  }
0x165: {  	[sflag:s0] =	ssyncadd.s32 $0xFFFFE000  }
0x166: {  	_ =	swait.ge [sflag:s0], $0x800  }
0x167: {  	[sflag:s0] =	ssyncset.done $0x0  }
0x168: {  	[sflag:s0] =	ssyncadd.s32 $0xFFFFF800  }
0x169: {  	_ =	swait.ge [sflag:s0], $0x800  }
0x16a: {  	[sflag:s0] =	ssyncset.done $0x0  }
0x16b: {  	[sflag:s0] =	ssyncadd.s32 $0xFFFFF800  }
0x16c: {  	_ =	swait.ge [sflag:s0], $0x2000  }
0x16d: {  	[sflag:s0] =	ssyncset.done $0x0  }
0x16e: {  	[sflag:s0] =	ssyncadd.s32 $0xFFFFE000  }
0x16f: {  	_ =	swait.ge [sflag:s12], $0x800  }
0x170: {  	[sflag:s12] =	ssyncset.done $0x0  }
0x171: {  	[sflag:s12] =	ssyncadd.s32 $0xFFFFF800  }
0x172: {  	_ =	swait.ge [sflag:s12], $0x2000  }
0x173: {  	[sflag:s12] =	ssyncset.done $0x0  }
0x174: {  	[sflag:s12] =	ssyncadd.s32 $0xFFFFE000  }
0x175: {  	[bflag:$0x0] =	sbarrier.arrive $0xFFFF  }
0x176: {  	s16 =	rddreg [dreg:$0x6]  }
0x177: {  	s4 =	rddreg [dreg:$0xa]  }
0x178: {  	s10 =	simm.s32 $0x3;
	s8 =	rddreg [dreg:$0xd]  }
0x179: {  	[hbm:s4], [sflag:s16] =	dma.local [spmem:s8], $0x13C0  }
0x17a: {  	_ =	swait.ge [sflag:s10], $0x13C0  }
0x17b: {  	[sflag:s10] =	ssyncset.done $0x0;
	s19 =	rddreg [dreg:$0xb]  }
0x17c: {  	s17 =	rddreg [dreg:$0xe];
	[sflag:s10] =	ssyncadd.s32 $0xFFFFEC40  }
0x17d: {  	[hbm:s19], [sflag:s16] =	dma.local [spmem:s17], $0x4F0  }
0x17e: {  	_ =	swait.ge [sflag:s10], $0x4F0  }
0x17f: {  	s18 =	rddreg [dreg:$0xf]  }
0x180: {  	s31 =	rddreg [dreg:$0xc];
	s18 =	sadd.s32 $0x1, s18  }
0x181: {  	p0 =	sne.s32 s18, s31  }
.Ltmp5:
0x182: {  	_ = 	snop;
	(pc) =	sbr.rel @p0 .LBB2_1-.Ltmp5, $3  }
0x183: {  	_ =	sdelay $0x1  }
0x184: {  	[sflag:s10] =	ssyncset.done $0x0  }
0x185: {  	[sflag:s10] =	ssyncadd.s32 $0xFFFFFB10  }
0x186: {  	_ =	sfence.sel $0x180000  }
0x187: {  	[bflag:$0x0] =	sbarrier.arrive $0xFFFF  }
0x188: {  	_ =	strace $0x9000004A  }
0x189: {  	s0 =	stileid.u32;
	[bflag:$0x2] =	sbarrier.arrive $0xFFFF  }
0x18a: {  	p0 =	sne.s32 s0, $0x0;
	s0 =	rddreg [dreg:$0x3]  }
0x18b: {  	s0 =	sadd.s32 @!p0 $0x100000, s0  }
0x18c: {  	[sflag:s0] =	ssyncadd.tile.s32 @!p0 $0x1;
	_ =	shalt  }
.Lfunc_end2:
_tile_overlayer_lowered:
.L_overlay_start_2:
0x18d: {  	(tag) =	ssettag $0x2  }
0x18e: {  	s0 =	rddreg [dreg:$0x0];
	s2 =	stileid.u32  }
0x18f: {  	s1 =	rddreg [dreg:$0x1];
	p0 =	sne.s32 s2, $0x0  }
0x190: {  	s3 =	rddreg [dreg:$0x2];
	[bflag:$0x3] =	sbarrier.arrive $0xFFFF;
	s2 =	simm.s32 @!p0 $0x1C03  }
0x191: {  	[timem:s3], [sflag:s2] =	dma.local @!p0 [hbm:s0], s1  }
0x192: {  	s0 =	simm.s32 @!p0 $0x3  }
0x193: {  	_ =	swait.ge @!p0 [sflag:s0], s1  }
0x194: {  	s1 =	ssub.s32 @!p0 $0x0, s1;
	[sflag:s0] =	ssyncset.done @!p0 $0x0  }
0x195: {  	[sflag:s0] =	ssyncadd.s32 @!p0 s1  }
0x196: {  	[bflag:$0x3] =	sbarrier.arrive $0xFFFF  }
0x197: {  	_ =	shalt  }

// kernel: kernel.7.cloned.1.call-start
scs
__scs_entry_jumppad:
0x0: {  	(pc) =	sbr.rel $0x88, $3  }
0x1: {  	(tag) =	ssettag $0x0;
	lr =	simm.s32 $0x1  }
0x2: {  	[smem:$0x3F8B] =	sst lr;
	_ =	strace $0xD0000000  }
0x3: {  	_ = 	snop  }
0x4: {  	_ = 	snop  }
0x5: {  	_ = 	snop  }
0x6: {  	_ = 	snop  }
0x7: {  	_ = 	snop  }
__scs_overlays_trampoline_lowered:
0x8: {  	[smem:$0x3F9A] =	sst s0  }
0x9: {  	[smem:$0x3F9B] =	sst s1  }
0xa: {  	[smem:$0x3F9C] =	sst s2  }
0xb: {  	[smem:$0x3F9D] =	sst s3  }
0xc: {  	[smem:$0x3F9E] =	sst s4  }
0xd: {  	[smem:$0x3F9F] =	sst s5  }
0xe: {  	[smem:$0x3FA0] =	sst s6  }
0xf: {  	[smem:$0x3FA1] =	sst s7  }
0x10: {  	[smem:$0x3FA2] =	sst s8  }
0x11: {  	[smem:$0x3FA3] =	sst s9;
	s0 =	simm.s32 @!p0 $0x0  }
0x12: {  	s1 =	sld [smem:$0x3F89];
	s0 =	simm.s32 @p0 $0x1  }
0x13: {  	[smem:$0x3FA4] =	sst s0;
	s0 =	simm.s32 @!p1 $0x0  }
0x14: {  	s2 =	sld [smem:$0x3F88];
	s0 =	simm.s32 @p1 $0x1  }
0x15: {  	[smem:$0x3FA5] =	sst s0;
	s0 =	simm.s32 @!p2 $0x0  }
0x16: {  	s3 =	sld [smem:$0x3FDB];
	s0 =	simm.s32 @p2 $0x1  }
0x17: {  	s4 =	simm.s32 $0x1BF5;
	[smem:$0x3FA7] =	sst s0  }
0x18: {  	s0 =	sld [smem:$0x3F8A];
	_ =	swait.ge [sflag:s4], $0x0  }
0x19: {  	s7 =	sld [smem:$0x3F8B]  }
0x1a: {  	s8 =	sadd.s32 $0xFFFFE003, lr  }
0x1b: {  	s9 =	sadd.s32 $0xFFFFFEF7, lr;
	s5 =	simm.s32 $0xFFFFFFFF;
	p2 =	slt.u32 s8, $0xFFFFF086  }
0x1c: {  	p1 =	slt.u32 s9, $0xF7A;
	s5 =	simm.s32 @!p2 $0x0  }
0x1d: {  	s5 =	simm.s32 @p1 $0x1;
	p0 =	seq.s32 s7, s2  }
0x1e: {  	s7 =	smul.u32 @!p0 $0xF7A, s2;
	p2 =	seq.s32 @!p0 s5, $0x0  }
0x1f: {  	s9 =	smul.u32 $0xF7A, s1;
	s8 =	simm.s32 @!p0 $0x1BF5;
	p2 =	por !p2, p0  }
0x20: {  	[sflag:s8] =	ssyncset.s32 @!p0 $0xFFFFF086;
	s6 =	sadd.s32 @!p0 s3, s7;
	s7 =	simm.s32 @!p0 $0x108  }
0x21: {  	s3 =	sadd.s32 s3, s9;
	s6 =	sadd.s32 @!p0 $0x88, s6;
	s7 =	simm.s32 @p2 $0x1082  }
0x22: {  	[simem:s7], [sflag:s8] =	dma.local @!p0 [hbm:s6], $0xF7A  }
0x23: {  	s9 =	sor.u32 $0xD0000000, s2;
	s6 =	simm.s32 $0x108;
	_ =	swait.ge @!p0 [sflag:s8], $0x0  }
0x24: {  	s3 =	sadd.s32 $0x88, s3;
	s6 =	simm.s32 @!p1 $0x1082;
	[sflag:s4] =	ssyncset.s32 $0xFFFFF086  }
0x25: {  	[simem:s6], [sflag:s4] =	dma.local [hbm:s3], $0xF7A  }
0x26: {  	[smem:$0x3F8B] =	sst s1;
	(tag) =	ssettag s2;
	_ =	strace s9  }
0x27: {  	s1 =	sld [smem:$0x3F9B]  }
0x28: {  	s2 =	sld [smem:$0x3F9C]  }
0x29: {  	s4 =	sld [smem:$0x3F9E]  }
0x2a: {  	p0 =	seq.s32 s5, $0x0;
	s5 =	sld [smem:$0x3F9F]  }
0x2b: {  	s6 =	sld [smem:$0x3FA0]  }
0x2c: {  	s7 =	sld [smem:$0x3FA1]  }
0x2d: {  	s3 =	simm.s32 $0x108;
	s8 =	sld [smem:$0x3FA2]  }
0x2e: {  	s3 =	simm.s32 @!p0 $0x1082;
	s9 =	sld [smem:$0x3FA3]  }
0x2f: {  	lr =	sadd.s32 s0, s3;
	s0 =	sld [smem:$0x3F9A]  }
0x30: {  	s3 =	sld [smem:$0x3F9D]  }
0x31: {  	[smem:$0x3FA6] =	sst s10  }
0x32: {  	s10 =	sld [smem:$0x3FA4];
	_ =	sdelay $0x3  }
0x33: {  	p0 =	seq.s32 s10, $0x1;
	s10 =	sld [smem:$0x3FA6];
	_ =	sdelay $0x3  }
0x34: {  	[smem:$0x3FA6] =	sst s10  }
0x35: {  	s10 =	sld [smem:$0x3FA5];
	_ =	sdelay $0x3  }
0x36: {  	p1 =	seq.s32 s10, $0x1;
	s10 =	sld [smem:$0x3FA6];
	_ =	sdelay $0x3  }
0x37: {  	[smem:$0x3FA6] =	sst s10  }
0x38: {  	s10 =	sld [smem:$0x3FA7]  }
0x39: {  	_ = 	snop;
	(pc) =	sbr.ind lr, $3  }
0x3a: {  	_ = 	snop  }
0x3b: {  	_ = 	snop  }
0x3c: {  	p2 =	seq.s32 s10, $0x1;
	s10 =	sld [smem:$0x3FA6]  }
0x3d: {  	_ =	shalt  }
0x3e: {  	_ =	shalt  }
0x3f: {  	_ =	shalt  }
0x40: {  	_ =	shalt  }
0x41: {  	_ =	shalt  }
0x42: {  	_ =	shalt  }
0x43: {  	_ =	shalt  }
0x44: {  	_ =	shalt  }
0x45: {  	_ =	shalt  }
0x46: {  	_ =	shalt  }
0x47: {  	_ =	shalt  }
0x48: {  	_ =	shalt  }
0x49: {  	_ =	shalt  }
0x4a: {  	_ =	shalt  }
0x4b: {  	_ =	shalt  }
0x4c: {  	_ =	shalt  }
0x4d: {  	_ =	shalt  }
0x4e: {  	_ =	shalt  }
0x4f: {  	_ =	shalt  }
0x50: {  	_ =	shalt  }
0x51: {  	_ =	shalt  }
0x52: {  	_ =	shalt  }
0x53: {  	_ =	shalt  }
0x54: {  	_ =	shalt  }
0x55: {  	_ =	shalt  }
0x56: {  	_ =	shalt  }
0x57: {  	_ =	shalt  }
0x58: {  	_ =	shalt  }
0x59: {  	_ =	shalt  }
0x5a: {  	_ =	shalt  }
0x5b: {  	_ =	shalt  }
0x5c: {  	_ =	shalt  }
0x5d: {  	_ =	shalt  }
0x5e: {  	_ =	shalt  }
0x5f: {  	_ =	shalt  }
0x60: {  	_ =	shalt  }
0x61: {  	_ =	shalt  }
0x62: {  	_ =	shalt  }
0x63: {  	_ =	shalt  }
0x64: {  	_ =	shalt  }
0x65: {  	_ =	shalt  }
0x66: {  	_ =	shalt  }
0x67: {  	_ =	shalt  }
0x68: {  	_ =	shalt  }
0x69: {  	_ =	shalt  }
0x6a: {  	_ =	shalt  }
0x6b: {  	_ =	shalt  }
0x6c: {  	_ =	shalt  }
0x6d: {  	_ =	shalt  }
0x6e: {  	_ =	shalt  }
0x6f: {  	_ =	shalt  }
0x70: {  	_ =	shalt  }
0x71: {  	_ =	shalt  }
0x72: {  	_ =	shalt  }
0x73: {  	_ =	shalt  }
0x74: {  	_ =	shalt  }
0x75: {  	_ =	shalt  }
0x76: {  	_ =	shalt  }
0x77: {  	_ =	shalt  }
0x78: {  	_ =	shalt  }
0x79: {  	_ =	shalt  }
0x7a: {  	_ =	shalt  }
0x7b: {  	_ =	shalt  }
0x7c: {  	_ =	shalt  }
0x7d: {  	_ =	shalt  }
0x7e: {  	_ =	shalt  }
0x7f: {  	_ =	shalt  }
0x80: {  	_ =	shalt  }
0x81: {  	_ =	shalt  }
0x82: {  	_ =	shalt  }
0x83: {  	_ =	shalt  }
0x84: {  	_ =	shalt  }
0x85: {  	_ =	shalt  }
0x86: {  	_ =	shalt  }
0x87: {  	_ =	shalt  }
.Lfunc_end0:
.L_simem_size_0:
called_computation_lowered:
.L_overlay_start_0:
0x88: {  	s2 =	sld [smem:$0x3FD9]  }
0x89: {  	s3 =	sld [smem:$0x3FFE];
	_ =	sdelay $0x1  }
0x8a: {  	s1 =	srdreg.scid  }
0x8b: {  	s0 =	sand.u32 $0x1, s1  }
0x8c: {  	s17 =	sshll.u32 s0, $0xA;
	s2 =	sadd.s32 s3, s2  }
0x8d: {  	s2 =	sadd.s32 s2, s17  }
0x8e: {  	[smem:$0x3FB2] =	sst s2  }
0x8f: {  	_ = 	snop  }
0x90: {  	s2 =	sld [smem:$0x3FD0];
	(tm) =	ssettm $0x1  }
0x91: {  	s18 =	sld [smem:$0x3FFB];
	_ =	sdelay $0x3  }
0x92: {  	_ =	strace s18  }
0x93: {  	s3 =	sld [smem:$0x3FFC];
	_ =	sdelay $0x3  }
0x94: {  	_ =	strace s3  }
0x95: {  	s3 =	sld [smem:$0x3FFD];
	_ =	sdelay $0x3  }
0x96: {  	_ =	strace s3  }
0x97: {  	_ =	strace $0x8FFFFFFF  }
0x98: {  	s19 =	sld [smem:$0x3FDB];
	_ =	sdelay $0x1  }
0x99: {  	s4 =	simm.s32 $_scs_section_size  }
0x9a: {  	s5 =	simm.s32 $_size__tile_overlayer_lowered;
	s6 =	simm.s32 $_tile_overlayer_lowered  }
0x9b: {  	s22 =	simm.s32 $0x1BFF;
	s21 =	sshll.u32 s6, $0x1;
	s3 =	sadd.s32 s4, s19  }
0x9c: {  	s7 =	simm.s32 $0x0;
	s20 =	sshll.u32 s5, $0x1;
	s5 =	sadd.s32 s21, s3  }
0x9d: {  	[timem:s7], [sflag:s22] =	dma.local [hbm:s5], s20  }
0x9e: {  	_ =	swait.ge [sflag:s22], s20  }
0x9f: {  	s4 =	ssub.s32 $0x0, s20;
	[sflag:s22] =	ssyncset.done $0x0  }
0xa0: {  	[sflag:s22] =	ssyncadd.s32 s4;
	_ =	sdelay $0x1  }
0xa1: {  	s23 =	simm.s32 $0x1B8B  }
0xa2: {  	_ =	swait.ge [sflag:s23], $0x1  }
0xa3: {  	[sflag:s23] =	ssyncset.done $0x0  }
0xa4: {  	s25 =	simm.s32 $0x1B8E;
	s24 =	sld [smem:$0x3FFE];
	[sflag:s23] =	ssyncadd.s32 $0xFFFFFFFF  }
0xa5: {  	s26 =	simm.s32 $execute0_lowered;
	[smem:$0x3FD2] =	sst s25  }
0xa6: {  	s5 =	sshll.u32 s26, $0x1;
	_ =	strace $0x80000046;
	[dreg:$0x1] =	wrdreg $0xFFFFFFFF  }
0xa7: {  	s28 =	simm.s32 $_size_execute0_lowered;
	s3 =	sadd.s32 s3, s5;
	[dreg:$0x0] =	wrdreg $0x0  }
0xa8: {  	s5 =	sshll.u32 s28, $0x1;
	[dreg:$0x2] =	wrdreg s3  }
0xa9: {  	[dreg:$0x3] =	wrdreg s5  }
0xaa: {  	[dreg:$0x4] =	wrdreg $0xC0  }
0xab: {  	_ =	task [dreg:s7], $0x5FFFF  }
0xac: {  	[dreg:$0x1] =	wrdreg $0xFFFFFFFF  }
0xad: {  	[dreg:$0x0] =	wrdreg $0x60  }
0xae: {  	[dreg:$0x2] =	wrdreg s24  }
0xaf: {  	[dreg:$0x3] =	wrdreg s2  }
0xb0: {  	[dreg:$0x4] =	wrdreg $0x133100  }
0xb1: {  	[dreg:$0x5] =	wrdreg $0x1D1100  }
0xb2: {  	[dreg:$0x6] =	wrdreg $0x9  }
0xb3: {  	_ =	task.clear_ibuf [dreg:s7], $0x7FFFF;
	_ =	strace $0x90000046  }
0xb4: {  	s29 =	simm.s32 $0x9;
	_ =	strace $0x80000048  }
0xb5: {  	_ =	swait.ge [sflag:s29], $0x1  }
0xb6: {  	[sflag:s29] =	ssyncadd.s32 $0xFFFFFFFF  }
0xb7: {  	_ =	strace $0x90000048  }
0xb8: {  	_ =	sfence  }
0xb9: {  	s30 =	sld [smem:$0x0];
	_ =	sdelay $0x2  }
0xba: {  	s31 =	sshll.u32 s1, $0xD;
	s1 =	sshrl.u32 s1, $0x2  }
0xbb: {  	s3 =	sand.u32 $0x4000, s31;
	s1 =	sadd.s32 s1, s30  }
0xbc: {  	s0 =	sor.u32 s3, s0;
	s1 =	sshll.u32 s1, $0x11  }
0xbd: {  	s0 =	sor.u32 s1, s0  }
0xbe: {  	s0 =	sadd.s32 $0x8F2B, s0  }
0xbf: {  	[sflag:s0] =	ssyncadd.remote.s32 $0x1  }
0xc0: {  	_ =	sfence.sel $0xFFFF  }
0xc1: {  	[dreg:$0x0] =	wrdreg $0xFFFFFFFF;
	(pc) =	sbr.abs _section_cstart, $3  }
0xc2: {  	[dreg:$0x1] =	wrdreg $0xFFFFFFFF  }
0xc3: {  	_ =	task.clear_ibuf [dreg:s7], $0x2FFFF;
	_ =	strace $0x9FFFFFFF  }
0xc4: {  	(tm) =	ssettm $0x7FFFFFFF  }
0xc5: {  	_ =	shalt  }
tec
execute0_lowered:
.L_overlay_start_1:
0x0: {  	(tag) =	ssettag $0x1  }
0x1: {  	s0 =	rddreg [dreg:$0x0];
	s1 =	srdreg.scid  }
0x2: {  	s15 =	stileid.u32;
	s3 =	rddreg [dreg:$0x2]  }
0x3: {  	s4 =	rddreg [dreg:$0x3];
	s5 =	simm.s32 $0x0;
	s29 =	simm.s32 $0x9300  }
0x4: {  	s30 =	simm.s32 $0x9B00;
	s20 =	simm.s32 $0xD300;
	s28 =	simm.s32 $0x1  }
0x5: {  	s21 =	simm.s32 $0x10B00;
	s18 =	simm.s32 $0x0;
	s1 =	sand.u32 $0x1, s1  }
0x6: {  	s2 =	sshll.u32 s15, $0x1;
	[smem:$0x7FF] =	sst s5;
	s22 =	smul.u32 $0x9E00, s15  }
0x7: {  	s9 =	smul.u32 $0x2780, s15;
	s6 =	sadd.s32 $0x6400, s0;
	s7 =	sadd.s32 $0x1400, s0  }
0x8: {  	s8 =	sadd.s32 $0xB400, s0;
	s23 =	sshll.u32 s15, $0x6;
	s15 =	simm.s32 $0x12B00  }
0x9: {  	s2 =	sor.u32 s1, s2;
	_ =	strace $0x80000047;
	s10 =	smul.u32 $0x9E000, s1  }
0xa: {  	s13 =	smul.u32 $0x27800, s1;
	s1 =	ssub.s32 $0x2, s1;
	s16 =	sor.u32 $0x1C03, s23  }
0xb: {  	s23 =	simm.s32 $0x5300;
	s2 =	smul.u32 $0x500, s2;
	s11 =	sshrl.u32 s22, $0x3  }
0xc: {  	s12 =	sshrl.u32 s9, $0x3;
	s14 =	sshrl.u32 s1, $0x1;
	s5 =	sadd.s32 s22, s3  }
0xd: {  	[dreg:$0x6] =	wrdreg s16;
	s11 =	sadd.s32 s11, s0;
	s12 =	sadd.s32 s12, s0  }
0xe: {  	s10 =	sadd.s32 s22, s10;
	s13 =	sadd.s32 s9, s13;
	s1 =	ssub.s32 s1, s14  }
0xf: {  	s9 =	sadd.s32 s9, s4;
	s5 =	sshrl.u32 s5, $0x3;
	s22 =	simm.s32 $0x80  }
0x10: {  	s14 =	simm.s32 $0xF300;
	s2 =	sadd.s32 s2, s0;
	s10 =	sshrl.u32 s10, $0x3  }
0x11: {  	s13 =	sshrl.u32 s13, $0x3;
	s11 =	sadd.s32 $0x33400, s11;
	s24 =	sadd.s32 $0x47000, s12  }
0x12: {  	s31 =	smax.u32 s1, $0x1;
	s17 =	sshrl.u32 s9, $0x3;
	[dreg:$0xd] =	wrdreg s5  }
0x13: {  	s1 =	simm.s32 $0xCB00;
	s9 =	simm.s32 $0x10300;
	[dreg:$0x5] =	wrdreg s11  }
0x14: {  	s12 =	simm.s32 $0x2;
	s10 =	sadd.s32 s10, s0;
	[dreg:$0x7] =	wrdreg s24  }
0x15: {  	s0 =	sadd.s32 s13, s0;
	s25 =	sadd.s32 $0x29200, s2;
	[dreg:$0xc] =	wrdreg s31  }
0x16: {  	s2 =	sadd.s32 $0x1F000, s2;
	s24 =	simm.s32 $0x5B00;
	[dreg:$0xe] =	wrdreg s17  }
0x17: {  	s11 =	simm.s32 $0x8300;
	s13 =	simm.s32 $0xBB00;
	[dreg:$0x8] =	wrdreg s25  }
0x18: {  	v0 =	vlaneseq.u32;
	[dreg:$0x9] =	wrdreg s2;
	s26 =	sadd.s32 $0x55E00, s10;
	s0 =	sadd.s32 $0x4C000, s0  }
0x19: {  	v0 =	vshrl.u32 v0, $0x3;
	s10 =	simm.s32 $0x3;
	s25 =	simm.s32 $0x6300;
	[dreg:$0xa] =	wrdreg s26  }
0x1a: {  	v1 =	vor.u32 $0x2, v0;
	v2 =	vor.u32 $0x4, v0;
	v3 =	vor.u32 $0x6, v0;
	s2 =	simm.s32 $0xC300;
	[dreg:$0xb] =	wrdreg s0;
	s26 =	simm.s32 $0x8B00  }
.LBB2_1:
0x1b: {  	[dreg:$0xf] =	wrdreg s18  }
0x1c: {  	s0 =	rddreg [dreg:$0x5]  }
0x1d: {  	[spmem:s5], [sflag:s16] =	dma.local [hbm:s0], $0x13C0  }
0x1e: {  	_ =	swait.ge [sflag:s10], $0x13C0  }
0x1f: {  	[sflag:s10] =	ssyncset.done $0x0  }
0x20: {  	s5 =	rddreg [dreg:$0x7];
	[sflag:s10] =	ssyncadd.s32 $0xFFFFEC40  }
0x21: {  	[spmem:s17], [sflag:s16] =	dma.local [hbm:s5], $0x4F0  }
0x22: {  	_ =	swait.ge [sflag:s10], $0x4F0  }
0x23: {  	[sflag:s10] =	ssyncset.done $0x0  }
0x24: {  	[sflag:s10] =	ssyncadd.s32 $0xFFFFFB10  }
0x25: {  	s19 =	simm.s32 $0x13300;
	s5 =	simm.s32 $0x0;
	s18 =	rddreg [dreg:$0x1]  }
0x26: {  	[tilespmem:s19], [sflag:$0x3] =	stream.linear.gather [hbm4b:s18+s5], $0x10, $0x38;
	[tilespmem:$0x1F890] =	vst v63  }
0x27: {  	_ =	swait.ge [sflag:s10], $0x10  }
0x28: {  	[sflag:s10] =	ssyncset.done $0x0  }
0x29: {  	s17 =	rddreg [dreg:$0x8];
	[sflag:s10] =	ssyncadd.s32 $0xFFFFFFF0  }
0x2a: {  	[tilespmem:s5], [sflag:$0x3] =	stream.linear.gather [hbm4b:s17+s5], $0x2980, $0x38;
	[tilespmem:$0x1F890] =	vst v63  }
0x2b: {  	_ =	swait.ge [sflag:s10], $0x2980  }
0x2c: {  	[sflag:s10] =	ssyncset.done $0x0  }
0x2d: {  	s19 =	simm.s32 $0x2980;
	s18 =	rddreg [dreg:$0x9];
	[sflag:s10] =	ssyncadd.s32 $0xFFFFD680  }
0x2e: {  	[tilespmem:s19], [sflag:$0x3] =	stream.linear.gather [hbm4b:s18+s5], $0x2980, $0x38;
	[tilespmem:$0x1F890] =	vst v63  }
0x2f: {  	_ =	swait.ge [sflag:s10], $0x2980  }
0x30: {  	[sflag:s10] =	ssyncset.done $0x0  }
0x31: {  	[sflag:s10] =	ssyncadd.s32 $0xFFFFD680  }
0x32: {  	[bflag:$0x0] =	sbarrier.arrive $0xFFFF  }
0x33: {  	v4 =	vld [tilespmem:$0x13300];
	[tilespmem:s23], [sflag:$0x1] =	stream.indirect.gather [hbm4b:s6+s22], $0x10, s5, s22, $0xb8  }
0x34: {  	_ = 	snop  }
0x35: {  	[tilespmem:s24], [sflag:$0x1] =	stream.indirect.gather [hbm4b:s7+s22], $0x10, s19, s22, $0xb8;
	[tilespmem:$0x1F890] =	vst v63  }
0x36: {  	_ = 	snop  }
0x37: {  	[tilespmem:s25], [sflag:$0x1] =	stream.indirect.gather [hbm4b:s8+s22], $0x40, s5, s22, $0xb8;
	[tilespmem:$0x1F890] =	vst v63  }
0x38: {  	_ = 	snop  }
0x39: {  	[tilespmem:s26], [sflag:$0x1] =	stream.indirect.gather [hbm4b:s6+s22], $0x10, s22, s22, $0xb8;
	[tilespmem:$0x1F890] =	vst v63  }
0x3a: {  	s17 =	simm.s32 $0x2A00  }
0x3b: {  	[tilespmem:s29], [sflag:$0x1] =	stream.indirect.gather [hbm4b:s7+s22], $0x10, s17, s22, $0xb8;
	[tilespmem:$0x1F890] =	vst v63  }
0x3c: {  	_ = 	snop  }
0x3d: {  	[tilespmem:s30], [sflag:$0x1] =	stream.indirect.gather [hbm4b:s8+s22], $0x40, s22, s22, $0xb8;
	[tilespmem:$0x1F890] =	vst v63  }
0x3e: {  	s18 =	simm.s32 $0x100  }
0x3f: {  	[tilespmem:s2], [sflag:$0x1] =	stream.indirect.gather [hbm4b:s6+s22], $0x10, s18, s22, $0xb8;
	[tilespmem:$0x1F890] =	vst v63  }
0x40: {  	s19 =	simm.s32 $0x2A80  }
0x41: {  	[tilespmem:s1], [sflag:$0x1] =	stream.indirect.gather [hbm4b:s7+s22], $0x10, s19, s22, $0xb8;
	[tilespmem:$0x1F890] =	vst v63  }
0x42: {  	s31 =	simm.s32 $0x0  }
0x43: {  	[tilespmem:s20], [sflag:$0x1] =	stream.indirect.gather [hbm4b:s8+s22], $0x40, s18, s22, $0xb8;
	[tilespmem:$0x1F890] =	vst v63  }
.LBB2_2:
0x44: {  	_ =	swait.ge [sflag:s28], $0x800  }
0x45: {  	[sflag:s28] =	ssyncset.done $0x0  }
0x46: {  	[sflag:s28] =	ssyncadd.s32 $0xFFFFF800  }
0x47: {  	_ =	swait.ge [sflag:s28], $0x800  }
0x48: {  	[sflag:s28] =	ssyncset.done $0x0  }
0x49: {  	[sflag:s28] =	ssyncadd.s32 $0xFFFFF800  }
0x4a: {  	_ =	swait.ge [sflag:s28], $0x2000  }
0x4b: {  	p0 =	seq.s32 s31, $0x0;
	[sflag:s28] =	ssyncset.done $0x0  }
0x4c: {  	s5 =	simm.s32 @!p0 $0x2;
	[sflag:s28] =	ssyncadd.s32 $0xFFFFE000  }
0x4d: {  	_ =	swait.ge @!p0 [sflag:s5], $0x800  }
0x4e: {  	[sflag:s5] =	ssyncset.done @!p0 $0x0  }
0x4f: {  	[sflag:s5] =	ssyncadd.s32 @!p0 $0xFFFFF800  }
0x50: {  	_ =	swait.ge @!p0 [sflag:s5], $0x2000  }
0x51: {  	s19 =	sshll.u32 s31, $0x9;
	[sflag:s5] =	ssyncset.done @!p0 $0x0  }
0x52: {  	s0 =	simm.s32 $0xFB00;
	s18 =	sor.u32 $0x180, s19;
	[sflag:s5] =	ssyncadd.s32 @!p0 $0xFFFFE000  }
0x53: {  	[tilespmem:s0], [sflag:$0x1] =	stream.indirect.gather [hbm4b:s6+s22], $0x10, s18, s22, $0xb8;
	[tilespmem:$0x1F890] =	vst v63  }
0x54: {  	s17 =	sadd.s32 $0x2B00, s19  }
0x55: {  	[tilespmem:s9], [sflag:$0x1] =	stream.indirect.gather [hbm4b:s7+s22], $0x10, s17, s22, $0xb8;
	[tilespmem:$0x1F890] =	vst v63  }
0x56: {  	s10 =	simm.s32 $0x0  }
0x57: {  	[tilespmem:s21], [sflag:$0x1] =	stream.indirect.gather [hbm4b:s8+s22], $0x40, s18, s22, $0xb8;
	[tilespmem:$0x1F890] =	vst v63  }
0x58: {  	v5 =	vld [tilespmem:s10+$0x5300]  }
0x59: {  	v6 =	vld [tilespmem:s10+$0x5B00];
	_ =	sdelay $0x4  }
0x5a: {  	v5 =	vadd.f32 v6, v5;
	_ =	sdelay $0x1  }
0x5b: {  	v6 =	vmul.f32 $2.000000030e-01, v5  }
0x5c: {  	vm0 =	vgt.f32 v5, $0.0e+00  }
0x5d: {  	v5 =	vsel vm0, v5, v6  }
0x5e: {  	v5 =	vsub.f32 v5, v4;
	_ =	sdelay $0x1  }
0x5f: {  	v5 =	vmul.f32 $1.442695020e+00, v5;
	_ =	sdelay $0x1  }
0x60: {  	(erf) = vpow2.f32 v5;
	_ =	sdelay $0x8  }
0x61: {  	v5 =	vpop (erf)  }
0x62: {  	s5 =	simm.s32 $0x6320;
	[tilespmem:s10+$0x8300] =	vst v5  }
0x63: {  	v10 =	vld [tilespmem:s5+$0xFFFFFFF0]  }
0x64: {  	v9 =	vld [tilespmem:s5+$0xFFFFFFE0]  }
0x65: {  	v6 =	vld [tilespmem:s5+$0x0]  }
0x66: {  	s16 =	simm.s32 $0x40;
	v8 =	vperm.xlane v5, v0;
	v11 =	vperm.xlane v5, v1;
	s10 =	simm.s32 $0x6320;
	v7 =	vld [tilespmem:s5+$0x10]  }
.LBB2_3:
0x67: {  	p0 =	sne.s32 s16, $0x1FC0  }
0x68: {  	s5 =	sadd.s32 $0x40, s5;
	s18 =	smov.u32 s16;
	s16 =	sadd.s32 $0x40, s16  }
0x69: {  	v10 =	vmul.f32 v10, v11;
	v11 =	vperm.xlane v5, v2  }
0x6a: {  	v5 =	vperm.xlane v5, v3;
	v8 =	vmul.f32 v9, v8  }
0x6b: {  	[tilespmem:s10+$0xFFFFFFF0] =	vst v10;
	v6 =	vmul.f32 v6, v11  }
0x6c: {  	s18 =	sshra.s32 s18, $0x2;
	[tilespmem:s10+$0xFFFFFFE0] =	vst v8;
	v5 =	vmul.f32 v7, v5  }
0x6d: {  	[tilespmem:s10+$0x0] =	vst v6  }
0x6e: {  	[tilespmem:s10+$0x10] =	vst v5;
	s10 =	smov.u32 s5  }
0x6f: {  	v5 =	vld [tilespmem:s18+$0x5300]  }
0x70: {  	v6 =	vld [tilespmem:s18+$0x5B00];
	_ =	sdelay $0x4  }
0x71: {  	v5 =	vadd.f32 v6, v5;
	_ =	sdelay $0x1  }
0x72: {  	v6 =	vmul.f32 $2.000000030e-01, v5  }
0x73: {  	vm0 =	vgt.f32 v5, $0.0e+00  }
0x74: {  	v5 =	vsel vm0, v5, v6  }
0x75: {  	v5 =	vsub.f32 v5, v4;
	_ =	sdelay $0x1  }
0x76: {  	v5 =	vmul.f32 $1.442695020e+00, v5;
	_ =	sdelay $0x1  }
0x77: {  	(erf) = vpow2.f32 v5;
	_ =	sdelay $0x8  }
0x78: {  	v5 =	vpop (erf)  }
.Ltmp0:
0x79: {  	[tilespmem:s18+$0x8300] =	vst v5;
	v8 =	vperm.xlane v5, v0;
	(pc) =	sbr.rel @p0 .LBB2_3-.Ltmp0, $4  }
0x7a: {  	v10 =	vld [tilespmem:s5+$0xFFFFFFF0]  }
0x7b: {  	v9 =	vld [tilespmem:s5+$0xFFFFFFE0]  }
0x7c: {  	v6 =	vld [tilespmem:s5+$0x0]  }
0x7d: {  	v11 =	vperm.xlane v5, v1;
	v7 =	vld [tilespmem:s5+$0x10]  }
0x7e: {  	_ = 	snop  }
0x7f: {  	v10 =	vmul.f32 v10, v11;
	v11 =	vperm.xlane v5, v2  }
0x80: {  	v5 =	vperm.xlane v5, v3;
	v8 =	vmul.f32 v9, v8  }
0x81: {  	[tilespmem:s10+$0xFFFFFFF0] =	vst v10;
	v6 =	vmul.f32 v6, v11  }
0x82: {  	[tilespmem:s10+$0xFFFFFFE0] =	vst v8;
	v5 =	vmul.f32 v7, v5  }
0x83: {  	s5 =	sand.u32 $0x3FFFFE00, s19;
	[tilespmem:s10+$0x0] =	vst v6  }
0x84: {  	s18 =	sadd.s32 $0x2980, s5;
	[tilespmem:s10+$0x10] =	vst v5  }
0x85: {  	[spmem:s4] =	stream.indirect.scatter.add.f32 [tilespmem:s11], [sflag:$0x2], $0x10, s18, s22, $0xb8;
	[tilespmem:$0x1F890] =	vst v63  }
0x86: {  	_ = 	snop  }
0x87: {  	[spmem:s3] =	stream.indirect.scatter.add.f32 [tilespmem:s25], [sflag:$0x2], $0x40, s18, s22, $0xb8;
	[tilespmem:$0x1F890] =	vst v63  }
0x88: {  	_ =	swait.ge [sflag:s28], $0x800  }
0x89: {  	[sflag:s28] =	ssyncset.done $0x0  }
0x8a: {  	[sflag:s28] =	ssyncadd.s32 $0xFFFFF800  }
0x8b: {  	_ =	swait.ge [sflag:s28], $0x800  }
0x8c: {  	[sflag:s28] =	ssyncset.done $0x0  }
0x8d: {  	[sflag:s28] =	ssyncadd.s32 $0xFFFFF800  }
0x8e: {  	_ =	swait.ge [sflag:s28], $0x2000  }
0x8f: {  	[sflag:s28] =	ssyncset.done $0x0  }
0x90: {  	[sflag:s28] =	ssyncadd.s32 $0xFFFFE000  }
0x91: {  	_ =	swait.ge [sflag:s12], $0x800  }
0x92: {  	[sflag:s12] =	ssyncset.done $0x0  }
0x93: {  	[sflag:s12] =	ssyncadd.s32 $0xFFFFF800  }
0x94: {  	_ =	swait.ge [sflag:s12], $0x2000  }
0x95: {  	[sflag:s12] =	ssyncset.done $0x0  }
0x96: {  	s0 =	sadd.s32 $0x200, s19;
	[sflag:s12] =	ssyncadd.s32 $0xFFFFE000  }
0x97: {  	[tilespmem:s23], [sflag:$0x1] =	stream.indirect.gather [hbm4b:s6+s22], $0x10, s0, s22, $0xb8;
	[tilespmem:$0x1F890] =	vst v63  }
0x98: {  	s16 =	sadd.s32 $0x2B80, s19  }
0x99: {  	[tilespmem:s24], [sflag:$0x1] =	stream.indirect.gather [hbm4b:s7+s22], $0x10, s16, s22, $0xb8;
	[tilespmem:$0x1F890] =	vst v63  }
0x9a: {  	s18 =	simm.s32 $0x0  }
0x9b: {  	[tilespmem:s25], [sflag:$0x1] =	stream.indirect.gather [hbm4b:s8+s22], $0x40, s0, s22, $0xb8;
	[tilespmem:$0x1F890] =	vst v63  }
0x9c: {  	v5 =	vld [tilespmem:s18+$0x8B00]  }
0x9d: {  	v6 =	vld [tilespmem:s18+$0x9300];
	_ =	sdelay $0x4  }
0x9e: {  	v5 =	vadd.f32 v6, v5;
	_ =	sdelay $0x1  }
0x9f: {  	v6 =	vmul.f32 $2.000000030e-01, v5  }
0xa0: {  	vm0 =	vgt.f32 v5, $0.0e+00  }
0xa1: {  	v5 =	vsel vm0, v5, v6  }
0xa2: {  	v5 =	vsub.f32 v5, v4;
	_ =	sdelay $0x1  }
0xa3: {  	v5 =	vmul.f32 $1.442695020e+00, v5;
	_ =	sdelay $0x1  }
0xa4: {  	(erf) = vpow2.f32 v5;
	_ =	sdelay $0x8  }
0xa5: {  	v5 =	vpop (erf)  }
0xa6: {  	s16 =	simm.s32 $0x9B20;
	[tilespmem:s18+$0xBB00] =	vst v5  }
0xa7: {  	v10 =	vld [tilespmem:s16+$0xFFFFFFF0]  }
0xa8: {  	v9 =	vld [tilespmem:s16+$0xFFFFFFE0]  }
0xa9: {  	v6 =	vld [tilespmem:s16+$0x0]  }
0xaa: {  	s10 =	simm.s32 $0x9B20;
	s18 =	simm.s32 $0x40;
	v8 =	vperm.xlane v5, v0;
	v11 =	vperm.xlane v5, v1;
	v7 =	vld [tilespmem:s16+$0x10]  }
.LBB2_5:
0xab: {  	p0 =	sne.s32 s18, $0x1FC0  }
0xac: {  	s16 =	sadd.s32 $0x40, s16;
	s0 =	smov.u32 s18;
	s18 =	sadd.s32 $0x40, s18  }
0xad: {  	v10 =	vmul.f32 v10, v11;
	v11 =	vperm.xlane v5, v2  }
0xae: {  	v5 =	vperm.xlane v5, v3;
	v8 =	vmul.f32 v9, v8  }
0xaf: {  	[tilespmem:s10+$0xFFFFFFF0] =	vst v10;
	v6 =	vmul.f32 v6, v11  }
0xb0: {  	s0 =	sshra.s32 s0, $0x2;
	[tilespmem:s10+$0xFFFFFFE0] =	vst v8;
	v5 =	vmul.f32 v7, v5  }
0xb1: {  	[tilespmem:s10+$0x0] =	vst v6  }
0xb2: {  	[tilespmem:s10+$0x10] =	vst v5;
	s10 =	smov.u32 s16  }
0xb3: {  	v5 =	vld [tilespmem:s0+$0x8B00]  }
0xb4: {  	v6 =	vld [tilespmem:s0+$0x9300];
	_ =	sdelay $0x4  }
0xb5: {  	v5 =	vadd.f32 v6, v5;
	_ =	sdelay $0x1  }
0xb6: {  	v6 =	vmul.f32 $2.000000030e-01, v5  }
0xb7: {  	vm0 =	vgt.f32 v5, $0.0e+00  }
0xb8: {  	v5 =	vsel vm0, v5, v6  }
0xb9: {  	v5 =	vsub.f32 v5, v4;
	_ =	sdelay $0x1  }
0xba: {  	v5 =	vmul.f32 $1.442695020e+00, v5;
	_ =	sdelay $0x1  }
0xbb: {  	(erf) = vpow2.f32 v5;
	_ =	sdelay $0x8  }
0xbc: {  	v5 =	vpop (erf)  }
.Ltmp1:
0xbd: {  	[tilespmem:s0+$0xBB00] =	vst v5;
	v8 =	vperm.xlane v5, v0;
	(pc) =	sbr.rel @p0 .LBB2_5-.Ltmp1, $4  }
0xbe: {  	v10 =	vld [tilespmem:s16+$0xFFFFFFF0]  }
0xbf: {  	v9 =	vld [tilespmem:s16+$0xFFFFFFE0]  }
0xc0: {  	v6 =	vld [tilespmem:s16+$0x0]  }
0xc1: {  	v11 =	vperm.xlane v5, v1;
	v7 =	vld [tilespmem:s16+$0x10]  }
0xc2: {  	_ = 	snop  }
0xc3: {  	v10 =	vmul.f32 v10, v11;
	v11 =	vperm.xlane v5, v2  }
0xc4: {  	v5 =	vperm.xlane v5, v3;
	v8 =	vmul.f32 v9, v8  }
0xc5: {  	[tilespmem:s10+$0xFFFFFFF0] =	vst v10;
	v6 =	vmul.f32 v6, v11  }
0xc6: {  	[tilespmem:s10+$0xFFFFFFE0] =	vst v8;
	v5 =	vmul.f32 v7, v5  }
0xc7: {  	[tilespmem:s10+$0x0] =	vst v6  }
0xc8: {  	s0 =	sadd.s32 $0x2A00, s5;
	[tilespmem:s10+$0x10] =	vst v5  }
0xc9: {  	[spmem:s4] =	stream.indirect.scatter.add.f32 [tilespmem:s13], [sflag:$0x2], $0x10, s0, s22, $0xb8;
	[tilespmem:$0x1F890] =	vst v63  }
0xca: {  	_ = 	snop  }
0xcb: {  	[spmem:s3] =	stream.indirect.scatter.add.f32 [tilespmem:s30], [sflag:$0x2], $0x40, s0, s22, $0xb8;
	[tilespmem:$0x1F890] =	vst v63  }
0xcc: {  	_ =	swait.ge [sflag:s28], $0x800  }
0xcd: {  	[sflag:s28] =	ssyncset.done $0x0  }
0xce: {  	[sflag:s28] =	ssyncadd.s32 $0xFFFFF800  }
0xcf: {  	_ =	swait.ge [sflag:s28], $0x800  }
0xd0: {  	[sflag:s28] =	ssyncset.done $0x0  }
0xd1: {  	[sflag:s28] =	ssyncadd.s32 $0xFFFFF800  }
0xd2: {  	_ =	swait.ge [sflag:s28], $0x2000  }
0xd3: {  	[sflag:s28] =	ssyncset.done $0x0  }
0xd4: {  	[sflag:s28] =	ssyncadd.s32 $0xFFFFE000  }
0xd5: {  	_ =	swait.ge [sflag:s12], $0x800  }
0xd6: {  	[sflag:s12] =	ssyncset.done $0x0  }
0xd7: {  	[sflag:s12] =	ssyncadd.s32 $0xFFFFF800  }
0xd8: {  	_ =	swait.ge [sflag:s12], $0x2000  }
0xd9: {  	[sflag:s12] =	ssyncset.done $0x0  }
0xda: {  	s18 =	sadd.s32 $0x280, s19;
	[sflag:s12] =	ssyncadd.s32 $0xFFFFE000  }
0xdb: {  	[tilespmem:s26], [sflag:$0x1] =	stream.indirect.gather [hbm4b:s6+s22], $0x10, s18, s22, $0xb8;
	[tilespmem:$0x1F890] =	vst v63  }
0xdc: {  	s16 =	sadd.s32 $0x2C00, s19  }
0xdd: {  	[tilespmem:s29], [sflag:$0x1] =	stream.indirect.gather [hbm4b:s7+s22], $0x10, s16, s22, $0xb8;
	[tilespmem:$0x1F890] =	vst v63  }
0xde: {  	_ = 	snop  }
0xdf: {  	[tilespmem:s30], [sflag:$0x1] =	stream.indirect.gather [hbm4b:s8+s22], $0x40, s18, s22, $0xb8;
	[tilespmem:$0x1F890] =	vst v63  }
0xe0: {  	s18 =	simm.s32 $0x0  }
0xe1: {  	v5 =	vld [tilespmem:s18+$0xC300]  }
0xe2: {  	v6 =	vld [tilespmem:s18+$0xCB00];
	_ =	sdelay $0x4  }
0xe3: {  	v5 =	vadd.f32 v6, v5;
	_ =	sdelay $0x1  }
0xe4: {  	v6 =	vmul.f32 $2.000000030e-01, v5  }
0xe5: {  	vm0 =	vgt.f32 v5, $0.0e+00  }
0xe6: {  	v5 =	vsel vm0, v5, v6  }
0xe7: {  	v5 =	vsub.f32 v5, v4;
	_ =	sdelay $0x1  }
0xe8: {  	v5 =	vmul.f32 $1.442695020e+00, v5;
	_ =	sdelay $0x1  }
0xe9: {  	(erf) = vpow2.f32 v5;
	_ =	sdelay $0x8  }
0xea: {  	v5 =	vpop (erf)  }
0xeb: {  	s16 =	simm.s32 $0xD320;
	[tilespmem:s18+$0xF300] =	vst v5  }
0xec: {  	v10 =	vld [tilespmem:s16+$0xFFFFFFF0]  }
0xed: {  	v9 =	vld [tilespmem:s16+$0xFFFFFFE0]  }
0xee: {  	v6 =	vld [tilespmem:s16+$0x0]  }
0xef: {  	s10 =	simm.s32 $0xD320;
	s18 =	simm.s32 $0x40;
	v8 =	vperm.xlane v5, v0;
	v11 =	vperm.xlane v5, v1;
	v7 =	vld [tilespmem:s16+$0x10]  }
.LBB2_7:
0xf0: {  	p0 =	sne.s32 s18, $0x1FC0  }
0xf1: {  	s16 =	sadd.s32 $0x40, s16;
	s0 =	smov.u32 s18;
	s18 =	sadd.s32 $0x40, s18  }
0xf2: {  	v10 =	vmul.f32 v10, v11;
	v11 =	vperm.xlane v5, v2  }
0xf3: {  	v5 =	vperm.xlane v5, v3;
	v8 =	vmul.f32 v9, v8  }
0xf4: {  	[tilespmem:s10+$0xFFFFFFF0] =	vst v10;
	v6 =	vmul.f32 v6, v11  }
0xf5: {  	s0 =	sshra.s32 s0, $0x2;
	[tilespmem:s10+$0xFFFFFFE0] =	vst v8;
	v5 =	vmul.f32 v7, v5  }
0xf6: {  	[tilespmem:s10+$0x0] =	vst v6  }
0xf7: {  	[tilespmem:s10+$0x10] =	vst v5;
	s10 =	smov.u32 s16  }
0xf8: {  	v5 =	vld [tilespmem:s0+$0xC300]  }
0xf9: {  	v6 =	vld [tilespmem:s0+$0xCB00];
	_ =	sdelay $0x4  }
0xfa: {  	v5 =	vadd.f32 v6, v5;
	_ =	sdelay $0x1  }
0xfb: {  	v6 =	vmul.f32 $2.000000030e-01, v5  }
0xfc: {  	vm0 =	vgt.f32 v5, $0.0e+00  }
0xfd: {  	v5 =	vsel vm0, v5, v6  }
0xfe: {  	v5 =	vsub.f32 v5, v4;
	_ =	sdelay $0x1  }
0xff: {  	v5 =	vmul.f32 $1.442695020e+00, v5;
	_ =	sdelay $0x1  }
0x100: {  	(erf) = vpow2.f32 v5;
	_ =	sdelay $0x8  }
0x101: {  	v5 =	vpop (erf)  }
.Ltmp2:
0x102: {  	[tilespmem:s0+$0xF300] =	vst v5;
	v8 =	vperm.xlane v5, v0;
	(pc) =	sbr.rel @p0 .LBB2_7-.Ltmp2, $4  }
0x103: {  	v10 =	vld [tilespmem:s16+$0xFFFFFFF0]  }
0x104: {  	v9 =	vld [tilespmem:s16+$0xFFFFFFE0]  }
0x105: {  	v6 =	vld [tilespmem:s16+$0x0]  }
0x106: {  	v11 =	vperm.xlane v5, v1;
	v7 =	vld [tilespmem:s16+$0x10]  }
0x107: {  	_ = 	snop  }
0x108: {  	v10 =	vmul.f32 v10, v11;
	v11 =	vperm.xlane v5, v2  }
0x109: {  	v5 =	vperm.xlane v5, v3;
	v8 =	vmul.f32 v9, v8  }
0x10a: {  	[tilespmem:s10+$0xFFFFFFF0] =	vst v10;
	v6 =	vmul.f32 v6, v11  }
0x10b: {  	[tilespmem:s10+$0xFFFFFFE0] =	vst v8;
	v5 =	vmul.f32 v7, v5  }
0x10c: {  	[tilespmem:s10+$0x0] =	vst v6  }
0x10d: {  	s0 =	sadd.s32 $0x2A80, s5;
	[tilespmem:s10+$0x10] =	vst v5  }
0x10e: {  	[spmem:s4] =	stream.indirect.scatter.add.f32 [tilespmem:s14], [sflag:$0x2], $0x10, s0, s22, $0xb8;
	[tilespmem:$0x1F890] =	vst v63  }
0x10f: {  	_ = 	snop  }
0x110: {  	[spmem:s3] =	stream.indirect.scatter.add.f32 [tilespmem:s20], [sflag:$0x2], $0x40, s0, s22, $0xb8;
	[tilespmem:$0x1F890] =	vst v63  }
0x111: {  	_ =	swait.ge [sflag:s28], $0x800  }
0x112: {  	[sflag:s28] =	ssyncset.done $0x0  }
0x113: {  	[sflag:s28] =	ssyncadd.s32 $0xFFFFF800  }
0x114: {  	_ =	swait.ge [sflag:s28], $0x800  }
0x115: {  	[sflag:s28] =	ssyncset.done $0x0  }
0x116: {  	[sflag:s28] =	ssyncadd.s32 $0xFFFFF800  }
0x117: {  	_ =	swait.ge [sflag:s28], $0x2000  }
0x118: {  	[sflag:s28] =	ssyncset.done $0x0  }
0x119: {  	[sflag:s28] =	ssyncadd.s32 $0xFFFFE000  }
0x11a: {  	_ =	swait.ge [sflag:s12], $0x800  }
0x11b: {  	[sflag:s12] =	ssyncset.done $0x0  }
0x11c: {  	[sflag:s12] =	ssyncadd.s32 $0xFFFFF800  }
0x11d: {  	_ =	swait.ge [sflag:s12], $0x2000  }
0x11e: {  	[sflag:s12] =	ssyncset.done $0x0  }
0x11f: {  	s16 =	sadd.s32 $0x300, s19;
	[sflag:s12] =	ssyncadd.s32 $0xFFFFE000  }
0x120: {  	[tilespmem:s2], [sflag:$0x1] =	stream.indirect.gather [hbm4b:s6+s22], $0x10, s16, s22, $0xb8;
	[tilespmem:$0x1F890] =	vst v63  }
0x121: {  	s18 =	sadd.s32 $0x2C80, s19  }
0x122: {  	[tilespmem:s1], [sflag:$0x1] =	stream.indirect.gather [hbm4b:s7+s22], $0x10, s18, s22, $0xb8;
	[tilespmem:$0x1F890] =	vst v63  }
0x123: {  	s19 =	simm.s32 $0x0  }
0x124: {  	[tilespmem:s20], [sflag:$0x1] =	stream.indirect.gather [hbm4b:s8+s22], $0x40, s16, s22, $0xb8;
	[tilespmem:$0x1F890] =	vst v63  }
0x125: {  	v5 =	vld [tilespmem:s19+$0xFB00]  }
0x126: {  	v6 =	vld [tilespmem:s19+$0x10300];
	_ =	sdelay $0x4  }
0x127: {  	v5 =	vadd.f32 v6, v5;
	_ =	sdelay $0x1  }
0x128: {  	v6 =	vmul.f32 $2.000000030e-01, v5  }
0x129: {  	vm0 =	vgt.f32 v5, $0.0e+00  }
0x12a: {  	v5 =	vsel vm0, v5, v6  }
0x12b: {  	v5 =	vsub.f32 v5, v4;
	_ =	sdelay $0x1  }
0x12c: {  	v5 =	vmul.f32 $1.442695020e+00, v5;
	_ =	sdelay $0x1  }
0x12d: {  	(erf) = vpow2.f32 v5;
	_ =	sdelay $0x8  }
0x12e: {  	v5 =	vpop (erf)  }
0x12f: {  	s10 =	simm.s32 $0x10B20;
	[tilespmem:s19+$0x12B00] =	vst v5  }
0x130: {  	v10 =	vld [tilespmem:s10+$0xFFFFFFF0]  }
0x131: {  	v9 =	vld [tilespmem:s10+$0xFFFFFFE0]  }
0x132: {  	v6 =	vld [tilespmem:s10+$0x0]  }
0x133: {  	s5 =	simm.s32 $0x10B20;
	s16 =	simm.s32 $0x40;
	v8 =	vperm.xlane v5, v0;
	v11 =	vperm.xlane v5, v1;
	v7 =	vld [tilespmem:s10+$0x10]  }
.LBB2_9:
0x134: {  	p0 =	sne.s32 s16, $0x1FC0  }
0x135: {  	s10 =	sadd.s32 $0x40, s10;
	s0 =	smov.u32 s16;
	s16 =	sadd.s32 $0x40, s16  }
0x136: {  	v10 =	vmul.f32 v10, v11;
	v11 =	vperm.xlane v5, v2  }
0x137: {  	v5 =	vperm.xlane v5, v3;
	v8 =	vmul.f32 v9, v8  }
0x138: {  	[tilespmem:s5+$0xFFFFFFF0] =	vst v10;
	v6 =	vmul.f32 v6, v11  }
0x139: {  	s0 =	sshra.s32 s0, $0x2;
	[tilespmem:s5+$0xFFFFFFE0] =	vst v8;
	v5 =	vmul.f32 v7, v5  }
0x13a: {  	[tilespmem:s5+$0x0] =	vst v6  }
0x13b: {  	[tilespmem:s5+$0x10] =	vst v5;
	s5 =	smov.u32 s10  }
0x13c: {  	v5 =	vld [tilespmem:s0+$0xFB00]  }
0x13d: {  	v6 =	vld [tilespmem:s0+$0x10300];
	_ =	sdelay $0x4  }
0x13e: {  	v5 =	vadd.f32 v6, v5;
	_ =	sdelay $0x1  }
0x13f: {  	v6 =	vmul.f32 $2.000000030e-01, v5  }
0x140: {  	vm0 =	vgt.f32 v5, $0.0e+00  }
0x141: {  	v5 =	vsel vm0, v5, v6  }
0x142: {  	v5 =	vsub.f32 v5, v4;
	_ =	sdelay $0x1  }
0x143: {  	v5 =	vmul.f32 $1.442695020e+00, v5;
	_ =	sdelay $0x1  }
0x144: {  	(erf) = vpow2.f32 v5;
	_ =	sdelay $0x8  }
0x145: {  	v5 =	vpop (erf)  }
.Ltmp3:
0x146: {  	[tilespmem:s0+$0x12B00] =	vst v5;
	v8 =	vperm.xlane v5, v0;
	(pc) =	sbr.rel @p0 .LBB2_9-.Ltmp3, $4  }
0x147: {  	v10 =	vld [tilespmem:s10+$0xFFFFFFF0]  }
0x148: {  	v9 =	vld [tilespmem:s10+$0xFFFFFFE0]  }
0x149: {  	v6 =	vld [tilespmem:s10+$0x0]  }
0x14a: {  	v11 =	vperm.xlane v5, v1;
	v7 =	vld [tilespmem:s10+$0x10]  }
0x14b: {  	_ = 	snop  }
0x14c: {  	v63 =	vperm.xlane v5, v2;
	v10 =	vmul.f32 v10, v11  }
0x14d: {  	v5 =	vperm.xlane v5, v3;
	v8 =	vmul.f32 v9, v8  }
0x14e: {  	s31 =	sadd.s32 $0x1, s31;
	[tilespmem:s5+$0xFFFFFFF0] =	vst v10;
	v6 =	vmul.f32 v6, v63  }
0x14f: {  	p0 =	sne.s32 s31, $0x14;
	[tilespmem:s5+$0xFFFFFFE0] =	vst v8;
	v5 =	vmul.f32 v7, v5  }
.Ltmp4:
0x150: {  	[tilespmem:s5+$0x0] =	vst v6;
	(pc) =	sbr.rel @p0 .LBB2_2-.Ltmp4, $4  }
0x151: {  	[tilespmem:s5+$0x10] =	vst v5  }
0x152: {  	[spmem:s4] =	stream.indirect.scatter.add.f32 [tilespmem:s15], [sflag:$0x2], $0x10, s17, s22, $0xb8;
	[tilespmem:$0x1F890] =	vst v63  }
0x153: {  	_ = 	snop  }
0x154: {  	[spmem:s3] =	stream.indirect.scatter.add.f32 [tilespmem:s21], [sflag:$0x2], $0x40, s17, s22, $0xb8;
	[tilespmem:$0x1F890] =	vst v63  }
0x155: {  	_ =	swait.ge [sflag:s28], $0x800  }
0x156: {  	[sflag:s28] =	ssyncset.done $0x0  }
0x157: {  	[sflag:s28] =	ssyncadd.s32 $0xFFFFF800  }
0x158: {  	_ =	swait.ge [sflag:s28], $0x800  }
0x159: {  	[sflag:s28] =	ssyncset.done $0x0  }
0x15a: {  	[sflag:s28] =	ssyncadd.s32 $0xFFFFF800  }
0x15b: {  	_ =	swait.ge [sflag:s28], $0x2000  }
0x15c: {  	[sflag:s28] =	ssyncset.done $0x0  }
0x15d: {  	[sflag:s28] =	ssyncadd.s32 $0xFFFFE000  }
0x15e: {  	_ =	swait.ge [sflag:s28], $0x800  }
0x15f: {  	[sflag:s28] =	ssyncset.done $0x0  }
0x160: {  	[sflag:s28] =	ssyncadd.s32 $0xFFFFF800  }
0x161: {  	_ =	swait.ge [sflag:s28], $0x800  }
0x162: {  	[sflag:s28] =	ssyncset.done $0x0  }
0x163: {  	[sflag:s28] =	ssyncadd.s32 $0xFFFFF800  }
0x164: {  	_ =	swait.ge [sflag:s28], $0x2000  }
0x165: {  	[sflag:s28] =	ssyncset.done $0x0  }
0x166: {  	[sflag:s28] =	ssyncadd.s32 $0xFFFFE000  }
0x167: {  	_ =	swait.ge [sflag:s28], $0x800  }
0x168: {  	[sflag:s28] =	ssyncset.done $0x0  }
0x169: {  	[sflag:s28] =	ssyncadd.s32 $0xFFFFF800  }
0x16a: {  	_ =	swait.ge [sflag:s28], $0x800  }
0x16b: {  	[sflag:s28] =	ssyncset.done $0x0  }
0x16c: {  	[sflag:s28] =	ssyncadd.s32 $0xFFFFF800  }
0x16d: {  	_ =	swait.ge [sflag:s28], $0x2000  }
0x16e: {  	[sflag:s28] =	ssyncset.done $0x0  }
0x16f: {  	[sflag:s28] =	ssyncadd.s32 $0xFFFFE000  }
0x170: {  	_ =	swait.ge [sflag:s12], $0x800  }
0x171: {  	[sflag:s12] =	ssyncset.done $0x0  }
0x172: {  	[sflag:s12] =	ssyncadd.s32 $0xFFFFF800  }
0x173: {  	_ =	swait.ge [sflag:s12], $0x2000  }
0x174: {  	[sflag:s12] =	ssyncset.done $0x0  }
0x175: {  	[sflag:s12] =	ssyncadd.s32 $0xFFFFE000  }
0x176: {  	[bflag:$0x0] =	sbarrier.arrive $0xFFFF  }
0x177: {  	s16 =	rddreg [dreg:$0x6]  }
0x178: {  	s0 =	rddreg [dreg:$0xa]  }
0x179: {  	s10 =	simm.s32 $0x3;
	s5 =	rddreg [dreg:$0xd]  }
0x17a: {  	[hbm:s0], [sflag:s16] =	dma.local [spmem:s5], $0x13C0  }
0x17b: {  	_ =	swait.ge [sflag:s10], $0x13C0  }
0x17c: {  	[sflag:s10] =	ssyncset.done $0x0;
	s19 =	rddreg [dreg:$0xb]  }
0x17d: {  	s17 =	rddreg [dreg:$0xe];
	[sflag:s10] =	ssyncadd.s32 $0xFFFFEC40  }
0x17e: {  	[hbm:s19], [sflag:s16] =	dma.local [spmem:s17], $0x4F0  }
0x17f: {  	_ =	swait.ge [sflag:s10], $0x4F0  }
0x180: {  	s18 =	rddreg [dreg:$0xf]  }
0x181: {  	s31 =	rddreg [dreg:$0xc];
	s18 =	sadd.s32 $0x1, s18  }
0x182: {  	p0 =	sne.s32 s18, s31  }
.Ltmp5:
0x183: {  	_ = 	snop;
	(pc) =	sbr.rel @p0 .LBB2_1-.Ltmp5, $3  }
0x184: {  	_ =	sdelay $0x1  }
0x185: {  	[sflag:s10] =	ssyncset.done $0x0  }
0x186: {  	[sflag:s10] =	ssyncadd.s32 $0xFFFFFB10  }
0x187: {  	_ =	sfence.sel $0x180000  }
0x188: {  	[bflag:$0x0] =	sbarrier.arrive $0xFFFF  }
0x189: {  	_ =	strace $0x90000047  }
0x18a: {  	s0 =	stileid.u32;
	[bflag:$0x2] =	sbarrier.arrive $0xFFFF  }
0x18b: {  	p0 =	sne.s32 s0, $0x0;
	s0 =	rddreg [dreg:$0x4]  }
0x18c: {  	s0 =	sadd.s32 @!p0 $0x100000, s0  }
0x18d: {  	[sflag:s0] =	ssyncadd.tile.s32 @!p0 $0x1;
	_ =	shalt  }
.Lfunc_end2:
_tile_overlayer_lowered:
.L_overlay_start_2:
0x18e: {  	(tag) =	ssettag $0x2  }
0x18f: {  	s0 =	rddreg [dreg:$0x0];
	s2 =	stileid.u32  }
0x190: {  	s1 =	rddreg [dreg:$0x1];
	p0 =	sne.s32 s2, $0x0  }
0x191: {  	s3 =	rddreg [dreg:$0x2];
	[bflag:$0x3] =	sbarrier.arrive $0xFFFF;
	s2 =	simm.s32 @!p0 $0x1C03  }
0x192: {  	[timem:s3], [sflag:s2] =	dma.local @!p0 [hbm:s0], s1  }
0x193: {  	s0 =	simm.s32 @!p0 $0x3  }
0x194: {  	_ =	swait.ge @!p0 [sflag:s0], s1  }
0x195: {  	s1 =	ssub.s32 @!p0 $0x0, s1;
	[sflag:s0] =	ssyncset.done @!p0 $0x0  }
0x196: {  	[sflag:s0] =	ssyncadd.s32 @!p0 s1  }
0x197: {  	[bflag:$0x3] =	sbarrier.arrive $0xFFFF  }
0x198: {  	_ =	shalt  }

</sc_bundles>
